<compile_context>
chip_gen: v7x
topology: tpu7x:2x2x1
jax: 0.10.2.dev20260603
libtpu: 0.0.44.dev20260713+nightly
codegen_flags: <defaults>
</compile_context>

<pallas_src>
import functools

import jax
import jax.numpy as jnp
from jax import lax
from jax.experimental import pallas as pl
from jax.experimental.pallas import tpu as pltpu
from jax.experimental.pallas import tpu_sc as plsc

N_NODES = 10000
N_PAD = 10112
E = 320000
IN_CH = 128
H = 32
DW = 32
NC, NS = 2, 16
NW = NC * NS
GROUP = 256
GPT = 40
E_PAD = NW * GPT * GROUP
ROWS_PT = N_PAD // NS
LAST_PT = N_NODES - (NS - 1) * ROWS_PT
NBUF = 4
G0, G1 = 40, 40
D0, D1 = 40, 40
GSUM = G0 + G1


def _pipe(y_sp, z_acc, src_v, dst_v, rows4, gsem, ssem, G):
    NP = G // NBUF
    for b in range(NBUF):
        pltpu.async_copy(y_sp.at[src_v.at[b]], rows4.at[b], gsem.at[b])

    def step(P, carry):
        for b in range(NBUF):
            g = P * NBUF + b
            pltpu.make_async_copy(y_sp.at[src_v.at[g]], rows4.at[b],
                                  gsem.at[b]).wait()
            pltpu.async_copy(rows4.at[b], z_acc.at[dst_v.at[g]], ssem.at[b],
                             add=True)

            @pl.when(P < NP - 1)
            def _refill():
                pltpu.make_async_copy(rows4.at[b], z_acc.at[dst_v.at[g]],
                                      ssem.at[b]).wait()
                pltpu.async_copy(y_sp.at[src_v.at[g + NBUF]], rows4.at[b],
                                 gsem.at[b])
        return carry

    lax.fori_loop(0, NP, step, 0)
    for b in range(NBUF):
        g = (NP - 1) * NBUF + b
        pltpu.make_async_copy(rows4.at[b], z_acc.at[dst_v.at[g]],
                              ssem.at[b]).wait()


def _edge_pass_body(src_hbm, dst_hbm, y_hbm, zeros_hbm, z_out,
                    src_v, dst_v, rows4, y_sp, z_acc, gsem, ssem):
    cid = lax.axis_index("c")
    sid = lax.axis_index("s")
    rows = pl.ds(sid * ROWS_PT, ROWS_PT)
    pltpu.sync_copy(zeros_hbm.at[rows], z_acc.at[rows])

    @pl.when(sid < NS - 1)
    def _stage_y():
        pltpu.sync_copy(y_hbm.at[rows], y_sp.at[rows])

    @pl.when(sid == NS - 1)
    def _stage_y_last():
        tail = pl.ds((NS - 1) * ROWS_PT, LAST_PT)
        pltpu.sync_copy(y_hbm.at[tail], y_sp.at[tail])

    @pl.when(cid == 0)
    def _stage0():
        base = sid * GSUM
        pltpu.sync_copy(src_hbm.at[pl.ds(base, G0)], src_v.at[pl.ds(0, G0)])
        pltpu.sync_copy(dst_hbm.at[pl.ds(base, G0)], dst_v.at[pl.ds(0, G0)])

    @pl.when(cid == 1)
    def _stage1():
        base = sid * GSUM + G0
        pltpu.sync_copy(src_hbm.at[pl.ds(base, G1)], src_v.at[pl.ds(0, G1)])
        pltpu.sync_copy(dst_hbm.at[pl.ds(base, G1)], dst_v.at[pl.ds(0, G1)])

    plsc.subcore_barrier()

    @pl.when(cid == 0)
    def _run0():
        _pipe(y_sp, z_acc, src_v, dst_v, rows4, gsem, ssem, G0)

    @pl.when(cid == 1)
    def _run1():
        _pipe(y_sp, z_acc, src_v, dst_v, rows4, gsem, ssem, G1)

    plsc.subcore_barrier()

    @pl.when(sid < NS - 1)
    def _pub():
        pltpu.sync_copy(z_acc.at[rows], z_out.at[cid].at[rows])

    @pl.when(sid == NS - 1)
    def _pub_last():
        tail = pl.ds((NS - 1) * ROWS_PT, LAST_PT)
        pltpu.sync_copy(z_acc.at[tail], z_out.at[cid].at[tail])


def _deg_fire(z_acc, dst_v, rows_v, ssem, G):
    AHEAD = 8

    def fire(g, carry):
        pltpu.async_copy(rows_v, z_acc.at[dst_v.at[g]], ssem, add=True)

        @pl.when(g >= AHEAD)
        def _drain():
            pltpu.make_async_copy(rows_v, z_acc.at[dst_v.at[g]], ssem).wait()
        return carry

    lax.fori_loop(0, G, fire, 0)

    def drain(g, carry):
        pltpu.make_async_copy(rows_v, z_acc.at[dst_v.at[0]], ssem).wait()
        return carry

    lax.fori_loop(0, AHEAD, drain, 0)


def _deg_pass_body(dst_hbm, zeros_hbm, e0_hbm, z_out,
                   dst_v, rows_v, z_acc, ssem):
    cid = lax.axis_index("c")
    sid = lax.axis_index("s")
    rows = pl.ds(sid * ROWS_PT, ROWS_PT)
    pltpu.sync_copy(zeros_hbm.at[rows], z_acc.at[rows])
    pltpu.sync_copy(e0_hbm, rows_v)

    @pl.when(cid == 0)
    def _stage0():
        pltpu.sync_copy(dst_hbm.at[pl.ds(sid * GSUM, D0)],
                        dst_v.at[pl.ds(0, D0)])

    @pl.when(cid == 1)
    def _stage1():
        pltpu.sync_copy(dst_hbm.at[pl.ds(sid * GSUM + D0, D1)],
                        dst_v.at[pl.ds(0, D1)])

    plsc.subcore_barrier()

    @pl.when(cid == 0)
    def _run0():
        _deg_fire(z_acc, dst_v, rows_v, ssem, D0)

    @pl.when(cid == 1)
    def _run1():
        _deg_fire(z_acc, dst_v, rows_v, ssem, D1)

    plsc.subcore_barrier()

    @pl.when(sid < NS - 1)
    def _pub():
        pltpu.sync_copy(z_acc.at[rows], z_out.at[cid].at[rows])

    @pl.when(sid == NS - 1)
    def _pub_last():
        tail = pl.ds((NS - 1) * ROWS_PT, LAST_PT)
        pltpu.sync_copy(z_acc.at[tail], z_out.at[cid].at[tail])


@functools.cache
def _edge_pass():
    return pl.kernel(
        _edge_pass_body,
        out_type=jax.ShapeDtypeStruct((NC, N_NODES, H), jnp.float32),
        mesh=plsc.VectorSubcoreMesh(core_axis_name="c", subcore_axis_name="s",
                                    num_cores=NC, num_subcores=NS),
        scratch_types=[
            pltpu.VMEM((max(G0, G1), GROUP), jnp.int32),
            pltpu.VMEM((max(G0, G1), GROUP), jnp.int32),
            pltpu.VMEM((NBUF, GROUP, H), jnp.float32),
            pltpu.VMEM_SHARED((N_PAD, H), jnp.float32),
            pltpu.VMEM_SHARED((N_PAD, H), jnp.float32),
            pltpu.SemaphoreType.DMA((NBUF,)),
            pltpu.SemaphoreType.DMA((NBUF,)),
        ],
        compiler_params=pltpu.CompilerParams(use_tc_tiling_on_sc=False),
    )


@functools.cache
def _deg_pass():
    return pl.kernel(
        _deg_pass_body,
        out_type=jax.ShapeDtypeStruct((NC, N_NODES, DW), jnp.float32),
        mesh=plsc.VectorSubcoreMesh(core_axis_name="c", subcore_axis_name="s",
                                    num_cores=NC, num_subcores=NS),
        scratch_types=[
            pltpu.VMEM((max(D0, D1), GROUP), jnp.int32),
            pltpu.VMEM((GROUP, DW), jnp.float32),
            pltpu.VMEM_SHARED((N_PAD, DW), jnp.float32),
            pltpu.SemaphoreType.DMA,
        ],
        compiler_params=pltpu.CompilerParams(use_tc_tiling_on_sc=False),
    )


_PREC = jax.lax.Precision.HIGHEST
NPK = N_NODES // 4
_f32 = jnp.float32


def _tca_body(xp_ref, w1d_ref, xw_ref):
    xw_ref[...] = jnp.dot(xp_ref[...], w1d_ref[...], precision=_PREC,
                          preferred_element_type=_f32)


def _tcb_body(degp_ref, xw_ref, y_ref, dinv_ref):
    dinv = lax.rsqrt(degp_ref[0] + degp_ref[1] + 1.0)
    y_ref[...] = xw_ref[...] * dinv
    dinv_ref[...] = dinv


def _tc2_body(zp_ref, xw_ref, dinv_ref, b4_ref, w2d_ref, xw2_ref, y2_ref):
    dinv = dinv_ref[...]
    h = jnp.maximum(dinv * (zp_ref[0] + zp_ref[1])
                    + dinv * dinv * xw_ref[...] + b4_ref[...][None, :], 0.0)
    xw2 = jnp.dot(h, w2d_ref[...], precision=_PREC,
                  preferred_element_type=_f32)
    xw2_ref[...] = xw2
    y2_ref[...] = xw2 * dinv


def _tc3_body(zp_ref, xw_ref, dinv_ref, b4_ref, whp_ref, cd_ref, bh_ref,
              cash_ref, w0_ref, wr_ref):
    dinv = dinv_ref[...]
    h = jnp.maximum(dinv * (zp_ref[0] + zp_ref[1])
                    + dinv * dinv * xw_ref[...] + b4_ref[...][None, :], 0.0)
    sp = jnp.dot(h * whp_ref[...][None, :], cd_ref[...], precision=_PREC,
                 preferred_element_type=_f32) + bh_ref[...][None, :]
    m = jnp.maximum(jnp.max(sp), jnp.max(cash_ref[...]))
    esp = jnp.exp(sp - m)
    ec = jnp.exp(cash_ref[...] - m)
    tot = jnp.sum(esp) / 32.0 + jnp.sum(ec)
    w0_ref[...] = ec / tot
    wr_ref[...] = esp / tot


def kernel(x, edge_index, W1, b1, W2, b2, Wh, bh, cash):
    ei = edge_index.astype(jnp.int32)
    pad = E_PAD - E
    src = jnp.concatenate([ei[0], jnp.zeros((pad,), jnp.int32)])
    dst = jnp.concatenate([ei[1], jnp.full((pad,), N_NODES, jnp.int32)])
    src = src.reshape(NW * GPT, GROUP)
    dst = dst.reshape(NW * GPT, GROUP)
    zeros32 = jnp.zeros((N_PAD, H), _f32)
    ones32 = jnp.ones((GROUP, DW), _f32)
    xp = x.reshape(NPK, 512)
    eye4 = jnp.eye(4, dtype=_f32)
    w1d = jnp.einsum("ab,ij->aibj", eye4, W1).reshape(512, 128)
    w2d = jnp.einsum("ab,ij->aibj", eye4, W2).reshape(128, 128)
    cd = jnp.einsum("ab,ij->aibj", eye4, jnp.ones((H, H), _f32)).reshape(128, 128)
    b4 = jnp.tile(b1, 4)
    b4b = jnp.tile(b2, 4)
    whp = jnp.tile(Wh[:, 0], 4)

    xw1 = pl.pallas_call(
        _tca_body,
        out_shape=jax.ShapeDtypeStruct((NPK, 128), _f32),
    )(xp, w1d)
    degp = _deg_pass()(dst, zeros32, ones32).reshape(NC, NPK, 128)
    y1, dinv = pl.pallas_call(
        _tcb_body,
        out_shape=[jax.ShapeDtypeStruct((NPK, 128), _f32),
                   jax.ShapeDtypeStruct((NPK, 128), _f32)],
    )(degp, xw1)
    z1p = _edge_pass()(src, dst, y1.reshape(N_NODES, H), zeros32)
    xw2, y2 = pl.pallas_call(
        _tc2_body,
        out_shape=[jax.ShapeDtypeStruct((NPK, 128), _f32),
                   jax.ShapeDtypeStruct((NPK, 128), _f32)],
    )(z1p.reshape(NC, NPK, 128), xw1, dinv, b4, w2d)
    z2p = _edge_pass()(src, dst, y2.reshape(N_NODES, H), zeros32)
    w0, wrp = pl.pallas_call(
        _tc3_body,
        out_shape=[jax.ShapeDtypeStruct((1,), _f32),
                   jax.ShapeDtypeStruct((NPK, 128), _f32)],
    )(z2p.reshape(NC, NPK, 128), xw2, dinv, b4b, whp, cd, bh, cash)
    wr = wrp.reshape(N_NODES, H)[:, 0]
    return jnp.concatenate([w0, wr], axis=0)

# --- scband reference (transcript-rebuilt; emitter-appended) ---
"""Pipeline reference for scband-opt-policy-56831007261150 (READ-ONLY COPY).

The authoritative reference and input builder live on the scoring server;
editing this copy changes nothing except your own understanding.
"""

import jax, jax.numpy as jnp
import numpy as np

N_NODES = 10000
N_EDGES = 320000
IN_CH = 128
HIDDEN = 32

def setup_inputs(seed: int = 0) -> dict:
    key = jax.random.key(seed)
    ks = jax.random.split(key, 9)
    x = jax.random.normal(ks[0], (N_NODES, IN_CH), dtype=jnp.float32)
    edge_index = jax.random.randint(ks[1], (2, N_EDGES), 0, N_NODES, dtype=jnp.int64)
    W1 = jax.random.normal(ks[2], (IN_CH, HIDDEN), dtype=jnp.float32) * (1.0 / np.sqrt(IN_CH))
    b1 = jnp.zeros((HIDDEN,), dtype=jnp.float32)
    W2 = jax.random.normal(ks[3], (HIDDEN, HIDDEN), dtype=jnp.float32) * (1.0 / np.sqrt(HIDDEN))
    b2 = jnp.zeros((HIDDEN,), dtype=jnp.float32)
    Wh = jax.random.normal(ks[4], (HIDDEN, 1), dtype=jnp.float32) * (1.0 / np.sqrt(HIDDEN))
    bh = jnp.zeros((1,), dtype=jnp.float32)
    cash = jnp.zeros((1,), dtype=jnp.float32)
    return {"x": x, "edge_index": edge_index, "W1": W1, "b1": b1, "W2": W2, "b2": b2, "Wh": Wh, "bh": bh, "cash": cash}


def _gcn_conv(x, edge_index, W, b, n_nodes):
    # GCNConv: x' = D^{-1/2} (A + I) D^{-1/2} X W + b
    xw = x @ W
    src = edge_index[0]
    dst = edge_index[1]
    loop = jnp.arange(n_nodes, dtype=src.dtype)
    src = jnp.concatenate([src, loop], axis=0)
    dst = jnp.concatenate([dst, loop], axis=0)
    deg = jax.ops.segment_sum(jnp.ones_like(dst, dtype=xw.dtype), dst, num_segments=n_nodes)
    deg_inv_sqrt = jnp.where(deg > 0, 1.0 / jnp.sqrt(deg), 0.0)
    norm = deg_inv_sqrt[src] * deg_inv_sqrt[dst]
    msg = xw[src] * norm[:, None]
    agg = jax.ops.segment_sum(msg, dst, num_segments=n_nodes)
    return agg + b


def reference(x, edge_index, W1, b1, W2, b2, Wh, bh, cash):
    n = x.shape[0]
    h = jax.nn.relu(_gcn_conv(x, edge_index, W1, b1, n))
    h = jax.nn.relu(_gcn_conv(h, edge_index, W2, b2, n))
    score = (h @ Wh + bh)[:, 0]
    scores = jnp.concatenate([cash, score], axis=0)
    weights = jax.nn.softmax(scores, axis=0)
    return weights

if __name__ == "__main__":
    import jax
    _d = setup_inputs()
    print(jax.jit(kernel)(*tuple(_d.values())))

</pallas_src>

<mosaic_0001>
#map = affine_map<(d0, d1) -> (0, 0)>
#map1 = affine_map<(d0, d1) -> (0, 0, 0)>
module attributes {stable_mosaic.version = 14 : i64} {
  func.func @_deg_pass_body(%arg0: i32, %arg1: i32, %arg2: memref<1280x256xi32, #tpu.memory_space<hbm>>, %arg3: memref<10112x32xf32, #tpu.memory_space<hbm>>, %arg4: memref<256x32xf32, #tpu.memory_space<hbm>>, %arg5: memref<2x10000x32xf32, #tpu.memory_space<hbm>>, %arg6: memref<40x256xi32, #tpu.memory_space<vmem>>, %arg7: memref<256x32xf32, #tpu.memory_space<vmem>>, %arg8: memref<10112x32xf32, #tpu.memory_space<vmem_shared>>, %arg9: memref<!tpu.dma_semaphore, #tpu.memory_space<semaphore_mem>>) attributes {dimension_semantics = [#tpu.dimension_semantics<core_parallel>, #tpu.dimension_semantics<subcore_parallel>], iteration_bounds = array<i64: 2, 16>, scalar_prefetch = 0 : i64, scratch_operands = 4 : i64, tpu.core_type = #tpu.core_type<sc_vector_subcore>, window_params = [{transform_indices = #map}, {transform_indices = #map}, {transform_indices = #map}, {transform_indices = #map1}]} {
    %mul3A = arith.constant 632 : i32
    %mul3A_0 = arith.muli %arg1, %mul3A : i32
    "tpu.region"() ({
      %run_scoped3A = tpu.sem_alloc : memref<!tpu.dma_semaphore, #tpu.memory_space<semaphore_mem>>
      %dma_start3A = arith.constant 0 : i32
      %dma_start3A_28 = tpu.memref_slice %arg8[%mul3A_0, %dma_start3A] : memref<10112x32xf32, #tpu.memory_space<vmem_shared>> -> memref<632x32xf32, #tpu.memory_space<vmem_shared>>
      %dma_start3A_29 = arith.constant 0 : i32
      %dma_start3A_30 = tpu.memref_slice %arg3[%mul3A_0, %dma_start3A_29] : memref<10112x32xf32, #tpu.memory_space<hbm>> -> memref<632x32xf32, #tpu.memory_space<hbm>>
      tpu.enqueue_dma source(%dma_start3A_30 : memref<632x32xf32, #tpu.memory_space<hbm>>) target(%dma_start3A_28 : memref<632x32xf32, #tpu.memory_space<vmem_shared>>) target_semaphore(%run_scoped3A : memref<!tpu.dma_semaphore, #tpu.memory_space<semaphore_mem>>)
      %dma_wait3A = arith.constant 0 : i32
      %dma_wait3A_31 = tpu.memref_slice %arg8[%mul3A_0, %dma_wait3A] : memref<10112x32xf32, #tpu.memory_space<vmem_shared>> -> memref<632x32xf32, #tpu.memory_space<vmem_shared>>
      %dma_wait3A_32 = arith.constant 0 : i32
      %dma_wait3A_33 = tpu.memref_slice %arg3[%mul3A_0, %dma_wait3A_32] : memref<10112x32xf32, #tpu.memory_space<hbm>> -> memref<632x32xf32, #tpu.memory_space<hbm>>
      tpu.wait_dma2 semaphore(%run_scoped3A : memref<!tpu.dma_semaphore, #tpu.memory_space<semaphore_mem>>) src(%dma_wait3A_33 : memref<632x32xf32, #tpu.memory_space<hbm>>) dst(%dma_wait3A_31 : memref<632x32xf32, #tpu.memory_space<vmem_shared>>)
      tpu.yield
    }) : () -> ()
    "tpu.region"() ({
      %run_scoped3A = tpu.sem_alloc : memref<!tpu.dma_semaphore, #tpu.memory_space<semaphore_mem>>
      tpu.enqueue_dma source(%arg4 : memref<256x32xf32, #tpu.memory_space<hbm>>) target(%arg7 : memref<256x32xf32, #tpu.memory_space<vmem>>) target_semaphore(%run_scoped3A : memref<!tpu.dma_semaphore, #tpu.memory_space<semaphore_mem>>)
      tpu.wait_dma2 semaphore(%run_scoped3A : memref<!tpu.dma_semaphore, #tpu.memory_space<semaphore_mem>>) src(%arg4 : memref<256x32xf32, #tpu.memory_space<hbm>>) dst(%arg7 : memref<256x32xf32, #tpu.memory_space<vmem>>)
      tpu.yield
    }) : () -> ()
    %eq3A = arith.constant 0 : i32
    %eq3A_1 = arith.cmpi eq, %arg0, %eq3A : i32
    %convert_element_type3A = arith.extui %eq3A_1 : i1 to i32
    %cond3A = arith.constant 0 : i32
    %cond3A_2 = arith.cmpi ne, %convert_element_type3A, %cond3A : i32
    scf.if %cond3A_2 {
      %mul3A_28 = arith.constant 80 : i32
      %mul3A_29 = arith.muli %arg1, %mul3A_28 : i32
      "tpu.region"() ({
        %run_scoped3A = tpu.sem_alloc : memref<!tpu.dma_semaphore, #tpu.memory_space<semaphore_mem>>
        %dma_start3A = arith.constant 0 : i32
        %dma_start3A_30 = arith.constant 0 : i32
        %dma_start3A_31 = tpu.memref_slice %arg6[%dma_start3A, %dma_start3A_30] : memref<40x256xi32, #tpu.memory_space<vmem>> -> memref<40x256xi32, #tpu.memory_space<vmem>>
        %dma_start3A_32 = arith.constant 0 : i32
        %dma_start3A_33 = tpu.memref_slice %arg2[%mul3A_29, %dma_start3A_32] : memref<1280x256xi32, #tpu.memory_space<hbm>> -> memref<40x256xi32, #tpu.memory_space<hbm>>
        %dma_start3A_34 = arith.constant 0 : i32
        %dma_start3A_35 = arith.constant 0 : i32
        %dma_start3A_36 = tpu.memref_slice %arg6[%dma_start3A_34, %dma_start3A_35] : memref<40x256xi32, #tpu.memory_space<vmem>> -> memref<40x256xi32, #tpu.memory_space<vmem>>
        %dma_start3A_37 = arith.constant 0 : i32
        %dma_start3A_38 = tpu.memref_slice %arg2[%mul3A_29, %dma_start3A_37] : memref<1280x256xi32, #tpu.memory_space<hbm>> -> memref<40x256xi32, #tpu.memory_space<hbm>>
        tpu.enqueue_dma source(%dma_start3A_38 : memref<40x256xi32, #tpu.memory_space<hbm>>) target(%dma_start3A_36 : memref<40x256xi32, #tpu.memory_space<vmem>>) target_semaphore(%run_scoped3A : memref<!tpu.dma_semaphore, #tpu.memory_space<semaphore_mem>>)
        %dma_wait3A = arith.constant 0 : i32
        %dma_wait3A_39 = arith.constant 0 : i32
        %dma_wait3A_40 = tpu.memref_slice %arg6[%dma_wait3A, %dma_wait3A_39] : memref<40x256xi32, #tpu.memory_space<vmem>> -> memref<40x256xi32, #tpu.memory_space<vmem>>
        %dma_wait3A_41 = arith.constant 0 : i32
        %dma_wait3A_42 = tpu.memref_slice %arg2[%mul3A_29, %dma_wait3A_41] : memref<1280x256xi32, #tpu.memory_space<hbm>> -> memref<40x256xi32, #tpu.memory_space<hbm>>
        %dma_wait3A_43 = arith.constant 0 : i32
        %dma_wait3A_44 = arith.constant 0 : i32
        %dma_wait3A_45 = tpu.memref_slice %arg6[%dma_wait3A_43, %dma_wait3A_44] : memref<40x256xi32, #tpu.memory_space<vmem>> -> memref<40x256xi32, #tpu.memory_space<vmem>>
        %dma_wait3A_46 = arith.constant 0 : i32
        %dma_wait3A_47 = tpu.memref_slice %arg2[%mul3A_29, %dma_wait3A_46] : memref<1280x256xi32, #tpu.memory_space<hbm>> -> memref<40x256xi32, #tpu.memory_space<hbm>>
        tpu.wait_dma2 semaphore(%run_scoped3A : memref<!tpu.dma_semaphore, #tpu.memory_space<semaphore_mem>>) src(%dma_wait3A_47 : memref<40x256xi32, #tpu.memory_space<hbm>>) dst(%dma_wait3A_45 : memref<40x256xi32, #tpu.memory_space<vmem>>)
        tpu.yield
      }) : () -> ()
    } else {
    }
    %eq3A_3 = arith.constant 1 : i32
    %eq3A_4 = arith.cmpi eq, %arg0, %eq3A_3 : i32
    %convert_element_type3A_5 = arith.extui %eq3A_4 : i1 to i32
    %cond3A_6 = arith.constant 0 : i32
    %cond3A_7 = arith.cmpi ne, %convert_element_type3A_5, %cond3A_6 : i32
    scf.if %cond3A_7 {
      %mul3A_28 = arith.constant 80 : i32
      %mul3A_29 = arith.muli %arg1, %mul3A_28 : i32
      %add3A = arith.constant 40 : i32
      %add3A_30 = arith.addi %mul3A_29, %add3A : i32
      "tpu.region"() ({
        %run_scoped3A = tpu.sem_alloc : memref<!tpu.dma_semaphore, #tpu.memory_space<semaphore_mem>>
        %dma_start3A = arith.constant 0 : i32
        %dma_start3A_31 = arith.constant 0 : i32
        %dma_start3A_32 = tpu.memref_slice %arg6[%dma_start3A, %dma_start3A_31] : memref<40x256xi32, #tpu.memory_space<vmem>> -> memref<40x256xi32, #tpu.memory_space<vmem>>
        %dma_start3A_33 = arith.constant 0 : i32
        %dma_start3A_34 = tpu.memref_slice %arg2[%add3A_30, %dma_start3A_33] : memref<1280x256xi32, #tpu.memory_space<hbm>> -> memref<40x256xi32, #tpu.memory_space<hbm>>
        %dma_start3A_35 = arith.constant 0 : i32
        %dma_start3A_36 = arith.constant 0 : i32
        %dma_start3A_37 = tpu.memref_slice %arg6[%dma_start3A_35, %dma_start3A_36] : memref<40x256xi32, #tpu.memory_space<vmem>> -> memref<40x256xi32, #tpu.memory_space<vmem>>
        %dma_start3A_38 = arith.constant 0 : i32
        %dma_start3A_39 = tpu.memref_slice %arg2[%add3A_30, %dma_start3A_38] : memref<1280x256xi32, #tpu.memory_space<hbm>> -> memref<40x256xi32, #tpu.memory_space<hbm>>
        tpu.enqueue_dma source(%dma_start3A_39 : memref<40x256xi32, #tpu.memory_space<hbm>>) target(%dma_start3A_37 : memref<40x256xi32, #tpu.memory_space<vmem>>) target_semaphore(%run_scoped3A : memref<!tpu.dma_semaphore, #tpu.memory_space<semaphore_mem>>)
        %dma_wait3A = arith.constant 0 : i32
        %dma_wait3A_40 = arith.constant 0 : i32
        %dma_wait3A_41 = tpu.memref_slice %arg6[%dma_wait3A, %dma_wait3A_40] : memref<40x256xi32, #tpu.memory_space<vmem>> -> memref<40x256xi32, #tpu.memory_space<vmem>>
        %dma_wait3A_42 = arith.constant 0 : i32
        %dma_wait3A_43 = tpu.memref_slice %arg2[%add3A_30, %dma_wait3A_42] : memref<1280x256xi32, #tpu.memory_space<hbm>> -> memref<40x256xi32, #tpu.memory_space<hbm>>
        %dma_wait3A_44 = arith.constant 0 : i32
        %dma_wait3A_45 = arith.constant 0 : i32
        %dma_wait3A_46 = tpu.memref_slice %arg6[%dma_wait3A_44, %dma_wait3A_45] : memref<40x256xi32, #tpu.memory_space<vmem>> -> memref<40x256xi32, #tpu.memory_space<vmem>>
        %dma_wait3A_47 = arith.constant 0 : i32
        %dma_wait3A_48 = tpu.memref_slice %arg2[%add3A_30, %dma_wait3A_47] : memref<1280x256xi32, #tpu.memory_space<hbm>> -> memref<40x256xi32, #tpu.memory_space<hbm>>
        tpu.wait_dma2 semaphore(%run_scoped3A : memref<!tpu.dma_semaphore, #tpu.memory_space<semaphore_mem>>) src(%dma_wait3A_48 : memref<40x256xi32, #tpu.memory_space<hbm>>) dst(%dma_wait3A_46 : memref<40x256xi32, #tpu.memory_space<vmem>>)
        tpu.yield
      }) : () -> ()
    } else {
    }
    %barrier3A = arith.constant 0 : index
    tpu.barrier barrier_id(%barrier3A)
    %eq3A_8 = arith.constant 0 : i32
    %eq3A_9 = arith.cmpi eq, %arg0, %eq3A_8 : i32
    %convert_element_type3A_10 = arith.extui %eq3A_9 : i1 to i32
    %cond3A_11 = arith.constant 0 : i32
    %cond3A_12 = arith.cmpi ne, %convert_element_type3A_10, %cond3A_11 : i32
    scf.if %cond3A_12 {
      %scan3A = arith.constant 0 : i32
      %scan3A_28 = arith.constant 0 : i32
      %scan3A_29 = arith.constant 40 : i32
      %scan3A_30 = arith.addi %scan3A_28, %scan3A_29 : i32
      %scan3A_31 = arith.constant 1 : i32
      scf.for %scan3A_39 = %scan3A_28 to %scan3A_30 step %scan3A_31  : i32 {
        %dma_start3A = arith.constant 0 : i32
        %dma_start3A_40 = tpu.memref_slice %arg6[%scan3A_39, %dma_start3A] : memref<40x256xi32, #tpu.memory_space<vmem>> -> memref<1x256xi32, #tpu.memory_space<vmem>>
        %dma_start3A_41 = tpu.memref_squeeze %dma_start3A_40 : memref<1x256xi32, #tpu.memory_space<vmem>> -> memref<256xi32, #tpu.memory_space<vmem>>
        %dma_start3A_42 = arith.constant 0 : i32
        %dma_start3A_43 = arith.constant 0 : i32
        %dma_start3A_44 = tpu.memref_slice %arg8[%dma_start3A_42, %dma_start3A_43] : memref<10112x32xf32, #tpu.memory_space<vmem_shared>> -> memref<10112x32xf32, #tpu.memory_space<vmem_shared>>
        tpu.enqueue_indirect_dma source(%arg7 : memref<256x32xf32, #tpu.memory_space<vmem>>) target(%dma_start3A_44 : memref<10112x32xf32, #tpu.memory_space<vmem_shared>>) offsets(%dma_start3A_41 : memref<256xi32, #tpu.memory_space<vmem>>) semaphore(%arg9 : memref<!tpu.dma_semaphore, #tpu.memory_space<semaphore_mem>>) {add = true}
        %ge3A = arith.constant 8 : i32
        %ge3A_45 = arith.cmpi sge, %scan3A_39, %ge3A : i32
        %convert_element_type3A_46 = arith.extui %ge3A_45 : i1 to i32
        %cond3A_47 = arith.constant 0 : i32
        %cond3A_48 = arith.cmpi ne, %convert_element_type3A_46, %cond3A_47 : i32
        scf.if %cond3A_48 {
          %dma_wait3A = arith.constant 0 : i32
          %dma_wait3A_49 = tpu.memref_slice %arg6[%scan3A_39, %dma_wait3A] : memref<40x256xi32, #tpu.memory_space<vmem>> -> memref<1x256xi32, #tpu.memory_space<vmem>>
          %dma_wait3A_50 = tpu.memref_squeeze %dma_wait3A_49 : memref<1x256xi32, #tpu.memory_space<vmem>> -> memref<256xi32, #tpu.memory_space<vmem>>
          %dma_wait3A_51 = arith.constant 0 : i32
          %dma_wait3A_52 = arith.constant 0 : i32
          %dma_wait3A_53 = tpu.memref_slice %arg8[%dma_wait3A_51, %dma_wait3A_52] : memref<10112x32xf32, #tpu.memory_space<vmem_shared>> -> memref<10112x32xf32, #tpu.memory_space<vmem_shared>>
          tpu.wait_indirect_dma semaphore(%arg9 : memref<!tpu.dma_semaphore, #tpu.memory_space<semaphore_mem>>) src(%arg7 : memref<256x32xf32, #tpu.memory_space<vmem>>) dst(%dma_wait3A_53 : memref<10112x32xf32, #tpu.memory_space<vmem_shared>>)
        } else {
        }
      }
      %scan3A_32 = arith.constant 40 : i32
      %scan3A_33 = arith.constant 0 : i32
      %scan3A_34 = arith.constant 0 : i32
      %scan3A_35 = arith.constant 8 : i32
      %scan3A_36 = arith.addi %scan3A_34, %scan3A_35 : i32
      %scan3A_37 = arith.constant 1 : i32
      scf.for %scan3A_39 = %scan3A_34 to %scan3A_36 step %scan3A_37  : i32 {
        %dma_wait3A = arith.constant 0 : i32
        %dma_wait3A_40 = arith.constant 0 : i32
        %dma_wait3A_41 = tpu.memref_slice %arg6[%dma_wait3A, %dma_wait3A_40] : memref<40x256xi32, #tpu.memory_space<vmem>> -> memref<1x256xi32, #tpu.memory_space<vmem>>
        %dma_wait3A_42 = tpu.memref_squeeze %dma_wait3A_41 : memref<1x256xi32, #tpu.memory_space<vmem>> -> memref<256xi32, #tpu.memory_space<vmem>>
        %dma_wait3A_43 = arith.constant 0 : i32
        %dma_wait3A_44 = arith.constant 0 : i32
        %dma_wait3A_45 = tpu.memref_slice %arg8[%dma_wait3A_43, %dma_wait3A_44] : memref<10112x32xf32, #tpu.memory_space<vmem_shared>> -> memref<10112x32xf32, #tpu.memory_space<vmem_shared>>
        tpu.wait_indirect_dma semaphore(%arg9 : memref<!tpu.dma_semaphore, #tpu.memory_space<semaphore_mem>>) src(%arg7 : memref<256x32xf32, #tpu.memory_space<vmem>>) dst(%dma_wait3A_45 : memref<10112x32xf32, #tpu.memory_space<vmem_shared>>)
      }
      %scan3A_38 = arith.constant 8 : i32
    } else {
    }
    %eq3A_13 = arith.constant 1 : i32
    %eq3A_14 = arith.cmpi eq, %arg0, %eq3A_13 : i32
    %convert_element_type3A_15 = arith.extui %eq3A_14 : i1 to i32
    %cond3A_16 = arith.constant 0 : i32
    %cond3A_17 = arith.cmpi ne, %convert_element_type3A_15, %cond3A_16 : i32
    scf.if %cond3A_17 {
      %scan3A = arith.constant 0 : i32
      %scan3A_28 = arith.constant 0 : i32
      %scan3A_29 = arith.constant 40 : i32
      %scan3A_30 = arith.addi %scan3A_28, %scan3A_29 : i32
      %scan3A_31 = arith.constant 1 : i32
      scf.for %scan3A_39 = %scan3A_28 to %scan3A_30 step %scan3A_31  : i32 {
        %dma_start3A = arith.constant 0 : i32
        %dma_start3A_40 = tpu.memref_slice %arg6[%scan3A_39, %dma_start3A] : memref<40x256xi32, #tpu.memory_space<vmem>> -> memref<1x256xi32, #tpu.memory_space<vmem>>
        %dma_start3A_41 = tpu.memref_squeeze %dma_start3A_40 : memref<1x256xi32, #tpu.memory_space<vmem>> -> memref<256xi32, #tpu.memory_space<vmem>>
        %dma_start3A_42 = arith.constant 0 : i32
        %dma_start3A_43 = arith.constant 0 : i32
        %dma_start3A_44 = tpu.memref_slice %arg8[%dma_start3A_42, %dma_start3A_43] : memref<10112x32xf32, #tpu.memory_space<vmem_shared>> -> memref<10112x32xf32, #tpu.memory_space<vmem_shared>>
        tpu.enqueue_indirect_dma source(%arg7 : memref<256x32xf32, #tpu.memory_space<vmem>>) target(%dma_start3A_44 : memref<10112x32xf32, #tpu.memory_space<vmem_shared>>) offsets(%dma_start3A_41 : memref<256xi32, #tpu.memory_space<vmem>>) semaphore(%arg9 : memref<!tpu.dma_semaphore, #tpu.memory_space<semaphore_mem>>) {add = true}
        %ge3A = arith.constant 8 : i32
        %ge3A_45 = arith.cmpi sge, %scan3A_39, %ge3A : i32
        %convert_element_type3A_46 = arith.extui %ge3A_45 : i1 to i32
        %cond3A_47 = arith.constant 0 : i32
        %cond3A_48 = arith.cmpi ne, %convert_element_type3A_46, %cond3A_47 : i32
        scf.if %cond3A_48 {
          %dma_wait3A = arith.constant 0 : i32
          %dma_wait3A_49 = tpu.memref_slice %arg6[%scan3A_39, %dma_wait3A] : memref<40x256xi32, #tpu.memory_space<vmem>> -> memref<1x256xi32, #tpu.memory_space<vmem>>
          %dma_wait3A_50 = tpu.memref_squeeze %dma_wait3A_49 : memref<1x256xi32, #tpu.memory_space<vmem>> -> memref<256xi32, #tpu.memory_space<vmem>>
          %dma_wait3A_51 = arith.constant 0 : i32
          %dma_wait3A_52 = arith.constant 0 : i32
          %dma_wait3A_53 = tpu.memref_slice %arg8[%dma_wait3A_51, %dma_wait3A_52] : memref<10112x32xf32, #tpu.memory_space<vmem_shared>> -> memref<10112x32xf32, #tpu.memory_space<vmem_shared>>
          tpu.wait_indirect_dma semaphore(%arg9 : memref<!tpu.dma_semaphore, #tpu.memory_space<semaphore_mem>>) src(%arg7 : memref<256x32xf32, #tpu.memory_space<vmem>>) dst(%dma_wait3A_53 : memref<10112x32xf32, #tpu.memory_space<vmem_shared>>)
        } else {
        }
      }
      %scan3A_32 = arith.constant 40 : i32
      %scan3A_33 = arith.constant 0 : i32
      %scan3A_34 = arith.constant 0 : i32
      %scan3A_35 = arith.constant 8 : i32
      %scan3A_36 = arith.addi %scan3A_34, %scan3A_35 : i32
      %scan3A_37 = arith.constant 1 : i32
      scf.for %scan3A_39 = %scan3A_34 to %scan3A_36 step %scan3A_37  : i32 {
        %dma_wait3A = arith.constant 0 : i32
        %dma_wait3A_40 = arith.constant 0 : i32
        %dma_wait3A_41 = tpu.memref_slice %arg6[%dma_wait3A, %dma_wait3A_40] : memref<40x256xi32, #tpu.memory_space<vmem>> -> memref<1x256xi32, #tpu.memory_space<vmem>>
        %dma_wait3A_42 = tpu.memref_squeeze %dma_wait3A_41 : memref<1x256xi32, #tpu.memory_space<vmem>> -> memref<256xi32, #tpu.memory_space<vmem>>
        %dma_wait3A_43 = arith.constant 0 : i32
        %dma_wait3A_44 = arith.constant 0 : i32
        %dma_wait3A_45 = tpu.memref_slice %arg8[%dma_wait3A_43, %dma_wait3A_44] : memref<10112x32xf32, #tpu.memory_space<vmem_shared>> -> memref<10112x32xf32, #tpu.memory_space<vmem_shared>>
        tpu.wait_indirect_dma semaphore(%arg9 : memref<!tpu.dma_semaphore, #tpu.memory_space<semaphore_mem>>) src(%arg7 : memref<256x32xf32, #tpu.memory_space<vmem>>) dst(%dma_wait3A_45 : memref<10112x32xf32, #tpu.memory_space<vmem_shared>>)
      }
      %scan3A_38 = arith.constant 8 : i32
    } else {
    }
    %barrier3A_18 = arith.constant 0 : index
    tpu.barrier barrier_id(%barrier3A_18)
    %lt3A = arith.constant 15 : i32
    %lt3A_19 = arith.cmpi slt, %arg1, %lt3A : i32
    %convert_element_type3A_20 = arith.extui %lt3A_19 : i1 to i32
    %cond3A_21 = arith.constant 0 : i32
    %cond3A_22 = arith.cmpi ne, %convert_element_type3A_20, %cond3A_21 : i32
    scf.if %cond3A_22 {
      "tpu.region"() ({
        %run_scoped3A = tpu.sem_alloc : memref<!tpu.dma_semaphore, #tpu.memory_space<semaphore_mem>>
        %dma_start3A = arith.constant 0 : i32
        %dma_start3A_28 = arith.constant 0 : i32
        %dma_start3A_29 = tpu.memref_slice %arg5[%arg0, %dma_start3A, %dma_start3A_28] : memref<2x10000x32xf32, #tpu.memory_space<hbm>> -> memref<1x10000x32xf32, #tpu.memory_space<hbm>>
        %dma_start3A_30 = tpu.memref_squeeze %dma_start3A_29 : memref<1x10000x32xf32, #tpu.memory_space<hbm>> -> memref<10000x32xf32, #tpu.memory_space<hbm>>
        %dma_start3A_31 = arith.constant 0 : i32
        %dma_start3A_32 = tpu.memref_slice %dma_start3A_30[%mul3A_0, %dma_start3A_31] : memref<10000x32xf32, #tpu.memory_space<hbm>> -> memref<632x32xf32, #tpu.memory_space<hbm>>
        %dma_start3A_33 = arith.constant 0 : i32
        %dma_start3A_34 = tpu.memref_slice %arg8[%mul3A_0, %dma_start3A_33] : memref<10112x32xf32, #tpu.memory_space<vmem_shared>> -> memref<632x32xf32, #tpu.memory_space<vmem_shared>>
        tpu.enqueue_dma source(%dma_start3A_34 : memref<632x32xf32, #tpu.memory_space<vmem_shared>>) target(%dma_start3A_32 : memref<632x32xf32, #tpu.memory_space<hbm>>) target_semaphore(%run_scoped3A : memref<!tpu.dma_semaphore, #tpu.memory_space<semaphore_mem>>)
        %dma_wait3A = arith.constant 0 : i32
        %dma_wait3A_35 = arith.constant 0 : i32
        %dma_wait3A_36 = tpu.memref_slice %arg5[%arg0, %dma_wait3A, %dma_wait3A_35] : memref<2x10000x32xf32, #tpu.memory_space<hbm>> -> memref<1x10000x32xf32, #tpu.memory_space<hbm>>
        %dma_wait3A_37 = tpu.memref_squeeze %dma_wait3A_36 : memref<1x10000x32xf32, #tpu.memory_space<hbm>> -> memref<10000x32xf32, #tpu.memory_space<hbm>>
        %dma_wait3A_38 = arith.constant 0 : i32
        %dma_wait3A_39 = tpu.memref_slice %dma_wait3A_37[%mul3A_0, %dma_wait3A_38] : memref<10000x32xf32, #tpu.memory_space<hbm>> -> memref<632x32xf32, #tpu.memory_space<hbm>>
        %dma_wait3A_40 = arith.constant 0 : i32
        %dma_wait3A_41 = tpu.memref_slice %arg8[%mul3A_0, %dma_wait3A_40] : memref<10112x32xf32, #tpu.memory_space<vmem_shared>> -> memref<632x32xf32, #tpu.memory_space<vmem_shared>>
        tpu.wait_dma2 semaphore(%run_scoped3A : memref<!tpu.dma_semaphore, #tpu.memory_space<semaphore_mem>>) src(%dma_wait3A_41 : memref<632x32xf32, #tpu.memory_space<vmem_shared>>) dst(%dma_wait3A_39 : memref<632x32xf32, #tpu.memory_space<hbm>>)
        tpu.yield
      }) : () -> ()
    } else {
    }
    %eq3A_23 = arith.constant 15 : i32
    %eq3A_24 = arith.cmpi eq, %arg1, %eq3A_23 : i32
    %convert_element_type3A_25 = arith.extui %eq3A_24 : i1 to i32
    %cond3A_26 = arith.constant 0 : i32
    %cond3A_27 = arith.cmpi ne, %convert_element_type3A_25, %cond3A_26 : i32
    scf.if %cond3A_27 {
      "tpu.region"() ({
        %run_scoped3A = tpu.sem_alloc : memref<!tpu.dma_semaphore, #tpu.memory_space<semaphore_mem>>
        %dma_start3A = arith.constant 0 : i32
        %dma_start3A_28 = arith.constant 0 : i32
        %dma_start3A_29 = tpu.memref_slice %arg5[%arg0, %dma_start3A, %dma_start3A_28] : memref<2x10000x32xf32, #tpu.memory_space<hbm>> -> memref<1x10000x32xf32, #tpu.memory_space<hbm>>
        %dma_start3A_30 = tpu.memref_squeeze %dma_start3A_29 : memref<1x10000x32xf32, #tpu.memory_space<hbm>> -> memref<10000x32xf32, #tpu.memory_space<hbm>>
        %dma_start3A_31 = arith.constant 9480 : i32
        %dma_start3A_32 = arith.constant 0 : i32
        %dma_start3A_33 = tpu.memref_slice %dma_start3A_30[%dma_start3A_31, %dma_start3A_32] : memref<10000x32xf32, #tpu.memory_space<hbm>> -> memref<520x32xf32, #tpu.memory_space<hbm>>
        %dma_start3A_34 = arith.constant 9480 : i32
        %dma_start3A_35 = arith.constant 0 : i32
        %dma_start3A_36 = tpu.memref_slice %arg8[%dma_start3A_34, %dma_start3A_35] : memref<10112x32xf32, #tpu.memory_space<vmem_shared>> -> memref<520x32xf32, #tpu.memory_space<vmem_shared>>
        tpu.enqueue_dma source(%dma_start3A_36 : memref<520x32xf32, #tpu.memory_space<vmem_shared>>) target(%dma_start3A_33 : memref<520x32xf32, #tpu.memory_space<hbm>>) target_semaphore(%run_scoped3A : memref<!tpu.dma_semaphore, #tpu.memory_space<semaphore_mem>>)
        %dma_wait3A = arith.constant 0 : i32
        %dma_wait3A_37 = arith.constant 0 : i32
        %dma_wait3A_38 = tpu.memref_slice %arg5[%arg0, %dma_wait3A, %dma_wait3A_37] : memref<2x10000x32xf32, #tpu.memory_space<hbm>> -> memref<1x10000x32xf32, #tpu.memory_space<hbm>>
        %dma_wait3A_39 = tpu.memref_squeeze %dma_wait3A_38 : memref<1x10000x32xf32, #tpu.memory_space<hbm>> -> memref<10000x32xf32, #tpu.memory_space<hbm>>
        %dma_wait3A_40 = arith.constant 9480 : i32
        %dma_wait3A_41 = arith.constant 0 : i32
        %dma_wait3A_42 = tpu.memref_slice %dma_wait3A_39[%dma_wait3A_40, %dma_wait3A_41] : memref<10000x32xf32, #tpu.memory_space<hbm>> -> memref<520x32xf32, #tpu.memory_space<hbm>>
        %dma_wait3A_43 = arith.constant 9480 : i32
        %dma_wait3A_44 = arith.constant 0 : i32
        %dma_wait3A_45 = tpu.memref_slice %arg8[%dma_wait3A_43, %dma_wait3A_44] : memref<10112x32xf32, #tpu.memory_space<vmem_shared>> -> memref<520x32xf32, #tpu.memory_space<vmem_shared>>
        tpu.wait_dma2 semaphore(%run_scoped3A : memref<!tpu.dma_semaphore, #tpu.memory_space<semaphore_mem>>) src(%dma_wait3A_45 : memref<520x32xf32, #tpu.memory_space<vmem_shared>>) dst(%dma_wait3A_42 : memref<520x32xf32, #tpu.memory_space<hbm>>)
        tpu.yield
      }) : () -> ()
    } else {
    }
    return
  }
}

#map = affine_map<(d0, d1) -> (0, 0)>
#map1 = affine_map<(d0, d1) -> (0, 0, 0)>
module attributes {stable_mosaic.version = 14 : i64} {
  func.func @_edge_pass_body(%arg0: i32, %arg1: i32, %arg2: memref<1280x256xi32, #tpu.memory_space<hbm>>, %arg3: memref<1280x256xi32, #tpu.memory_space<hbm>>, %arg4: memref<10000x32xf32, #tpu.memory_space<hbm>>, %arg5: memref<10112x32xf32, #tpu.memory_space<hbm>>, %arg6: memref<2x10000x32xf32, #tpu.memory_space<hbm>>, %arg7: memref<40x256xi32, #tpu.memory_space<vmem>>, %arg8: memref<40x256xi32, #tpu.memory_space<vmem>>, %arg9: memref<4x256x32xf32, #tpu.memory_space<vmem>>, %arg10: memref<10112x32xf32, #tpu.memory_space<vmem_shared>>, %arg11: memref<10112x32xf32, #tpu.memory_space<vmem_shared>>, %arg12: memref<4x!tpu.dma_semaphore, #tpu.memory_space<semaphore_mem>>, %arg13: memref<4x!tpu.dma_semaphore, #tpu.memory_space<semaphore_mem>>) attributes {dimension_semantics = [#tpu.dimension_semantics<core_parallel>, #tpu.dimension_semantics<subcore_parallel>], iteration_bounds = array<i64: 2, 16>, scalar_prefetch = 0 : i64, scratch_operands = 7 : i64, tpu.core_type = #tpu.core_type<sc_vector_subcore>, window_params = [{transform_indices = #map}, {transform_indices = #map}, {transform_indices = #map}, {transform_indices = #map}, {transform_indices = #map1}]} {
    %mul3A = arith.constant 632 : i32
    %mul3A_0 = arith.muli %arg1, %mul3A : i32
    "tpu.region"() ({
      %run_scoped3A = tpu.sem_alloc : memref<!tpu.dma_semaphore, #tpu.memory_space<semaphore_mem>>
      %dma_start3A = arith.constant 0 : i32
      %dma_start3A_38 = tpu.memref_slice %arg11[%mul3A_0, %dma_start3A] : memref<10112x32xf32, #tpu.memory_space<vmem_shared>> -> memref<632x32xf32, #tpu.memory_space<vmem_shared>>
      %dma_start3A_39 = arith.constant 0 : i32
      %dma_start3A_40 = tpu.memref_slice %arg5[%mul3A_0, %dma_start3A_39] : memref<10112x32xf32, #tpu.memory_space<hbm>> -> memref<632x32xf32, #tpu.memory_space<hbm>>
      tpu.enqueue_dma source(%dma_start3A_40 : memref<632x32xf32, #tpu.memory_space<hbm>>) target(%dma_start3A_38 : memref<632x32xf32, #tpu.memory_space<vmem_shared>>) target_semaphore(%run_scoped3A : memref<!tpu.dma_semaphore, #tpu.memory_space<semaphore_mem>>)
      %dma_wait3A = arith.constant 0 : i32
      %dma_wait3A_41 = tpu.memref_slice %arg11[%mul3A_0, %dma_wait3A] : memref<10112x32xf32, #tpu.memory_space<vmem_shared>> -> memref<632x32xf32, #tpu.memory_space<vmem_shared>>
      %dma_wait3A_42 = arith.constant 0 : i32
      %dma_wait3A_43 = tpu.memref_slice %arg5[%mul3A_0, %dma_wait3A_42] : memref<10112x32xf32, #tpu.memory_space<hbm>> -> memref<632x32xf32, #tpu.memory_space<hbm>>
      tpu.wait_dma2 semaphore(%run_scoped3A : memref<!tpu.dma_semaphore, #tpu.memory_space<semaphore_mem>>) src(%dma_wait3A_43 : memref<632x32xf32, #tpu.memory_space<hbm>>) dst(%dma_wait3A_41 : memref<632x32xf32, #tpu.memory_space<vmem_shared>>)
      tpu.yield
    }) : () -> ()
    %lt3A = arith.constant 15 : i32
    %lt3A_1 = arith.cmpi slt, %arg1, %lt3A : i32
    %convert_element_type3A = arith.extui %lt3A_1 : i1 to i32
    %cond3A = arith.constant 0 : i32
    %cond3A_2 = arith.cmpi ne, %convert_element_type3A, %cond3A : i32
    scf.if %cond3A_2 {
      "tpu.region"() ({
        %run_scoped3A = tpu.sem_alloc : memref<!tpu.dma_semaphore, #tpu.memory_space<semaphore_mem>>
        %dma_start3A = arith.constant 0 : i32
        %dma_start3A_38 = tpu.memref_slice %arg10[%mul3A_0, %dma_start3A] : memref<10112x32xf32, #tpu.memory_space<vmem_shared>> -> memref<632x32xf32, #tpu.memory_space<vmem_shared>>
        %dma_start3A_39 = arith.constant 0 : i32
        %dma_start3A_40 = tpu.memref_slice %arg4[%mul3A_0, %dma_start3A_39] : memref<10000x32xf32, #tpu.memory_space<hbm>> -> memref<632x32xf32, #tpu.memory_space<hbm>>
        tpu.enqueue_dma source(%dma_start3A_40 : memref<632x32xf32, #tpu.memory_space<hbm>>) target(%dma_start3A_38 : memref<632x32xf32, #tpu.memory_space<vmem_shared>>) target_semaphore(%run_scoped3A : memref<!tpu.dma_semaphore, #tpu.memory_space<semaphore_mem>>)
        %dma_wait3A = arith.constant 0 : i32
        %dma_wait3A_41 = tpu.memref_slice %arg10[%mul3A_0, %dma_wait3A] : memref<10112x32xf32, #tpu.memory_space<vmem_shared>> -> memref<632x32xf32, #tpu.memory_space<vmem_shared>>
        %dma_wait3A_42 = arith.constant 0 : i32
        %dma_wait3A_43 = tpu.memref_slice %arg4[%mul3A_0, %dma_wait3A_42] : memref<10000x32xf32, #tpu.memory_space<hbm>> -> memref<632x32xf32, #tpu.memory_space<hbm>>
        tpu.wait_dma2 semaphore(%run_scoped3A : memref<!tpu.dma_semaphore, #tpu.memory_space<semaphore_mem>>) src(%dma_wait3A_43 : memref<632x32xf32, #tpu.memory_space<hbm>>) dst(%dma_wait3A_41 : memref<632x32xf32, #tpu.memory_space<vmem_shared>>)
        tpu.yield
      }) : () -> ()
    } else {
    }
    %eq3A = arith.constant 15 : i32
    %eq3A_3 = arith.cmpi eq, %arg1, %eq3A : i32
    %convert_element_type3A_4 = arith.extui %eq3A_3 : i1 to i32
    %cond3A_5 = arith.constant 0 : i32
    %cond3A_6 = arith.cmpi ne, %convert_element_type3A_4, %cond3A_5 : i32
    scf.if %cond3A_6 {
      "tpu.region"() ({
        %run_scoped3A = tpu.sem_alloc : memref<!tpu.dma_semaphore, #tpu.memory_space<semaphore_mem>>
        %dma_start3A = arith.constant 9480 : i32
        %dma_start3A_38 = arith.constant 0 : i32
        %dma_start3A_39 = tpu.memref_slice %arg10[%dma_start3A, %dma_start3A_38] : memref<10112x32xf32, #tpu.memory_space<vmem_shared>> -> memref<520x32xf32, #tpu.memory_space<vmem_shared>>
        %dma_start3A_40 = arith.constant 9480 : i32
        %dma_start3A_41 = arith.constant 0 : i32
        %dma_start3A_42 = tpu.memref_slice %arg4[%dma_start3A_40, %dma_start3A_41] : memref<10000x32xf32, #tpu.memory_space<hbm>> -> memref<520x32xf32, #tpu.memory_space<hbm>>
        tpu.enqueue_dma source(%dma_start3A_42 : memref<520x32xf32, #tpu.memory_space<hbm>>) target(%dma_start3A_39 : memref<520x32xf32, #tpu.memory_space<vmem_shared>>) target_semaphore(%run_scoped3A : memref<!tpu.dma_semaphore, #tpu.memory_space<semaphore_mem>>)
        %dma_wait3A = arith.constant 9480 : i32
        %dma_wait3A_43 = arith.constant 0 : i32
        %dma_wait3A_44 = tpu.memref_slice %arg10[%dma_wait3A, %dma_wait3A_43] : memref<10112x32xf32, #tpu.memory_space<vmem_shared>> -> memref<520x32xf32, #tpu.memory_space<vmem_shared>>
        %dma_wait3A_45 = arith.constant 9480 : i32
        %dma_wait3A_46 = arith.constant 0 : i32
        %dma_wait3A_47 = tpu.memref_slice %arg4[%dma_wait3A_45, %dma_wait3A_46] : memref<10000x32xf32, #tpu.memory_space<hbm>> -> memref<520x32xf32, #tpu.memory_space<hbm>>
        tpu.wait_dma2 semaphore(%run_scoped3A : memref<!tpu.dma_semaphore, #tpu.memory_space<semaphore_mem>>) src(%dma_wait3A_47 : memref<520x32xf32, #tpu.memory_space<hbm>>) dst(%dma_wait3A_44 : memref<520x32xf32, #tpu.memory_space<vmem_shared>>)
        tpu.yield
      }) : () -> ()
    } else {
    }
    %eq3A_7 = arith.constant 0 : i32
    %eq3A_8 = arith.cmpi eq, %arg0, %eq3A_7 : i32
    %convert_element_type3A_9 = arith.extui %eq3A_8 : i1 to i32
    %cond3A_10 = arith.constant 0 : i32
    %cond3A_11 = arith.cmpi ne, %convert_element_type3A_9, %cond3A_10 : i32
    scf.if %cond3A_11 {
      %mul3A_38 = arith.constant 80 : i32
      %mul3A_39 = arith.muli %arg1, %mul3A_38 : i32
      "tpu.region"() ({
        %run_scoped3A = tpu.sem_alloc : memref<!tpu.dma_semaphore, #tpu.memory_space<semaphore_mem>>
        %dma_start3A = arith.constant 0 : i32
        %dma_start3A_40 = arith.constant 0 : i32
        %dma_start3A_41 = tpu.memref_slice %arg7[%dma_start3A, %dma_start3A_40] : memref<40x256xi32, #tpu.memory_space<vmem>> -> memref<40x256xi32, #tpu.memory_space<vmem>>
        %dma_start3A_42 = arith.constant 0 : i32
        %dma_start3A_43 = tpu.memref_slice %arg2[%mul3A_39, %dma_start3A_42] : memref<1280x256xi32, #tpu.memory_space<hbm>> -> memref<40x256xi32, #tpu.memory_space<hbm>>
        %dma_start3A_44 = arith.constant 0 : i32
        %dma_start3A_45 = arith.constant 0 : i32
        %dma_start3A_46 = tpu.memref_slice %arg7[%dma_start3A_44, %dma_start3A_45] : memref<40x256xi32, #tpu.memory_space<vmem>> -> memref<40x256xi32, #tpu.memory_space<vmem>>
        %dma_start3A_47 = arith.constant 0 : i32
        %dma_start3A_48 = tpu.memref_slice %arg2[%mul3A_39, %dma_start3A_47] : memref<1280x256xi32, #tpu.memory_space<hbm>> -> memref<40x256xi32, #tpu.memory_space<hbm>>
        tpu.enqueue_dma source(%dma_start3A_48 : memref<40x256xi32, #tpu.memory_space<hbm>>) target(%dma_start3A_46 : memref<40x256xi32, #tpu.memory_space<vmem>>) target_semaphore(%run_scoped3A : memref<!tpu.dma_semaphore, #tpu.memory_space<semaphore_mem>>)
        %dma_wait3A = arith.constant 0 : i32
        %dma_wait3A_49 = arith.constant 0 : i32
        %dma_wait3A_50 = tpu.memref_slice %arg7[%dma_wait3A, %dma_wait3A_49] : memref<40x256xi32, #tpu.memory_space<vmem>> -> memref<40x256xi32, #tpu.memory_space<vmem>>
        %dma_wait3A_51 = arith.constant 0 : i32
        %dma_wait3A_52 = tpu.memref_slice %arg2[%mul3A_39, %dma_wait3A_51] : memref<1280x256xi32, #tpu.memory_space<hbm>> -> memref<40x256xi32, #tpu.memory_space<hbm>>
        %dma_wait3A_53 = arith.constant 0 : i32
        %dma_wait3A_54 = arith.constant 0 : i32
        %dma_wait3A_55 = tpu.memref_slice %arg7[%dma_wait3A_53, %dma_wait3A_54] : memref<40x256xi32, #tpu.memory_space<vmem>> -> memref<40x256xi32, #tpu.memory_space<vmem>>
        %dma_wait3A_56 = arith.constant 0 : i32
        %dma_wait3A_57 = tpu.memref_slice %arg2[%mul3A_39, %dma_wait3A_56] : memref<1280x256xi32, #tpu.memory_space<hbm>> -> memref<40x256xi32, #tpu.memory_space<hbm>>
        tpu.wait_dma2 semaphore(%run_scoped3A : memref<!tpu.dma_semaphore, #tpu.memory_space<semaphore_mem>>) src(%dma_wait3A_57 : memref<40x256xi32, #tpu.memory_space<hbm>>) dst(%dma_wait3A_55 : memref<40x256xi32, #tpu.memory_space<vmem>>)
        tpu.yield
      }) : () -> ()
      "tpu.region"() ({
        %run_scoped3A = tpu.sem_alloc : memref<!tpu.dma_semaphore, #tpu.memory_space<semaphore_mem>>
        %dma_start3A = arith.constant 0 : i32
        %dma_start3A_40 = arith.constant 0 : i32
        %dma_start3A_41 = tpu.memref_slice %arg8[%dma_start3A, %dma_start3A_40] : memref<40x256xi32, #tpu.memory_space<vmem>> -> memref<40x256xi32, #tpu.memory_space<vmem>>
        %dma_start3A_42 = arith.constant 0 : i32
        %dma_start3A_43 = tpu.memref_slice %arg3[%mul3A_39, %dma_start3A_42] : memref<1280x256xi32, #tpu.memory_space<hbm>> -> memref<40x256xi32, #tpu.memory_space<hbm>>
        %dma_start3A_44 = arith.constant 0 : i32
        %dma_start3A_45 = arith.constant 0 : i32
        %dma_start3A_46 = tpu.memref_slice %arg8[%dma_start3A_44, %dma_start3A_45] : memref<40x256xi32, #tpu.memory_space<vmem>> -> memref<40x256xi32, #tpu.memory_space<vmem>>
        %dma_start3A_47 = arith.constant 0 : i32
        %dma_start3A_48 = tpu.memref_slice %arg3[%mul3A_39, %dma_start3A_47] : memref<1280x256xi32, #tpu.memory_space<hbm>> -> memref<40x256xi32, #tpu.memory_space<hbm>>
        tpu.enqueue_dma source(%dma_start3A_48 : memref<40x256xi32, #tpu.memory_space<hbm>>) target(%dma_start3A_46 : memref<40x256xi32, #tpu.memory_space<vmem>>) target_semaphore(%run_scoped3A : memref<!tpu.dma_semaphore, #tpu.memory_space<semaphore_mem>>)
        %dma_wait3A = arith.constant 0 : i32
        %dma_wait3A_49 = arith.constant 0 : i32
        %dma_wait3A_50 = tpu.memref_slice %arg8[%dma_wait3A, %dma_wait3A_49] : memref<40x256xi32, #tpu.memory_space<vmem>> -> memref<40x256xi32, #tpu.memory_space<vmem>>
        %dma_wait3A_51 = arith.constant 0 : i32
        %dma_wait3A_52 = tpu.memref_slice %arg3[%mul3A_39, %dma_wait3A_51] : memref<1280x256xi32, #tpu.memory_space<hbm>> -> memref<40x256xi32, #tpu.memory_space<hbm>>
        %dma_wait3A_53 = arith.constant 0 : i32
        %dma_wait3A_54 = arith.constant 0 : i32
        %dma_wait3A_55 = tpu.memref_slice %arg8[%dma_wait3A_53, %dma_wait3A_54] : memref<40x256xi32, #tpu.memory_space<vmem>> -> memref<40x256xi32, #tpu.memory_space<vmem>>
        %dma_wait3A_56 = arith.constant 0 : i32
        %dma_wait3A_57 = tpu.memref_slice %arg3[%mul3A_39, %dma_wait3A_56] : memref<1280x256xi32, #tpu.memory_space<hbm>> -> memref<40x256xi32, #tpu.memory_space<hbm>>
        tpu.wait_dma2 semaphore(%run_scoped3A : memref<!tpu.dma_semaphore, #tpu.memory_space<semaphore_mem>>) src(%dma_wait3A_57 : memref<40x256xi32, #tpu.memory_space<hbm>>) dst(%dma_wait3A_55 : memref<40x256xi32, #tpu.memory_space<vmem>>)
        tpu.yield
      }) : () -> ()
    } else {
    }
    %eq3A_12 = arith.constant 1 : i32
    %eq3A_13 = arith.cmpi eq, %arg0, %eq3A_12 : i32
    %convert_element_type3A_14 = arith.extui %eq3A_13 : i1 to i32
    %cond3A_15 = arith.constant 0 : i32
    %cond3A_16 = arith.cmpi ne, %convert_element_type3A_14, %cond3A_15 : i32
    scf.if %cond3A_16 {
      %mul3A_38 = arith.constant 80 : i32
      %mul3A_39 = arith.muli %arg1, %mul3A_38 : i32
      %add3A = arith.constant 40 : i32
      %add3A_40 = arith.addi %mul3A_39, %add3A : i32
      "tpu.region"() ({
        %run_scoped3A = tpu.sem_alloc : memref<!tpu.dma_semaphore, #tpu.memory_space<semaphore_mem>>
        %dma_start3A = arith.constant 0 : i32
        %dma_start3A_41 = arith.constant 0 : i32
        %dma_start3A_42 = tpu.memref_slice %arg7[%dma_start3A, %dma_start3A_41] : memref<40x256xi32, #tpu.memory_space<vmem>> -> memref<40x256xi32, #tpu.memory_space<vmem>>
        %dma_start3A_43 = arith.constant 0 : i32
        %dma_start3A_44 = tpu.memref_slice %arg2[%add3A_40, %dma_start3A_43] : memref<1280x256xi32, #tpu.memory_space<hbm>> -> memref<40x256xi32, #tpu.memory_space<hbm>>
        %dma_start3A_45 = arith.constant 0 : i32
        %dma_start3A_46 = arith.constant 0 : i32
        %dma_start3A_47 = tpu.memref_slice %arg7[%dma_start3A_45, %dma_start3A_46] : memref<40x256xi32, #tpu.memory_space<vmem>> -> memref<40x256xi32, #tpu.memory_space<vmem>>
        %dma_start3A_48 = arith.constant 0 : i32
        %dma_start3A_49 = tpu.memref_slice %arg2[%add3A_40, %dma_start3A_48] : memref<1280x256xi32, #tpu.memory_space<hbm>> -> memref<40x256xi32, #tpu.memory_space<hbm>>
        tpu.enqueue_dma source(%dma_start3A_49 : memref<40x256xi32, #tpu.memory_space<hbm>>) target(%dma_start3A_47 : memref<40x256xi32, #tpu.memory_space<vmem>>) target_semaphore(%run_scoped3A : memref<!tpu.dma_semaphore, #tpu.memory_space<semaphore_mem>>)
        %dma_wait3A = arith.constant 0 : i32
        %dma_wait3A_50 = arith.constant 0 : i32
        %dma_wait3A_51 = tpu.memref_slice %arg7[%dma_wait3A, %dma_wait3A_50] : memref<40x256xi32, #tpu.memory_space<vmem>> -> memref<40x256xi32, #tpu.memory_space<vmem>>
        %dma_wait3A_52 = arith.constant 0 : i32
        %dma_wait3A_53 = tpu.memref_slice %arg2[%add3A_40, %dma_wait3A_52] : memref<1280x256xi32, #tpu.memory_space<hbm>> -> memref<40x256xi32, #tpu.memory_space<hbm>>
        %dma_wait3A_54 = arith.constant 0 : i32
        %dma_wait3A_55 = arith.constant 0 : i32
        %dma_wait3A_56 = tpu.memref_slice %arg7[%dma_wait3A_54, %dma_wait3A_55] : memref<40x256xi32, #tpu.memory_space<vmem>> -> memref<40x256xi32, #tpu.memory_space<vmem>>
        %dma_wait3A_57 = arith.constant 0 : i32
        %dma_wait3A_58 = tpu.memref_slice %arg2[%add3A_40, %dma_wait3A_57] : memref<1280x256xi32, #tpu.memory_space<hbm>> -> memref<40x256xi32, #tpu.memory_space<hbm>>
        tpu.wait_dma2 semaphore(%run_scoped3A : memref<!tpu.dma_semaphore, #tpu.memory_space<semaphore_mem>>) src(%dma_wait3A_58 : memref<40x256xi32, #tpu.memory_space<hbm>>) dst(%dma_wait3A_56 : memref<40x256xi32, #tpu.memory_space<vmem>>)
        tpu.yield
      }) : () -> ()
      "tpu.region"() ({
        %run_scoped3A = tpu.sem_alloc : memref<!tpu.dma_semaphore, #tpu.memory_space<semaphore_mem>>
        %dma_start3A = arith.constant 0 : i32
        %dma_start3A_41 = arith.constant 0 : i32
        %dma_start3A_42 = tpu.memref_slice %arg8[%dma_start3A, %dma_start3A_41] : memref<40x256xi32, #tpu.memory_space<vmem>> -> memref<40x256xi32, #tpu.memory_space<vmem>>
        %dma_start3A_43 = arith.constant 0 : i32
        %dma_start3A_44 = tpu.memref_slice %arg3[%add3A_40, %dma_start3A_43] : memref<1280x256xi32, #tpu.memory_space<hbm>> -> memref<40x256xi32, #tpu.memory_space<hbm>>
        %dma_start3A_45 = arith.constant 0 : i32
        %dma_start3A_46 = arith.constant 0 : i32
        %dma_start3A_47 = tpu.memref_slice %arg8[%dma_start3A_45, %dma_start3A_46] : memref<40x256xi32, #tpu.memory_space<vmem>> -> memref<40x256xi32, #tpu.memory_space<vmem>>
        %dma_start3A_48 = arith.constant 0 : i32
        %dma_start3A_49 = tpu.memref_slice %arg3[%add3A_40, %dma_start3A_48] : memref<1280x256xi32, #tpu.memory_space<hbm>> -> memref<40x256xi32, #tpu.memory_space<hbm>>
        tpu.enqueue_dma source(%dma_start3A_49 : memref<40x256xi32, #tpu.memory_space<hbm>>) target(%dma_start3A_47 : memref<40x256xi32, #tpu.memory_space<vmem>>) target_semaphore(%run_scoped3A : memref<!tpu.dma_semaphore, #tpu.memory_space<semaphore_mem>>)
        %dma_wait3A = arith.constant 0 : i32
        %dma_wait3A_50 = arith.constant 0 : i32
        %dma_wait3A_51 = tpu.memref_slice %arg8[%dma_wait3A, %dma_wait3A_50] : memref<40x256xi32, #tpu.memory_space<vmem>> -> memref<40x256xi32, #tpu.memory_space<vmem>>
        %dma_wait3A_52 = arith.constant 0 : i32
        %dma_wait3A_53 = tpu.memref_slice %arg3[%add3A_40, %dma_wait3A_52] : memref<1280x256xi32, #tpu.memory_space<hbm>> -> memref<40x256xi32, #tpu.memory_space<hbm>>
        %dma_wait3A_54 = arith.constant 0 : i32
        %dma_wait3A_55 = arith.constant 0 : i32
        %dma_wait3A_56 = tpu.memref_slice %arg8[%dma_wait3A_54, %dma_wait3A_55] : memref<40x256xi32, #tpu.memory_space<vmem>> -> memref<40x256xi32, #tpu.memory_space<vmem>>
        %dma_wait3A_57 = arith.constant 0 : i32
        %dma_wait3A_58 = tpu.memref_slice %arg3[%add3A_40, %dma_wait3A_57] : memref<1280x256xi32, #tpu.memory_space<hbm>> -> memref<40x256xi32, #tpu.memory_space<hbm>>
        tpu.wait_dma2 semaphore(%run_scoped3A : memref<!tpu.dma_semaphore, #tpu.memory_space<semaphore_mem>>) src(%dma_wait3A_58 : memref<40x256xi32, #tpu.memory_space<hbm>>) dst(%dma_wait3A_56 : memref<40x256xi32, #tpu.memory_space<vmem>>)
        tpu.yield
      }) : () -> ()
    } else {
    }
    %barrier3A = arith.constant 0 : index
    tpu.barrier barrier_id(%barrier3A)
    %eq3A_17 = arith.constant 0 : i32
    %eq3A_18 = arith.cmpi eq, %arg0, %eq3A_17 : i32
    %convert_element_type3A_19 = arith.extui %eq3A_18 : i1 to i32
    %cond3A_20 = arith.constant 0 : i32
    %cond3A_21 = arith.cmpi ne, %convert_element_type3A_19, %cond3A_20 : i32
    scf.if %cond3A_21 {
      %dma_start3A = arith.constant 0 : i32
      %dma_start3A_38 = arith.constant 0 : i32
      %dma_start3A_39 = arith.constant 0 : i32
      %dma_start3A_40 = arith.constant 0 : i32
      %dma_start3A_41 = arith.constant 0 : i32
      %dma_start3A_42 = tpu.memref_slice %arg9[%dma_start3A_38, %dma_start3A_40, %dma_start3A_41] : memref<4x256x32xf32, #tpu.memory_space<vmem>> -> memref<1x256x32xf32, #tpu.memory_space<vmem>>
      %dma_start3A_43 = tpu.memref_squeeze %dma_start3A_42 : memref<1x256x32xf32, #tpu.memory_space<vmem>> -> memref<256x32xf32, #tpu.memory_space<vmem>>
      %dma_start3A_44 = arith.constant 0 : i32
      %dma_start3A_45 = tpu.memref_slice %arg7[%dma_start3A, %dma_start3A_44] : memref<40x256xi32, #tpu.memory_space<vmem>> -> memref<1x256xi32, #tpu.memory_space<vmem>>
      %dma_start3A_46 = tpu.memref_squeeze %dma_start3A_45 : memref<1x256xi32, #tpu.memory_space<vmem>> -> memref<256xi32, #tpu.memory_space<vmem>>
      %dma_start3A_47 = arith.constant 0 : i32
      %dma_start3A_48 = arith.constant 0 : i32
      %dma_start3A_49 = tpu.memref_slice %arg10[%dma_start3A_47, %dma_start3A_48] : memref<10112x32xf32, #tpu.memory_space<vmem_shared>> -> memref<10112x32xf32, #tpu.memory_space<vmem_shared>>
      %dma_start3A_50 = tpu.memref_slice %arg12[%dma_start3A_39] : memref<4x!tpu.dma_semaphore, #tpu.memory_space<semaphore_mem>> -> memref<1x!tpu.dma_semaphore, #tpu.memory_space<semaphore_mem>>
      %dma_start3A_51 = tpu.memref_squeeze %dma_start3A_50 : memref<1x!tpu.dma_semaphore, #tpu.memory_space<semaphore_mem>> -> memref<!tpu.dma_semaphore, #tpu.memory_space<semaphore_mem>>
      tpu.enqueue_indirect_dma source(%dma_start3A_49 : memref<10112x32xf32, #tpu.memory_space<vmem_shared>>) target(%dma_start3A_43 : memref<256x32xf32, #tpu.memory_space<vmem>>) offsets(%dma_start3A_46 : memref<256xi32, #tpu.memory_space<vmem>>) semaphore(%dma_start3A_51 : memref<!tpu.dma_semaphore, #tpu.memory_space<semaphore_mem>>)
      %dma_start3A_52 = arith.constant 1 : i32
      %dma_start3A_53 = arith.constant 1 : i32
      %dma_start3A_54 = arith.constant 1 : i32
      %dma_start3A_55 = arith.constant 0 : i32
      %dma_start3A_56 = arith.constant 0 : i32
      %dma_start3A_57 = tpu.memref_slice %arg9[%dma_start3A_53, %dma_start3A_55, %dma_start3A_56] : memref<4x256x32xf32, #tpu.memory_space<vmem>> -> memref<1x256x32xf32, #tpu.memory_space<vmem>>
      %dma_start3A_58 = tpu.memref_squeeze %dma_start3A_57 : memref<1x256x32xf32, #tpu.memory_space<vmem>> -> memref<256x32xf32, #tpu.memory_space<vmem>>
      %dma_start3A_59 = arith.constant 0 : i32
      %dma_start3A_60 = tpu.memref_slice %arg7[%dma_start3A_52, %dma_start3A_59] : memref<40x256xi32, #tpu.memory_space<vmem>> -> memref<1x256xi32, #tpu.memory_space<vmem>>
      %dma_start3A_61 = tpu.memref_squeeze %dma_start3A_60 : memref<1x256xi32, #tpu.memory_space<vmem>> -> memref<256xi32, #tpu.memory_space<vmem>>
      %dma_start3A_62 = arith.constant 0 : i32
      %dma_start3A_63 = arith.constant 0 : i32
      %dma_start3A_64 = tpu.memref_slice %arg10[%dma_start3A_62, %dma_start3A_63] : memref<10112x32xf32, #tpu.memory_space<vmem_shared>> -> memref<10112x32xf32, #tpu.memory_space<vmem_shared>>
      %dma_start3A_65 = tpu.memref_slice %arg12[%dma_start3A_54] : memref<4x!tpu.dma_semaphore, #tpu.memory_space<semaphore_mem>> -> memref<1x!tpu.dma_semaphore, #tpu.memory_space<semaphore_mem>>
      %dma_start3A_66 = tpu.memref_squeeze %dma_start3A_65 : memref<1x!tpu.dma_semaphore, #tpu.memory_space<semaphore_mem>> -> memref<!tpu.dma_semaphore, #tpu.memory_space<semaphore_mem>>
      tpu.enqueue_indirect_dma source(%dma_start3A_64 : memref<10112x32xf32, #tpu.memory_space<vmem_shared>>) target(%dma_start3A_58 : memref<256x32xf32, #tpu.memory_space<vmem>>) offsets(%dma_start3A_61 : memref<256xi32, #tpu.memory_space<vmem>>) semaphore(%dma_start3A_66 : memref<!tpu.dma_semaphore, #tpu.memory_space<semaphore_mem>>)
      %dma_start3A_67 = arith.constant 2 : i32
      %dma_start3A_68 = arith.constant 2 : i32
      %dma_start3A_69 = arith.constant 2 : i32
      %dma_start3A_70 = arith.constant 0 : i32
      %dma_start3A_71 = arith.constant 0 : i32
      %dma_start3A_72 = tpu.memref_slice %arg9[%dma_start3A_68, %dma_start3A_70, %dma_start3A_71] : memref<4x256x32xf32, #tpu.memory_space<vmem>> -> memref<1x256x32xf32, #tpu.memory_space<vmem>>
      %dma_start3A_73 = tpu.memref_squeeze %dma_start3A_72 : memref<1x256x32xf32, #tpu.memory_space<vmem>> -> memref<256x32xf32, #tpu.memory_space<vmem>>
      %dma_start3A_74 = arith.constant 0 : i32
      %dma_start3A_75 = tpu.memref_slice %arg7[%dma_start3A_67, %dma_start3A_74] : memref<40x256xi32, #tpu.memory_space<vmem>> -> memref<1x256xi32, #tpu.memory_space<vmem>>
      %dma_start3A_76 = tpu.memref_squeeze %dma_start3A_75 : memref<1x256xi32, #tpu.memory_space<vmem>> -> memref<256xi32, #tpu.memory_space<vmem>>
      %dma_start3A_77 = arith.constant 0 : i32
      %dma_start3A_78 = arith.constant 0 : i32
      %dma_start3A_79 = tpu.memref_slice %arg10[%dma_start3A_77, %dma_start3A_78] : memref<10112x32xf32, #tpu.memory_space<vmem_shared>> -> memref<10112x32xf32, #tpu.memory_space<vmem_shared>>
      %dma_start3A_80 = tpu.memref_slice %arg12[%dma_start3A_69] : memref<4x!tpu.dma_semaphore, #tpu.memory_space<semaphore_mem>> -> memref<1x!tpu.dma_semaphore, #tpu.memory_space<semaphore_mem>>
      %dma_start3A_81 = tpu.memref_squeeze %dma_start3A_80 : memref<1x!tpu.dma_semaphore, #tpu.memory_space<semaphore_mem>> -> memref<!tpu.dma_semaphore, #tpu.memory_space<semaphore_mem>>
      tpu.enqueue_indirect_dma source(%dma_start3A_79 : memref<10112x32xf32, #tpu.memory_space<vmem_shared>>) target(%dma_start3A_73 : memref<256x32xf32, #tpu.memory_space<vmem>>) offsets(%dma_start3A_76 : memref<256xi32, #tpu.memory_space<vmem>>) semaphore(%dma_start3A_81 : memref<!tpu.dma_semaphore, #tpu.memory_space<semaphore_mem>>)
      %dma_start3A_82 = arith.constant 3 : i32
      %dma_start3A_83 = arith.constant 3 : i32
      %dma_start3A_84 = arith.constant 3 : i32
      %dma_start3A_85 = arith.constant 0 : i32
      %dma_start3A_86 = arith.constant 0 : i32
      %dma_start3A_87 = tpu.memref_slice %arg9[%dma_start3A_83, %dma_start3A_85, %dma_start3A_86] : memref<4x256x32xf32, #tpu.memory_space<vmem>> -> memref<1x256x32xf32, #tpu.memory_space<vmem>>
      %dma_start3A_88 = tpu.memref_squeeze %dma_start3A_87 : memref<1x256x32xf32, #tpu.memory_space<vmem>> -> memref<256x32xf32, #tpu.memory_space<vmem>>
      %dma_start3A_89 = arith.constant 0 : i32
      %dma_start3A_90 = tpu.memref_slice %arg7[%dma_start3A_82, %dma_start3A_89] : memref<40x256xi32, #tpu.memory_space<vmem>> -> memref<1x256xi32, #tpu.memory_space<vmem>>
      %dma_start3A_91 = tpu.memref_squeeze %dma_start3A_90 : memref<1x256xi32, #tpu.memory_space<vmem>> -> memref<256xi32, #tpu.memory_space<vmem>>
      %dma_start3A_92 = arith.constant 0 : i32
      %dma_start3A_93 = arith.constant 0 : i32
      %dma_start3A_94 = tpu.memref_slice %arg10[%dma_start3A_92, %dma_start3A_93] : memref<10112x32xf32, #tpu.memory_space<vmem_shared>> -> memref<10112x32xf32, #tpu.memory_space<vmem_shared>>
      %dma_start3A_95 = tpu.memref_slice %arg12[%dma_start3A_84] : memref<4x!tpu.dma_semaphore, #tpu.memory_space<semaphore_mem>> -> memref<1x!tpu.dma_semaphore, #tpu.memory_space<semaphore_mem>>
      %dma_start3A_96 = tpu.memref_squeeze %dma_start3A_95 : memref<1x!tpu.dma_semaphore, #tpu.memory_space<semaphore_mem>> -> memref<!tpu.dma_semaphore, #tpu.memory_space<semaphore_mem>>
      tpu.enqueue_indirect_dma source(%dma_start3A_94 : memref<10112x32xf32, #tpu.memory_space<vmem_shared>>) target(%dma_start3A_88 : memref<256x32xf32, #tpu.memory_space<vmem>>) offsets(%dma_start3A_91 : memref<256xi32, #tpu.memory_space<vmem>>) semaphore(%dma_start3A_96 : memref<!tpu.dma_semaphore, #tpu.memory_space<semaphore_mem>>)
      %scan3A = arith.constant 0 : i32
      %scan3A_97 = arith.constant 0 : i32
      %scan3A_98 = arith.constant 10 : i32
      %scan3A_99 = arith.addi %scan3A_97, %scan3A_98 : i32
      %scan3A_100 = arith.constant 1 : i32
      scf.for %scan3A_161 = %scan3A_97 to %scan3A_99 step %scan3A_100  : i32 {
        %mul3A_162 = arith.constant 4 : i32
        %mul3A_163 = arith.muli %scan3A_161, %mul3A_162 : i32
        %add3A = arith.constant 0 : i32
        %add3A_164 = arith.addi %mul3A_163, %add3A : i32
        %dma_wait3A_165 = arith.constant 0 : i32
        %dma_wait3A_166 = arith.constant 0 : i32
        %dma_wait3A_167 = arith.constant 0 : i32
        %dma_wait3A_168 = arith.constant 0 : i32
        %dma_wait3A_169 = tpu.memref_slice %arg9[%dma_wait3A_165, %dma_wait3A_167, %dma_wait3A_168] : memref<4x256x32xf32, #tpu.memory_space<vmem>> -> memref<1x256x32xf32, #tpu.memory_space<vmem>>
        %dma_wait3A_170 = tpu.memref_squeeze %dma_wait3A_169 : memref<1x256x32xf32, #tpu.memory_space<vmem>> -> memref<256x32xf32, #tpu.memory_space<vmem>>
        %dma_wait3A_171 = arith.constant 0 : i32
        %dma_wait3A_172 = tpu.memref_slice %arg7[%add3A_164, %dma_wait3A_171] : memref<40x256xi32, #tpu.memory_space<vmem>> -> memref<1x256xi32, #tpu.memory_space<vmem>>
        %dma_wait3A_173 = tpu.memref_squeeze %dma_wait3A_172 : memref<1x256xi32, #tpu.memory_space<vmem>> -> memref<256xi32, #tpu.memory_space<vmem>>
        %dma_wait3A_174 = arith.constant 0 : i32
        %dma_wait3A_175 = arith.constant 0 : i32
        %dma_wait3A_176 = tpu.memref_slice %arg10[%dma_wait3A_174, %dma_wait3A_175] : memref<10112x32xf32, #tpu.memory_space<vmem_shared>> -> memref<10112x32xf32, #tpu.memory_space<vmem_shared>>
        %dma_wait3A_177 = tpu.memref_slice %arg12[%dma_wait3A_166] : memref<4x!tpu.dma_semaphore, #tpu.memory_space<semaphore_mem>> -> memref<1x!tpu.dma_semaphore, #tpu.memory_space<semaphore_mem>>
        %dma_wait3A_178 = tpu.memref_squeeze %dma_wait3A_177 : memref<1x!tpu.dma_semaphore, #tpu.memory_space<semaphore_mem>> -> memref<!tpu.dma_semaphore, #tpu.memory_space<semaphore_mem>>
        tpu.wait_indirect_dma semaphore(%dma_wait3A_178 : memref<!tpu.dma_semaphore, #tpu.memory_space<semaphore_mem>>) src(%dma_wait3A_176 : memref<10112x32xf32, #tpu.memory_space<vmem_shared>>) dst(%dma_wait3A_170 : memref<256x32xf32, #tpu.memory_space<vmem>>)
        %dma_start3A_179 = arith.constant 0 : i32
        %dma_start3A_180 = arith.constant 0 : i32
        %dma_start3A_181 = arith.constant 0 : i32
        %dma_start3A_182 = arith.constant 0 : i32
        %dma_start3A_183 = tpu.memref_slice %arg9[%dma_start3A_179, %dma_start3A_181, %dma_start3A_182] : memref<4x256x32xf32, #tpu.memory_space<vmem>> -> memref<1x256x32xf32, #tpu.memory_space<vmem>>
        %dma_start3A_184 = tpu.memref_squeeze %dma_start3A_183 : memref<1x256x32xf32, #tpu.memory_space<vmem>> -> memref<256x32xf32, #tpu.memory_space<vmem>>
        %dma_start3A_185 = arith.constant 0 : i32
        %dma_start3A_186 = tpu.memref_slice %arg8[%add3A_164, %dma_start3A_185] : memref<40x256xi32, #tpu.memory_space<vmem>> -> memref<1x256xi32, #tpu.memory_space<vmem>>
        %dma_start3A_187 = tpu.memref_squeeze %dma_start3A_186 : memref<1x256xi32, #tpu.memory_space<vmem>> -> memref<256xi32, #tpu.memory_space<vmem>>
        %dma_start3A_188 = arith.constant 0 : i32
        %dma_start3A_189 = arith.constant 0 : i32
        %dma_start3A_190 = tpu.memref_slice %arg11[%dma_start3A_188, %dma_start3A_189] : memref<10112x32xf32, #tpu.memory_space<vmem_shared>> -> memref<10112x32xf32, #tpu.memory_space<vmem_shared>>
        %dma_start3A_191 = tpu.memref_slice %arg13[%dma_start3A_180] : memref<4x!tpu.dma_semaphore, #tpu.memory_space<semaphore_mem>> -> memref<1x!tpu.dma_semaphore, #tpu.memory_space<semaphore_mem>>
        %dma_start3A_192 = tpu.memref_squeeze %dma_start3A_191 : memref<1x!tpu.dma_semaphore, #tpu.memory_space<semaphore_mem>> -> memref<!tpu.dma_semaphore, #tpu.memory_space<semaphore_mem>>
        tpu.enqueue_indirect_dma source(%dma_start3A_184 : memref<256x32xf32, #tpu.memory_space<vmem>>) target(%dma_start3A_190 : memref<10112x32xf32, #tpu.memory_space<vmem_shared>>) offsets(%dma_start3A_187 : memref<256xi32, #tpu.memory_space<vmem>>) semaphore(%dma_start3A_192 : memref<!tpu.dma_semaphore, #tpu.memory_space<semaphore_mem>>) {add = true}
        %lt3A_193 = arith.constant 9 : i32
        %lt3A_194 = arith.cmpi slt, %scan3A_161, %lt3A_193 : i32
        %convert_element_type3A_195 = arith.extui %lt3A_194 : i1 to i32
        %cond3A_196 = arith.constant 0 : i32
        %cond3A_197 = arith.cmpi ne, %convert_element_type3A_195, %cond3A_196 : i32
        scf.if %cond3A_197 {
          %dma_wait3A_309 = arith.constant 0 : i32
          %dma_wait3A_310 = arith.constant 0 : i32
          %dma_wait3A_311 = arith.constant 0 : i32
          %dma_wait3A_312 = arith.constant 0 : i32
          %dma_wait3A_313 = tpu.memref_slice %arg9[%dma_wait3A_309, %dma_wait3A_311, %dma_wait3A_312] : memref<4x256x32xf32, #tpu.memory_space<vmem>> -> memref<1x256x32xf32, #tpu.memory_space<vmem>>
          %dma_wait3A_314 = tpu.memref_squeeze %dma_wait3A_313 : memref<1x256x32xf32, #tpu.memory_space<vmem>> -> memref<256x32xf32, #tpu.memory_space<vmem>>
          %dma_wait3A_315 = arith.constant 0 : i32
          %dma_wait3A_316 = tpu.memref_slice %arg8[%add3A_164, %dma_wait3A_315] : memref<40x256xi32, #tpu.memory_space<vmem>> -> memref<1x256xi32, #tpu.memory_space<vmem>>
          %dma_wait3A_317 = tpu.memref_squeeze %dma_wait3A_316 : memref<1x256xi32, #tpu.memory_space<vmem>> -> memref<256xi32, #tpu.memory_space<vmem>>
          %dma_wait3A_318 = arith.constant 0 : i32
          %dma_wait3A_319 = arith.constant 0 : i32
          %dma_wait3A_320 = tpu.memref_slice %arg11[%dma_wait3A_318, %dma_wait3A_319] : memref<10112x32xf32, #tpu.memory_space<vmem_shared>> -> memref<10112x32xf32, #tpu.memory_space<vmem_shared>>
          %dma_wait3A_321 = tpu.memref_slice %arg13[%dma_wait3A_310] : memref<4x!tpu.dma_semaphore, #tpu.memory_space<semaphore_mem>> -> memref<1x!tpu.dma_semaphore, #tpu.memory_space<semaphore_mem>>
          %dma_wait3A_322 = tpu.memref_squeeze %dma_wait3A_321 : memref<1x!tpu.dma_semaphore, #tpu.memory_space<semaphore_mem>> -> memref<!tpu.dma_semaphore, #tpu.memory_space<semaphore_mem>>
          tpu.wait_indirect_dma semaphore(%dma_wait3A_322 : memref<!tpu.dma_semaphore, #tpu.memory_space<semaphore_mem>>) src(%dma_wait3A_314 : memref<256x32xf32, #tpu.memory_space<vmem>>) dst(%dma_wait3A_320 : memref<10112x32xf32, #tpu.memory_space<vmem_shared>>)
          %add3A_323 = arith.constant 4 : i32
          %add3A_324 = arith.addi %add3A_164, %add3A_323 : i32
          %dma_start3A_325 = arith.constant 0 : i32
          %dma_start3A_326 = arith.constant 0 : i32
          %dma_start3A_327 = arith.constant 0 : i32
          %dma_start3A_328 = arith.constant 0 : i32
          %dma_start3A_329 = tpu.memref_slice %arg9[%dma_start3A_325, %dma_start3A_327, %dma_start3A_328] : memref<4x256x32xf32, #tpu.memory_space<vmem>> -> memref<1x256x32xf32, #tpu.memory_space<vmem>>
          %dma_start3A_330 = tpu.memref_squeeze %dma_start3A_329 : memref<1x256x32xf32, #tpu.memory_space<vmem>> -> memref<256x32xf32, #tpu.memory_space<vmem>>
          %dma_start3A_331 = arith.constant 0 : i32
          %dma_start3A_332 = tpu.memref_slice %arg7[%add3A_324, %dma_start3A_331] : memref<40x256xi32, #tpu.memory_space<vmem>> -> memref<1x256xi32, #tpu.memory_space<vmem>>
          %dma_start3A_333 = tpu.memref_squeeze %dma_start3A_332 : memref<1x256xi32, #tpu.memory_space<vmem>> -> memref<256xi32, #tpu.memory_space<vmem>>
          %dma_start3A_334 = arith.constant 0 : i32
          %dma_start3A_335 = arith.constant 0 : i32
          %dma_start3A_336 = tpu.memref_slice %arg10[%dma_start3A_334, %dma_start3A_335] : memref<10112x32xf32, #tpu.memory_space<vmem_shared>> -> memref<10112x32xf32, #tpu.memory_space<vmem_shared>>
          %dma_start3A_337 = tpu.memref_slice %arg12[%dma_start3A_326] : memref<4x!tpu.dma_semaphore, #tpu.memory_space<semaphore_mem>> -> memref<1x!tpu.dma_semaphore, #tpu.memory_space<semaphore_mem>>
          %dma_start3A_338 = tpu.memref_squeeze %dma_start3A_337 : memref<1x!tpu.dma_semaphore, #tpu.memory_space<semaphore_mem>> -> memref<!tpu.dma_semaphore, #tpu.memory_space<semaphore_mem>>
          tpu.enqueue_indirect_dma source(%dma_start3A_336 : memref<10112x32xf32, #tpu.memory_space<vmem_shared>>) target(%dma_start3A_330 : memref<256x32xf32, #tpu.memory_space<vmem>>) offsets(%dma_start3A_333 : memref<256xi32, #tpu.memory_space<vmem>>) semaphore(%dma_start3A_338 : memref<!tpu.dma_semaphore, #tpu.memory_space<semaphore_mem>>)
        } else {
        }
        %mul3A_198 = arith.constant 4 : i32
        %mul3A_199 = arith.muli %scan3A_161, %mul3A_198 : i32
        %add3A_200 = arith.constant 1 : i32
        %add3A_201 = arith.addi %mul3A_199, %add3A_200 : i32
        %dma_wait3A_202 = arith.constant 1 : i32
        %dma_wait3A_203 = arith.constant 1 : i32
        %dma_wait3A_204 = arith.constant 0 : i32
        %dma_wait3A_205 = arith.constant 0 : i32
        %dma_wait3A_206 = tpu.memref_slice %arg9[%dma_wait3A_202, %dma_wait3A_204, %dma_wait3A_205] : memref<4x256x32xf32, #tpu.memory_space<vmem>> -> memref<1x256x32xf32, #tpu.memory_space<vmem>>
        %dma_wait3A_207 = tpu.memref_squeeze %dma_wait3A_206 : memref<1x256x32xf32, #tpu.memory_space<vmem>> -> memref<256x32xf32, #tpu.memory_space<vmem>>
        %dma_wait3A_208 = arith.constant 0 : i32
        %dma_wait3A_209 = tpu.memref_slice %arg7[%add3A_201, %dma_wait3A_208] : memref<40x256xi32, #tpu.memory_space<vmem>> -> memref<1x256xi32, #tpu.memory_space<vmem>>
        %dma_wait3A_210 = tpu.memref_squeeze %dma_wait3A_209 : memref<1x256xi32, #tpu.memory_space<vmem>> -> memref<256xi32, #tpu.memory_space<vmem>>
        %dma_wait3A_211 = arith.constant 0 : i32
        %dma_wait3A_212 = arith.constant 0 : i32
        %dma_wait3A_213 = tpu.memref_slice %arg10[%dma_wait3A_211, %dma_wait3A_212] : memref<10112x32xf32, #tpu.memory_space<vmem_shared>> -> memref<10112x32xf32, #tpu.memory_space<vmem_shared>>
        %dma_wait3A_214 = tpu.memref_slice %arg12[%dma_wait3A_203] : memref<4x!tpu.dma_semaphore, #tpu.memory_space<semaphore_mem>> -> memref<1x!tpu.dma_semaphore, #tpu.memory_space<semaphore_mem>>
        %dma_wait3A_215 = tpu.memref_squeeze %dma_wait3A_214 : memref<1x!tpu.dma_semaphore, #tpu.memory_space<semaphore_mem>> -> memref<!tpu.dma_semaphore, #tpu.memory_space<semaphore_mem>>
        tpu.wait_indirect_dma semaphore(%dma_wait3A_215 : memref<!tpu.dma_semaphore, #tpu.memory_space<semaphore_mem>>) src(%dma_wait3A_213 : memref<10112x32xf32, #tpu.memory_space<vmem_shared>>) dst(%dma_wait3A_207 : memref<256x32xf32, #tpu.memory_space<vmem>>)
        %dma_start3A_216 = arith.constant 1 : i32
        %dma_start3A_217 = arith.constant 1 : i32
        %dma_start3A_218 = arith.constant 0 : i32
        %dma_start3A_219 = arith.constant 0 : i32
        %dma_start3A_220 = tpu.memref_slice %arg9[%dma_start3A_216, %dma_start3A_218, %dma_start3A_219] : memref<4x256x32xf32, #tpu.memory_space<vmem>> -> memref<1x256x32xf32, #tpu.memory_space<vmem>>
        %dma_start3A_221 = tpu.memref_squeeze %dma_start3A_220 : memref<1x256x32xf32, #tpu.memory_space<vmem>> -> memref<256x32xf32, #tpu.memory_space<vmem>>
        %dma_start3A_222 = arith.constant 0 : i32
        %dma_start3A_223 = tpu.memref_slice %arg8[%add3A_201, %dma_start3A_222] : memref<40x256xi32, #tpu.memory_space<vmem>> -> memref<1x256xi32, #tpu.memory_space<vmem>>
        %dma_start3A_224 = tpu.memref_squeeze %dma_start3A_223 : memref<1x256xi32, #tpu.memory_space<vmem>> -> memref<256xi32, #tpu.memory_space<vmem>>
        %dma_start3A_225 = arith.constant 0 : i32
        %dma_start3A_226 = arith.constant 0 : i32
        %dma_start3A_227 = tpu.memref_slice %arg11[%dma_start3A_225, %dma_start3A_226] : memref<10112x32xf32, #tpu.memory_space<vmem_shared>> -> memref<10112x32xf32, #tpu.memory_space<vmem_shared>>
        %dma_start3A_228 = tpu.memref_slice %arg13[%dma_start3A_217] : memref<4x!tpu.dma_semaphore, #tpu.memory_space<semaphore_mem>> -> memref<1x!tpu.dma_semaphore, #tpu.memory_space<semaphore_mem>>
        %dma_start3A_229 = tpu.memref_squeeze %dma_start3A_228 : memref<1x!tpu.dma_semaphore, #tpu.memory_space<semaphore_mem>> -> memref<!tpu.dma_semaphore, #tpu.memory_space<semaphore_mem>>
        tpu.enqueue_indirect_dma source(%dma_start3A_221 : memref<256x32xf32, #tpu.memory_space<vmem>>) target(%dma_start3A_227 : memref<10112x32xf32, #tpu.memory_space<vmem_shared>>) offsets(%dma_start3A_224 : memref<256xi32, #tpu.memory_space<vmem>>) semaphore(%dma_start3A_229 : memref<!tpu.dma_semaphore, #tpu.memory_space<semaphore_mem>>) {add = true}
        %lt3A_230 = arith.constant 9 : i32
        %lt3A_231 = arith.cmpi slt, %scan3A_161, %lt3A_230 : i32
        %convert_element_type3A_232 = arith.extui %lt3A_231 : i1 to i32
        %cond3A_233 = arith.constant 0 : i32
        %cond3A_234 = arith.cmpi ne, %convert_element_type3A_232, %cond3A_233 : i32
        scf.if %cond3A_234 {
          %dma_wait3A_309 = arith.constant 1 : i32
          %dma_wait3A_310 = arith.constant 1 : i32
          %dma_wait3A_311 = arith.constant 0 : i32
          %dma_wait3A_312 = arith.constant 0 : i32
          %dma_wait3A_313 = tpu.memref_slice %arg9[%dma_wait3A_309, %dma_wait3A_311, %dma_wait3A_312] : memref<4x256x32xf32, #tpu.memory_space<vmem>> -> memref<1x256x32xf32, #tpu.memory_space<vmem>>
          %dma_wait3A_314 = tpu.memref_squeeze %dma_wait3A_313 : memref<1x256x32xf32, #tpu.memory_space<vmem>> -> memref<256x32xf32, #tpu.memory_space<vmem>>
          %dma_wait3A_315 = arith.constant 0 : i32
          %dma_wait3A_316 = tpu.memref_slice %arg8[%add3A_201, %dma_wait3A_315] : memref<40x256xi32, #tpu.memory_space<vmem>> -> memref<1x256xi32, #tpu.memory_space<vmem>>
          %dma_wait3A_317 = tpu.memref_squeeze %dma_wait3A_316 : memref<1x256xi32, #tpu.memory_space<vmem>> -> memref<256xi32, #tpu.memory_space<vmem>>
          %dma_wait3A_318 = arith.constant 0 : i32
          %dma_wait3A_319 = arith.constant 0 : i32
          %dma_wait3A_320 = tpu.memref_slice %arg11[%dma_wait3A_318, %dma_wait3A_319] : memref<10112x32xf32, #tpu.memory_space<vmem_shared>> -> memref<10112x32xf32, #tpu.memory_space<vmem_shared>>
          %dma_wait3A_321 = tpu.memref_slice %arg13[%dma_wait3A_310] : memref<4x!tpu.dma_semaphore, #tpu.memory_space<semaphore_mem>> -> memref<1x!tpu.dma_semaphore, #tpu.memory_space<semaphore_mem>>
          %dma_wait3A_322 = tpu.memref_squeeze %dma_wait3A_321 : memref<1x!tpu.dma_semaphore, #tpu.memory_space<semaphore_mem>> -> memref<!tpu.dma_semaphore, #tpu.memory_space<semaphore_mem>>
          tpu.wait_indirect_dma semaphore(%dma_wait3A_322 : memref<!tpu.dma_semaphore, #tpu.memory_space<semaphore_mem>>) src(%dma_wait3A_314 : memref<256x32xf32, #tpu.memory_space<vmem>>) dst(%dma_wait3A_320 : memref<10112x32xf32, #tpu.memory_space<vmem_shared>>)
          %add3A_323 = arith.constant 4 : i32
          %add3A_324 = arith.addi %add3A_201, %add3A_323 : i32
          %dma_start3A_325 = arith.constant 1 : i32
          %dma_start3A_326 = arith.constant 1 : i32
          %dma_start3A_327 = arith.constant 0 : i32
          %dma_start3A_328 = arith.constant 0 : i32
          %dma_start3A_329 = tpu.memref_slice %arg9[%dma_start3A_325, %dma_start3A_327, %dma_start3A_328] : memref<4x256x32xf32, #tpu.memory_space<vmem>> -> memref<1x256x32xf32, #tpu.memory_space<vmem>>
          %dma_start3A_330 = tpu.memref_squeeze %dma_start3A_329 : memref<1x256x32xf32, #tpu.memory_space<vmem>> -> memref<256x32xf32, #tpu.memory_space<vmem>>
          %dma_start3A_331 = arith.constant 0 : i32
          %dma_start3A_332 = tpu.memref_slice %arg7[%add3A_324, %dma_start3A_331] : memref<40x256xi32, #tpu.memory_space<vmem>> -> memref<1x256xi32, #tpu.memory_space<vmem>>
          %dma_start3A_333 = tpu.memref_squeeze %dma_start3A_332 : memref<1x256xi32, #tpu.memory_space<vmem>> -> memref<256xi32, #tpu.memory_space<vmem>>
          %dma_start3A_334 = arith.constant 0 : i32
          %dma_start3A_335 = arith.constant 0 : i32
          %dma_start3A_336 = tpu.memref_slice %arg10[%dma_start3A_334, %dma_start3A_335] : memref<10112x32xf32, #tpu.memory_space<vmem_shared>> -> memref<10112x32xf32, #tpu.memory_space<vmem_shared>>
          %dma_start3A_337 = tpu.memref_slice %arg12[%dma_start3A_326] : memref<4x!tpu.dma_semaphore, #tpu.memory_space<semaphore_mem>> -> memref<1x!tpu.dma_semaphore, #tpu.memory_space<semaphore_mem>>
          %dma_start3A_338 = tpu.memref_squeeze %dma_start3A_337 : memref<1x!tpu.dma_semaphore, #tpu.memory_space<semaphore_mem>> -> memref<!tpu.dma_semaphore, #tpu.memory_space<semaphore_mem>>
          tpu.enqueue_indirect_dma source(%dma_start3A_336 : memref<10112x32xf32, #tpu.memory_space<vmem_shared>>) target(%dma_start3A_330 : memref<256x32xf32, #tpu.memory_space<vmem>>) offsets(%dma_start3A_333 : memref<256xi32, #tpu.memory_space<vmem>>) semaphore(%dma_start3A_338 : memref<!tpu.dma_semaphore, #tpu.memory_space<semaphore_mem>>)
        } else {
        }
        %mul3A_235 = arith.constant 4 : i32
        %mul3A_236 = arith.muli %scan3A_161, %mul3A_235 : i32
        %add3A_237 = arith.constant 2 : i32
        %add3A_238 = arith.addi %mul3A_236, %add3A_237 : i32
        %dma_wait3A_239 = arith.constant 2 : i32
        %dma_wait3A_240 = arith.constant 2 : i32
        %dma_wait3A_241 = arith.constant 0 : i32
        %dma_wait3A_242 = arith.constant 0 : i32
        %dma_wait3A_243 = tpu.memref_slice %arg9[%dma_wait3A_239, %dma_wait3A_241, %dma_wait3A_242] : memref<4x256x32xf32, #tpu.memory_space<vmem>> -> memref<1x256x32xf32, #tpu.memory_space<vmem>>
        %dma_wait3A_244 = tpu.memref_squeeze %dma_wait3A_243 : memref<1x256x32xf32, #tpu.memory_space<vmem>> -> memref<256x32xf32, #tpu.memory_space<vmem>>
        %dma_wait3A_245 = arith.constant 0 : i32
        %dma_wait3A_246 = tpu.memref_slice %arg7[%add3A_238, %dma_wait3A_245] : memref<40x256xi32, #tpu.memory_space<vmem>> -> memref<1x256xi32, #tpu.memory_space<vmem>>
        %dma_wait3A_247 = tpu.memref_squeeze %dma_wait3A_246 : memref<1x256xi32, #tpu.memory_space<vmem>> -> memref<256xi32, #tpu.memory_space<vmem>>
        %dma_wait3A_248 = arith.constant 0 : i32
        %dma_wait3A_249 = arith.constant 0 : i32
        %dma_wait3A_250 = tpu.memref_slice %arg10[%dma_wait3A_248, %dma_wait3A_249] : memref<10112x32xf32, #tpu.memory_space<vmem_shared>> -> memref<10112x32xf32, #tpu.memory_space<vmem_shared>>
        %dma_wait3A_251 = tpu.memref_slice %arg12[%dma_wait3A_240] : memref<4x!tpu.dma_semaphore, #tpu.memory_space<semaphore_mem>> -> memref<1x!tpu.dma_semaphore, #tpu.memory_space<semaphore_mem>>
        %dma_wait3A_252 = tpu.memref_squeeze %dma_wait3A_251 : memref<1x!tpu.dma_semaphore, #tpu.memory_space<semaphore_mem>> -> memref<!tpu.dma_semaphore, #tpu.memory_space<semaphore_mem>>
        tpu.wait_indirect_dma semaphore(%dma_wait3A_252 : memref<!tpu.dma_semaphore, #tpu.memory_space<semaphore_mem>>) src(%dma_wait3A_250 : memref<10112x32xf32, #tpu.memory_space<vmem_shared>>) dst(%dma_wait3A_244 : memref<256x32xf32, #tpu.memory_space<vmem>>)
        %dma_start3A_253 = arith.constant 2 : i32
        %dma_start3A_254 = arith.constant 2 : i32
        %dma_start3A_255 = arith.constant 0 : i32
        %dma_start3A_256 = arith.constant 0 : i32
        %dma_start3A_257 = tpu.memref_slice %arg9[%dma_start3A_253, %dma_start3A_255, %dma_start3A_256] : memref<4x256x32xf32, #tpu.memory_space<vmem>> -> memref<1x256x32xf32, #tpu.memory_space<vmem>>
        %dma_start3A_258 = tpu.memref_squeeze %dma_start3A_257 : memref<1x256x32xf32, #tpu.memory_space<vmem>> -> memref<256x32xf32, #tpu.memory_space<vmem>>
        %dma_start3A_259 = arith.constant 0 : i32
        %dma_start3A_260 = tpu.memref_slice %arg8[%add3A_238, %dma_start3A_259] : memref<40x256xi32, #tpu.memory_space<vmem>> -> memref<1x256xi32, #tpu.memory_space<vmem>>
        %dma_start3A_261 = tpu.memref_squeeze %dma_start3A_260 : memref<1x256xi32, #tpu.memory_space<vmem>> -> memref<256xi32, #tpu.memory_space<vmem>>
        %dma_start3A_262 = arith.constant 0 : i32
        %dma_start3A_263 = arith.constant 0 : i32
        %dma_start3A_264 = tpu.memref_slice %arg11[%dma_start3A_262, %dma_start3A_263] : memref<10112x32xf32, #tpu.memory_space<vmem_shared>> -> memref<10112x32xf32, #tpu.memory_space<vmem_shared>>
        %dma_start3A_265 = tpu.memref_slice %arg13[%dma_start3A_254] : memref<4x!tpu.dma_semaphore, #tpu.memory_space<semaphore_mem>> -> memref<1x!tpu.dma_semaphore, #tpu.memory_space<semaphore_mem>>
        %dma_start3A_266 = tpu.memref_squeeze %dma_start3A_265 : memref<1x!tpu.dma_semaphore, #tpu.memory_space<semaphore_mem>> -> memref<!tpu.dma_semaphore, #tpu.memory_space<semaphore_mem>>
        tpu.enqueue_indirect_dma source(%dma_start3A_258 : memref<256x32xf32, #tpu.memory_space<vmem>>) target(%dma_start3A_264 : memref<10112x32xf32, #tpu.memory_space<vmem_shared>>) offsets(%dma_start3A_261 : memref<256xi32, #tpu.memory_space<vmem>>) semaphore(%dma_start3A_266 : memref<!tpu.dma_semaphore, #tpu.memory_space<semaphore_mem>>) {add = true}
        %lt3A_267 = arith.constant 9 : i32
        %lt3A_268 = arith.cmpi slt, %scan3A_161, %lt3A_267 : i32
        %convert_element_type3A_269 = arith.extui %lt3A_268 : i1 to i32
        %cond3A_270 = arith.constant 0 : i32
        %cond3A_271 = arith.cmpi ne, %convert_element_type3A_269, %cond3A_270 : i32
        scf.if %cond3A_271 {
          %dma_wait3A_309 = arith.constant 2 : i32
          %dma_wait3A_310 = arith.constant 2 : i32
          %dma_wait3A_311 = arith.constant 0 : i32
          %dma_wait3A_312 = arith.constant 0 : i32
          %dma_wait3A_313 = tpu.memref_slice %arg9[%dma_wait3A_309, %dma_wait3A_311, %dma_wait3A_312] : memref<4x256x32xf32, #tpu.memory_space<vmem>> -> memref<1x256x32xf32, #tpu.memory_space<vmem>>
          %dma_wait3A_314 = tpu.memref_squeeze %dma_wait3A_313 : memref<1x256x32xf32, #tpu.memory_space<vmem>> -> memref<256x32xf32, #tpu.memory_space<vmem>>
          %dma_wait3A_315 = arith.constant 0 : i32
          %dma_wait3A_316 = tpu.memref_slice %arg8[%add3A_238, %dma_wait3A_315] : memref<40x256xi32, #tpu.memory_space<vmem>> -> memref<1x256xi32, #tpu.memory_space<vmem>>
          %dma_wait3A_317 = tpu.memref_squeeze %dma_wait3A_316 : memref<1x256xi32, #tpu.memory_space<vmem>> -> memref<256xi32, #tpu.memory_space<vmem>>
          %dma_wait3A_318 = arith.constant 0 : i32
          %dma_wait3A_319 = arith.constant 0 : i32
          %dma_wait3A_320 = tpu.memref_slice %arg11[%dma_wait3A_318, %dma_wait3A_319] : memref<10112x32xf32, #tpu.memory_space<vmem_shared>> -> memref<10112x32xf32, #tpu.memory_space<vmem_shared>>
          %dma_wait3A_321 = tpu.memref_slice %arg13[%dma_wait3A_310] : memref<4x!tpu.dma_semaphore, #tpu.memory_space<semaphore_mem>> -> memref<1x!tpu.dma_semaphore, #tpu.memory_space<semaphore_mem>>
          %dma_wait3A_322 = tpu.memref_squeeze %dma_wait3A_321 : memref<1x!tpu.dma_semaphore, #tpu.memory_space<semaphore_mem>> -> memref<!tpu.dma_semaphore, #tpu.memory_space<semaphore_mem>>
          tpu.wait_indirect_dma semaphore(%dma_wait3A_322 : memref<!tpu.dma_semaphore, #tpu.memory_space<semaphore_mem>>) src(%dma_wait3A_314 : memref<256x32xf32, #tpu.memory_space<vmem>>) dst(%dma_wait3A_320 : memref<10112x32xf32, #tpu.memory_space<vmem_shared>>)
          %add3A_323 = arith.constant 4 : i32
          %add3A_324 = arith.addi %add3A_238, %add3A_323 : i32
          %dma_start3A_325 = arith.constant 2 : i32
          %dma_start3A_326 = arith.constant 2 : i32
          %dma_start3A_327 = arith.constant 0 : i32
          %dma_start3A_328 = arith.constant 0 : i32
          %dma_start3A_329 = tpu.memref_slice %arg9[%dma_start3A_325, %dma_start3A_327, %dma_start3A_328] : memref<4x256x32xf32, #tpu.memory_space<vmem>> -> memref<1x256x32xf32, #tpu.memory_space<vmem>>
          %dma_start3A_330 = tpu.memref_squeeze %dma_start3A_329 : memref<1x256x32xf32, #tpu.memory_space<vmem>> -> memref<256x32xf32, #tpu.memory_space<vmem>>
          %dma_start3A_331 = arith.constant 0 : i32
          %dma_start3A_332 = tpu.memref_slice %arg7[%add3A_324, %dma_start3A_331] : memref<40x256xi32, #tpu.memory_space<vmem>> -> memref<1x256xi32, #tpu.memory_space<vmem>>
          %dma_start3A_333 = tpu.memref_squeeze %dma_start3A_332 : memref<1x256xi32, #tpu.memory_space<vmem>> -> memref<256xi32, #tpu.memory_space<vmem>>
          %dma_start3A_334 = arith.constant 0 : i32
          %dma_start3A_335 = arith.constant 0 : i32
          %dma_start3A_336 = tpu.memref_slice %arg10[%dma_start3A_334, %dma_start3A_335] : memref<10112x32xf32, #tpu.memory_space<vmem_shared>> -> memref<10112x32xf32, #tpu.memory_space<vmem_shared>>
          %dma_start3A_337 = tpu.memref_slice %arg12[%dma_start3A_326] : memref<4x!tpu.dma_semaphore, #tpu.memory_space<semaphore_mem>> -> memref<1x!tpu.dma_semaphore, #tpu.memory_space<semaphore_mem>>
          %dma_start3A_338 = tpu.memref_squeeze %dma_start3A_337 : memref<1x!tpu.dma_semaphore, #tpu.memory_space<semaphore_mem>> -> memref<!tpu.dma_semaphore, #tpu.memory_space<semaphore_mem>>
          tpu.enqueue_indirect_dma source(%dma_start3A_336 : memref<10112x32xf32, #tpu.memory_space<vmem_shared>>) target(%dma_start3A_330 : memref<256x32xf32, #tpu.memory_space<vmem>>) offsets(%dma_start3A_333 : memref<256xi32, #tpu.memory_space<vmem>>) semaphore(%dma_start3A_338 : memref<!tpu.dma_semaphore, #tpu.memory_space<semaphore_mem>>)
        } else {
        }
        %mul3A_272 = arith.constant 4 : i32
        %mul3A_273 = arith.muli %scan3A_161, %mul3A_272 : i32
        %add3A_274 = arith.constant 3 : i32
        %add3A_275 = arith.addi %mul3A_273, %add3A_274 : i32
        %dma_wait3A_276 = arith.constant 3 : i32
        %dma_wait3A_277 = arith.constant 3 : i32
        %dma_wait3A_278 = arith.constant 0 : i32
        %dma_wait3A_279 = arith.constant 0 : i32
        %dma_wait3A_280 = tpu.memref_slice %arg9[%dma_wait3A_276, %dma_wait3A_278, %dma_wait3A_279] : memref<4x256x32xf32, #tpu.memory_space<vmem>> -> memref<1x256x32xf32, #tpu.memory_space<vmem>>
        %dma_wait3A_281 = tpu.memref_squeeze %dma_wait3A_280 : memref<1x256x32xf32, #tpu.memory_space<vmem>> -> memref<256x32xf32, #tpu.memory_space<vmem>>
        %dma_wait3A_282 = arith.constant 0 : i32
        %dma_wait3A_283 = tpu.memref_slice %arg7[%add3A_275, %dma_wait3A_282] : memref<40x256xi32, #tpu.memory_space<vmem>> -> memref<1x256xi32, #tpu.memory_space<vmem>>
        %dma_wait3A_284 = tpu.memref_squeeze %dma_wait3A_283 : memref<1x256xi32, #tpu.memory_space<vmem>> -> memref<256xi32, #tpu.memory_space<vmem>>
        %dma_wait3A_285 = arith.constant 0 : i32
        %dma_wait3A_286 = arith.constant 0 : i32
        %dma_wait3A_287 = tpu.memref_slice %arg10[%dma_wait3A_285, %dma_wait3A_286] : memref<10112x32xf32, #tpu.memory_space<vmem_shared>> -> memref<10112x32xf32, #tpu.memory_space<vmem_shared>>
        %dma_wait3A_288 = tpu.memref_slice %arg12[%dma_wait3A_277] : memref<4x!tpu.dma_semaphore, #tpu.memory_space<semaphore_mem>> -> memref<1x!tpu.dma_semaphore, #tpu.memory_space<semaphore_mem>>
        %dma_wait3A_289 = tpu.memref_squeeze %dma_wait3A_288 : memref<1x!tpu.dma_semaphore, #tpu.memory_space<semaphore_mem>> -> memref<!tpu.dma_semaphore, #tpu.memory_space<semaphore_mem>>
        tpu.wait_indirect_dma semaphore(%dma_wait3A_289 : memref<!tpu.dma_semaphore, #tpu.memory_space<semaphore_mem>>) src(%dma_wait3A_287 : memref<10112x32xf32, #tpu.memory_space<vmem_shared>>) dst(%dma_wait3A_281 : memref<256x32xf32, #tpu.memory_space<vmem>>)
        %dma_start3A_290 = arith.constant 3 : i32
        %dma_start3A_291 = arith.constant 3 : i32
        %dma_start3A_292 = arith.constant 0 : i32
        %dma_start3A_293 = arith.constant 0 : i32
        %dma_start3A_294 = tpu.memref_slice %arg9[%dma_start3A_290, %dma_start3A_292, %dma_start3A_293] : memref<4x256x32xf32, #tpu.memory_space<vmem>> -> memref<1x256x32xf32, #tpu.memory_space<vmem>>
        %dma_start3A_295 = tpu.memref_squeeze %dma_start3A_294 : memref<1x256x32xf32, #tpu.memory_space<vmem>> -> memref<256x32xf32, #tpu.memory_space<vmem>>
        %dma_start3A_296 = arith.constant 0 : i32
        %dma_start3A_297 = tpu.memref_slice %arg8[%add3A_275, %dma_start3A_296] : memref<40x256xi32, #tpu.memory_space<vmem>> -> memref<1x256xi32, #tpu.memory_space<vmem>>
        %dma_start3A_298 = tpu.memref_squeeze %dma_start3A_297 : memref<1x256xi32, #tpu.memory_space<vmem>> -> memref<256xi32, #tpu.memory_space<vmem>>
        %dma_start3A_299 = arith.constant 0 : i32
        %dma_start3A_300 = arith.constant 0 : i32
        %dma_start3A_301 = tpu.memref_slice %arg11[%dma_start3A_299, %dma_start3A_300] : memref<10112x32xf32, #tpu.memory_space<vmem_shared>> -> memref<10112x32xf32, #tpu.memory_space<vmem_shared>>
        %dma_start3A_302 = tpu.memref_slice %arg13[%dma_start3A_291] : memref<4x!tpu.dma_semaphore, #tpu.memory_space<semaphore_mem>> -> memref<1x!tpu.dma_semaphore, #tpu.memory_space<semaphore_mem>>
        %dma_start3A_303 = tpu.memref_squeeze %dma_start3A_302 : memref<1x!tpu.dma_semaphore, #tpu.memory_space<semaphore_mem>> -> memref<!tpu.dma_semaphore, #tpu.memory_space<semaphore_mem>>
        tpu.enqueue_indirect_dma source(%dma_start3A_295 : memref<256x32xf32, #tpu.memory_space<vmem>>) target(%dma_start3A_301 : memref<10112x32xf32, #tpu.memory_space<vmem_shared>>) offsets(%dma_start3A_298 : memref<256xi32, #tpu.memory_space<vmem>>) semaphore(%dma_start3A_303 : memref<!tpu.dma_semaphore, #tpu.memory_space<semaphore_mem>>) {add = true}
        %lt3A_304 = arith.constant 9 : i32
        %lt3A_305 = arith.cmpi slt, %scan3A_161, %lt3A_304 : i32
        %convert_element_type3A_306 = arith.extui %lt3A_305 : i1 to i32
        %cond3A_307 = arith.constant 0 : i32
        %cond3A_308 = arith.cmpi ne, %convert_element_type3A_306, %cond3A_307 : i32
        scf.if %cond3A_308 {
          %dma_wait3A_309 = arith.constant 3 : i32
          %dma_wait3A_310 = arith.constant 3 : i32
          %dma_wait3A_311 = arith.constant 0 : i32
          %dma_wait3A_312 = arith.constant 0 : i32
          %dma_wait3A_313 = tpu.memref_slice %arg9[%dma_wait3A_309, %dma_wait3A_311, %dma_wait3A_312] : memref<4x256x32xf32, #tpu.memory_space<vmem>> -> memref<1x256x32xf32, #tpu.memory_space<vmem>>
          %dma_wait3A_314 = tpu.memref_squeeze %dma_wait3A_313 : memref<1x256x32xf32, #tpu.memory_space<vmem>> -> memref<256x32xf32, #tpu.memory_space<vmem>>
          %dma_wait3A_315 = arith.constant 0 : i32
          %dma_wait3A_316 = tpu.memref_slice %arg8[%add3A_275, %dma_wait3A_315] : memref<40x256xi32, #tpu.memory_space<vmem>> -> memref<1x256xi32, #tpu.memory_space<vmem>>
          %dma_wait3A_317 = tpu.memref_squeeze %dma_wait3A_316 : memref<1x256xi32, #tpu.memory_space<vmem>> -> memref<256xi32, #tpu.memory_space<vmem>>
          %dma_wait3A_318 = arith.constant 0 : i32
          %dma_wait3A_319 = arith.constant 0 : i32
          %dma_wait3A_320 = tpu.memref_slice %arg11[%dma_wait3A_318, %dma_wait3A_319] : memref<10112x32xf32, #tpu.memory_space<vmem_shared>> -> memref<10112x32xf32, #tpu.memory_space<vmem_shared>>
          %dma_wait3A_321 = tpu.memref_slice %arg13[%dma_wait3A_310] : memref<4x!tpu.dma_semaphore, #tpu.memory_space<semaphore_mem>> -> memref<1x!tpu.dma_semaphore, #tpu.memory_space<semaphore_mem>>
          %dma_wait3A_322 = tpu.memref_squeeze %dma_wait3A_321 : memref<1x!tpu.dma_semaphore, #tpu.memory_space<semaphore_mem>> -> memref<!tpu.dma_semaphore, #tpu.memory_space<semaphore_mem>>
          tpu.wait_indirect_dma semaphore(%dma_wait3A_322 : memref<!tpu.dma_semaphore, #tpu.memory_space<semaphore_mem>>) src(%dma_wait3A_314 : memref<256x32xf32, #tpu.memory_space<vmem>>) dst(%dma_wait3A_320 : memref<10112x32xf32, #tpu.memory_space<vmem_shared>>)
          %add3A_323 = arith.constant 4 : i32
          %add3A_324 = arith.addi %add3A_275, %add3A_323 : i32
          %dma_start3A_325 = arith.constant 3 : i32
          %dma_start3A_326 = arith.constant 3 : i32
          %dma_start3A_327 = arith.constant 0 : i32
          %dma_start3A_328 = arith.constant 0 : i32
          %dma_start3A_329 = tpu.memref_slice %arg9[%dma_start3A_325, %dma_start3A_327, %dma_start3A_328] : memref<4x256x32xf32, #tpu.memory_space<vmem>> -> memref<1x256x32xf32, #tpu.memory_space<vmem>>
          %dma_start3A_330 = tpu.memref_squeeze %dma_start3A_329 : memref<1x256x32xf32, #tpu.memory_space<vmem>> -> memref<256x32xf32, #tpu.memory_space<vmem>>
          %dma_start3A_331 = arith.constant 0 : i32
          %dma_start3A_332 = tpu.memref_slice %arg7[%add3A_324, %dma_start3A_331] : memref<40x256xi32, #tpu.memory_space<vmem>> -> memref<1x256xi32, #tpu.memory_space<vmem>>
          %dma_start3A_333 = tpu.memref_squeeze %dma_start3A_332 : memref<1x256xi32, #tpu.memory_space<vmem>> -> memref<256xi32, #tpu.memory_space<vmem>>
          %dma_start3A_334 = arith.constant 0 : i32
          %dma_start3A_335 = arith.constant 0 : i32
          %dma_start3A_336 = tpu.memref_slice %arg10[%dma_start3A_334, %dma_start3A_335] : memref<10112x32xf32, #tpu.memory_space<vmem_shared>> -> memref<10112x32xf32, #tpu.memory_space<vmem_shared>>
          %dma_start3A_337 = tpu.memref_slice %arg12[%dma_start3A_326] : memref<4x!tpu.dma_semaphore, #tpu.memory_space<semaphore_mem>> -> memref<1x!tpu.dma_semaphore, #tpu.memory_space<semaphore_mem>>
          %dma_start3A_338 = tpu.memref_squeeze %dma_start3A_337 : memref<1x!tpu.dma_semaphore, #tpu.memory_space<semaphore_mem>> -> memref<!tpu.dma_semaphore, #tpu.memory_space<semaphore_mem>>
          tpu.enqueue_indirect_dma source(%dma_start3A_336 : memref<10112x32xf32, #tpu.memory_space<vmem_shared>>) target(%dma_start3A_330 : memref<256x32xf32, #tpu.memory_space<vmem>>) offsets(%dma_start3A_333 : memref<256xi32, #tpu.memory_space<vmem>>) semaphore(%dma_start3A_338 : memref<!tpu.dma_semaphore, #tpu.memory_space<semaphore_mem>>)
        } else {
        }
      }
      %scan3A_101 = arith.constant 10 : i32
      %dma_wait3A = arith.constant 0 : i32
      %dma_wait3A_102 = arith.constant 36 : i32
      %dma_wait3A_103 = arith.constant 0 : i32
      %dma_wait3A_104 = arith.constant 0 : i32
      %dma_wait3A_105 = arith.constant 0 : i32
      %dma_wait3A_106 = tpu.memref_slice %arg9[%dma_wait3A, %dma_wait3A_104, %dma_wait3A_105] : memref<4x256x32xf32, #tpu.memory_space<vmem>> -> memref<1x256x32xf32, #tpu.memory_space<vmem>>
      %dma_wait3A_107 = tpu.memref_squeeze %dma_wait3A_106 : memref<1x256x32xf32, #tpu.memory_space<vmem>> -> memref<256x32xf32, #tpu.memory_space<vmem>>
      %dma_wait3A_108 = arith.constant 0 : i32
      %dma_wait3A_109 = tpu.memref_slice %arg8[%dma_wait3A_102, %dma_wait3A_108] : memref<40x256xi32, #tpu.memory_space<vmem>> -> memref<1x256xi32, #tpu.memory_space<vmem>>
      %dma_wait3A_110 = tpu.memref_squeeze %dma_wait3A_109 : memref<1x256xi32, #tpu.memory_space<vmem>> -> memref<256xi32, #tpu.memory_space<vmem>>
      %dma_wait3A_111 = arith.constant 0 : i32
      %dma_wait3A_112 = arith.constant 0 : i32
      %dma_wait3A_113 = tpu.memref_slice %arg11[%dma_wait3A_111, %dma_wait3A_112] : memref<10112x32xf32, #tpu.memory_space<vmem_shared>> -> memref<10112x32xf32, #tpu.memory_space<vmem_shared>>
      %dma_wait3A_114 = tpu.memref_slice %arg13[%dma_wait3A_103] : memref<4x!tpu.dma_semaphore, #tpu.memory_space<semaphore_mem>> -> memref<1x!tpu.dma_semaphore, #tpu.memory_space<semaphore_mem>>
      %dma_wait3A_115 = tpu.memref_squeeze %dma_wait3A_114 : memref<1x!tpu.dma_semaphore, #tpu.memory_space<semaphore_mem>> -> memref<!tpu.dma_semaphore, #tpu.memory_space<semaphore_mem>>
      tpu.wait_indirect_dma semaphore(%dma_wait3A_115 : memref<!tpu.dma_semaphore, #tpu.memory_space<semaphore_mem>>) src(%dma_wait3A_107 : memref<256x32xf32, #tpu.memory_space<vmem>>) dst(%dma_wait3A_113 : memref<10112x32xf32, #tpu.memory_space<vmem_shared>>)
      %dma_wait3A_116 = arith.constant 1 : i32
      %dma_wait3A_117 = arith.constant 37 : i32
      %dma_wait3A_118 = arith.constant 1 : i32
      %dma_wait3A_119 = arith.constant 0 : i32
      %dma_wait3A_120 = arith.constant 0 : i32
      %dma_wait3A_121 = tpu.memref_slice %arg9[%dma_wait3A_116, %dma_wait3A_119, %dma_wait3A_120] : memref<4x256x32xf32, #tpu.memory_space<vmem>> -> memref<1x256x32xf32, #tpu.memory_space<vmem>>
      %dma_wait3A_122 = tpu.memref_squeeze %dma_wait3A_121 : memref<1x256x32xf32, #tpu.memory_space<vmem>> -> memref<256x32xf32, #tpu.memory_space<vmem>>
      %dma_wait3A_123 = arith.constant 0 : i32
      %dma_wait3A_124 = tpu.memref_slice %arg8[%dma_wait3A_117, %dma_wait3A_123] : memref<40x256xi32, #tpu.memory_space<vmem>> -> memref<1x256xi32, #tpu.memory_space<vmem>>
      %dma_wait3A_125 = tpu.memref_squeeze %dma_wait3A_124 : memref<1x256xi32, #tpu.memory_space<vmem>> -> memref<256xi32, #tpu.memory_space<vmem>>
      %dma_wait3A_126 = arith.constant 0 : i32
      %dma_wait3A_127 = arith.constant 0 : i32
      %dma_wait3A_128 = tpu.memref_slice %arg11[%dma_wait3A_126, %dma_wait3A_127] : memref<10112x32xf32, #tpu.memory_space<vmem_shared>> -> memref<10112x32xf32, #tpu.memory_space<vmem_shared>>
      %dma_wait3A_129 = tpu.memref_slice %arg13[%dma_wait3A_118] : memref<4x!tpu.dma_semaphore, #tpu.memory_space<semaphore_mem>> -> memref<1x!tpu.dma_semaphore, #tpu.memory_space<semaphore_mem>>
      %dma_wait3A_130 = tpu.memref_squeeze %dma_wait3A_129 : memref<1x!tpu.dma_semaphore, #tpu.memory_space<semaphore_mem>> -> memref<!tpu.dma_semaphore, #tpu.memory_space<semaphore_mem>>
      tpu.wait_indirect_dma semaphore(%dma_wait3A_130 : memref<!tpu.dma_semaphore, #tpu.memory_space<semaphore_mem>>) src(%dma_wait3A_122 : memref<256x32xf32, #tpu.memory_space<vmem>>) dst(%dma_wait3A_128 : memref<10112x32xf32, #tpu.memory_space<vmem_shared>>)
      %dma_wait3A_131 = arith.constant 2 : i32
      %dma_wait3A_132 = arith.constant 38 : i32
      %dma_wait3A_133 = arith.constant 2 : i32
      %dma_wait3A_134 = arith.constant 0 : i32
      %dma_wait3A_135 = arith.constant 0 : i32
      %dma_wait3A_136 = tpu.memref_slice %arg9[%dma_wait3A_131, %dma_wait3A_134, %dma_wait3A_135] : memref<4x256x32xf32, #tpu.memory_space<vmem>> -> memref<1x256x32xf32, #tpu.memory_space<vmem>>
      %dma_wait3A_137 = tpu.memref_squeeze %dma_wait3A_136 : memref<1x256x32xf32, #tpu.memory_space<vmem>> -> memref<256x32xf32, #tpu.memory_space<vmem>>
      %dma_wait3A_138 = arith.constant 0 : i32
      %dma_wait3A_139 = tpu.memref_slice %arg8[%dma_wait3A_132, %dma_wait3A_138] : memref<40x256xi32, #tpu.memory_space<vmem>> -> memref<1x256xi32, #tpu.memory_space<vmem>>
      %dma_wait3A_140 = tpu.memref_squeeze %dma_wait3A_139 : memref<1x256xi32, #tpu.memory_space<vmem>> -> memref<256xi32, #tpu.memory_space<vmem>>
      %dma_wait3A_141 = arith.constant 0 : i32
      %dma_wait3A_142 = arith.constant 0 : i32
      %dma_wait3A_143 = tpu.memref_slice %arg11[%dma_wait3A_141, %dma_wait3A_142] : memref<10112x32xf32, #tpu.memory_space<vmem_shared>> -> memref<10112x32xf32, #tpu.memory_space<vmem_shared>>
      %dma_wait3A_144 = tpu.memref_slice %arg13[%dma_wait3A_133] : memref<4x!tpu.dma_semaphore, #tpu.memory_space<semaphore_mem>> -> memref<1x!tpu.dma_semaphore, #tpu.memory_space<semaphore_mem>>
      %dma_wait3A_145 = tpu.memref_squeeze %dma_wait3A_144 : memref<1x!tpu.dma_semaphore, #tpu.memory_space<semaphore_mem>> -> memref<!tpu.dma_semaphore, #tpu.memory_space<semaphore_mem>>
      tpu.wait_indirect_dma semaphore(%dma_wait3A_145 : memref<!tpu.dma_semaphore, #tpu.memory_space<semaphore_mem>>) src(%dma_wait3A_137 : memref<256x32xf32, #tpu.memory_space<vmem>>) dst(%dma_wait3A_143 : memref<10112x32xf32, #tpu.memory_space<vmem_shared>>)
      %dma_wait3A_146 = arith.constant 3 : i32
      %dma_wait3A_147 = arith.constant 39 : i32
      %dma_wait3A_148 = arith.constant 3 : i32
      %dma_wait3A_149 = arith.constant 0 : i32
      %dma_wait3A_150 = arith.constant 0 : i32
      %dma_wait3A_151 = tpu.memref_slice %arg9[%dma_wait3A_146, %dma_wait3A_149, %dma_wait3A_150] : memref<4x256x32xf32, #tpu.memory_space<vmem>> -> memref<1x256x32xf32, #tpu.memory_space<vmem>>
      %dma_wait3A_152 = tpu.memref_squeeze %dma_wait3A_151 : memref<1x256x32xf32, #tpu.memory_space<vmem>> -> memref<256x32xf32, #tpu.memory_space<vmem>>
      %dma_wait3A_153 = arith.constant 0 : i32
      %dma_wait3A_154 = tpu.memref_slice %arg8[%dma_wait3A_147, %dma_wait3A_153] : memref<40x256xi32, #tpu.memory_space<vmem>> -> memref<1x256xi32, #tpu.memory_space<vmem>>
      %dma_wait3A_155 = tpu.memref_squeeze %dma_wait3A_154 : memref<1x256xi32, #tpu.memory_space<vmem>> -> memref<256xi32, #tpu.memory_space<vmem>>
      %dma_wait3A_156 = arith.constant 0 : i32
      %dma_wait3A_157 = arith.constant 0 : i32
      %dma_wait3A_158 = tpu.memref_slice %arg11[%dma_wait3A_156, %dma_wait3A_157] : memref<10112x32xf32, #tpu.memory_space<vmem_shared>> -> memref<10112x32xf32, #tpu.memory_space<vmem_shared>>
      %dma_wait3A_159 = tpu.memref_slice %arg13[%dma_wait3A_148] : memref<4x!tpu.dma_semaphore, #tpu.memory_space<semaphore_mem>> -> memref<1x!tpu.dma_semaphore, #tpu.memory_space<semaphore_mem>>
      %dma_wait3A_160 = tpu.memref_squeeze %dma_wait3A_159 : memref<1x!tpu.dma_semaphore, #tpu.memory_space<semaphore_mem>> -> memref<!tpu.dma_semaphore, #tpu.memory_space<semaphore_mem>>
      tpu.wait_indirect_dma semaphore(%dma_wait3A_160 : memref<!tpu.dma_semaphore, #tpu.memory_space<semaphore_mem>>) src(%dma_wait3A_152 : memref<256x32xf32, #tpu.memory_space<vmem>>) dst(%dma_wait3A_158 : memref<10112x32xf32, #tpu.memory_space<vmem_shared>>)
    } else {
    }
    %eq3A_22 = arith.constant 1 : i32
    %eq3A_23 = arith.cmpi eq, %arg0, %eq3A_22 : i32
    %convert_element_type3A_24 = arith.extui %eq3A_23 : i1 to i32
    %cond3A_25 = arith.constant 0 : i32
    %cond3A_26 = arith.cmpi ne, %convert_element_type3A_24, %cond3A_25 : i32
    scf.if %cond3A_26 {
      %dma_start3A = arith.constant 0 : i32
      %dma_start3A_38 = arith.constant 0 : i32
      %dma_start3A_39 = arith.constant 0 : i32
      %dma_start3A_40 = arith.constant 0 : i32
      %dma_start3A_41 = arith.constant 0 : i32
      %dma_start3A_42 = tpu.memref_slice %arg9[%dma_start3A_38, %dma_start3A_40, %dma_start3A_41] : memref<4x256x32xf32, #tpu.memory_space<vmem>> -> memref<1x256x32xf32, #tpu.memory_space<vmem>>
      %dma_start3A_43 = tpu.memref_squeeze %dma_start3A_42 : memref<1x256x32xf32, #tpu.memory_space<vmem>> -> memref<256x32xf32, #tpu.memory_space<vmem>>
      %dma_start3A_44 = arith.constant 0 : i32
      %dma_start3A_45 = tpu.memref_slice %arg7[%dma_start3A, %dma_start3A_44] : memref<40x256xi32, #tpu.memory_space<vmem>> -> memref<1x256xi32, #tpu.memory_space<vmem>>
      %dma_start3A_46 = tpu.memref_squeeze %dma_start3A_45 : memref<1x256xi32, #tpu.memory_space<vmem>> -> memref<256xi32, #tpu.memory_space<vmem>>
      %dma_start3A_47 = arith.constant 0 : i32
      %dma_start3A_48 = arith.constant 0 : i32
      %dma_start3A_49 = tpu.memref_slice %arg10[%dma_start3A_47, %dma_start3A_48] : memref<10112x32xf32, #tpu.memory_space<vmem_shared>> -> memref<10112x32xf32, #tpu.memory_space<vmem_shared>>
      %dma_start3A_50 = tpu.memref_slice %arg12[%dma_start3A_39] : memref<4x!tpu.dma_semaphore, #tpu.memory_space<semaphore_mem>> -> memref<1x!tpu.dma_semaphore, #tpu.memory_space<semaphore_mem>>
      %dma_start3A_51 = tpu.memref_squeeze %dma_start3A_50 : memref<1x!tpu.dma_semaphore, #tpu.memory_space<semaphore_mem>> -> memref<!tpu.dma_semaphore, #tpu.memory_space<semaphore_mem>>
      tpu.enqueue_indirect_dma source(%dma_start3A_49 : memref<10112x32xf32, #tpu.memory_space<vmem_shared>>) target(%dma_start3A_43 : memref<256x32xf32, #tpu.memory_space<vmem>>) offsets(%dma_start3A_46 : memref<256xi32, #tpu.memory_space<vmem>>) semaphore(%dma_start3A_51 : memref<!tpu.dma_semaphore, #tpu.memory_space<semaphore_mem>>)
      %dma_start3A_52 = arith.constant 1 : i32
      %dma_start3A_53 = arith.constant 1 : i32
      %dma_start3A_54 = arith.constant 1 : i32
      %dma_start3A_55 = arith.constant 0 : i32
      %dma_start3A_56 = arith.constant 0 : i32
      %dma_start3A_57 = tpu.memref_slice %arg9[%dma_start3A_53, %dma_start3A_55, %dma_start3A_56] : memref<4x256x32xf32, #tpu.memory_space<vmem>> -> memref<1x256x32xf32, #tpu.memory_space<vmem>>
      %dma_start3A_58 = tpu.memref_squeeze %dma_start3A_57 : memref<1x256x32xf32, #tpu.memory_space<vmem>> -> memref<256x32xf32, #tpu.memory_space<vmem>>
      %dma_start3A_59 = arith.constant 0 : i32
      %dma_start3A_60 = tpu.memref_slice %arg7[%dma_start3A_52, %dma_start3A_59] : memref<40x256xi32, #tpu.memory_space<vmem>> -> memref<1x256xi32, #tpu.memory_space<vmem>>
      %dma_start3A_61 = tpu.memref_squeeze %dma_start3A_60 : memref<1x256xi32, #tpu.memory_space<vmem>> -> memref<256xi32, #tpu.memory_space<vmem>>
      %dma_start3A_62 = arith.constant 0 : i32
      %dma_start3A_63 = arith.constant 0 : i32
      %dma_start3A_64 = tpu.memref_slice %arg10[%dma_start3A_62, %dma_start3A_63] : memref<10112x32xf32, #tpu.memory_space<vmem_shared>> -> memref<10112x32xf32, #tpu.memory_space<vmem_shared>>
      %dma_start3A_65 = tpu.memref_slice %arg12[%dma_start3A_54] : memref<4x!tpu.dma_semaphore, #tpu.memory_space<semaphore_mem>> -> memref<1x!tpu.dma_semaphore, #tpu.memory_space<semaphore_mem>>
      %dma_start3A_66 = tpu.memref_squeeze %dma_start3A_65 : memref<1x!tpu.dma_semaphore, #tpu.memory_space<semaphore_mem>> -> memref<!tpu.dma_semaphore, #tpu.memory_space<semaphore_mem>>
      tpu.enqueue_indirect_dma source(%dma_start3A_64 : memref<10112x32xf32, #tpu.memory_space<vmem_shared>>) target(%dma_start3A_58 : memref<256x32xf32, #tpu.memory_space<vmem>>) offsets(%dma_start3A_61 : memref<256xi32, #tpu.memory_space<vmem>>) semaphore(%dma_start3A_66 : memref<!tpu.dma_semaphore, #tpu.memory_space<semaphore_mem>>)
      %dma_start3A_67 = arith.constant 2 : i32
      %dma_start3A_68 = arith.constant 2 : i32
      %dma_start3A_69 = arith.constant 2 : i32
      %dma_start3A_70 = arith.constant 0 : i32
      %dma_start3A_71 = arith.constant 0 : i32
      %dma_start3A_72 = tpu.memref_slice %arg9[%dma_start3A_68, %dma_start3A_70, %dma_start3A_71] : memref<4x256x32xf32, #tpu.memory_space<vmem>> -> memref<1x256x32xf32, #tpu.memory_space<vmem>>
      %dma_start3A_73 = tpu.memref_squeeze %dma_start3A_72 : memref<1x256x32xf32, #tpu.memory_space<vmem>> -> memref<256x32xf32, #tpu.memory_space<vmem>>
      %dma_start3A_74 = arith.constant 0 : i32
      %dma_start3A_75 = tpu.memref_slice %arg7[%dma_start3A_67, %dma_start3A_74] : memref<40x256xi32, #tpu.memory_space<vmem>> -> memref<1x256xi32, #tpu.memory_space<vmem>>
      %dma_start3A_76 = tpu.memref_squeeze %dma_start3A_75 : memref<1x256xi32, #tpu.memory_space<vmem>> -> memref<256xi32, #tpu.memory_space<vmem>>
      %dma_start3A_77 = arith.constant 0 : i32
      %dma_start3A_78 = arith.constant 0 : i32
      %dma_start3A_79 = tpu.memref_slice %arg10[%dma_start3A_77, %dma_start3A_78] : memref<10112x32xf32, #tpu.memory_space<vmem_shared>> -> memref<10112x32xf32, #tpu.memory_space<vmem_shared>>
      %dma_start3A_80 = tpu.memref_slice %arg12[%dma_start3A_69] : memref<4x!tpu.dma_semaphore, #tpu.memory_space<semaphore_mem>> -> memref<1x!tpu.dma_semaphore, #tpu.memory_space<semaphore_mem>>
      %dma_start3A_81 = tpu.memref_squeeze %dma_start3A_80 : memref<1x!tpu.dma_semaphore, #tpu.memory_space<semaphore_mem>> -> memref<!tpu.dma_semaphore, #tpu.memory_space<semaphore_mem>>
      tpu.enqueue_indirect_dma source(%dma_start3A_79 : memref<10112x32xf32, #tpu.memory_space<vmem_shared>>) target(%dma_start3A_73 : memref<256x32xf32, #tpu.memory_space<vmem>>) offsets(%dma_start3A_76 : memref<256xi32, #tpu.memory_space<vmem>>) semaphore(%dma_start3A_81 : memref<!tpu.dma_semaphore, #tpu.memory_space<semaphore_mem>>)
      %dma_start3A_82 = arith.constant 3 : i32
      %dma_start3A_83 = arith.constant 3 : i32
      %dma_start3A_84 = arith.constant 3 : i32
      %dma_start3A_85 = arith.constant 0 : i32
      %dma_start3A_86 = arith.constant 0 : i32
      %dma_start3A_87 = tpu.memref_slice %arg9[%dma_start3A_83, %dma_start3A_85, %dma_start3A_86] : memref<4x256x32xf32, #tpu.memory_space<vmem>> -> memref<1x256x32xf32, #tpu.memory_space<vmem>>
      %dma_start3A_88 = tpu.memref_squeeze %dma_start3A_87 : memref<1x256x32xf32, #tpu.memory_space<vmem>> -> memref<256x32xf32, #tpu.memory_space<vmem>>
      %dma_start3A_89 = arith.constant 0 : i32
      %dma_start3A_90 = tpu.memref_slice %arg7[%dma_start3A_82, %dma_start3A_89] : memref<40x256xi32, #tpu.memory_space<vmem>> -> memref<1x256xi32, #tpu.memory_space<vmem>>
      %dma_start3A_91 = tpu.memref_squeeze %dma_start3A_90 : memref<1x256xi32, #tpu.memory_space<vmem>> -> memref<256xi32, #tpu.memory_space<vmem>>
      %dma_start3A_92 = arith.constant 0 : i32
      %dma_start3A_93 = arith.constant 0 : i32
      %dma_start3A_94 = tpu.memref_slice %arg10[%dma_start3A_92, %dma_start3A_93] : memref<10112x32xf32, #tpu.memory_space<vmem_shared>> -> memref<10112x32xf32, #tpu.memory_space<vmem_shared>>
      %dma_start3A_95 = tpu.memref_slice %arg12[%dma_start3A_84] : memref<4x!tpu.dma_semaphore, #tpu.memory_space<semaphore_mem>> -> memref<1x!tpu.dma_semaphore, #tpu.memory_space<semaphore_mem>>
      %dma_start3A_96 = tpu.memref_squeeze %dma_start3A_95 : memref<1x!tpu.dma_semaphore, #tpu.memory_space<semaphore_mem>> -> memref<!tpu.dma_semaphore, #tpu.memory_space<semaphore_mem>>
      tpu.enqueue_indirect_dma source(%dma_start3A_94 : memref<10112x32xf32, #tpu.memory_space<vmem_shared>>) target(%dma_start3A_88 : memref<256x32xf32, #tpu.memory_space<vmem>>) offsets(%dma_start3A_91 : memref<256xi32, #tpu.memory_space<vmem>>) semaphore(%dma_start3A_96 : memref<!tpu.dma_semaphore, #tpu.memory_space<semaphore_mem>>)
      %scan3A = arith.constant 0 : i32
      %scan3A_97 = arith.constant 0 : i32
      %scan3A_98 = arith.constant 10 : i32
      %scan3A_99 = arith.addi %scan3A_97, %scan3A_98 : i32
      %scan3A_100 = arith.constant 1 : i32
      scf.for %scan3A_161 = %scan3A_97 to %scan3A_99 step %scan3A_100  : i32 {
        %mul3A_162 = arith.constant 4 : i32
        %mul3A_163 = arith.muli %scan3A_161, %mul3A_162 : i32
        %add3A = arith.constant 0 : i32
        %add3A_164 = arith.addi %mul3A_163, %add3A : i32
        %dma_wait3A_165 = arith.constant 0 : i32
        %dma_wait3A_166 = arith.constant 0 : i32
        %dma_wait3A_167 = arith.constant 0 : i32
        %dma_wait3A_168 = arith.constant 0 : i32
        %dma_wait3A_169 = tpu.memref_slice %arg9[%dma_wait3A_165, %dma_wait3A_167, %dma_wait3A_168] : memref<4x256x32xf32, #tpu.memory_space<vmem>> -> memref<1x256x32xf32, #tpu.memory_space<vmem>>
        %dma_wait3A_170 = tpu.memref_squeeze %dma_wait3A_169 : memref<1x256x32xf32, #tpu.memory_space<vmem>> -> memref<256x32xf32, #tpu.memory_space<vmem>>
        %dma_wait3A_171 = arith.constant 0 : i32
        %dma_wait3A_172 = tpu.memref_slice %arg7[%add3A_164, %dma_wait3A_171] : memref<40x256xi32, #tpu.memory_space<vmem>> -> memref<1x256xi32, #tpu.memory_space<vmem>>
        %dma_wait3A_173 = tpu.memref_squeeze %dma_wait3A_172 : memref<1x256xi32, #tpu.memory_space<vmem>> -> memref<256xi32, #tpu.memory_space<vmem>>
        %dma_wait3A_174 = arith.constant 0 : i32
        %dma_wait3A_175 = arith.constant 0 : i32
        %dma_wait3A_176 = tpu.memref_slice %arg10[%dma_wait3A_174, %dma_wait3A_175] : memref<10112x32xf32, #tpu.memory_space<vmem_shared>> -> memref<10112x32xf32, #tpu.memory_space<vmem_shared>>
        %dma_wait3A_177 = tpu.memref_slice %arg12[%dma_wait3A_166] : memref<4x!tpu.dma_semaphore, #tpu.memory_space<semaphore_mem>> -> memref<1x!tpu.dma_semaphore, #tpu.memory_space<semaphore_mem>>
        %dma_wait3A_178 = tpu.memref_squeeze %dma_wait3A_177 : memref<1x!tpu.dma_semaphore, #tpu.memory_space<semaphore_mem>> -> memref<!tpu.dma_semaphore, #tpu.memory_space<semaphore_mem>>
        tpu.wait_indirect_dma semaphore(%dma_wait3A_178 : memref<!tpu.dma_semaphore, #tpu.memory_space<semaphore_mem>>) src(%dma_wait3A_176 : memref<10112x32xf32, #tpu.memory_space<vmem_shared>>) dst(%dma_wait3A_170 : memref<256x32xf32, #tpu.memory_space<vmem>>)
        %dma_start3A_179 = arith.constant 0 : i32
        %dma_start3A_180 = arith.constant 0 : i32
        %dma_start3A_181 = arith.constant 0 : i32
        %dma_start3A_182 = arith.constant 0 : i32
        %dma_start3A_183 = tpu.memref_slice %arg9[%dma_start3A_179, %dma_start3A_181, %dma_start3A_182] : memref<4x256x32xf32, #tpu.memory_space<vmem>> -> memref<1x256x32xf32, #tpu.memory_space<vmem>>
        %dma_start3A_184 = tpu.memref_squeeze %dma_start3A_183 : memref<1x256x32xf32, #tpu.memory_space<vmem>> -> memref<256x32xf32, #tpu.memory_space<vmem>>
        %dma_start3A_185 = arith.constant 0 : i32
        %dma_start3A_186 = tpu.memref_slice %arg8[%add3A_164, %dma_start3A_185] : memref<40x256xi32, #tpu.memory_space<vmem>> -> memref<1x256xi32, #tpu.memory_space<vmem>>
        %dma_start3A_187 = tpu.memref_squeeze %dma_start3A_186 : memref<1x256xi32, #tpu.memory_space<vmem>> -> memref<256xi32, #tpu.memory_space<vmem>>
        %dma_start3A_188 = arith.constant 0 : i32
        %dma_start3A_189 = arith.constant 0 : i32
        %dma_start3A_190 = tpu.memref_slice %arg11[%dma_start3A_188, %dma_start3A_189] : memref<10112x32xf32, #tpu.memory_space<vmem_shared>> -> memref<10112x32xf32, #tpu.memory_space<vmem_shared>>
        %dma_start3A_191 = tpu.memref_slice %arg13[%dma_start3A_180] : memref<4x!tpu.dma_semaphore, #tpu.memory_space<semaphore_mem>> -> memref<1x!tpu.dma_semaphore, #tpu.memory_space<semaphore_mem>>
        %dma_start3A_192 = tpu.memref_squeeze %dma_start3A_191 : memref<1x!tpu.dma_semaphore, #tpu.memory_space<semaphore_mem>> -> memref<!tpu.dma_semaphore, #tpu.memory_space<semaphore_mem>>
        tpu.enqueue_indirect_dma source(%dma_start3A_184 : memref<256x32xf32, #tpu.memory_space<vmem>>) target(%dma_start3A_190 : memref<10112x32xf32, #tpu.memory_space<vmem_shared>>) offsets(%dma_start3A_187 : memref<256xi32, #tpu.memory_space<vmem>>) semaphore(%dma_start3A_192 : memref<!tpu.dma_semaphore, #tpu.memory_space<semaphore_mem>>) {add = true}
        %lt3A_193 = arith.constant 9 : i32
        %lt3A_194 = arith.cmpi slt, %scan3A_161, %lt3A_193 : i32
        %convert_element_type3A_195 = arith.extui %lt3A_194 : i1 to i32
        %cond3A_196 = arith.constant 0 : i32
        %cond3A_197 = arith.cmpi ne, %convert_element_type3A_195, %cond3A_196 : i32
        scf.if %cond3A_197 {
          %dma_wait3A_309 = arith.constant 0 : i32
          %dma_wait3A_310 = arith.constant 0 : i32
          %dma_wait3A_311 = arith.constant 0 : i32
          %dma_wait3A_312 = arith.constant 0 : i32
          %dma_wait3A_313 = tpu.memref_slice %arg9[%dma_wait3A_309, %dma_wait3A_311, %dma_wait3A_312] : memref<4x256x32xf32, #tpu.memory_space<vmem>> -> memref<1x256x32xf32, #tpu.memory_space<vmem>>
          %dma_wait3A_314 = tpu.memref_squeeze %dma_wait3A_313 : memref<1x256x32xf32, #tpu.memory_space<vmem>> -> memref<256x32xf32, #tpu.memory_space<vmem>>
          %dma_wait3A_315 = arith.constant 0 : i32
          %dma_wait3A_316 = tpu.memref_slice %arg8[%add3A_164, %dma_wait3A_315] : memref<40x256xi32, #tpu.memory_space<vmem>> -> memref<1x256xi32, #tpu.memory_space<vmem>>
          %dma_wait3A_317 = tpu.memref_squeeze %dma_wait3A_316 : memref<1x256xi32, #tpu.memory_space<vmem>> -> memref<256xi32, #tpu.memory_space<vmem>>
          %dma_wait3A_318 = arith.constant 0 : i32
          %dma_wait3A_319 = arith.constant 0 : i32
          %dma_wait3A_320 = tpu.memref_slice %arg11[%dma_wait3A_318, %dma_wait3A_319] : memref<10112x32xf32, #tpu.memory_space<vmem_shared>> -> memref<10112x32xf32, #tpu.memory_space<vmem_shared>>
          %dma_wait3A_321 = tpu.memref_slice %arg13[%dma_wait3A_310] : memref<4x!tpu.dma_semaphore, #tpu.memory_space<semaphore_mem>> -> memref<1x!tpu.dma_semaphore, #tpu.memory_space<semaphore_mem>>
          %dma_wait3A_322 = tpu.memref_squeeze %dma_wait3A_321 : memref<1x!tpu.dma_semaphore, #tpu.memory_space<semaphore_mem>> -> memref<!tpu.dma_semaphore, #tpu.memory_space<semaphore_mem>>
          tpu.wait_indirect_dma semaphore(%dma_wait3A_322 : memref<!tpu.dma_semaphore, #tpu.memory_space<semaphore_mem>>) src(%dma_wait3A_314 : memref<256x32xf32, #tpu.memory_space<vmem>>) dst(%dma_wait3A_320 : memref<10112x32xf32, #tpu.memory_space<vmem_shared>>)
          %add3A_323 = arith.constant 4 : i32
          %add3A_324 = arith.addi %add3A_164, %add3A_323 : i32
          %dma_start3A_325 = arith.constant 0 : i32
          %dma_start3A_326 = arith.constant 0 : i32
          %dma_start3A_327 = arith.constant 0 : i32
          %dma_start3A_328 = arith.constant 0 : i32
          %dma_start3A_329 = tpu.memref_slice %arg9[%dma_start3A_325, %dma_start3A_327, %dma_start3A_328] : memref<4x256x32xf32, #tpu.memory_space<vmem>> -> memref<1x256x32xf32, #tpu.memory_space<vmem>>
          %dma_start3A_330 = tpu.memref_squeeze %dma_start3A_329 : memref<1x256x32xf32, #tpu.memory_space<vmem>> -> memref<256x32xf32, #tpu.memory_space<vmem>>
          %dma_start3A_331 = arith.constant 0 : i32
          %dma_start3A_332 = tpu.memref_slice %arg7[%add3A_324, %dma_start3A_331] : memref<40x256xi32, #tpu.memory_space<vmem>> -> memref<1x256xi32, #tpu.memory_space<vmem>>
          %dma_start3A_333 = tpu.memref_squeeze %dma_start3A_332 : memref<1x256xi32, #tpu.memory_space<vmem>> -> memref<256xi32, #tpu.memory_space<vmem>>
          %dma_start3A_334 = arith.constant 0 : i32
          %dma_start3A_335 = arith.constant 0 : i32
          %dma_start3A_336 = tpu.memref_slice %arg10[%dma_start3A_334, %dma_start3A_335] : memref<10112x32xf32, #tpu.memory_space<vmem_shared>> -> memref<10112x32xf32, #tpu.memory_space<vmem_shared>>
          %dma_start3A_337 = tpu.memref_slice %arg12[%dma_start3A_326] : memref<4x!tpu.dma_semaphore, #tpu.memory_space<semaphore_mem>> -> memref<1x!tpu.dma_semaphore, #tpu.memory_space<semaphore_mem>>
          %dma_start3A_338 = tpu.memref_squeeze %dma_start3A_337 : memref<1x!tpu.dma_semaphore, #tpu.memory_space<semaphore_mem>> -> memref<!tpu.dma_semaphore, #tpu.memory_space<semaphore_mem>>
          tpu.enqueue_indirect_dma source(%dma_start3A_336 : memref<10112x32xf32, #tpu.memory_space<vmem_shared>>) target(%dma_start3A_330 : memref<256x32xf32, #tpu.memory_space<vmem>>) offsets(%dma_start3A_333 : memref<256xi32, #tpu.memory_space<vmem>>) semaphore(%dma_start3A_338 : memref<!tpu.dma_semaphore, #tpu.memory_space<semaphore_mem>>)
        } else {
        }
        %mul3A_198 = arith.constant 4 : i32
        %mul3A_199 = arith.muli %scan3A_161, %mul3A_198 : i32
        %add3A_200 = arith.constant 1 : i32
        %add3A_201 = arith.addi %mul3A_199, %add3A_200 : i32
        %dma_wait3A_202 = arith.constant 1 : i32
        %dma_wait3A_203 = arith.constant 1 : i32
        %dma_wait3A_204 = arith.constant 0 : i32
        %dma_wait3A_205 = arith.constant 0 : i32
        %dma_wait3A_206 = tpu.memref_slice %arg9[%dma_wait3A_202, %dma_wait3A_204, %dma_wait3A_205] : memref<4x256x32xf32, #tpu.memory_space<vmem>> -> memref<1x256x32xf32, #tpu.memory_space<vmem>>
        %dma_wait3A_207 = tpu.memref_squeeze %dma_wait3A_206 : memref<1x256x32xf32, #tpu.memory_space<vmem>> -> memref<256x32xf32, #tpu.memory_space<vmem>>
        %dma_wait3A_208 = arith.constant 0 : i32
        %dma_wait3A_209 = tpu.memref_slice %arg7[%add3A_201, %dma_wait3A_208] : memref<40x256xi32, #tpu.memory_space<vmem>> -> memref<1x256xi32, #tpu.memory_space<vmem>>
        %dma_wait3A_210 = tpu.memref_squeeze %dma_wait3A_209 : memref<1x256xi32, #tpu.memory_space<vmem>> -> memref<256xi32, #tpu.memory_space<vmem>>
        %dma_wait3A_211 = arith.constant 0 : i32
        %dma_wait3A_212 = arith.constant 0 : i32
        %dma_wait3A_213 = tpu.memref_slice %arg10[%dma_wait3A_211, %dma_wait3A_212] : memref<10112x32xf32, #tpu.memory_space<vmem_shared>> -> memref<10112x32xf32, #tpu.memory_space<vmem_shared>>
        %dma_wait3A_214 = tpu.memref_slice %arg12[%dma_wait3A_203] : memref<4x!tpu.dma_semaphore, #tpu.memory_space<semaphore_mem>> -> memref<1x!tpu.dma_semaphore, #tpu.memory_space<semaphore_mem>>
        %dma_wait3A_215 = tpu.memref_squeeze %dma_wait3A_214 : memref<1x!tpu.dma_semaphore, #tpu.memory_space<semaphore_mem>> -> memref<!tpu.dma_semaphore, #tpu.memory_space<semaphore_mem>>
        tpu.wait_indirect_dma semaphore(%dma_wait3A_215 : memref<!tpu.dma_semaphore, #tpu.memory_space<semaphore_mem>>) src(%dma_wait3A_213 : memref<10112x32xf32, #tpu.memory_space<vmem_shared>>) dst(%dma_wait3A_207 : memref<256x32xf32, #tpu.memory_space<vmem>>)
        %dma_start3A_216 = arith.constant 1 : i32
        %dma_start3A_217 = arith.constant 1 : i32
        %dma_start3A_218 = arith.constant 0 : i32
        %dma_start3A_219 = arith.constant 0 : i32
        %dma_start3A_220 = tpu.memref_slice %arg9[%dma_start3A_216, %dma_start3A_218, %dma_start3A_219] : memref<4x256x32xf32, #tpu.memory_space<vmem>> -> memref<1x256x32xf32, #tpu.memory_space<vmem>>
        %dma_start3A_221 = tpu.memref_squeeze %dma_start3A_220 : memref<1x256x32xf32, #tpu.memory_space<vmem>> -> memref<256x32xf32, #tpu.memory_space<vmem>>
        %dma_start3A_222 = arith.constant 0 : i32
        %dma_start3A_223 = tpu.memref_slice %arg8[%add3A_201, %dma_start3A_222] : memref<40x256xi32, #tpu.memory_space<vmem>> -> memref<1x256xi32, #tpu.memory_space<vmem>>
        %dma_start3A_224 = tpu.memref_squeeze %dma_start3A_223 : memref<1x256xi32, #tpu.memory_space<vmem>> -> memref<256xi32, #tpu.memory_space<vmem>>
        %dma_start3A_225 = arith.constant 0 : i32
        %dma_start3A_226 = arith.constant 0 : i32
        %dma_start3A_227 = tpu.memref_slice %arg11[%dma_start3A_225, %dma_start3A_226] : memref<10112x32xf32, #tpu.memory_space<vmem_shared>> -> memref<10112x32xf32, #tpu.memory_space<vmem_shared>>
        %dma_start3A_228 = tpu.memref_slice %arg13[%dma_start3A_217] : memref<4x!tpu.dma_semaphore, #tpu.memory_space<semaphore_mem>> -> memref<1x!tpu.dma_semaphore, #tpu.memory_space<semaphore_mem>>
        %dma_start3A_229 = tpu.memref_squeeze %dma_start3A_228 : memref<1x!tpu.dma_semaphore, #tpu.memory_space<semaphore_mem>> -> memref<!tpu.dma_semaphore, #tpu.memory_space<semaphore_mem>>
        tpu.enqueue_indirect_dma source(%dma_start3A_221 : memref<256x32xf32, #tpu.memory_space<vmem>>) target(%dma_start3A_227 : memref<10112x32xf32, #tpu.memory_space<vmem_shared>>) offsets(%dma_start3A_224 : memref<256xi32, #tpu.memory_space<vmem>>) semaphore(%dma_start3A_229 : memref<!tpu.dma_semaphore, #tpu.memory_space<semaphore_mem>>) {add = true}
        %lt3A_230 = arith.constant 9 : i32
        %lt3A_231 = arith.cmpi slt, %scan3A_161, %lt3A_230 : i32
        %convert_element_type3A_232 = arith.extui %lt3A_231 : i1 to i32
        %cond3A_233 = arith.constant 0 : i32
        %cond3A_234 = arith.cmpi ne, %convert_element_type3A_232, %cond3A_233 : i32
        scf.if %cond3A_234 {
          %dma_wait3A_309 = arith.constant 1 : i32
          %dma_wait3A_310 = arith.constant 1 : i32
          %dma_wait3A_311 = arith.constant 0 : i32
          %dma_wait3A_312 = arith.constant 0 : i32
          %dma_wait3A_313 = tpu.memref_slice %arg9[%dma_wait3A_309, %dma_wait3A_311, %dma_wait3A_312] : memref<4x256x32xf32, #tpu.memory_space<vmem>> -> memref<1x256x32xf32, #tpu.memory_space<vmem>>
          %dma_wait3A_314 = tpu.memref_squeeze %dma_wait3A_313 : memref<1x256x32xf32, #tpu.memory_space<vmem>> -> memref<256x32xf32, #tpu.memory_space<vmem>>
          %dma_wait3A_315 = arith.constant 0 : i32
          %dma_wait3A_316 = tpu.memref_slice %arg8[%add3A_201, %dma_wait3A_315] : memref<40x256xi32, #tpu.memory_space<vmem>> -> memref<1x256xi32, #tpu.memory_space<vmem>>
          %dma_wait3A_317 = tpu.memref_squeeze %dma_wait3A_316 : memref<1x256xi32, #tpu.memory_space<vmem>> -> memref<256xi32, #tpu.memory_space<vmem>>
          %dma_wait3A_318 = arith.constant 0 : i32
          %dma_wait3A_319 = arith.constant 0 : i32
          %dma_wait3A_320 = tpu.memref_slice %arg11[%dma_wait3A_318, %dma_wait3A_319] : memref<10112x32xf32, #tpu.memory_space<vmem_shared>> -> memref<10112x32xf32, #tpu.memory_space<vmem_shared>>
          %dma_wait3A_321 = tpu.memref_slice %arg13[%dma_wait3A_310] : memref<4x!tpu.dma_semaphore, #tpu.memory_space<semaphore_mem>> -> memref<1x!tpu.dma_semaphore, #tpu.memory_space<semaphore_mem>>
          %dma_wait3A_322 = tpu.memref_squeeze %dma_wait3A_321 : memref<1x!tpu.dma_semaphore, #tpu.memory_space<semaphore_mem>> -> memref<!tpu.dma_semaphore, #tpu.memory_space<semaphore_mem>>
          tpu.wait_indirect_dma semaphore(%dma_wait3A_322 : memref<!tpu.dma_semaphore, #tpu.memory_space<semaphore_mem>>) src(%dma_wait3A_314 : memref<256x32xf32, #tpu.memory_space<vmem>>) dst(%dma_wait3A_320 : memref<10112x32xf32, #tpu.memory_space<vmem_shared>>)
          %add3A_323 = arith.constant 4 : i32
          %add3A_324 = arith.addi %add3A_201, %add3A_323 : i32
          %dma_start3A_325 = arith.constant 1 : i32
          %dma_start3A_326 = arith.constant 1 : i32
          %dma_start3A_327 = arith.constant 0 : i32
          %dma_start3A_328 = arith.constant 0 : i32
          %dma_start3A_329 = tpu.memref_slice %arg9[%dma_start3A_325, %dma_start3A_327, %dma_start3A_328] : memref<4x256x32xf32, #tpu.memory_space<vmem>> -> memref<1x256x32xf32, #tpu.memory_space<vmem>>
          %dma_start3A_330 = tpu.memref_squeeze %dma_start3A_329 : memref<1x256x32xf32, #tpu.memory_space<vmem>> -> memref<256x32xf32, #tpu.memory_space<vmem>>
          %dma_start3A_331 = arith.constant 0 : i32
          %dma_start3A_332 = tpu.memref_slice %arg7[%add3A_324, %dma_start3A_331] : memref<40x256xi32, #tpu.memory_space<vmem>> -> memref<1x256xi32, #tpu.memory_space<vmem>>
          %dma_start3A_333 = tpu.memref_squeeze %dma_start3A_332 : memref<1x256xi32, #tpu.memory_space<vmem>> -> memref<256xi32, #tpu.memory_space<vmem>>
          %dma_start3A_334 = arith.constant 0 : i32
          %dma_start3A_335 = arith.constant 0 : i32
          %dma_start3A_336 = tpu.memref_slice %arg10[%dma_start3A_334, %dma_start3A_335] : memref<10112x32xf32, #tpu.memory_space<vmem_shared>> -> memref<10112x32xf32, #tpu.memory_space<vmem_shared>>
          %dma_start3A_337 = tpu.memref_slice %arg12[%dma_start3A_326] : memref<4x!tpu.dma_semaphore, #tpu.memory_space<semaphore_mem>> -> memref<1x!tpu.dma_semaphore, #tpu.memory_space<semaphore_mem>>
          %dma_start3A_338 = tpu.memref_squeeze %dma_start3A_337 : memref<1x!tpu.dma_semaphore, #tpu.memory_space<semaphore_mem>> -> memref<!tpu.dma_semaphore, #tpu.memory_space<semaphore_mem>>
          tpu.enqueue_indirect_dma source(%dma_start3A_336 : memref<10112x32xf32, #tpu.memory_space<vmem_shared>>) target(%dma_start3A_330 : memref<256x32xf32, #tpu.memory_space<vmem>>) offsets(%dma_start3A_333 : memref<256xi32, #tpu.memory_space<vmem>>) semaphore(%dma_start3A_338 : memref<!tpu.dma_semaphore, #tpu.memory_space<semaphore_mem>>)
        } else {
        }
        %mul3A_235 = arith.constant 4 : i32
        %mul3A_236 = arith.muli %scan3A_161, %mul3A_235 : i32
        %add3A_237 = arith.constant 2 : i32
        %add3A_238 = arith.addi %mul3A_236, %add3A_237 : i32
        %dma_wait3A_239 = arith.constant 2 : i32
        %dma_wait3A_240 = arith.constant 2 : i32
        %dma_wait3A_241 = arith.constant 0 : i32
        %dma_wait3A_242 = arith.constant 0 : i32
        %dma_wait3A_243 = tpu.memref_slice %arg9[%dma_wait3A_239, %dma_wait3A_241, %dma_wait3A_242] : memref<4x256x32xf32, #tpu.memory_space<vmem>> -> memref<1x256x32xf32, #tpu.memory_space<vmem>>
        %dma_wait3A_244 = tpu.memref_squeeze %dma_wait3A_243 : memref<1x256x32xf32, #tpu.memory_space<vmem>> -> memref<256x32xf32, #tpu.memory_space<vmem>>
        %dma_wait3A_245 = arith.constant 0 : i32
        %dma_wait3A_246 = tpu.memref_slice %arg7[%add3A_238, %dma_wait3A_245] : memref<40x256xi32, #tpu.memory_space<vmem>> -> memref<1x256xi32, #tpu.memory_space<vmem>>
        %dma_wait3A_247 = tpu.memref_squeeze %dma_wait3A_246 : memref<1x256xi32, #tpu.memory_space<vmem>> -> memref<256xi32, #tpu.memory_space<vmem>>
        %dma_wait3A_248 = arith.constant 0 : i32
        %dma_wait3A_249 = arith.constant 0 : i32
        %dma_wait3A_250 = tpu.memref_slice %arg10[%dma_wait3A_248, %dma_wait3A_249] : memref<10112x32xf32, #tpu.memory_space<vmem_shared>> -> memref<10112x32xf32, #tpu.memory_space<vmem_shared>>
        %dma_wait3A_251 = tpu.memref_slice %arg12[%dma_wait3A_240] : memref<4x!tpu.dma_semaphore, #tpu.memory_space<semaphore_mem>> -> memref<1x!tpu.dma_semaphore, #tpu.memory_space<semaphore_mem>>
        %dma_wait3A_252 = tpu.memref_squeeze %dma_wait3A_251 : memref<1x!tpu.dma_semaphore, #tpu.memory_space<semaphore_mem>> -> memref<!tpu.dma_semaphore, #tpu.memory_space<semaphore_mem>>
        tpu.wait_indirect_dma semaphore(%dma_wait3A_252 : memref<!tpu.dma_semaphore, #tpu.memory_space<semaphore_mem>>) src(%dma_wait3A_250 : memref<10112x32xf32, #tpu.memory_space<vmem_shared>>) dst(%dma_wait3A_244 : memref<256x32xf32, #tpu.memory_space<vmem>>)
        %dma_start3A_253 = arith.constant 2 : i32
        %dma_start3A_254 = arith.constant 2 : i32
        %dma_start3A_255 = arith.constant 0 : i32
        %dma_start3A_256 = arith.constant 0 : i32
        %dma_start3A_257 = tpu.memref_slice %arg9[%dma_start3A_253, %dma_start3A_255, %dma_start3A_256] : memref<4x256x32xf32, #tpu.memory_space<vmem>> -> memref<1x256x32xf32, #tpu.memory_space<vmem>>
        %dma_start3A_258 = tpu.memref_squeeze %dma_start3A_257 : memref<1x256x32xf32, #tpu.memory_space<vmem>> -> memref<256x32xf32, #tpu.memory_space<vmem>>
        %dma_start3A_259 = arith.constant 0 : i32
        %dma_start3A_260 = tpu.memref_slice %arg8[%add3A_238, %dma_start3A_259] : memref<40x256xi32, #tpu.memory_space<vmem>> -> memref<1x256xi32, #tpu.memory_space<vmem>>
        %dma_start3A_261 = tpu.memref_squeeze %dma_start3A_260 : memref<1x256xi32, #tpu.memory_space<vmem>> -> memref<256xi32, #tpu.memory_space<vmem>>
        %dma_start3A_262 = arith.constant 0 : i32
        %dma_start3A_263 = arith.constant 0 : i32
        %dma_start3A_264 = tpu.memref_slice %arg11[%dma_start3A_262, %dma_start3A_263] : memref<10112x32xf32, #tpu.memory_space<vmem_shared>> -> memref<10112x32xf32, #tpu.memory_space<vmem_shared>>
        %dma_start3A_265 = tpu.memref_slice %arg13[%dma_start3A_254] : memref<4x!tpu.dma_semaphore, #tpu.memory_space<semaphore_mem>> -> memref<1x!tpu.dma_semaphore, #tpu.memory_space<semaphore_mem>>
        %dma_start3A_266 = tpu.memref_squeeze %dma_start3A_265 : memref<1x!tpu.dma_semaphore, #tpu.memory_space<semaphore_mem>> -> memref<!tpu.dma_semaphore, #tpu.memory_space<semaphore_mem>>
        tpu.enqueue_indirect_dma source(%dma_start3A_258 : memref<256x32xf32, #tpu.memory_space<vmem>>) target(%dma_start3A_264 : memref<10112x32xf32, #tpu.memory_space<vmem_shared>>) offsets(%dma_start3A_261 : memref<256xi32, #tpu.memory_space<vmem>>) semaphore(%dma_start3A_266 : memref<!tpu.dma_semaphore, #tpu.memory_space<semaphore_mem>>) {add = true}
        %lt3A_267 = arith.constant 9 : i32
        %lt3A_268 = arith.cmpi slt, %scan3A_161, %lt3A_267 : i32
        %convert_element_type3A_269 = arith.extui %lt3A_268 : i1 to i32
        %cond3A_270 = arith.constant 0 : i32
        %cond3A_271 = arith.cmpi ne, %convert_element_type3A_269, %cond3A_270 : i32
        scf.if %cond3A_271 {
          %dma_wait3A_309 = arith.constant 2 : i32
          %dma_wait3A_310 = arith.constant 2 : i32
          %dma_wait3A_311 = arith.constant 0 : i32
          %dma_wait3A_312 = arith.constant 0 : i32
          %dma_wait3A_313 = tpu.memref_slice %arg9[%dma_wait3A_309, %dma_wait3A_311, %dma_wait3A_312] : memref<4x256x32xf32, #tpu.memory_space<vmem>> -> memref<1x256x32xf32, #tpu.memory_space<vmem>>
          %dma_wait3A_314 = tpu.memref_squeeze %dma_wait3A_313 : memref<1x256x32xf32, #tpu.memory_space<vmem>> -> memref<256x32xf32, #tpu.memory_space<vmem>>
          %dma_wait3A_315 = arith.constant 0 : i32
          %dma_wait3A_316 = tpu.memref_slice %arg8[%add3A_238, %dma_wait3A_315] : memref<40x256xi32, #tpu.memory_space<vmem>> -> memref<1x256xi32, #tpu.memory_space<vmem>>
          %dma_wait3A_317 = tpu.memref_squeeze %dma_wait3A_316 : memref<1x256xi32, #tpu.memory_space<vmem>> -> memref<256xi32, #tpu.memory_space<vmem>>
          %dma_wait3A_318 = arith.constant 0 : i32
          %dma_wait3A_319 = arith.constant 0 : i32
          %dma_wait3A_320 = tpu.memref_slice %arg11[%dma_wait3A_318, %dma_wait3A_319] : memref<10112x32xf32, #tpu.memory_space<vmem_shared>> -> memref<10112x32xf32, #tpu.memory_space<vmem_shared>>
          %dma_wait3A_321 = tpu.memref_slice %arg13[%dma_wait3A_310] : memref<4x!tpu.dma_semaphore, #tpu.memory_space<semaphore_mem>> -> memref<1x!tpu.dma_semaphore, #tpu.memory_space<semaphore_mem>>
          %dma_wait3A_322 = tpu.memref_squeeze %dma_wait3A_321 : memref<1x!tpu.dma_semaphore, #tpu.memory_space<semaphore_mem>> -> memref<!tpu.dma_semaphore, #tpu.memory_space<semaphore_mem>>
          tpu.wait_indirect_dma semaphore(%dma_wait3A_322 : memref<!tpu.dma_semaphore, #tpu.memory_space<semaphore_mem>>) src(%dma_wait3A_314 : memref<256x32xf32, #tpu.memory_space<vmem>>) dst(%dma_wait3A_320 : memref<10112x32xf32, #tpu.memory_space<vmem_shared>>)
          %add3A_323 = arith.constant 4 : i32
          %add3A_324 = arith.addi %add3A_238, %add3A_323 : i32
          %dma_start3A_325 = arith.constant 2 : i32
          %dma_start3A_326 = arith.constant 2 : i32
          %dma_start3A_327 = arith.constant 0 : i32
          %dma_start3A_328 = arith.constant 0 : i32
          %dma_start3A_329 = tpu.memref_slice %arg9[%dma_start3A_325, %dma_start3A_327, %dma_start3A_328] : memref<4x256x32xf32, #tpu.memory_space<vmem>> -> memref<1x256x32xf32, #tpu.memory_space<vmem>>
          %dma_start3A_330 = tpu.memref_squeeze %dma_start3A_329 : memref<1x256x32xf32, #tpu.memory_space<vmem>> -> memref<256x32xf32, #tpu.memory_space<vmem>>
          %dma_start3A_331 = arith.constant 0 : i32
          %dma_start3A_332 = tpu.memref_slice %arg7[%add3A_324, %dma_start3A_331] : memref<40x256xi32, #tpu.memory_space<vmem>> -> memref<1x256xi32, #tpu.memory_space<vmem>>
          %dma_start3A_333 = tpu.memref_squeeze %dma_start3A_332 : memref<1x256xi32, #tpu.memory_space<vmem>> -> memref<256xi32, #tpu.memory_space<vmem>>
          %dma_start3A_334 = arith.constant 0 : i32
          %dma_start3A_335 = arith.constant 0 : i32
          %dma_start3A_336 = tpu.memref_slice %arg10[%dma_start3A_334, %dma_start3A_335] : memref<10112x32xf32, #tpu.memory_space<vmem_shared>> -> memref<10112x32xf32, #tpu.memory_space<vmem_shared>>
          %dma_start3A_337 = tpu.memref_slice %arg12[%dma_start3A_326] : memref<4x!tpu.dma_semaphore, #tpu.memory_space<semaphore_mem>> -> memref<1x!tpu.dma_semaphore, #tpu.memory_space<semaphore_mem>>
          %dma_start3A_338 = tpu.memref_squeeze %dma_start3A_337 : memref<1x!tpu.dma_semaphore, #tpu.memory_space<semaphore_mem>> -> memref<!tpu.dma_semaphore, #tpu.memory_space<semaphore_mem>>
          tpu.enqueue_indirect_dma source(%dma_start3A_336 : memref<10112x32xf32, #tpu.memory_space<vmem_shared>>) target(%dma_start3A_330 : memref<256x32xf32, #tpu.memory_space<vmem>>) offsets(%dma_start3A_333 : memref<256xi32, #tpu.memory_space<vmem>>) semaphore(%dma_start3A_338 : memref<!tpu.dma_semaphore, #tpu.memory_space<semaphore_mem>>)
        } else {
        }
        %mul3A_272 = arith.constant 4 : i32
        %mul3A_273 = arith.muli %scan3A_161, %mul3A_272 : i32
        %add3A_274 = arith.constant 3 : i32
        %add3A_275 = arith.addi %mul3A_273, %add3A_274 : i32
        %dma_wait3A_276 = arith.constant 3 : i32
        %dma_wait3A_277 = arith.constant 3 : i32
        %dma_wait3A_278 = arith.constant 0 : i32
        %dma_wait3A_279 = arith.constant 0 : i32
        %dma_wait3A_280 = tpu.memref_slice %arg9[%dma_wait3A_276, %dma_wait3A_278, %dma_wait3A_279] : memref<4x256x32xf32, #tpu.memory_space<vmem>> -> memref<1x256x32xf32, #tpu.memory_space<vmem>>
        %dma_wait3A_281 = tpu.memref_squeeze %dma_wait3A_280 : memref<1x256x32xf32, #tpu.memory_space<vmem>> -> memref<256x32xf32, #tpu.memory_space<vmem>>
        %dma_wait3A_282 = arith.constant 0 : i32
        %dma_wait3A_283 = tpu.memref_slice %arg7[%add3A_275, %dma_wait3A_282] : memref<40x256xi32, #tpu.memory_space<vmem>> -> memref<1x256xi32, #tpu.memory_space<vmem>>
        %dma_wait3A_284 = tpu.memref_squeeze %dma_wait3A_283 : memref<1x256xi32, #tpu.memory_space<vmem>> -> memref<256xi32, #tpu.memory_space<vmem>>
        %dma_wait3A_285 = arith.constant 0 : i32
        %dma_wait3A_286 = arith.constant 0 : i32
        %dma_wait3A_287 = tpu.memref_slice %arg10[%dma_wait3A_285, %dma_wait3A_286] : memref<10112x32xf32, #tpu.memory_space<vmem_shared>> -> memref<10112x32xf32, #tpu.memory_space<vmem_shared>>
        %dma_wait3A_288 = tpu.memref_slice %arg12[%dma_wait3A_277] : memref<4x!tpu.dma_semaphore, #tpu.memory_space<semaphore_mem>> -> memref<1x!tpu.dma_semaphore, #tpu.memory_space<semaphore_mem>>
        %dma_wait3A_289 = tpu.memref_squeeze %dma_wait3A_288 : memref<1x!tpu.dma_semaphore, #tpu.memory_space<semaphore_mem>> -> memref<!tpu.dma_semaphore, #tpu.memory_space<semaphore_mem>>
        tpu.wait_indirect_dma semaphore(%dma_wait3A_289 : memref<!tpu.dma_semaphore, #tpu.memory_space<semaphore_mem>>) src(%dma_wait3A_287 : memref<10112x32xf32, #tpu.memory_space<vmem_shared>>) dst(%dma_wait3A_281 : memref<256x32xf32, #tpu.memory_space<vmem>>)
        %dma_start3A_290 = arith.constant 3 : i32
        %dma_start3A_291 = arith.constant 3 : i32
        %dma_start3A_292 = arith.constant 0 : i32
        %dma_start3A_293 = arith.constant 0 : i32
        %dma_start3A_294 = tpu.memref_slice %arg9[%dma_start3A_290, %dma_start3A_292, %dma_start3A_293] : memref<4x256x32xf32, #tpu.memory_space<vmem>> -> memref<1x256x32xf32, #tpu.memory_space<vmem>>
        %dma_start3A_295 = tpu.memref_squeeze %dma_start3A_294 : memref<1x256x32xf32, #tpu.memory_space<vmem>> -> memref<256x32xf32, #tpu.memory_space<vmem>>
        %dma_start3A_296 = arith.constant 0 : i32
        %dma_start3A_297 = tpu.memref_slice %arg8[%add3A_275, %dma_start3A_296] : memref<40x256xi32, #tpu.memory_space<vmem>> -> memref<1x256xi32, #tpu.memory_space<vmem>>
        %dma_start3A_298 = tpu.memref_squeeze %dma_start3A_297 : memref<1x256xi32, #tpu.memory_space<vmem>> -> memref<256xi32, #tpu.memory_space<vmem>>
        %dma_start3A_299 = arith.constant 0 : i32
        %dma_start3A_300 = arith.constant 0 : i32
        %dma_start3A_301 = tpu.memref_slice %arg11[%dma_start3A_299, %dma_start3A_300] : memref<10112x32xf32, #tpu.memory_space<vmem_shared>> -> memref<10112x32xf32, #tpu.memory_space<vmem_shared>>
        %dma_start3A_302 = tpu.memref_slice %arg13[%dma_start3A_291] : memref<4x!tpu.dma_semaphore, #tpu.memory_space<semaphore_mem>> -> memref<1x!tpu.dma_semaphore, #tpu.memory_space<semaphore_mem>>
        %dma_start3A_303 = tpu.memref_squeeze %dma_start3A_302 : memref<1x!tpu.dma_semaphore, #tpu.memory_space<semaphore_mem>> -> memref<!tpu.dma_semaphore, #tpu.memory_space<semaphore_mem>>
        tpu.enqueue_indirect_dma source(%dma_start3A_295 : memref<256x32xf32, #tpu.memory_space<vmem>>) target(%dma_start3A_301 : memref<10112x32xf32, #tpu.memory_space<vmem_shared>>) offsets(%dma_start3A_298 : memref<256xi32, #tpu.memory_space<vmem>>) semaphore(%dma_start3A_303 : memref<!tpu.dma_semaphore, #tpu.memory_space<semaphore_mem>>) {add = true}
        %lt3A_304 = arith.constant 9 : i32
        %lt3A_305 = arith.cmpi slt, %scan3A_161, %lt3A_304 : i32
        %convert_element_type3A_306 = arith.extui %lt3A_305 : i1 to i32
        %cond3A_307 = arith.constant 0 : i32
        %cond3A_308 = arith.cmpi ne, %convert_element_type3A_306, %cond3A_307 : i32
        scf.if %cond3A_308 {
          %dma_wait3A_309 = arith.constant 3 : i32
          %dma_wait3A_310 = arith.constant 3 : i32
          %dma_wait3A_311 = arith.constant 0 : i32
          %dma_wait3A_312 = arith.constant 0 : i32
          %dma_wait3A_313 = tpu.memref_slice %arg9[%dma_wait3A_309, %dma_wait3A_311, %dma_wait3A_312] : memref<4x256x32xf32, #tpu.memory_space<vmem>> -> memref<1x256x32xf32, #tpu.memory_space<vmem>>
          %dma_wait3A_314 = tpu.memref_squeeze %dma_wait3A_313 : memref<1x256x32xf32, #tpu.memory_space<vmem>> -> memref<256x32xf32, #tpu.memory_space<vmem>>
          %dma_wait3A_315 = arith.constant 0 : i32
          %dma_wait3A_316 = tpu.memref_slice %arg8[%add3A_275, %dma_wait3A_315] : memref<40x256xi32, #tpu.memory_space<vmem>> -> memref<1x256xi32, #tpu.memory_space<vmem>>
          %dma_wait3A_317 = tpu.memref_squeeze %dma_wait3A_316 : memref<1x256xi32, #tpu.memory_space<vmem>> -> memref<256xi32, #tpu.memory_space<vmem>>
          %dma_wait3A_318 = arith.constant 0 : i32
          %dma_wait3A_319 = arith.constant 0 : i32
          %dma_wait3A_320 = tpu.memref_slice %arg11[%dma_wait3A_318, %dma_wait3A_319] : memref<10112x32xf32, #tpu.memory_space<vmem_shared>> -> memref<10112x32xf32, #tpu.memory_space<vmem_shared>>
          %dma_wait3A_321 = tpu.memref_slice %arg13[%dma_wait3A_310] : memref<4x!tpu.dma_semaphore, #tpu.memory_space<semaphore_mem>> -> memref<1x!tpu.dma_semaphore, #tpu.memory_space<semaphore_mem>>
          %dma_wait3A_322 = tpu.memref_squeeze %dma_wait3A_321 : memref<1x!tpu.dma_semaphore, #tpu.memory_space<semaphore_mem>> -> memref<!tpu.dma_semaphore, #tpu.memory_space<semaphore_mem>>
          tpu.wait_indirect_dma semaphore(%dma_wait3A_322 : memref<!tpu.dma_semaphore, #tpu.memory_space<semaphore_mem>>) src(%dma_wait3A_314 : memref<256x32xf32, #tpu.memory_space<vmem>>) dst(%dma_wait3A_320 : memref<10112x32xf32, #tpu.memory_space<vmem_shared>>)
          %add3A_323 = arith.constant 4 : i32
          %add3A_324 = arith.addi %add3A_275, %add3A_323 : i32
          %dma_start3A_325 = arith.constant 3 : i32
          %dma_start3A_326 = arith.constant 3 : i32
          %dma_start3A_327 = arith.constant 0 : i32
          %dma_start3A_328 = arith.constant 0 : i32
          %dma_start3A_329 = tpu.memref_slice %arg9[%dma_start3A_325, %dma_start3A_327, %dma_start3A_328] : memref<4x256x32xf32, #tpu.memory_space<vmem>> -> memref<1x256x32xf32, #tpu.memory_space<vmem>>
          %dma_start3A_330 = tpu.memref_squeeze %dma_start3A_329 : memref<1x256x32xf32, #tpu.memory_space<vmem>> -> memref<256x32xf32, #tpu.memory_space<vmem>>
          %dma_start3A_331 = arith.constant 0 : i32
          %dma_start3A_332 = tpu.memref_slice %arg7[%add3A_324, %dma_start3A_331] : memref<40x256xi32, #tpu.memory_space<vmem>> -> memref<1x256xi32, #tpu.memory_space<vmem>>
          %dma_start3A_333 = tpu.memref_squeeze %dma_start3A_332 : memref<1x256xi32, #tpu.memory_space<vmem>> -> memref<256xi32, #tpu.memory_space<vmem>>
          %dma_start3A_334 = arith.constant 0 : i32
          %dma_start3A_335 = arith.constant 0 : i32
          %dma_start3A_336 = tpu.memref_slice %arg10[%dma_start3A_334, %dma_start3A_335] : memref<10112x32xf32, #tpu.memory_space<vmem_shared>> -> memref<10112x32xf32, #tpu.memory_space<vmem_shared>>
          %dma_start3A_337 = tpu.memref_slice %arg12[%dma_start3A_326] : memref<4x!tpu.dma_semaphore, #tpu.memory_space<semaphore_mem>> -> memref<1x!tpu.dma_semaphore, #tpu.memory_space<semaphore_mem>>
          %dma_start3A_338 = tpu.memref_squeeze %dma_start3A_337 : memref<1x!tpu.dma_semaphore, #tpu.memory_space<semaphore_mem>> -> memref<!tpu.dma_semaphore, #tpu.memory_space<semaphore_mem>>
          tpu.enqueue_indirect_dma source(%dma_start3A_336 : memref<10112x32xf32, #tpu.memory_space<vmem_shared>>) target(%dma_start3A_330 : memref<256x32xf32, #tpu.memory_space<vmem>>) offsets(%dma_start3A_333 : memref<256xi32, #tpu.memory_space<vmem>>) semaphore(%dma_start3A_338 : memref<!tpu.dma_semaphore, #tpu.memory_space<semaphore_mem>>)
        } else {
        }
      }
      %scan3A_101 = arith.constant 10 : i32
      %dma_wait3A = arith.constant 0 : i32
      %dma_wait3A_102 = arith.constant 36 : i32
      %dma_wait3A_103 = arith.constant 0 : i32
      %dma_wait3A_104 = arith.constant 0 : i32
      %dma_wait3A_105 = arith.constant 0 : i32
      %dma_wait3A_106 = tpu.memref_slice %arg9[%dma_wait3A, %dma_wait3A_104, %dma_wait3A_105] : memref<4x256x32xf32, #tpu.memory_space<vmem>> -> memref<1x256x32xf32, #tpu.memory_space<vmem>>
      %dma_wait3A_107 = tpu.memref_squeeze %dma_wait3A_106 : memref<1x256x32xf32, #tpu.memory_space<vmem>> -> memref<256x32xf32, #tpu.memory_space<vmem>>
      %dma_wait3A_108 = arith.constant 0 : i32
      %dma_wait3A_109 = tpu.memref_slice %arg8[%dma_wait3A_102, %dma_wait3A_108] : memref<40x256xi32, #tpu.memory_space<vmem>> -> memref<1x256xi32, #tpu.memory_space<vmem>>
      %dma_wait3A_110 = tpu.memref_squeeze %dma_wait3A_109 : memref<1x256xi32, #tpu.memory_space<vmem>> -> memref<256xi32, #tpu.memory_space<vmem>>
      %dma_wait3A_111 = arith.constant 0 : i32
      %dma_wait3A_112 = arith.constant 0 : i32
      %dma_wait3A_113 = tpu.memref_slice %arg11[%dma_wait3A_111, %dma_wait3A_112] : memref<10112x32xf32, #tpu.memory_space<vmem_shared>> -> memref<10112x32xf32, #tpu.memory_space<vmem_shared>>
      %dma_wait3A_114 = tpu.memref_slice %arg13[%dma_wait3A_103] : memref<4x!tpu.dma_semaphore, #tpu.memory_space<semaphore_mem>> -> memref<1x!tpu.dma_semaphore, #tpu.memory_space<semaphore_mem>>
      %dma_wait3A_115 = tpu.memref_squeeze %dma_wait3A_114 : memref<1x!tpu.dma_semaphore, #tpu.memory_space<semaphore_mem>> -> memref<!tpu.dma_semaphore, #tpu.memory_space<semaphore_mem>>
      tpu.wait_indirect_dma semaphore(%dma_wait3A_115 : memref<!tpu.dma_semaphore, #tpu.memory_space<semaphore_mem>>) src(%dma_wait3A_107 : memref<256x32xf32, #tpu.memory_space<vmem>>) dst(%dma_wait3A_113 : memref<10112x32xf32, #tpu.memory_space<vmem_shared>>)
      %dma_wait3A_116 = arith.constant 1 : i32
      %dma_wait3A_117 = arith.constant 37 : i32
      %dma_wait3A_118 = arith.constant 1 : i32
      %dma_wait3A_119 = arith.constant 0 : i32
      %dma_wait3A_120 = arith.constant 0 : i32
      %dma_wait3A_121 = tpu.memref_slice %arg9[%dma_wait3A_116, %dma_wait3A_119, %dma_wait3A_120] : memref<4x256x32xf32, #tpu.memory_space<vmem>> -> memref<1x256x32xf32, #tpu.memory_space<vmem>>
      %dma_wait3A_122 = tpu.memref_squeeze %dma_wait3A_121 : memref<1x256x32xf32, #tpu.memory_space<vmem>> -> memref<256x32xf32, #tpu.memory_space<vmem>>
      %dma_wait3A_123 = arith.constant 0 : i32
      %dma_wait3A_124 = tpu.memref_slice %arg8[%dma_wait3A_117, %dma_wait3A_123] : memref<40x256xi32, #tpu.memory_space<vmem>> -> memref<1x256xi32, #tpu.memory_space<vmem>>
      %dma_wait3A_125 = tpu.memref_squeeze %dma_wait3A_124 : memref<1x256xi32, #tpu.memory_space<vmem>> -> memref<256xi32, #tpu.memory_space<vmem>>
      %dma_wait3A_126 = arith.constant 0 : i32
      %dma_wait3A_127 = arith.constant 0 : i32
      %dma_wait3A_128 = tpu.memref_slice %arg11[%dma_wait3A_126, %dma_wait3A_127] : memref<10112x32xf32, #tpu.memory_space<vmem_shared>> -> memref<10112x32xf32, #tpu.memory_space<vmem_shared>>
      %dma_wait3A_129 = tpu.memref_slice %arg13[%dma_wait3A_118] : memref<4x!tpu.dma_semaphore, #tpu.memory_space<semaphore_mem>> -> memref<1x!tpu.dma_semaphore, #tpu.memory_space<semaphore_mem>>
      %dma_wait3A_130 = tpu.memref_squeeze %dma_wait3A_129 : memref<1x!tpu.dma_semaphore, #tpu.memory_space<semaphore_mem>> -> memref<!tpu.dma_semaphore, #tpu.memory_space<semaphore_mem>>
      tpu.wait_indirect_dma semaphore(%dma_wait3A_130 : memref<!tpu.dma_semaphore, #tpu.memory_space<semaphore_mem>>) src(%dma_wait3A_122 : memref<256x32xf32, #tpu.memory_space<vmem>>) dst(%dma_wait3A_128 : memref<10112x32xf32, #tpu.memory_space<vmem_shared>>)
      %dma_wait3A_131 = arith.constant 2 : i32
      %dma_wait3A_132 = arith.constant 38 : i32
      %dma_wait3A_133 = arith.constant 2 : i32
      %dma_wait3A_134 = arith.constant 0 : i32
      %dma_wait3A_135 = arith.constant 0 : i32
      %dma_wait3A_136 = tpu.memref_slice %arg9[%dma_wait3A_131, %dma_wait3A_134, %dma_wait3A_135] : memref<4x256x32xf32, #tpu.memory_space<vmem>> -> memref<1x256x32xf32, #tpu.memory_space<vmem>>
      %dma_wait3A_137 = tpu.memref_squeeze %dma_wait3A_136 : memref<1x256x32xf32, #tpu.memory_space<vmem>> -> memref<256x32xf32, #tpu.memory_space<vmem>>
      %dma_wait3A_138 = arith.constant 0 : i32
      %dma_wait3A_139 = tpu.memref_slice %arg8[%dma_wait3A_132, %dma_wait3A_138] : memref<40x256xi32, #tpu.memory_space<vmem>> -> memref<1x256xi32, #tpu.memory_space<vmem>>
      %dma_wait3A_140 = tpu.memref_squeeze %dma_wait3A_139 : memref<1x256xi32, #tpu.memory_space<vmem>> -> memref<256xi32, #tpu.memory_space<vmem>>
      %dma_wait3A_141 = arith.constant 0 : i32
      %dma_wait3A_142 = arith.constant 0 : i32
      %dma_wait3A_143 = tpu.memref_slice %arg11[%dma_wait3A_141, %dma_wait3A_142] : memref<10112x32xf32, #tpu.memory_space<vmem_shared>> -> memref<10112x32xf32, #tpu.memory_space<vmem_shared>>
      %dma_wait3A_144 = tpu.memref_slice %arg13[%dma_wait3A_133] : memref<4x!tpu.dma_semaphore, #tpu.memory_space<semaphore_mem>> -> memref<1x!tpu.dma_semaphore, #tpu.memory_space<semaphore_mem>>
      %dma_wait3A_145 = tpu.memref_squeeze %dma_wait3A_144 : memref<1x!tpu.dma_semaphore, #tpu.memory_space<semaphore_mem>> -> memref<!tpu.dma_semaphore, #tpu.memory_space<semaphore_mem>>
      tpu.wait_indirect_dma semaphore(%dma_wait3A_145 : memref<!tpu.dma_semaphore, #tpu.memory_space<semaphore_mem>>) src(%dma_wait3A_137 : memref<256x32xf32, #tpu.memory_space<vmem>>) dst(%dma_wait3A_143 : memref<10112x32xf32, #tpu.memory_space<vmem_shared>>)
      %dma_wait3A_146 = arith.constant 3 : i32
      %dma_wait3A_147 = arith.constant 39 : i32
      %dma_wait3A_148 = arith.constant 3 : i32
      %dma_wait3A_149 = arith.constant 0 : i32
      %dma_wait3A_150 = arith.constant 0 : i32
      %dma_wait3A_151 = tpu.memref_slice %arg9[%dma_wait3A_146, %dma_wait3A_149, %dma_wait3A_150] : memref<4x256x32xf32, #tpu.memory_space<vmem>> -> memref<1x256x32xf32, #tpu.memory_space<vmem>>
      %dma_wait3A_152 = tpu.memref_squeeze %dma_wait3A_151 : memref<1x256x32xf32, #tpu.memory_space<vmem>> -> memref<256x32xf32, #tpu.memory_space<vmem>>
      %dma_wait3A_153 = arith.constant 0 : i32
      %dma_wait3A_154 = tpu.memref_slice %arg8[%dma_wait3A_147, %dma_wait3A_153] : memref<40x256xi32, #tpu.memory_space<vmem>> -> memref<1x256xi32, #tpu.memory_space<vmem>>
      %dma_wait3A_155 = tpu.memref_squeeze %dma_wait3A_154 : memref<1x256xi32, #tpu.memory_space<vmem>> -> memref<256xi32, #tpu.memory_space<vmem>>
      %dma_wait3A_156 = arith.constant 0 : i32
      %dma_wait3A_157 = arith.constant 0 : i32
      %dma_wait3A_158 = tpu.memref_slice %arg11[%dma_wait3A_156, %dma_wait3A_157] : memref<10112x32xf32, #tpu.memory_space<vmem_shared>> -> memref<10112x32xf32, #tpu.memory_space<vmem_shared>>
      %dma_wait3A_159 = tpu.memref_slice %arg13[%dma_wait3A_148] : memref<4x!tpu.dma_semaphore, #tpu.memory_space<semaphore_mem>> -> memref<1x!tpu.dma_semaphore, #tpu.memory_space<semaphore_mem>>
      %dma_wait3A_160 = tpu.memref_squeeze %dma_wait3A_159 : memref<1x!tpu.dma_semaphore, #tpu.memory_space<semaphore_mem>> -> memref<!tpu.dma_semaphore, #tpu.memory_space<semaphore_mem>>
      tpu.wait_indirect_dma semaphore(%dma_wait3A_160 : memref<!tpu.dma_semaphore, #tpu.memory_space<semaphore_mem>>) src(%dma_wait3A_152 : memref<256x32xf32, #tpu.memory_space<vmem>>) dst(%dma_wait3A_158 : memref<10112x32xf32, #tpu.memory_space<vmem_shared>>)
    } else {
    }
    %barrier3A_27 = arith.constant 0 : index
    tpu.barrier barrier_id(%barrier3A_27)
    %lt3A_28 = arith.constant 15 : i32
    %lt3A_29 = arith.cmpi slt, %arg1, %lt3A_28 : i32
    %convert_element_type3A_30 = arith.extui %lt3A_29 : i1 to i32
    %cond3A_31 = arith.constant 0 : i32
    %cond3A_32 = arith.cmpi ne, %convert_element_type3A_30, %cond3A_31 : i32
    scf.if %cond3A_32 {
      "tpu.region"() ({
        %run_scoped3A = tpu.sem_alloc : memref<!tpu.dma_semaphore, #tpu.memory_space<semaphore_mem>>
        %dma_start3A = arith.constant 0 : i32
        %dma_start3A_38 = arith.constant 0 : i32
        %dma_start3A_39 = tpu.memref_slice %arg6[%arg0, %dma_start3A, %dma_start3A_38] : memref<2x10000x32xf32, #tpu.memory_space<hbm>> -> memref<1x10000x32xf32, #tpu.memory_space<hbm>>
        %dma_start3A_40 = tpu.memref_squeeze %dma_start3A_39 : memref<1x10000x32xf32, #tpu.memory_space<hbm>> -> memref<10000x32xf32, #tpu.memory_space<hbm>>
        %dma_start3A_41 = arith.constant 0 : i32
        %dma_start3A_42 = tpu.memref_slice %dma_start3A_40[%mul3A_0, %dma_start3A_41] : memref<10000x32xf32, #tpu.memory_space<hbm>> -> memref<632x32xf32, #tpu.memory_space<hbm>>
        %dma_start3A_43 = arith.constant 0 : i32
        %dma_start3A_44 = tpu.memref_slice %arg11[%mul3A_0, %dma_start3A_43] : memref<10112x32xf32, #tpu.memory_space<vmem_shared>> -> memref<632x32xf32, #tpu.memory_space<vmem_shared>>
        tpu.enqueue_dma source(%dma_start3A_44 : memref<632x32xf32, #tpu.memory_space<vmem_shared>>) target(%dma_start3A_42 : memref<632x32xf32, #tpu.memory_space<hbm>>) target_semaphore(%run_scoped3A : memref<!tpu.dma_semaphore, #tpu.memory_space<semaphore_mem>>)
        %dma_wait3A = arith.constant 0 : i32
        %dma_wait3A_45 = arith.constant 0 : i32
        %dma_wait3A_46 = tpu.memref_slice %arg6[%arg0, %dma_wait3A, %dma_wait3A_45] : memref<2x10000x32xf32, #tpu.memory_space<hbm>> -> memref<1x10000x32xf32, #tpu.memory_space<hbm>>
        %dma_wait3A_47 = tpu.memref_squeeze %dma_wait3A_46 : memref<1x10000x32xf32, #tpu.memory_space<hbm>> -> memref<10000x32xf32, #tpu.memory_space<hbm>>
        %dma_wait3A_48 = arith.constant 0 : i32
        %dma_wait3A_49 = tpu.memref_slice %dma_wait3A_47[%mul3A_0, %dma_wait3A_48] : memref<10000x32xf32, #tpu.memory_space<hbm>> -> memref<632x32xf32, #tpu.memory_space<hbm>>
        %dma_wait3A_50 = arith.constant 0 : i32
        %dma_wait3A_51 = tpu.memref_slice %arg11[%mul3A_0, %dma_wait3A_50] : memref<10112x32xf32, #tpu.memory_space<vmem_shared>> -> memref<632x32xf32, #tpu.memory_space<vmem_shared>>
        tpu.wait_dma2 semaphore(%run_scoped3A : memref<!tpu.dma_semaphore, #tpu.memory_space<semaphore_mem>>) src(%dma_wait3A_51 : memref<632x32xf32, #tpu.memory_space<vmem_shared>>) dst(%dma_wait3A_49 : memref<632x32xf32, #tpu.memory_space<hbm>>)
        tpu.yield
      }) : () -> ()
    } else {
    }
    %eq3A_33 = arith.constant 15 : i32
    %eq3A_34 = arith.cmpi eq, %arg1, %eq3A_33 : i32
    %convert_element_type3A_35 = arith.extui %eq3A_34 : i1 to i32
    %cond3A_36 = arith.constant 0 : i32
    %cond3A_37 = arith.cmpi ne, %convert_element_type3A_35, %cond3A_36 : i32
    scf.if %cond3A_37 {
      "tpu.region"() ({
        %run_scoped3A = tpu.sem_alloc : memref<!tpu.dma_semaphore, #tpu.memory_space<semaphore_mem>>
        %dma_start3A = arith.constant 0 : i32
        %dma_start3A_38 = arith.constant 0 : i32
        %dma_start3A_39 = tpu.memref_slice %arg6[%arg0, %dma_start3A, %dma_start3A_38] : memref<2x10000x32xf32, #tpu.memory_space<hbm>> -> memref<1x10000x32xf32, #tpu.memory_space<hbm>>
        %dma_start3A_40 = tpu.memref_squeeze %dma_start3A_39 : memref<1x10000x32xf32, #tpu.memory_space<hbm>> -> memref<10000x32xf32, #tpu.memory_space<hbm>>
        %dma_start3A_41 = arith.constant 9480 : i32
        %dma_start3A_42 = arith.constant 0 : i32
        %dma_start3A_43 = tpu.memref_slice %dma_start3A_40[%dma_start3A_41, %dma_start3A_42] : memref<10000x32xf32, #tpu.memory_space<hbm>> -> memref<520x32xf32, #tpu.memory_space<hbm>>
        %dma_start3A_44 = arith.constant 9480 : i32
        %dma_start3A_45 = arith.constant 0 : i32
        %dma_start3A_46 = tpu.memref_slice %arg11[%dma_start3A_44, %dma_start3A_45] : memref<10112x32xf32, #tpu.memory_space<vmem_shared>> -> memref<520x32xf32, #tpu.memory_space<vmem_shared>>
        tpu.enqueue_dma source(%dma_start3A_46 : memref<520x32xf32, #tpu.memory_space<vmem_shared>>) target(%dma_start3A_43 : memref<520x32xf32, #tpu.memory_space<hbm>>) target_semaphore(%run_scoped3A : memref<!tpu.dma_semaphore, #tpu.memory_space<semaphore_mem>>)
        %dma_wait3A = arith.constant 0 : i32
        %dma_wait3A_47 = arith.constant 0 : i32
        %dma_wait3A_48 = tpu.memref_slice %arg6[%arg0, %dma_wait3A, %dma_wait3A_47] : memref<2x10000x32xf32, #tpu.memory_space<hbm>> -> memref<1x10000x32xf32, #tpu.memory_space<hbm>>
        %dma_wait3A_49 = tpu.memref_squeeze %dma_wait3A_48 : memref<1x10000x32xf32, #tpu.memory_space<hbm>> -> memref<10000x32xf32, #tpu.memory_space<hbm>>
        %dma_wait3A_50 = arith.constant 9480 : i32
        %dma_wait3A_51 = arith.constant 0 : i32
        %dma_wait3A_52 = tpu.memref_slice %dma_wait3A_49[%dma_wait3A_50, %dma_wait3A_51] : memref<10000x32xf32, #tpu.memory_space<hbm>> -> memref<520x32xf32, #tpu.memory_space<hbm>>
        %dma_wait3A_53 = arith.constant 9480 : i32
        %dma_wait3A_54 = arith.constant 0 : i32
        %dma_wait3A_55 = tpu.memref_slice %arg11[%dma_wait3A_53, %dma_wait3A_54] : memref<10112x32xf32, #tpu.memory_space<vmem_shared>> -> memref<520x32xf32, #tpu.memory_space<vmem_shared>>
        tpu.wait_dma2 semaphore(%run_scoped3A : memref<!tpu.dma_semaphore, #tpu.memory_space<semaphore_mem>>) src(%dma_wait3A_55 : memref<520x32xf32, #tpu.memory_space<vmem_shared>>) dst(%dma_wait3A_52 : memref<520x32xf32, #tpu.memory_space<hbm>>)
        tpu.yield
      }) : () -> ()
    } else {
    }
    return
  }
}

#map = affine_map<(d0, d1) -> (0, 0)>
#map1 = affine_map<(d0, d1) -> (0, 0, 0)>
module attributes {stable_mosaic.version = 14 : i64} {
  func.func @_edge_pass_body(%arg0: i32, %arg1: i32, %arg2: memref<1280x256xi32, #tpu.memory_space<hbm>>, %arg3: memref<1280x256xi32, #tpu.memory_space<hbm>>, %arg4: memref<10000x32xf32, #tpu.memory_space<hbm>>, %arg5: memref<10112x32xf32, #tpu.memory_space<hbm>>, %arg6: memref<2x10000x32xf32, #tpu.memory_space<hbm>>, %arg7: memref<40x256xi32, #tpu.memory_space<vmem>>, %arg8: memref<40x256xi32, #tpu.memory_space<vmem>>, %arg9: memref<4x256x32xf32, #tpu.memory_space<vmem>>, %arg10: memref<10112x32xf32, #tpu.memory_space<vmem_shared>>, %arg11: memref<10112x32xf32, #tpu.memory_space<vmem_shared>>, %arg12: memref<4x!tpu.dma_semaphore, #tpu.memory_space<semaphore_mem>>, %arg13: memref<4x!tpu.dma_semaphore, #tpu.memory_space<semaphore_mem>>) attributes {dimension_semantics = [#tpu.dimension_semantics<core_parallel>, #tpu.dimension_semantics<subcore_parallel>], iteration_bounds = array<i64: 2, 16>, scalar_prefetch = 0 : i64, scratch_operands = 7 : i64, tpu.core_type = #tpu.core_type<sc_vector_subcore>, window_params = [{transform_indices = #map}, {transform_indices = #map}, {transform_indices = #map}, {transform_indices = #map}, {transform_indices = #map1}]} {
    %mul3A = arith.constant 632 : i32
    %mul3A_0 = arith.muli %arg1, %mul3A : i32
    "tpu.region"() ({
      %run_scoped3A = tpu.sem_alloc : memref<!tpu.dma_semaphore, #tpu.memory_space<semaphore_mem>>
      %dma_start3A = arith.constant 0 : i32
      %dma_start3A_38 = tpu.memref_slice %arg11[%mul3A_0, %dma_start3A] : memref<10112x32xf32, #tpu.memory_space<vmem_shared>> -> memref<632x32xf32, #tpu.memory_space<vmem_shared>>
      %dma_start3A_39 = arith.constant 0 : i32
      %dma_start3A_40 = tpu.memref_slice %arg5[%mul3A_0, %dma_start3A_39] : memref<10112x32xf32, #tpu.memory_space<hbm>> -> memref<632x32xf32, #tpu.memory_space<hbm>>
      tpu.enqueue_dma source(%dma_start3A_40 : memref<632x32xf32, #tpu.memory_space<hbm>>) target(%dma_start3A_38 : memref<632x32xf32, #tpu.memory_space<vmem_shared>>) target_semaphore(%run_scoped3A : memref<!tpu.dma_semaphore, #tpu.memory_space<semaphore_mem>>)
      %dma_wait3A = arith.constant 0 : i32
      %dma_wait3A_41 = tpu.memref_slice %arg11[%mul3A_0, %dma_wait3A] : memref<10112x32xf32, #tpu.memory_space<vmem_shared>> -> memref<632x32xf32, #tpu.memory_space<vmem_shared>>
      %dma_wait3A_42 = arith.constant 0 : i32
      %dma_wait3A_43 = tpu.memref_slice %arg5[%mul3A_0, %dma_wait3A_42] : memref<10112x32xf32, #tpu.memory_space<hbm>> -> memref<632x32xf32, #tpu.memory_space<hbm>>
      tpu.wait_dma2 semaphore(%run_scoped3A : memref<!tpu.dma_semaphore, #tpu.memory_space<semaphore_mem>>) src(%dma_wait3A_43 : memref<632x32xf32, #tpu.memory_space<hbm>>) dst(%dma_wait3A_41 : memref<632x32xf32, #tpu.memory_space<vmem_shared>>)
      tpu.yield
    }) : () -> ()
    %lt3A = arith.constant 15 : i32
    %lt3A_1 = arith.cmpi slt, %arg1, %lt3A : i32
    %convert_element_type3A = arith.extui %lt3A_1 : i1 to i32
    %cond3A = arith.constant 0 : i32
    %cond3A_2 = arith.cmpi ne, %convert_element_type3A, %cond3A : i32
    scf.if %cond3A_2 {
      "tpu.region"() ({
        %run_scoped3A = tpu.sem_alloc : memref<!tpu.dma_semaphore, #tpu.memory_space<semaphore_mem>>
        %dma_start3A = arith.constant 0 : i32
        %dma_start3A_38 = tpu.memref_slice %arg10[%mul3A_0, %dma_start3A] : memref<10112x32xf32, #tpu.memory_space<vmem_shared>> -> memref<632x32xf32, #tpu.memory_space<vmem_shared>>
        %dma_start3A_39 = arith.constant 0 : i32
        %dma_start3A_40 = tpu.memref_slice %arg4[%mul3A_0, %dma_start3A_39] : memref<10000x32xf32, #tpu.memory_space<hbm>> -> memref<632x32xf32, #tpu.memory_space<hbm>>
        tpu.enqueue_dma source(%dma_start3A_40 : memref<632x32xf32, #tpu.memory_space<hbm>>) target(%dma_start3A_38 : memref<632x32xf32, #tpu.memory_space<vmem_shared>>) target_semaphore(%run_scoped3A : memref<!tpu.dma_semaphore, #tpu.memory_space<semaphore_mem>>)
        %dma_wait3A = arith.constant 0 : i32
        %dma_wait3A_41 = tpu.memref_slice %arg10[%mul3A_0, %dma_wait3A] : memref<10112x32xf32, #tpu.memory_space<vmem_shared>> -> memref<632x32xf32, #tpu.memory_space<vmem_shared>>
        %dma_wait3A_42 = arith.constant 0 : i32
        %dma_wait3A_43 = tpu.memref_slice %arg4[%mul3A_0, %dma_wait3A_42] : memref<10000x32xf32, #tpu.memory_space<hbm>> -> memref<632x32xf32, #tpu.memory_space<hbm>>
        tpu.wait_dma2 semaphore(%run_scoped3A : memref<!tpu.dma_semaphore, #tpu.memory_space<semaphore_mem>>) src(%dma_wait3A_43 : memref<632x32xf32, #tpu.memory_space<hbm>>) dst(%dma_wait3A_41 : memref<632x32xf32, #tpu.memory_space<vmem_shared>>)
        tpu.yield
      }) : () -> ()
    } else {
    }
    %eq3A = arith.constant 15 : i32
    %eq3A_3 = arith.cmpi eq, %arg1, %eq3A : i32
    %convert_element_type3A_4 = arith.extui %eq3A_3 : i1 to i32
    %cond3A_5 = arith.constant 0 : i32
    %cond3A_6 = arith.cmpi ne, %convert_element_type3A_4, %cond3A_5 : i32
    scf.if %cond3A_6 {
      "tpu.region"() ({
        %run_scoped3A = tpu.sem_alloc : memref<!tpu.dma_semaphore, #tpu.memory_space<semaphore_mem>>
        %dma_start3A = arith.constant 9480 : i32
        %dma_start3A_38 = arith.constant 0 : i32
        %dma_start3A_39 = tpu.memref_slice %arg10[%dma_start3A, %dma_start3A_38] : memref<10112x32xf32, #tpu.memory_space<vmem_shared>> -> memref<520x32xf32, #tpu.memory_space<vmem_shared>>
        %dma_start3A_40 = arith.constant 9480 : i32
        %dma_start3A_41 = arith.constant 0 : i32
        %dma_start3A_42 = tpu.memref_slice %arg4[%dma_start3A_40, %dma_start3A_41] : memref<10000x32xf32, #tpu.memory_space<hbm>> -> memref<520x32xf32, #tpu.memory_space<hbm>>
        tpu.enqueue_dma source(%dma_start3A_42 : memref<520x32xf32, #tpu.memory_space<hbm>>) target(%dma_start3A_39 : memref<520x32xf32, #tpu.memory_space<vmem_shared>>) target_semaphore(%run_scoped3A : memref<!tpu.dma_semaphore, #tpu.memory_space<semaphore_mem>>)
        %dma_wait3A = arith.constant 9480 : i32
        %dma_wait3A_43 = arith.constant 0 : i32
        %dma_wait3A_44 = tpu.memref_slice %arg10[%dma_wait3A, %dma_wait3A_43] : memref<10112x32xf32, #tpu.memory_space<vmem_shared>> -> memref<520x32xf32, #tpu.memory_space<vmem_shared>>
        %dma_wait3A_45 = arith.constant 9480 : i32
        %dma_wait3A_46 = arith.constant 0 : i32
        %dma_wait3A_47 = tpu.memref_slice %arg4[%dma_wait3A_45, %dma_wait3A_46] : memref<10000x32xf32, #tpu.memory_space<hbm>> -> memref<520x32xf32, #tpu.memory_space<hbm>>
        tpu.wait_dma2 semaphore(%run_scoped3A : memref<!tpu.dma_semaphore, #tpu.memory_space<semaphore_mem>>) src(%dma_wait3A_47 : memref<520x32xf32, #tpu.memory_space<hbm>>) dst(%dma_wait3A_44 : memref<520x32xf32, #tpu.memory_space<vmem_shared>>)
        tpu.yield
      }) : () -> ()
    } else {
    }
    %eq3A_7 = arith.constant 0 : i32
    %eq3A_8 = arith.cmpi eq, %arg0, %eq3A_7 : i32
    %convert_element_type3A_9 = arith.extui %eq3A_8 : i1 to i32
    %cond3A_10 = arith.constant 0 : i32
    %cond3A_11 = arith.cmpi ne, %convert_element_type3A_9, %cond3A_10 : i32
    scf.if %cond3A_11 {
      %mul3A_38 = arith.constant 80 : i32
      %mul3A_39 = arith.muli %arg1, %mul3A_38 : i32
      "tpu.region"() ({
        %run_scoped3A = tpu.sem_alloc : memref<!tpu.dma_semaphore, #tpu.memory_space<semaphore_mem>>
        %dma_start3A = arith.constant 0 : i32
        %dma_start3A_40 = arith.constant 0 : i32
        %dma_start3A_41 = tpu.memref_slice %arg7[%dma_start3A, %dma_start3A_40] : memref<40x256xi32, #tpu.memory_space<vmem>> -> memref<40x256xi32, #tpu.memory_space<vmem>>
        %dma_start3A_42 = arith.constant 0 : i32
        %dma_start3A_43 = tpu.memref_slice %arg2[%mul3A_39, %dma_start3A_42] : memref<1280x256xi32, #tpu.memory_space<hbm>> -> memref<40x256xi32, #tpu.memory_space<hbm>>
        %dma_start3A_44 = arith.constant 0 : i32
        %dma_start3A_45 = arith.constant 0 : i32
        %dma_start3A_46 = tpu.memref_slice %arg7[%dma_start3A_44, %dma_start3A_45] : memref<40x256xi32, #tpu.memory_space<vmem>> -> memref<40x256xi32, #tpu.memory_space<vmem>>
        %dma_start3A_47 = arith.constant 0 : i32
        %dma_start3A_48 = tpu.memref_slice %arg2[%mul3A_39, %dma_start3A_47] : memref<1280x256xi32, #tpu.memory_space<hbm>> -> memref<40x256xi32, #tpu.memory_space<hbm>>
        tpu.enqueue_dma source(%dma_start3A_48 : memref<40x256xi32, #tpu.memory_space<hbm>>) target(%dma_start3A_46 : memref<40x256xi32, #tpu.memory_space<vmem>>) target_semaphore(%run_scoped3A : memref<!tpu.dma_semaphore, #tpu.memory_space<semaphore_mem>>)
        %dma_wait3A = arith.constant 0 : i32
        %dma_wait3A_49 = arith.constant 0 : i32
        %dma_wait3A_50 = tpu.memref_slice %arg7[%dma_wait3A, %dma_wait3A_49] : memref<40x256xi32, #tpu.memory_space<vmem>> -> memref<40x256xi32, #tpu.memory_space<vmem>>
        %dma_wait3A_51 = arith.constant 0 : i32
        %dma_wait3A_52 = tpu.memref_slice %arg2[%mul3A_39, %dma_wait3A_51] : memref<1280x256xi32, #tpu.memory_space<hbm>> -> memref<40x256xi32, #tpu.memory_space<hbm>>
        %dma_wait3A_53 = arith.constant 0 : i32
        %dma_wait3A_54 = arith.constant 0 : i32
        %dma_wait3A_55 = tpu.memref_slice %arg7[%dma_wait3A_53, %dma_wait3A_54] : memref<40x256xi32, #tpu.memory_space<vmem>> -> memref<40x256xi32, #tpu.memory_space<vmem>>
        %dma_wait3A_56 = arith.constant 0 : i32
        %dma_wait3A_57 = tpu.memref_slice %arg2[%mul3A_39, %dma_wait3A_56] : memref<1280x256xi32, #tpu.memory_space<hbm>> -> memref<40x256xi32, #tpu.memory_space<hbm>>
        tpu.wait_dma2 semaphore(%run_scoped3A : memref<!tpu.dma_semaphore, #tpu.memory_space<semaphore_mem>>) src(%dma_wait3A_57 : memref<40x256xi32, #tpu.memory_space<hbm>>) dst(%dma_wait3A_55 : memref<40x256xi32, #tpu.memory_space<vmem>>)
        tpu.yield
      }) : () -> ()
      "tpu.region"() ({
        %run_scoped3A = tpu.sem_alloc : memref<!tpu.dma_semaphore, #tpu.memory_space<semaphore_mem>>
        %dma_start3A = arith.constant 0 : i32
        %dma_start3A_40 = arith.constant 0 : i32
        %dma_start3A_41 = tpu.memref_slice %arg8[%dma_start3A, %dma_start3A_40] : memref<40x256xi32, #tpu.memory_space<vmem>> -> memref<40x256xi32, #tpu.memory_space<vmem>>
        %dma_start3A_42 = arith.constant 0 : i32
        %dma_start3A_43 = tpu.memref_slice %arg3[%mul3A_39, %dma_start3A_42] : memref<1280x256xi32, #tpu.memory_space<hbm>> -> memref<40x256xi32, #tpu.memory_space<hbm>>
        %dma_start3A_44 = arith.constant 0 : i32
        %dma_start3A_45 = arith.constant 0 : i32
        %dma_start3A_46 = tpu.memref_slice %arg8[%dma_start3A_44, %dma_start3A_45] : memref<40x256xi32, #tpu.memory_space<vmem>> -> memref<40x256xi32, #tpu.memory_space<vmem>>
        %dma_start3A_47 = arith.constant 0 : i32
        %dma_start3A_48 = tpu.memref_slice %arg3[%mul3A_39, %dma_start3A_47] : memref<1280x256xi32, #tpu.memory_space<hbm>> -> memref<40x256xi32, #tpu.memory_space<hbm>>
        tpu.enqueue_dma source(%dma_start3A_48 : memref<40x256xi32, #tpu.memory_space<hbm>>) target(%dma_start3A_46 : memref<40x256xi32, #tpu.memory_space<vmem>>) target_semaphore(%run_scoped3A : memref<!tpu.dma_semaphore, #tpu.memory_space<semaphore_mem>>)
        %dma_wait3A = arith.constant 0 : i32
        %dma_wait3A_49 = arith.constant 0 : i32
        %dma_wait3A_50 = tpu.memref_slice %arg8[%dma_wait3A, %dma_wait3A_49] : memref<40x256xi32, #tpu.memory_space<vmem>> -> memref<40x256xi32, #tpu.memory_space<vmem>>
        %dma_wait3A_51 = arith.constant 0 : i32
        %dma_wait3A_52 = tpu.memref_slice %arg3[%mul3A_39, %dma_wait3A_51] : memref<1280x256xi32, #tpu.memory_space<hbm>> -> memref<40x256xi32, #tpu.memory_space<hbm>>
        %dma_wait3A_53 = arith.constant 0 : i32
        %dma_wait3A_54 = arith.constant 0 : i32
        %dma_wait3A_55 = tpu.memref_slice %arg8[%dma_wait3A_53, %dma_wait3A_54] : memref<40x256xi32, #tpu.memory_space<vmem>> -> memref<40x256xi32, #tpu.memory_space<vmem>>
        %dma_wait3A_56 = arith.constant 0 : i32
        %dma_wait3A_57 = tpu.memref_slice %arg3[%mul3A_39, %dma_wait3A_56] : memref<1280x256xi32, #tpu.memory_space<hbm>> -> memref<40x256xi32, #tpu.memory_space<hbm>>
        tpu.wait_dma2 semaphore(%run_scoped3A : memref<!tpu.dma_semaphore, #tpu.memory_space<semaphore_mem>>) src(%dma_wait3A_57 : memref<40x256xi32, #tpu.memory_space<hbm>>) dst(%dma_wait3A_55 : memref<40x256xi32, #tpu.memory_space<vmem>>)
        tpu.yield
      }) : () -> ()
    } else {
    }
    %eq3A_12 = arith.constant 1 : i32
    %eq3A_13 = arith.cmpi eq, %arg0, %eq3A_12 : i32
    %convert_element_type3A_14 = arith.extui %eq3A_13 : i1 to i32
    %cond3A_15 = arith.constant 0 : i32
    %cond3A_16 = arith.cmpi ne, %convert_element_type3A_14, %cond3A_15 : i32
    scf.if %cond3A_16 {
      %mul3A_38 = arith.constant 80 : i32
      %mul3A_39 = arith.muli %arg1, %mul3A_38 : i32
      %add3A = arith.constant 40 : i32
      %add3A_40 = arith.addi %mul3A_39, %add3A : i32
      "tpu.region"() ({
        %run_scoped3A = tpu.sem_alloc : memref<!tpu.dma_semaphore, #tpu.memory_space<semaphore_mem>>
        %dma_start3A = arith.constant 0 : i32
        %dma_start3A_41 = arith.constant 0 : i32
        %dma_start3A_42 = tpu.memref_slice %arg7[%dma_start3A, %dma_start3A_41] : memref<40x256xi32, #tpu.memory_space<vmem>> -> memref<40x256xi32, #tpu.memory_space<vmem>>
        %dma_start3A_43 = arith.constant 0 : i32
        %dma_start3A_44 = tpu.memref_slice %arg2[%add3A_40, %dma_start3A_43] : memref<1280x256xi32, #tpu.memory_space<hbm>> -> memref<40x256xi32, #tpu.memory_space<hbm>>
        %dma_start3A_45 = arith.constant 0 : i32
        %dma_start3A_46 = arith.constant 0 : i32
        %dma_start3A_47 = tpu.memref_slice %arg7[%dma_start3A_45, %dma_start3A_46] : memref<40x256xi32, #tpu.memory_space<vmem>> -> memref<40x256xi32, #tpu.memory_space<vmem>>
        %dma_start3A_48 = arith.constant 0 : i32
        %dma_start3A_49 = tpu.memref_slice %arg2[%add3A_40, %dma_start3A_48] : memref<1280x256xi32, #tpu.memory_space<hbm>> -> memref<40x256xi32, #tpu.memory_space<hbm>>
        tpu.enqueue_dma source(%dma_start3A_49 : memref<40x256xi32, #tpu.memory_space<hbm>>) target(%dma_start3A_47 : memref<40x256xi32, #tpu.memory_space<vmem>>) target_semaphore(%run_scoped3A : memref<!tpu.dma_semaphore, #tpu.memory_space<semaphore_mem>>)
        %dma_wait3A = arith.constant 0 : i32
        %dma_wait3A_50 = arith.constant 0 : i32
        %dma_wait3A_51 = tpu.memref_slice %arg7[%dma_wait3A, %dma_wait3A_50] : memref<40x256xi32, #tpu.memory_space<vmem>> -> memref<40x256xi32, #tpu.memory_space<vmem>>
        %dma_wait3A_52 = arith.constant 0 : i32
        %dma_wait3A_53 = tpu.memref_slice %arg2[%add3A_40, %dma_wait3A_52] : memref<1280x256xi32, #tpu.memory_space<hbm>> -> memref<40x256xi32, #tpu.memory_space<hbm>>
        %dma_wait3A_54 = arith.constant 0 : i32
        %dma_wait3A_55 = arith.constant 0 : i32
        %dma_wait3A_56 = tpu.memref_slice %arg7[%dma_wait3A_54, %dma_wait3A_55] : memref<40x256xi32, #tpu.memory_space<vmem>> -> memref<40x256xi32, #tpu.memory_space<vmem>>
        %dma_wait3A_57 = arith.constant 0 : i32
        %dma_wait3A_58 = tpu.memref_slice %arg2[%add3A_40, %dma_wait3A_57] : memref<1280x256xi32, #tpu.memory_space<hbm>> -> memref<40x256xi32, #tpu.memory_space<hbm>>
        tpu.wait_dma2 semaphore(%run_scoped3A : memref<!tpu.dma_semaphore, #tpu.memory_space<semaphore_mem>>) src(%dma_wait3A_58 : memref<40x256xi32, #tpu.memory_space<hbm>>) dst(%dma_wait3A_56 : memref<40x256xi32, #tpu.memory_space<vmem>>)
        tpu.yield
      }) : () -> ()
      "tpu.region"() ({
        %run_scoped3A = tpu.sem_alloc : memref<!tpu.dma_semaphore, #tpu.memory_space<semaphore_mem>>
        %dma_start3A = arith.constant 0 : i32
        %dma_start3A_41 = arith.constant 0 : i32
        %dma_start3A_42 = tpu.memref_slice %arg8[%dma_start3A, %dma_start3A_41] : memref<40x256xi32, #tpu.memory_space<vmem>> -> memref<40x256xi32, #tpu.memory_space<vmem>>
        %dma_start3A_43 = arith.constant 0 : i32
        %dma_start3A_44 = tpu.memref_slice %arg3[%add3A_40, %dma_start3A_43] : memref<1280x256xi32, #tpu.memory_space<hbm>> -> memref<40x256xi32, #tpu.memory_space<hbm>>
        %dma_start3A_45 = arith.constant 0 : i32
        %dma_start3A_46 = arith.constant 0 : i32
        %dma_start3A_47 = tpu.memref_slice %arg8[%dma_start3A_45, %dma_start3A_46] : memref<40x256xi32, #tpu.memory_space<vmem>> -> memref<40x256xi32, #tpu.memory_space<vmem>>
        %dma_start3A_48 = arith.constant 0 : i32
        %dma_start3A_49 = tpu.memref_slice %arg3[%add3A_40, %dma_start3A_48] : memref<1280x256xi32, #tpu.memory_space<hbm>> -> memref<40x256xi32, #tpu.memory_space<hbm>>
        tpu.enqueue_dma source(%dma_start3A_49 : memref<40x256xi32, #tpu.memory_space<hbm>>) target(%dma_start3A_47 : memref<40x256xi32, #tpu.memory_space<vmem>>) target_semaphore(%run_scoped3A : memref<!tpu.dma_semaphore, #tpu.memory_space<semaphore_mem>>)
        %dma_wait3A = arith.constant 0 : i32
        %dma_wait3A_50 = arith.constant 0 : i32
        %dma_wait3A_51 = tpu.memref_slice %arg8[%dma_wait3A, %dma_wait3A_50] : memref<40x256xi32, #tpu.memory_space<vmem>> -> memref<40x256xi32, #tpu.memory_space<vmem>>
        %dma_wait3A_52 = arith.constant 0 : i32
        %dma_wait3A_53 = tpu.memref_slice %arg3[%add3A_40, %dma_wait3A_52] : memref<1280x256xi32, #tpu.memory_space<hbm>> -> memref<40x256xi32, #tpu.memory_space<hbm>>
        %dma_wait3A_54 = arith.constant 0 : i32
        %dma_wait3A_55 = arith.constant 0 : i32
        %dma_wait3A_56 = tpu.memref_slice %arg8[%dma_wait3A_54, %dma_wait3A_55] : memref<40x256xi32, #tpu.memory_space<vmem>> -> memref<40x256xi32, #tpu.memory_space<vmem>>
        %dma_wait3A_57 = arith.constant 0 : i32
        %dma_wait3A_58 = tpu.memref_slice %arg3[%add3A_40, %dma_wait3A_57] : memref<1280x256xi32, #tpu.memory_space<hbm>> -> memref<40x256xi32, #tpu.memory_space<hbm>>
        tpu.wait_dma2 semaphore(%run_scoped3A : memref<!tpu.dma_semaphore, #tpu.memory_space<semaphore_mem>>) src(%dma_wait3A_58 : memref<40x256xi32, #tpu.memory_space<hbm>>) dst(%dma_wait3A_56 : memref<40x256xi32, #tpu.memory_space<vmem>>)
        tpu.yield
      }) : () -> ()
    } else {
    }
    %barrier3A = arith.constant 0 : index
    tpu.barrier barrier_id(%barrier3A)
    %eq3A_17 = arith.constant 0 : i32
    %eq3A_18 = arith.cmpi eq, %arg0, %eq3A_17 : i32
    %convert_element_type3A_19 = arith.extui %eq3A_18 : i1 to i32
    %cond3A_20 = arith.constant 0 : i32
    %cond3A_21 = arith.cmpi ne, %convert_element_type3A_19, %cond3A_20 : i32
    scf.if %cond3A_21 {
      %dma_start3A = arith.constant 0 : i32
      %dma_start3A_38 = arith.constant 0 : i32
      %dma_start3A_39 = arith.constant 0 : i32
      %dma_start3A_40 = arith.constant 0 : i32
      %dma_start3A_41 = arith.constant 0 : i32
      %dma_start3A_42 = tpu.memref_slice %arg9[%dma_start3A_38, %dma_start3A_40, %dma_start3A_41] : memref<4x256x32xf32, #tpu.memory_space<vmem>> -> memref<1x256x32xf32, #tpu.memory_space<vmem>>
      %dma_start3A_43 = tpu.memref_squeeze %dma_start3A_42 : memref<1x256x32xf32, #tpu.memory_space<vmem>> -> memref<256x32xf32, #tpu.memory_space<vmem>>
      %dma_start3A_44 = arith.constant 0 : i32
      %dma_start3A_45 = tpu.memref_slice %arg7[%dma_start3A, %dma_start3A_44] : memref<40x256xi32, #tpu.memory_space<vmem>> -> memref<1x256xi32, #tpu.memory_space<vmem>>
      %dma_start3A_46 = tpu.memref_squeeze %dma_start3A_45 : memref<1x256xi32, #tpu.memory_space<vmem>> -> memref<256xi32, #tpu.memory_space<vmem>>
      %dma_start3A_47 = arith.constant 0 : i32
      %dma_start3A_48 = arith.constant 0 : i32
      %dma_start3A_49 = tpu.memref_slice %arg10[%dma_start3A_47, %dma_start3A_48] : memref<10112x32xf32, #tpu.memory_space<vmem_shared>> -> memref<10112x32xf32, #tpu.memory_space<vmem_shared>>
      %dma_start3A_50 = tpu.memref_slice %arg12[%dma_start3A_39] : memref<4x!tpu.dma_semaphore, #tpu.memory_space<semaphore_mem>> -> memref<1x!tpu.dma_semaphore, #tpu.memory_space<semaphore_mem>>
      %dma_start3A_51 = tpu.memref_squeeze %dma_start3A_50 : memref<1x!tpu.dma_semaphore, #tpu.memory_space<semaphore_mem>> -> memref<!tpu.dma_semaphore, #tpu.memory_space<semaphore_mem>>
      tpu.enqueue_indirect_dma source(%dma_start3A_49 : memref<10112x32xf32, #tpu.memory_space<vmem_shared>>) target(%dma_start3A_43 : memref<256x32xf32, #tpu.memory_space<vmem>>) offsets(%dma_start3A_46 : memref<256xi32, #tpu.memory_space<vmem>>) semaphore(%dma_start3A_51 : memref<!tpu.dma_semaphore, #tpu.memory_space<semaphore_mem>>)
      %dma_start3A_52 = arith.constant 1 : i32
      %dma_start3A_53 = arith.constant 1 : i32
      %dma_start3A_54 = arith.constant 1 : i32
      %dma_start3A_55 = arith.constant 0 : i32
      %dma_start3A_56 = arith.constant 0 : i32
      %dma_start3A_57 = tpu.memref_slice %arg9[%dma_start3A_53, %dma_start3A_55, %dma_start3A_56] : memref<4x256x32xf32, #tpu.memory_space<vmem>> -> memref<1x256x32xf32, #tpu.memory_space<vmem>>
      %dma_start3A_58 = tpu.memref_squeeze %dma_start3A_57 : memref<1x256x32xf32, #tpu.memory_space<vmem>> -> memref<256x32xf32, #tpu.memory_space<vmem>>
      %dma_start3A_59 = arith.constant 0 : i32
      %dma_start3A_60 = tpu.memref_slice %arg7[%dma_start3A_52, %dma_start3A_59] : memref<40x256xi32, #tpu.memory_space<vmem>> -> memref<1x256xi32, #tpu.memory_space<vmem>>
      %dma_start3A_61 = tpu.memref_squeeze %dma_start3A_60 : memref<1x256xi32, #tpu.memory_space<vmem>> -> memref<256xi32, #tpu.memory_space<vmem>>
      %dma_start3A_62 = arith.constant 0 : i32
      %dma_start3A_63 = arith.constant 0 : i32
      %dma_start3A_64 = tpu.memref_slice %arg10[%dma_start3A_62, %dma_start3A_63] : memref<10112x32xf32, #tpu.memory_space<vmem_shared>> -> memref<10112x32xf32, #tpu.memory_space<vmem_shared>>
      %dma_start3A_65 = tpu.memref_slice %arg12[%dma_start3A_54] : memref<4x!tpu.dma_semaphore, #tpu.memory_space<semaphore_mem>> -> memref<1x!tpu.dma_semaphore, #tpu.memory_space<semaphore_mem>>
      %dma_start3A_66 = tpu.memref_squeeze %dma_start3A_65 : memref<1x!tpu.dma_semaphore, #tpu.memory_space<semaphore_mem>> -> memref<!tpu.dma_semaphore, #tpu.memory_space<semaphore_mem>>
      tpu.enqueue_indirect_dma source(%dma_start3A_64 : memref<10112x32xf32, #tpu.memory_space<vmem_shared>>) target(%dma_start3A_58 : memref<256x32xf32, #tpu.memory_space<vmem>>) offsets(%dma_start3A_61 : memref<256xi32, #tpu.memory_space<vmem>>) semaphore(%dma_start3A_66 : memref<!tpu.dma_semaphore, #tpu.memory_space<semaphore_mem>>)
      %dma_start3A_67 = arith.constant 2 : i32
      %dma_start3A_68 = arith.constant 2 : i32
      %dma_start3A_69 = arith.constant 2 : i32
      %dma_start3A_70 = arith.constant 0 : i32
      %dma_start3A_71 = arith.constant 0 : i32
      %dma_start3A_72 = tpu.memref_slice %arg9[%dma_start3A_68, %dma_start3A_70, %dma_start3A_71] : memref<4x256x32xf32, #tpu.memory_space<vmem>> -> memref<1x256x32xf32, #tpu.memory_space<vmem>>
      %dma_start3A_73 = tpu.memref_squeeze %dma_start3A_72 : memref<1x256x32xf32, #tpu.memory_space<vmem>> -> memref<256x32xf32, #tpu.memory_space<vmem>>
      %dma_start3A_74 = arith.constant 0 : i32
      %dma_start3A_75 = tpu.memref_slice %arg7[%dma_start3A_67, %dma_start3A_74] : memref<40x256xi32, #tpu.memory_space<vmem>> -> memref<1x256xi32, #tpu.memory_space<vmem>>
      %dma_start3A_76 = tpu.memref_squeeze %dma_start3A_75 : memref<1x256xi32, #tpu.memory_space<vmem>> -> memref<256xi32, #tpu.memory_space<vmem>>
      %dma_start3A_77 = arith.constant 0 : i32
      %dma_start3A_78 = arith.constant 0 : i32
      %dma_start3A_79 = tpu.memref_slice %arg10[%dma_start3A_77, %dma_start3A_78] : memref<10112x32xf32, #tpu.memory_space<vmem_shared>> -> memref<10112x32xf32, #tpu.memory_space<vmem_shared>>
      %dma_start3A_80 = tpu.memref_slice %arg12[%dma_start3A_69] : memref<4x!tpu.dma_semaphore, #tpu.memory_space<semaphore_mem>> -> memref<1x!tpu.dma_semaphore, #tpu.memory_space<semaphore_mem>>
      %dma_start3A_81 = tpu.memref_squeeze %dma_start3A_80 : memref<1x!tpu.dma_semaphore, #tpu.memory_space<semaphore_mem>> -> memref<!tpu.dma_semaphore, #tpu.memory_space<semaphore_mem>>
      tpu.enqueue_indirect_dma source(%dma_start3A_79 : memref<10112x32xf32, #tpu.memory_space<vmem_shared>>) target(%dma_start3A_73 : memref<256x32xf32, #tpu.memory_space<vmem>>) offsets(%dma_start3A_76 : memref<256xi32, #tpu.memory_space<vmem>>) semaphore(%dma_start3A_81 : memref<!tpu.dma_semaphore, #tpu.memory_space<semaphore_mem>>)
      %dma_start3A_82 = arith.constant 3 : i32
      %dma_start3A_83 = arith.constant 3 : i32
      %dma_start3A_84 = arith.constant 3 : i32
      %dma_start3A_85 = arith.constant 0 : i32
      %dma_start3A_86 = arith.constant 0 : i32
      %dma_start3A_87 = tpu.memref_slice %arg9[%dma_start3A_83, %dma_start3A_85, %dma_start3A_86] : memref<4x256x32xf32, #tpu.memory_space<vmem>> -> memref<1x256x32xf32, #tpu.memory_space<vmem>>
      %dma_start3A_88 = tpu.memref_squeeze %dma_start3A_87 : memref<1x256x32xf32, #tpu.memory_space<vmem>> -> memref<256x32xf32, #tpu.memory_space<vmem>>
      %dma_start3A_89 = arith.constant 0 : i32
      %dma_start3A_90 = tpu.memref_slice %arg7[%dma_start3A_82, %dma_start3A_89] : memref<40x256xi32, #tpu.memory_space<vmem>> -> memref<1x256xi32, #tpu.memory_space<vmem>>
      %dma_start3A_91 = tpu.memref_squeeze %dma_start3A_90 : memref<1x256xi32, #tpu.memory_space<vmem>> -> memref<256xi32, #tpu.memory_space<vmem>>
      %dma_start3A_92 = arith.constant 0 : i32
      %dma_start3A_93 = arith.constant 0 : i32
      %dma_start3A_94 = tpu.memref_slice %arg10[%dma_start3A_92, %dma_start3A_93] : memref<10112x32xf32, #tpu.memory_space<vmem_shared>> -> memref<10112x32xf32, #tpu.memory_space<vmem_shared>>
      %dma_start3A_95 = tpu.memref_slice %arg12[%dma_start3A_84] : memref<4x!tpu.dma_semaphore, #tpu.memory_space<semaphore_mem>> -> memref<1x!tpu.dma_semaphore, #tpu.memory_space<semaphore_mem>>
      %dma_start3A_96 = tpu.memref_squeeze %dma_start3A_95 : memref<1x!tpu.dma_semaphore, #tpu.memory_space<semaphore_mem>> -> memref<!tpu.dma_semaphore, #tpu.memory_space<semaphore_mem>>
      tpu.enqueue_indirect_dma source(%dma_start3A_94 : memref<10112x32xf32, #tpu.memory_space<vmem_shared>>) target(%dma_start3A_88 : memref<256x32xf32, #tpu.memory_space<vmem>>) offsets(%dma_start3A_91 : memref<256xi32, #tpu.memory_space<vmem>>) semaphore(%dma_start3A_96 : memref<!tpu.dma_semaphore, #tpu.memory_space<semaphore_mem>>)
      %scan3A = arith.constant 0 : i32
      %scan3A_97 = arith.constant 0 : i32
      %scan3A_98 = arith.constant 10 : i32
      %scan3A_99 = arith.addi %scan3A_97, %scan3A_98 : i32
      %scan3A_100 = arith.constant 1 : i32
      scf.for %scan3A_161 = %scan3A_97 to %scan3A_99 step %scan3A_100  : i32 {
        %mul3A_162 = arith.constant 4 : i32
        %mul3A_163 = arith.muli %scan3A_161, %mul3A_162 : i32
        %add3A = arith.constant 0 : i32
        %add3A_164 = arith.addi %mul3A_163, %add3A : i32
        %dma_wait3A_165 = arith.constant 0 : i32
        %dma_wait3A_166 = arith.constant 0 : i32
        %dma_wait3A_167 = arith.constant 0 : i32
        %dma_wait3A_168 = arith.constant 0 : i32
        %dma_wait3A_169 = tpu.memref_slice %arg9[%dma_wait3A_165, %dma_wait3A_167, %dma_wait3A_168] : memref<4x256x32xf32, #tpu.memory_space<vmem>> -> memref<1x256x32xf32, #tpu.memory_space<vmem>>
        %dma_wait3A_170 = tpu.memref_squeeze %dma_wait3A_169 : memref<1x256x32xf32, #tpu.memory_space<vmem>> -> memref<256x32xf32, #tpu.memory_space<vmem>>
        %dma_wait3A_171 = arith.constant 0 : i32
        %dma_wait3A_172 = tpu.memref_slice %arg7[%add3A_164, %dma_wait3A_171] : memref<40x256xi32, #tpu.memory_space<vmem>> -> memref<1x256xi32, #tpu.memory_space<vmem>>
        %dma_wait3A_173 = tpu.memref_squeeze %dma_wait3A_172 : memref<1x256xi32, #tpu.memory_space<vmem>> -> memref<256xi32, #tpu.memory_space<vmem>>
        %dma_wait3A_174 = arith.constant 0 : i32
        %dma_wait3A_175 = arith.constant 0 : i32
        %dma_wait3A_176 = tpu.memref_slice %arg10[%dma_wait3A_174, %dma_wait3A_175] : memref<10112x32xf32, #tpu.memory_space<vmem_shared>> -> memref<10112x32xf32, #tpu.memory_space<vmem_shared>>
        %dma_wait3A_177 = tpu.memref_slice %arg12[%dma_wait3A_166] : memref<4x!tpu.dma_semaphore, #tpu.memory_space<semaphore_mem>> -> memref<1x!tpu.dma_semaphore, #tpu.memory_space<semaphore_mem>>
        %dma_wait3A_178 = tpu.memref_squeeze %dma_wait3A_177 : memref<1x!tpu.dma_semaphore, #tpu.memory_space<semaphore_mem>> -> memref<!tpu.dma_semaphore, #tpu.memory_space<semaphore_mem>>
        tpu.wait_indirect_dma semaphore(%dma_wait3A_178 : memref<!tpu.dma_semaphore, #tpu.memory_space<semaphore_mem>>) src(%dma_wait3A_176 : memref<10112x32xf32, #tpu.memory_space<vmem_shared>>) dst(%dma_wait3A_170 : memref<256x32xf32, #tpu.memory_space<vmem>>)
        %dma_start3A_179 = arith.constant 0 : i32
        %dma_start3A_180 = arith.constant 0 : i32
        %dma_start3A_181 = arith.constant 0 : i32
        %dma_start3A_182 = arith.constant 0 : i32
        %dma_start3A_183 = tpu.memref_slice %arg9[%dma_start3A_179, %dma_start3A_181, %dma_start3A_182] : memref<4x256x32xf32, #tpu.memory_space<vmem>> -> memref<1x256x32xf32, #tpu.memory_space<vmem>>
        %dma_start3A_184 = tpu.memref_squeeze %dma_start3A_183 : memref<1x256x32xf32, #tpu.memory_space<vmem>> -> memref<256x32xf32, #tpu.memory_space<vmem>>
        %dma_start3A_185 = arith.constant 0 : i32
        %dma_start3A_186 = tpu.memref_slice %arg8[%add3A_164, %dma_start3A_185] : memref<40x256xi32, #tpu.memory_space<vmem>> -> memref<1x256xi32, #tpu.memory_space<vmem>>
        %dma_start3A_187 = tpu.memref_squeeze %dma_start3A_186 : memref<1x256xi32, #tpu.memory_space<vmem>> -> memref<256xi32, #tpu.memory_space<vmem>>
        %dma_start3A_188 = arith.constant 0 : i32
        %dma_start3A_189 = arith.constant 0 : i32
        %dma_start3A_190 = tpu.memref_slice %arg11[%dma_start3A_188, %dma_start3A_189] : memref<10112x32xf32, #tpu.memory_space<vmem_shared>> -> memref<10112x32xf32, #tpu.memory_space<vmem_shared>>
        %dma_start3A_191 = tpu.memref_slice %arg13[%dma_start3A_180] : memref<4x!tpu.dma_semaphore, #tpu.memory_space<semaphore_mem>> -> memref<1x!tpu.dma_semaphore, #tpu.memory_space<semaphore_mem>>
        %dma_start3A_192 = tpu.memref_squeeze %dma_start3A_191 : memref<1x!tpu.dma_semaphore, #tpu.memory_space<semaphore_mem>> -> memref<!tpu.dma_semaphore, #tpu.memory_space<semaphore_mem>>
        tpu.enqueue_indirect_dma source(%dma_start3A_184 : memref<256x32xf32, #tpu.memory_space<vmem>>) target(%dma_start3A_190 : memref<10112x32xf32, #tpu.memory_space<vmem_shared>>) offsets(%dma_start3A_187 : memref<256xi32, #tpu.memory_space<vmem>>) semaphore(%dma_start3A_192 : memref<!tpu.dma_semaphore, #tpu.memory_space<semaphore_mem>>) {add = true}
        %lt3A_193 = arith.constant 9 : i32
        %lt3A_194 = arith.cmpi slt, %scan3A_161, %lt3A_193 : i32
        %convert_element_type3A_195 = arith.extui %lt3A_194 : i1 to i32
        %cond3A_196 = arith.constant 0 : i32
        %cond3A_197 = arith.cmpi ne, %convert_element_type3A_195, %cond3A_196 : i32
        scf.if %cond3A_197 {
          %dma_wait3A_309 = arith.constant 0 : i32
          %dma_wait3A_310 = arith.constant 0 : i32
          %dma_wait3A_311 = arith.constant 0 : i32
          %dma_wait3A_312 = arith.constant 0 : i32
          %dma_wait3A_313 = tpu.memref_slice %arg9[%dma_wait3A_309, %dma_wait3A_311, %dma_wait3A_312] : memref<4x256x32xf32, #tpu.memory_space<vmem>> -> memref<1x256x32xf32, #tpu.memory_space<vmem>>
          %dma_wait3A_314 = tpu.memref_squeeze %dma_wait3A_313 : memref<1x256x32xf32, #tpu.memory_space<vmem>> -> memref<256x32xf32, #tpu.memory_space<vmem>>
          %dma_wait3A_315 = arith.constant 0 : i32
          %dma_wait3A_316 = tpu.memref_slice %arg8[%add3A_164, %dma_wait3A_315] : memref<40x256xi32, #tpu.memory_space<vmem>> -> memref<1x256xi32, #tpu.memory_space<vmem>>
          %dma_wait3A_317 = tpu.memref_squeeze %dma_wait3A_316 : memref<1x256xi32, #tpu.memory_space<vmem>> -> memref<256xi32, #tpu.memory_space<vmem>>
          %dma_wait3A_318 = arith.constant 0 : i32
          %dma_wait3A_319 = arith.constant 0 : i32
          %dma_wait3A_320 = tpu.memref_slice %arg11[%dma_wait3A_318, %dma_wait3A_319] : memref<10112x32xf32, #tpu.memory_space<vmem_shared>> -> memref<10112x32xf32, #tpu.memory_space<vmem_shared>>
          %dma_wait3A_321 = tpu.memref_slice %arg13[%dma_wait3A_310] : memref<4x!tpu.dma_semaphore, #tpu.memory_space<semaphore_mem>> -> memref<1x!tpu.dma_semaphore, #tpu.memory_space<semaphore_mem>>
          %dma_wait3A_322 = tpu.memref_squeeze %dma_wait3A_321 : memref<1x!tpu.dma_semaphore, #tpu.memory_space<semaphore_mem>> -> memref<!tpu.dma_semaphore, #tpu.memory_space<semaphore_mem>>
          tpu.wait_indirect_dma semaphore(%dma_wait3A_322 : memref<!tpu.dma_semaphore, #tpu.memory_space<semaphore_mem>>) src(%dma_wait3A_314 : memref<256x32xf32, #tpu.memory_space<vmem>>) dst(%dma_wait3A_320 : memref<10112x32xf32, #tpu.memory_space<vmem_shared>>)
          %add3A_323 = arith.constant 4 : i32
          %add3A_324 = arith.addi %add3A_164, %add3A_323 : i32
          %dma_start3A_325 = arith.constant 0 : i32
          %dma_start3A_326 = arith.constant 0 : i32
          %dma_start3A_327 = arith.constant 0 : i32
          %dma_start3A_328 = arith.constant 0 : i32
          %dma_start3A_329 = tpu.memref_slice %arg9[%dma_start3A_325, %dma_start3A_327, %dma_start3A_328] : memref<4x256x32xf32, #tpu.memory_space<vmem>> -> memref<1x256x32xf32, #tpu.memory_space<vmem>>
          %dma_start3A_330 = tpu.memref_squeeze %dma_start3A_329 : memref<1x256x32xf32, #tpu.memory_space<vmem>> -> memref<256x32xf32, #tpu.memory_space<vmem>>
          %dma_start3A_331 = arith.constant 0 : i32
          %dma_start3A_332 = tpu.memref_slice %arg7[%add3A_324, %dma_start3A_331] : memref<40x256xi32, #tpu.memory_space<vmem>> -> memref<1x256xi32, #tpu.memory_space<vmem>>
          %dma_start3A_333 = tpu.memref_squeeze %dma_start3A_332 : memref<1x256xi32, #tpu.memory_space<vmem>> -> memref<256xi32, #tpu.memory_space<vmem>>
          %dma_start3A_334 = arith.constant 0 : i32
          %dma_start3A_335 = arith.constant 0 : i32
          %dma_start3A_336 = tpu.memref_slice %arg10[%dma_start3A_334, %dma_start3A_335] : memref<10112x32xf32, #tpu.memory_space<vmem_shared>> -> memref<10112x32xf32, #tpu.memory_space<vmem_shared>>
          %dma_start3A_337 = tpu.memref_slice %arg12[%dma_start3A_326] : memref<4x!tpu.dma_semaphore, #tpu.memory_space<semaphore_mem>> -> memref<1x!tpu.dma_semaphore, #tpu.memory_space<semaphore_mem>>
          %dma_start3A_338 = tpu.memref_squeeze %dma_start3A_337 : memref<1x!tpu.dma_semaphore, #tpu.memory_space<semaphore_mem>> -> memref<!tpu.dma_semaphore, #tpu.memory_space<semaphore_mem>>
          tpu.enqueue_indirect_dma source(%dma_start3A_336 : memref<10112x32xf32, #tpu.memory_space<vmem_shared>>) target(%dma_start3A_330 : memref<256x32xf32, #tpu.memory_space<vmem>>) offsets(%dma_start3A_333 : memref<256xi32, #tpu.memory_space<vmem>>) semaphore(%dma_start3A_338 : memref<!tpu.dma_semaphore, #tpu.memory_space<semaphore_mem>>)
        } else {
        }
        %mul3A_198 = arith.constant 4 : i32
        %mul3A_199 = arith.muli %scan3A_161, %mul3A_198 : i32
        %add3A_200 = arith.constant 1 : i32
        %add3A_201 = arith.addi %mul3A_199, %add3A_200 : i32
        %dma_wait3A_202 = arith.constant 1 : i32
        %dma_wait3A_203 = arith.constant 1 : i32
        %dma_wait3A_204 = arith.constant 0 : i32
        %dma_wait3A_205 = arith.constant 0 : i32
        %dma_wait3A_206 = tpu.memref_slice %arg9[%dma_wait3A_202, %dma_wait3A_204, %dma_wait3A_205] : memref<4x256x32xf32, #tpu.memory_space<vmem>> -> memref<1x256x32xf32, #tpu.memory_space<vmem>>
        %dma_wait3A_207 = tpu.memref_squeeze %dma_wait3A_206 : memref<1x256x32xf32, #tpu.memory_space<vmem>> -> memref<256x32xf32, #tpu.memory_space<vmem>>
        %dma_wait3A_208 = arith.constant 0 : i32
        %dma_wait3A_209 = tpu.memref_slice %arg7[%add3A_201, %dma_wait3A_208] : memref<40x256xi32, #tpu.memory_space<vmem>> -> memref<1x256xi32, #tpu.memory_space<vmem>>
        %dma_wait3A_210 = tpu.memref_squeeze %dma_wait3A_209 : memref<1x256xi32, #tpu.memory_space<vmem>> -> memref<256xi32, #tpu.memory_space<vmem>>
        %dma_wait3A_211 = arith.constant 0 : i32
        %dma_wait3A_212 = arith.constant 0 : i32
        %dma_wait3A_213 = tpu.memref_slice %arg10[%dma_wait3A_211, %dma_wait3A_212] : memref<10112x32xf32, #tpu.memory_space<vmem_shared>> -> memref<10112x32xf32, #tpu.memory_space<vmem_shared>>
        %dma_wait3A_214 = tpu.memref_slice %arg12[%dma_wait3A_203] : memref<4x!tpu.dma_semaphore, #tpu.memory_space<semaphore_mem>> -> memref<1x!tpu.dma_semaphore, #tpu.memory_space<semaphore_mem>>
        %dma_wait3A_215 = tpu.memref_squeeze %dma_wait3A_214 : memref<1x!tpu.dma_semaphore, #tpu.memory_space<semaphore_mem>> -> memref<!tpu.dma_semaphore, #tpu.memory_space<semaphore_mem>>
        tpu.wait_indirect_dma semaphore(%dma_wait3A_215 : memref<!tpu.dma_semaphore, #tpu.memory_space<semaphore_mem>>) src(%dma_wait3A_213 : memref<10112x32xf32, #tpu.memory_space<vmem_shared>>) dst(%dma_wait3A_207 : memref<256x32xf32, #tpu.memory_space<vmem>>)
        %dma_start3A_216 = arith.constant 1 : i32
        %dma_start3A_217 = arith.constant 1 : i32
        %dma_start3A_218 = arith.constant 0 : i32
        %dma_start3A_219 = arith.constant 0 : i32
        %dma_start3A_220 = tpu.memref_slice %arg9[%dma_start3A_216, %dma_start3A_218, %dma_start3A_219] : memref<4x256x32xf32, #tpu.memory_space<vmem>> -> memref<1x256x32xf32, #tpu.memory_space<vmem>>
        %dma_start3A_221 = tpu.memref_squeeze %dma_start3A_220 : memref<1x256x32xf32, #tpu.memory_space<vmem>> -> memref<256x32xf32, #tpu.memory_space<vmem>>
        %dma_start3A_222 = arith.constant 0 : i32
        %dma_start3A_223 = tpu.memref_slice %arg8[%add3A_201, %dma_start3A_222] : memref<40x256xi32, #tpu.memory_space<vmem>> -> memref<1x256xi32, #tpu.memory_space<vmem>>
        %dma_start3A_224 = tpu.memref_squeeze %dma_start3A_223 : memref<1x256xi32, #tpu.memory_space<vmem>> -> memref<256xi32, #tpu.memory_space<vmem>>
        %dma_start3A_225 = arith.constant 0 : i32
        %dma_start3A_226 = arith.constant 0 : i32
        %dma_start3A_227 = tpu.memref_slice %arg11[%dma_start3A_225, %dma_start3A_226] : memref<10112x32xf32, #tpu.memory_space<vmem_shared>> -> memref<10112x32xf32, #tpu.memory_space<vmem_shared>>
        %dma_start3A_228 = tpu.memref_slice %arg13[%dma_start3A_217] : memref<4x!tpu.dma_semaphore, #tpu.memory_space<semaphore_mem>> -> memref<1x!tpu.dma_semaphore, #tpu.memory_space<semaphore_mem>>
        %dma_start3A_229 = tpu.memref_squeeze %dma_start3A_228 : memref<1x!tpu.dma_semaphore, #tpu.memory_space<semaphore_mem>> -> memref<!tpu.dma_semaphore, #tpu.memory_space<semaphore_mem>>
        tpu.enqueue_indirect_dma source(%dma_start3A_221 : memref<256x32xf32, #tpu.memory_space<vmem>>) target(%dma_start3A_227 : memref<10112x32xf32, #tpu.memory_space<vmem_shared>>) offsets(%dma_start3A_224 : memref<256xi32, #tpu.memory_space<vmem>>) semaphore(%dma_start3A_229 : memref<!tpu.dma_semaphore, #tpu.memory_space<semaphore_mem>>) {add = true}
        %lt3A_230 = arith.constant 9 : i32
        %lt3A_231 = arith.cmpi slt, %scan3A_161, %lt3A_230 : i32
        %convert_element_type3A_232 = arith.extui %lt3A_231 : i1 to i32
        %cond3A_233 = arith.constant 0 : i32
        %cond3A_234 = arith.cmpi ne, %convert_element_type3A_232, %cond3A_233 : i32
        scf.if %cond3A_234 {
          %dma_wait3A_309 = arith.constant 1 : i32
          %dma_wait3A_310 = arith.constant 1 : i32
          %dma_wait3A_311 = arith.constant 0 : i32
          %dma_wait3A_312 = arith.constant 0 : i32
          %dma_wait3A_313 = tpu.memref_slice %arg9[%dma_wait3A_309, %dma_wait3A_311, %dma_wait3A_312] : memref<4x256x32xf32, #tpu.memory_space<vmem>> -> memref<1x256x32xf32, #tpu.memory_space<vmem>>
          %dma_wait3A_314 = tpu.memref_squeeze %dma_wait3A_313 : memref<1x256x32xf32, #tpu.memory_space<vmem>> -> memref<256x32xf32, #tpu.memory_space<vmem>>
          %dma_wait3A_315 = arith.constant 0 : i32
          %dma_wait3A_316 = tpu.memref_slice %arg8[%add3A_201, %dma_wait3A_315] : memref<40x256xi32, #tpu.memory_space<vmem>> -> memref<1x256xi32, #tpu.memory_space<vmem>>
          %dma_wait3A_317 = tpu.memref_squeeze %dma_wait3A_316 : memref<1x256xi32, #tpu.memory_space<vmem>> -> memref<256xi32, #tpu.memory_space<vmem>>
          %dma_wait3A_318 = arith.constant 0 : i32
          %dma_wait3A_319 = arith.constant 0 : i32
          %dma_wait3A_320 = tpu.memref_slice %arg11[%dma_wait3A_318, %dma_wait3A_319] : memref<10112x32xf32, #tpu.memory_space<vmem_shared>> -> memref<10112x32xf32, #tpu.memory_space<vmem_shared>>
          %dma_wait3A_321 = tpu.memref_slice %arg13[%dma_wait3A_310] : memref<4x!tpu.dma_semaphore, #tpu.memory_space<semaphore_mem>> -> memref<1x!tpu.dma_semaphore, #tpu.memory_space<semaphore_mem>>
          %dma_wait3A_322 = tpu.memref_squeeze %dma_wait3A_321 : memref<1x!tpu.dma_semaphore, #tpu.memory_space<semaphore_mem>> -> memref<!tpu.dma_semaphore, #tpu.memory_space<semaphore_mem>>
          tpu.wait_indirect_dma semaphore(%dma_wait3A_322 : memref<!tpu.dma_semaphore, #tpu.memory_space<semaphore_mem>>) src(%dma_wait3A_314 : memref<256x32xf32, #tpu.memory_space<vmem>>) dst(%dma_wait3A_320 : memref<10112x32xf32, #tpu.memory_space<vmem_shared>>)
          %add3A_323 = arith.constant 4 : i32
          %add3A_324 = arith.addi %add3A_201, %add3A_323 : i32
          %dma_start3A_325 = arith.constant 1 : i32
          %dma_start3A_326 = arith.constant 1 : i32
          %dma_start3A_327 = arith.constant 0 : i32
          %dma_start3A_328 = arith.constant 0 : i32
          %dma_start3A_329 = tpu.memref_slice %arg9[%dma_start3A_325, %dma_start3A_327, %dma_start3A_328] : memref<4x256x32xf32, #tpu.memory_space<vmem>> -> memref<1x256x32xf32, #tpu.memory_space<vmem>>
          %dma_start3A_330 = tpu.memref_squeeze %dma_start3A_329 : memref<1x256x32xf32, #tpu.memory_space<vmem>> -> memref<256x32xf32, #tpu.memory_space<vmem>>
          %dma_start3A_331 = arith.constant 0 : i32
          %dma_start3A_332 = tpu.memref_slice %arg7[%add3A_324, %dma_start3A_331] : memref<40x256xi32, #tpu.memory_space<vmem>> -> memref<1x256xi32, #tpu.memory_space<vmem>>
          %dma_start3A_333 = tpu.memref_squeeze %dma_start3A_332 : memref<1x256xi32, #tpu.memory_space<vmem>> -> memref<256xi32, #tpu.memory_space<vmem>>
          %dma_start3A_334 = arith.constant 0 : i32
          %dma_start3A_335 = arith.constant 0 : i32
          %dma_start3A_336 = tpu.memref_slice %arg10[%dma_start3A_334, %dma_start3A_335] : memref<10112x32xf32, #tpu.memory_space<vmem_shared>> -> memref<10112x32xf32, #tpu.memory_space<vmem_shared>>
          %dma_start3A_337 = tpu.memref_slice %arg12[%dma_start3A_326] : memref<4x!tpu.dma_semaphore, #tpu.memory_space<semaphore_mem>> -> memref<1x!tpu.dma_semaphore, #tpu.memory_space<semaphore_mem>>
          %dma_start3A_338 = tpu.memref_squeeze %dma_start3A_337 : memref<1x!tpu.dma_semaphore, #tpu.memory_space<semaphore_mem>> -> memref<!tpu.dma_semaphore, #tpu.memory_space<semaphore_mem>>
          tpu.enqueue_indirect_dma source(%dma_start3A_336 : memref<10112x32xf32, #tpu.memory_space<vmem_shared>>) target(%dma_start3A_330 : memref<256x32xf32, #tpu.memory_space<vmem>>) offsets(%dma_start3A_333 : memref<256xi32, #tpu.memory_space<vmem>>) semaphore(%dma_start3A_338 : memref<!tpu.dma_semaphore, #tpu.memory_space<semaphore_mem>>)
        } else {
        }
        %mul3A_235 = arith.constant 4 : i32
        %mul3A_236 = arith.muli %scan3A_161, %mul3A_235 : i32
        %add3A_237 = arith.constant 2 : i32
        %add3A_238 = arith.addi %mul3A_236, %add3A_237 : i32
        %dma_wait3A_239 = arith.constant 2 : i32
        %dma_wait3A_240 = arith.constant 2 : i32
        %dma_wait3A_241 = arith.constant 0 : i32
        %dma_wait3A_242 = arith.constant 0 : i32
        %dma_wait3A_243 = tpu.memref_slice %arg9[%dma_wait3A_239, %dma_wait3A_241, %dma_wait3A_242] : memref<4x256x32xf32, #tpu.memory_space<vmem>> -> memref<1x256x32xf32, #tpu.memory_space<vmem>>
        %dma_wait3A_244 = tpu.memref_squeeze %dma_wait3A_243 : memref<1x256x32xf32, #tpu.memory_space<vmem>> -> memref<256x32xf32, #tpu.memory_space<vmem>>
        %dma_wait3A_245 = arith.constant 0 : i32
        %dma_wait3A_246 = tpu.memref_slice %arg7[%add3A_238, %dma_wait3A_245] : memref<40x256xi32, #tpu.memory_space<vmem>> -> memref<1x256xi32, #tpu.memory_space<vmem>>
        %dma_wait3A_247 = tpu.memref_squeeze %dma_wait3A_246 : memref<1x256xi32, #tpu.memory_space<vmem>> -> memref<256xi32, #tpu.memory_space<vmem>>
        %dma_wait3A_248 = arith.constant 0 : i32
        %dma_wait3A_249 = arith.constant 0 : i32
        %dma_wait3A_250 = tpu.memref_slice %arg10[%dma_wait3A_248, %dma_wait3A_249] : memref<10112x32xf32, #tpu.memory_space<vmem_shared>> -> memref<10112x32xf32, #tpu.memory_space<vmem_shared>>
        %dma_wait3A_251 = tpu.memref_slice %arg12[%dma_wait3A_240] : memref<4x!tpu.dma_semaphore, #tpu.memory_space<semaphore_mem>> -> memref<1x!tpu.dma_semaphore, #tpu.memory_space<semaphore_mem>>
        %dma_wait3A_252 = tpu.memref_squeeze %dma_wait3A_251 : memref<1x!tpu.dma_semaphore, #tpu.memory_space<semaphore_mem>> -> memref<!tpu.dma_semaphore, #tpu.memory_space<semaphore_mem>>
        tpu.wait_indirect_dma semaphore(%dma_wait3A_252 : memref<!tpu.dma_semaphore, #tpu.memory_space<semaphore_mem>>) src(%dma_wait3A_250 : memref<10112x32xf32, #tpu.memory_space<vmem_shared>>) dst(%dma_wait3A_244 : memref<256x32xf32, #tpu.memory_space<vmem>>)
        %dma_start3A_253 = arith.constant 2 : i32
        %dma_start3A_254 = arith.constant 2 : i32
        %dma_start3A_255 = arith.constant 0 : i32
        %dma_start3A_256 = arith.constant 0 : i32
        %dma_start3A_257 = tpu.memref_slice %arg9[%dma_start3A_253, %dma_start3A_255, %dma_start3A_256] : memref<4x256x32xf32, #tpu.memory_space<vmem>> -> memref<1x256x32xf32, #tpu.memory_space<vmem>>
        %dma_start3A_258 = tpu.memref_squeeze %dma_start3A_257 : memref<1x256x32xf32, #tpu.memory_space<vmem>> -> memref<256x32xf32, #tpu.memory_space<vmem>>
        %dma_start3A_259 = arith.constant 0 : i32
        %dma_start3A_260 = tpu.memref_slice %arg8[%add3A_238, %dma_start3A_259] : memref<40x256xi32, #tpu.memory_space<vmem>> -> memref<1x256xi32, #tpu.memory_space<vmem>>
        %dma_start3A_261 = tpu.memref_squeeze %dma_start3A_260 : memref<1x256xi32, #tpu.memory_space<vmem>> -> memref<256xi32, #tpu.memory_space<vmem>>
        %dma_start3A_262 = arith.constant 0 : i32
        %dma_start3A_263 = arith.constant 0 : i32
        %dma_start3A_264 = tpu.memref_slice %arg11[%dma_start3A_262, %dma_start3A_263] : memref<10112x32xf32, #tpu.memory_space<vmem_shared>> -> memref<10112x32xf32, #tpu.memory_space<vmem_shared>>
        %dma_start3A_265 = tpu.memref_slice %arg13[%dma_start3A_254] : memref<4x!tpu.dma_semaphore, #tpu.memory_space<semaphore_mem>> -> memref<1x!tpu.dma_semaphore, #tpu.memory_space<semaphore_mem>>
        %dma_start3A_266 = tpu.memref_squeeze %dma_start3A_265 : memref<1x!tpu.dma_semaphore, #tpu.memory_space<semaphore_mem>> -> memref<!tpu.dma_semaphore, #tpu.memory_space<semaphore_mem>>
        tpu.enqueue_indirect_dma source(%dma_start3A_258 : memref<256x32xf32, #tpu.memory_space<vmem>>) target(%dma_start3A_264 : memref<10112x32xf32, #tpu.memory_space<vmem_shared>>) offsets(%dma_start3A_261 : memref<256xi32, #tpu.memory_space<vmem>>) semaphore(%dma_start3A_266 : memref<!tpu.dma_semaphore, #tpu.memory_space<semaphore_mem>>) {add = true}
        %lt3A_267 = arith.constant 9 : i32
        %lt3A_268 = arith.cmpi slt, %scan3A_161, %lt3A_267 : i32
        %convert_element_type3A_269 = arith.extui %lt3A_268 : i1 to i32
        %cond3A_270 = arith.constant 0 : i32
        %cond3A_271 = arith.cmpi ne, %convert_element_type3A_269, %cond3A_270 : i32
        scf.if %cond3A_271 {
          %dma_wait3A_309 = arith.constant 2 : i32
          %dma_wait3A_310 = arith.constant 2 : i32
          %dma_wait3A_311 = arith.constant 0 : i32
          %dma_wait3A_312 = arith.constant 0 : i32
          %dma_wait3A_313 = tpu.memref_slice %arg9[%dma_wait3A_309, %dma_wait3A_311, %dma_wait3A_312] : memref<4x256x32xf32, #tpu.memory_space<vmem>> -> memref<1x256x32xf32, #tpu.memory_space<vmem>>
          %dma_wait3A_314 = tpu.memref_squeeze %dma_wait3A_313 : memref<1x256x32xf32, #tpu.memory_space<vmem>> -> memref<256x32xf32, #tpu.memory_space<vmem>>
          %dma_wait3A_315 = arith.constant 0 : i32
          %dma_wait3A_316 = tpu.memref_slice %arg8[%add3A_238, %dma_wait3A_315] : memref<40x256xi32, #tpu.memory_space<vmem>> -> memref<1x256xi32, #tpu.memory_space<vmem>>
          %dma_wait3A_317 = tpu.memref_squeeze %dma_wait3A_316 : memref<1x256xi32, #tpu.memory_space<vmem>> -> memref<256xi32, #tpu.memory_space<vmem>>
          %dma_wait3A_318 = arith.constant 0 : i32
          %dma_wait3A_319 = arith.constant 0 : i32
          %dma_wait3A_320 = tpu.memref_slice %arg11[%dma_wait3A_318, %dma_wait3A_319] : memref<10112x32xf32, #tpu.memory_space<vmem_shared>> -> memref<10112x32xf32, #tpu.memory_space<vmem_shared>>
          %dma_wait3A_321 = tpu.memref_slice %arg13[%dma_wait3A_310] : memref<4x!tpu.dma_semaphore, #tpu.memory_space<semaphore_mem>> -> memref<1x!tpu.dma_semaphore, #tpu.memory_space<semaphore_mem>>
          %dma_wait3A_322 = tpu.memref_squeeze %dma_wait3A_321 : memref<1x!tpu.dma_semaphore, #tpu.memory_space<semaphore_mem>> -> memref<!tpu.dma_semaphore, #tpu.memory_space<semaphore_mem>>
          tpu.wait_indirect_dma semaphore(%dma_wait3A_322 : memref<!tpu.dma_semaphore, #tpu.memory_space<semaphore_mem>>) src(%dma_wait3A_314 : memref<256x32xf32, #tpu.memory_space<vmem>>) dst(%dma_wait3A_320 : memref<10112x32xf32, #tpu.memory_space<vmem_shared>>)
          %add3A_323 = arith.constant 4 : i32
          %add3A_324 = arith.addi %add3A_238, %add3A_323 : i32
          %dma_start3A_325 = arith.constant 2 : i32
          %dma_start3A_326 = arith.constant 2 : i32
          %dma_start3A_327 = arith.constant 0 : i32
          %dma_start3A_328 = arith.constant 0 : i32
          %dma_start3A_329 = tpu.memref_slice %arg9[%dma_start3A_325, %dma_start3A_327, %dma_start3A_328] : memref<4x256x32xf32, #tpu.memory_space<vmem>> -> memref<1x256x32xf32, #tpu.memory_space<vmem>>
          %dma_start3A_330 = tpu.memref_squeeze %dma_start3A_329 : memref<1x256x32xf32, #tpu.memory_space<vmem>> -> memref<256x32xf32, #tpu.memory_space<vmem>>
          %dma_start3A_331 = arith.constant 0 : i32
          %dma_start3A_332 = tpu.memref_slice %arg7[%add3A_324, %dma_start3A_331] : memref<40x256xi32, #tpu.memory_space<vmem>> -> memref<1x256xi32, #tpu.memory_space<vmem>>
          %dma_start3A_333 = tpu.memref_squeeze %dma_start3A_332 : memref<1x256xi32, #tpu.memory_space<vmem>> -> memref<256xi32, #tpu.memory_space<vmem>>
          %dma_start3A_334 = arith.constant 0 : i32
          %dma_start3A_335 = arith.constant 0 : i32
          %dma_start3A_336 = tpu.memref_slice %arg10[%dma_start3A_334, %dma_start3A_335] : memref<10112x32xf32, #tpu.memory_space<vmem_shared>> -> memref<10112x32xf32, #tpu.memory_space<vmem_shared>>
          %dma_start3A_337 = tpu.memref_slice %arg12[%dma_start3A_326] : memref<4x!tpu.dma_semaphore, #tpu.memory_space<semaphore_mem>> -> memref<1x!tpu.dma_semaphore, #tpu.memory_space<semaphore_mem>>
          %dma_start3A_338 = tpu.memref_squeeze %dma_start3A_337 : memref<1x!tpu.dma_semaphore, #tpu.memory_space<semaphore_mem>> -> memref<!tpu.dma_semaphore, #tpu.memory_space<semaphore_mem>>
          tpu.enqueue_indirect_dma source(%dma_start3A_336 : memref<10112x32xf32, #tpu.memory_space<vmem_shared>>) target(%dma_start3A_330 : memref<256x32xf32, #tpu.memory_space<vmem>>) offsets(%dma_start3A_333 : memref<256xi32, #tpu.memory_space<vmem>>) semaphore(%dma_start3A_338 : memref<!tpu.dma_semaphore, #tpu.memory_space<semaphore_mem>>)
        } else {
        }
        %mul3A_272 = arith.constant 4 : i32
        %mul3A_273 = arith.muli %scan3A_161, %mul3A_272 : i32
        %add3A_274 = arith.constant 3 : i32
        %add3A_275 = arith.addi %mul3A_273, %add3A_274 : i32
        %dma_wait3A_276 = arith.constant 3 : i32
        %dma_wait3A_277 = arith.constant 3 : i32
        %dma_wait3A_278 = arith.constant 0 : i32
        %dma_wait3A_279 = arith.constant 0 : i32
        %dma_wait3A_280 = tpu.memref_slice %arg9[%dma_wait3A_276, %dma_wait3A_278, %dma_wait3A_279] : memref<4x256x32xf32, #tpu.memory_space<vmem>> -> memref<1x256x32xf32, #tpu.memory_space<vmem>>
        %dma_wait3A_281 = tpu.memref_squeeze %dma_wait3A_280 : memref<1x256x32xf32, #tpu.memory_space<vmem>> -> memref<256x32xf32, #tpu.memory_space<vmem>>
        %dma_wait3A_282 = arith.constant 0 : i32
        %dma_wait3A_283 = tpu.memref_slice %arg7[%add3A_275, %dma_wait3A_282] : memref<40x256xi32, #tpu.memory_space<vmem>> -> memref<1x256xi32, #tpu.memory_space<vmem>>
        %dma_wait3A_284 = tpu.memref_squeeze %dma_wait3A_283 : memref<1x256xi32, #tpu.memory_space<vmem>> -> memref<256xi32, #tpu.memory_space<vmem>>
        %dma_wait3A_285 = arith.constant 0 : i32
        %dma_wait3A_286 = arith.constant 0 : i32
        %dma_wait3A_287 = tpu.memref_slice %arg10[%dma_wait3A_285, %dma_wait3A_286] : memref<10112x32xf32, #tpu.memory_space<vmem_shared>> -> memref<10112x32xf32, #tpu.memory_space<vmem_shared>>
        %dma_wait3A_288 = tpu.memref_slice %arg12[%dma_wait3A_277] : memref<4x!tpu.dma_semaphore, #tpu.memory_space<semaphore_mem>> -> memref<1x!tpu.dma_semaphore, #tpu.memory_space<semaphore_mem>>
        %dma_wait3A_289 = tpu.memref_squeeze %dma_wait3A_288 : memref<1x!tpu.dma_semaphore, #tpu.memory_space<semaphore_mem>> -> memref<!tpu.dma_semaphore, #tpu.memory_space<semaphore_mem>>
        tpu.wait_indirect_dma semaphore(%dma_wait3A_289 : memref<!tpu.dma_semaphore, #tpu.memory_space<semaphore_mem>>) src(%dma_wait3A_287 : memref<10112x32xf32, #tpu.memory_space<vmem_shared>>) dst(%dma_wait3A_281 : memref<256x32xf32, #tpu.memory_space<vmem>>)
        %dma_start3A_290 = arith.constant 3 : i32
        %dma_start3A_291 = arith.constant 3 : i32
        %dma_start3A_292 = arith.constant 0 : i32
        %dma_start3A_293 = arith.constant 0 : i32
        %dma_start3A_294 = tpu.memref_slice %arg9[%dma_start3A_290, %dma_start3A_292, %dma_start3A_293] : memref<4x256x32xf32, #tpu.memory_space<vmem>> -> memref<1x256x32xf32, #tpu.memory_space<vmem>>
        %dma_start3A_295 = tpu.memref_squeeze %dma_start3A_294 : memref<1x256x32xf32, #tpu.memory_space<vmem>> -> memref<256x32xf32, #tpu.memory_space<vmem>>
        %dma_start3A_296 = arith.constant 0 : i32
        %dma_start3A_297 = tpu.memref_slice %arg8[%add3A_275, %dma_start3A_296] : memref<40x256xi32, #tpu.memory_space<vmem>> -> memref<1x256xi32, #tpu.memory_space<vmem>>
        %dma_start3A_298 = tpu.memref_squeeze %dma_start3A_297 : memref<1x256xi32, #tpu.memory_space<vmem>> -> memref<256xi32, #tpu.memory_space<vmem>>
        %dma_start3A_299 = arith.constant 0 : i32
        %dma_start3A_300 = arith.constant 0 : i32
        %dma_start3A_301 = tpu.memref_slice %arg11[%dma_start3A_299, %dma_start3A_300] : memref<10112x32xf32, #tpu.memory_space<vmem_shared>> -> memref<10112x32xf32, #tpu.memory_space<vmem_shared>>
        %dma_start3A_302 = tpu.memref_slice %arg13[%dma_start3A_291] : memref<4x!tpu.dma_semaphore, #tpu.memory_space<semaphore_mem>> -> memref<1x!tpu.dma_semaphore, #tpu.memory_space<semaphore_mem>>
        %dma_start3A_303 = tpu.memref_squeeze %dma_start3A_302 : memref<1x!tpu.dma_semaphore, #tpu.memory_space<semaphore_mem>> -> memref<!tpu.dma_semaphore, #tpu.memory_space<semaphore_mem>>
        tpu.enqueue_indirect_dma source(%dma_start3A_295 : memref<256x32xf32, #tpu.memory_space<vmem>>) target(%dma_start3A_301 : memref<10112x32xf32, #tpu.memory_space<vmem_shared>>) offsets(%dma_start3A_298 : memref<256xi32, #tpu.memory_space<vmem>>) semaphore(%dma_start3A_303 : memref<!tpu.dma_semaphore, #tpu.memory_space<semaphore_mem>>) {add = true}
        %lt3A_304 = arith.constant 9 : i32
        %lt3A_305 = arith.cmpi slt, %scan3A_161, %lt3A_304 : i32
        %convert_element_type3A_306 = arith.extui %lt3A_305 : i1 to i32
        %cond3A_307 = arith.constant 0 : i32
        %cond3A_308 = arith.cmpi ne, %convert_element_type3A_306, %cond3A_307 : i32
        scf.if %cond3A_308 {
          %dma_wait3A_309 = arith.constant 3 : i32
          %dma_wait3A_310 = arith.constant 3 : i32
          %dma_wait3A_311 = arith.constant 0 : i32
          %dma_wait3A_312 = arith.constant 0 : i32
          %dma_wait3A_313 = tpu.memref_slice %arg9[%dma_wait3A_309, %dma_wait3A_311, %dma_wait3A_312] : memref<4x256x32xf32, #tpu.memory_space<vmem>> -> memref<1x256x32xf32, #tpu.memory_space<vmem>>
          %dma_wait3A_314 = tpu.memref_squeeze %dma_wait3A_313 : memref<1x256x32xf32, #tpu.memory_space<vmem>> -> memref<256x32xf32, #tpu.memory_space<vmem>>
          %dma_wait3A_315 = arith.constant 0 : i32
          %dma_wait3A_316 = tpu.memref_slice %arg8[%add3A_275, %dma_wait3A_315] : memref<40x256xi32, #tpu.memory_space<vmem>> -> memref<1x256xi32, #tpu.memory_space<vmem>>
          %dma_wait3A_317 = tpu.memref_squeeze %dma_wait3A_316 : memref<1x256xi32, #tpu.memory_space<vmem>> -> memref<256xi32, #tpu.memory_space<vmem>>
          %dma_wait3A_318 = arith.constant 0 : i32
          %dma_wait3A_319 = arith.constant 0 : i32
          %dma_wait3A_320 = tpu.memref_slice %arg11[%dma_wait3A_318, %dma_wait3A_319] : memref<10112x32xf32, #tpu.memory_space<vmem_shared>> -> memref<10112x32xf32, #tpu.memory_space<vmem_shared>>
          %dma_wait3A_321 = tpu.memref_slice %arg13[%dma_wait3A_310] : memref<4x!tpu.dma_semaphore, #tpu.memory_space<semaphore_mem>> -> memref<1x!tpu.dma_semaphore, #tpu.memory_space<semaphore_mem>>
          %dma_wait3A_322 = tpu.memref_squeeze %dma_wait3A_321 : memref<1x!tpu.dma_semaphore, #tpu.memory_space<semaphore_mem>> -> memref<!tpu.dma_semaphore, #tpu.memory_space<semaphore_mem>>
          tpu.wait_indirect_dma semaphore(%dma_wait3A_322 : memref<!tpu.dma_semaphore, #tpu.memory_space<semaphore_mem>>) src(%dma_wait3A_314 : memref<256x32xf32, #tpu.memory_space<vmem>>) dst(%dma_wait3A_320 : memref<10112x32xf32, #tpu.memory_space<vmem_shared>>)
          %add3A_323 = arith.constant 4 : i32
          %add3A_324 = arith.addi %add3A_275, %add3A_323 : i32
          %dma_start3A_325 = arith.constant 3 : i32
          %dma_start3A_326 = arith.constant 3 : i32
          %dma_start3A_327 = arith.constant 0 : i32
          %dma_start3A_328 = arith.constant 0 : i32
          %dma_start3A_329 = tpu.memref_slice %arg9[%dma_start3A_325, %dma_start3A_327, %dma_start3A_328] : memref<4x256x32xf32, #tpu.memory_space<vmem>> -> memref<1x256x32xf32, #tpu.memory_space<vmem>>
          %dma_start3A_330 = tpu.memref_squeeze %dma_start3A_329 : memref<1x256x32xf32, #tpu.memory_space<vmem>> -> memref<256x32xf32, #tpu.memory_space<vmem>>
          %dma_start3A_331 = arith.constant 0 : i32
          %dma_start3A_332 = tpu.memref_slice %arg7[%add3A_324, %dma_start3A_331] : memref<40x256xi32, #tpu.memory_space<vmem>> -> memref<1x256xi32, #tpu.memory_space<vmem>>
          %dma_start3A_333 = tpu.memref_squeeze %dma_start3A_332 : memref<1x256xi32, #tpu.memory_space<vmem>> -> memref<256xi32, #tpu.memory_space<vmem>>
          %dma_start3A_334 = arith.constant 0 : i32
          %dma_start3A_335 = arith.constant 0 : i32
          %dma_start3A_336 = tpu.memref_slice %arg10[%dma_start3A_334, %dma_start3A_335] : memref<10112x32xf32, #tpu.memory_space<vmem_shared>> -> memref<10112x32xf32, #tpu.memory_space<vmem_shared>>
          %dma_start3A_337 = tpu.memref_slice %arg12[%dma_start3A_326] : memref<4x!tpu.dma_semaphore, #tpu.memory_space<semaphore_mem>> -> memref<1x!tpu.dma_semaphore, #tpu.memory_space<semaphore_mem>>
          %dma_start3A_338 = tpu.memref_squeeze %dma_start3A_337 : memref<1x!tpu.dma_semaphore, #tpu.memory_space<semaphore_mem>> -> memref<!tpu.dma_semaphore, #tpu.memory_space<semaphore_mem>>
          tpu.enqueue_indirect_dma source(%dma_start3A_336 : memref<10112x32xf32, #tpu.memory_space<vmem_shared>>) target(%dma_start3A_330 : memref<256x32xf32, #tpu.memory_space<vmem>>) offsets(%dma_start3A_333 : memref<256xi32, #tpu.memory_space<vmem>>) semaphore(%dma_start3A_338 : memref<!tpu.dma_semaphore, #tpu.memory_space<semaphore_mem>>)
        } else {
        }
      }
      %scan3A_101 = arith.constant 10 : i32
      %dma_wait3A = arith.constant 0 : i32
      %dma_wait3A_102 = arith.constant 36 : i32
      %dma_wait3A_103 = arith.constant 0 : i32
      %dma_wait3A_104 = arith.constant 0 : i32
      %dma_wait3A_105 = arith.constant 0 : i32
      %dma_wait3A_106 = tpu.memref_slice %arg9[%dma_wait3A, %dma_wait3A_104, %dma_wait3A_105] : memref<4x256x32xf32, #tpu.memory_space<vmem>> -> memref<1x256x32xf32, #tpu.memory_space<vmem>>
      %dma_wait3A_107 = tpu.memref_squeeze %dma_wait3A_106 : memref<1x256x32xf32, #tpu.memory_space<vmem>> -> memref<256x32xf32, #tpu.memory_space<vmem>>
      %dma_wait3A_108 = arith.constant 0 : i32
      %dma_wait3A_109 = tpu.memref_slice %arg8[%dma_wait3A_102, %dma_wait3A_108] : memref<40x256xi32, #tpu.memory_space<vmem>> -> memref<1x256xi32, #tpu.memory_space<vmem>>
      %dma_wait3A_110 = tpu.memref_squeeze %dma_wait3A_109 : memref<1x256xi32, #tpu.memory_space<vmem>> -> memref<256xi32, #tpu.memory_space<vmem>>
      %dma_wait3A_111 = arith.constant 0 : i32
      %dma_wait3A_112 = arith.constant 0 : i32
      %dma_wait3A_113 = tpu.memref_slice %arg11[%dma_wait3A_111, %dma_wait3A_112] : memref<10112x32xf32, #tpu.memory_space<vmem_shared>> -> memref<10112x32xf32, #tpu.memory_space<vmem_shared>>
      %dma_wait3A_114 = tpu.memref_slice %arg13[%dma_wait3A_103] : memref<4x!tpu.dma_semaphore, #tpu.memory_space<semaphore_mem>> -> memref<1x!tpu.dma_semaphore, #tpu.memory_space<semaphore_mem>>
      %dma_wait3A_115 = tpu.memref_squeeze %dma_wait3A_114 : memref<1x!tpu.dma_semaphore, #tpu.memory_space<semaphore_mem>> -> memref<!tpu.dma_semaphore, #tpu.memory_space<semaphore_mem>>
      tpu.wait_indirect_dma semaphore(%dma_wait3A_115 : memref<!tpu.dma_semaphore, #tpu.memory_space<semaphore_mem>>) src(%dma_wait3A_107 : memref<256x32xf32, #tpu.memory_space<vmem>>) dst(%dma_wait3A_113 : memref<10112x32xf32, #tpu.memory_space<vmem_shared>>)
      %dma_wait3A_116 = arith.constant 1 : i32
      %dma_wait3A_117 = arith.constant 37 : i32
      %dma_wait3A_118 = arith.constant 1 : i32
      %dma_wait3A_119 = arith.constant 0 : i32
      %dma_wait3A_120 = arith.constant 0 : i32
      %dma_wait3A_121 = tpu.memref_slice %arg9[%dma_wait3A_116, %dma_wait3A_119, %dma_wait3A_120] : memref<4x256x32xf32, #tpu.memory_space<vmem>> -> memref<1x256x32xf32, #tpu.memory_space<vmem>>
      %dma_wait3A_122 = tpu.memref_squeeze %dma_wait3A_121 : memref<1x256x32xf32, #tpu.memory_space<vmem>> -> memref<256x32xf32, #tpu.memory_space<vmem>>
      %dma_wait3A_123 = arith.constant 0 : i32
      %dma_wait3A_124 = tpu.memref_slice %arg8[%dma_wait3A_117, %dma_wait3A_123] : memref<40x256xi32, #tpu.memory_space<vmem>> -> memref<1x256xi32, #tpu.memory_space<vmem>>
      %dma_wait3A_125 = tpu.memref_squeeze %dma_wait3A_124 : memref<1x256xi32, #tpu.memory_space<vmem>> -> memref<256xi32, #tpu.memory_space<vmem>>
      %dma_wait3A_126 = arith.constant 0 : i32
      %dma_wait3A_127 = arith.constant 0 : i32
      %dma_wait3A_128 = tpu.memref_slice %arg11[%dma_wait3A_126, %dma_wait3A_127] : memref<10112x32xf32, #tpu.memory_space<vmem_shared>> -> memref<10112x32xf32, #tpu.memory_space<vmem_shared>>
      %dma_wait3A_129 = tpu.memref_slice %arg13[%dma_wait3A_118] : memref<4x!tpu.dma_semaphore, #tpu.memory_space<semaphore_mem>> -> memref<1x!tpu.dma_semaphore, #tpu.memory_space<semaphore_mem>>
      %dma_wait3A_130 = tpu.memref_squeeze %dma_wait3A_129 : memref<1x!tpu.dma_semaphore, #tpu.memory_space<semaphore_mem>> -> memref<!tpu.dma_semaphore, #tpu.memory_space<semaphore_mem>>
      tpu.wait_indirect_dma semaphore(%dma_wait3A_130 : memref<!tpu.dma_semaphore, #tpu.memory_space<semaphore_mem>>) src(%dma_wait3A_122 : memref<256x32xf32, #tpu.memory_space<vmem>>) dst(%dma_wait3A_128 : memref<10112x32xf32, #tpu.memory_space<vmem_shared>>)
      %dma_wait3A_131 = arith.constant 2 : i32
      %dma_wait3A_132 = arith.constant 38 : i32
      %dma_wait3A_133 = arith.constant 2 : i32
      %dma_wait3A_134 = arith.constant 0 : i32
      %dma_wait3A_135 = arith.constant 0 : i32
      %dma_wait3A_136 = tpu.memref_slice %arg9[%dma_wait3A_131, %dma_wait3A_134, %dma_wait3A_135] : memref<4x256x32xf32, #tpu.memory_space<vmem>> -> memref<1x256x32xf32, #tpu.memory_space<vmem>>
      %dma_wait3A_137 = tpu.memref_squeeze %dma_wait3A_136 : memref<1x256x32xf32, #tpu.memory_space<vmem>> -> memref<256x32xf32, #tpu.memory_space<vmem>>
      %dma_wait3A_138 = arith.constant 0 : i32
      %dma_wait3A_139 = tpu.memref_slice %arg8[%dma_wait3A_132, %dma_wait3A_138] : memref<40x256xi32, #tpu.memory_space<vmem>> -> memref<1x256xi32, #tpu.memory_space<vmem>>
      %dma_wait3A_140 = tpu.memref_squeeze %dma_wait3A_139 : memref<1x256xi32, #tpu.memory_space<vmem>> -> memref<256xi32, #tpu.memory_space<vmem>>
      %dma_wait3A_141 = arith.constant 0 : i32
      %dma_wait3A_142 = arith.constant 0 : i32
      %dma_wait3A_143 = tpu.memref_slice %arg11[%dma_wait3A_141, %dma_wait3A_142] : memref<10112x32xf32, #tpu.memory_space<vmem_shared>> -> memref<10112x32xf32, #tpu.memory_space<vmem_shared>>
      %dma_wait3A_144 = tpu.memref_slice %arg13[%dma_wait3A_133] : memref<4x!tpu.dma_semaphore, #tpu.memory_space<semaphore_mem>> -> memref<1x!tpu.dma_semaphore, #tpu.memory_space<semaphore_mem>>
      %dma_wait3A_145 = tpu.memref_squeeze %dma_wait3A_144 : memref<1x!tpu.dma_semaphore, #tpu.memory_space<semaphore_mem>> -> memref<!tpu.dma_semaphore, #tpu.memory_space<semaphore_mem>>
      tpu.wait_indirect_dma semaphore(%dma_wait3A_145 : memref<!tpu.dma_semaphore, #tpu.memory_space<semaphore_mem>>) src(%dma_wait3A_137 : memref<256x32xf32, #tpu.memory_space<vmem>>) dst(%dma_wait3A_143 : memref<10112x32xf32, #tpu.memory_space<vmem_shared>>)
      %dma_wait3A_146 = arith.constant 3 : i32
      %dma_wait3A_147 = arith.constant 39 : i32
      %dma_wait3A_148 = arith.constant 3 : i32
      %dma_wait3A_149 = arith.constant 0 : i32
      %dma_wait3A_150 = arith.constant 0 : i32
      %dma_wait3A_151 = tpu.memref_slice %arg9[%dma_wait3A_146, %dma_wait3A_149, %dma_wait3A_150] : memref<4x256x32xf32, #tpu.memory_space<vmem>> -> memref<1x256x32xf32, #tpu.memory_space<vmem>>
      %dma_wait3A_152 = tpu.memref_squeeze %dma_wait3A_151 : memref<1x256x32xf32, #tpu.memory_space<vmem>> -> memref<256x32xf32, #tpu.memory_space<vmem>>
      %dma_wait3A_153 = arith.constant 0 : i32
      %dma_wait3A_154 = tpu.memref_slice %arg8[%dma_wait3A_147, %dma_wait3A_153] : memref<40x256xi32, #tpu.memory_space<vmem>> -> memref<1x256xi32, #tpu.memory_space<vmem>>
      %dma_wait3A_155 = tpu.memref_squeeze %dma_wait3A_154 : memref<1x256xi32, #tpu.memory_space<vmem>> -> memref<256xi32, #tpu.memory_space<vmem>>
      %dma_wait3A_156 = arith.constant 0 : i32
      %dma_wait3A_157 = arith.constant 0 : i32
      %dma_wait3A_158 = tpu.memref_slice %arg11[%dma_wait3A_156, %dma_wait3A_157] : memref<10112x32xf32, #tpu.memory_space<vmem_shared>> -> memref<10112x32xf32, #tpu.memory_space<vmem_shared>>
      %dma_wait3A_159 = tpu.memref_slice %arg13[%dma_wait3A_148] : memref<4x!tpu.dma_semaphore, #tpu.memory_space<semaphore_mem>> -> memref<1x!tpu.dma_semaphore, #tpu.memory_space<semaphore_mem>>
      %dma_wait3A_160 = tpu.memref_squeeze %dma_wait3A_159 : memref<1x!tpu.dma_semaphore, #tpu.memory_space<semaphore_mem>> -> memref<!tpu.dma_semaphore, #tpu.memory_space<semaphore_mem>>
      tpu.wait_indirect_dma semaphore(%dma_wait3A_160 : memref<!tpu.dma_semaphore, #tpu.memory_space<semaphore_mem>>) src(%dma_wait3A_152 : memref<256x32xf32, #tpu.memory_space<vmem>>) dst(%dma_wait3A_158 : memref<10112x32xf32, #tpu.memory_space<vmem_shared>>)
    } else {
    }
    %eq3A_22 = arith.constant 1 : i32
    %eq3A_23 = arith.cmpi eq, %arg0, %eq3A_22 : i32
    %convert_element_type3A_24 = arith.extui %eq3A_23 : i1 to i32
    %cond3A_25 = arith.constant 0 : i32
    %cond3A_26 = arith.cmpi ne, %convert_element_type3A_24, %cond3A_25 : i32
    scf.if %cond3A_26 {
      %dma_start3A = arith.constant 0 : i32
      %dma_start3A_38 = arith.constant 0 : i32
      %dma_start3A_39 = arith.constant 0 : i32
      %dma_start3A_40 = arith.constant 0 : i32
      %dma_start3A_41 = arith.constant 0 : i32
      %dma_start3A_42 = tpu.memref_slice %arg9[%dma_start3A_38, %dma_start3A_40, %dma_start3A_41] : memref<4x256x32xf32, #tpu.memory_space<vmem>> -> memref<1x256x32xf32, #tpu.memory_space<vmem>>
      %dma_start3A_43 = tpu.memref_squeeze %dma_start3A_42 : memref<1x256x32xf32, #tpu.memory_space<vmem>> -> memref<256x32xf32, #tpu.memory_space<vmem>>
      %dma_start3A_44 = arith.constant 0 : i32
      %dma_start3A_45 = tpu.memref_slice %arg7[%dma_start3A, %dma_start3A_44] : memref<40x256xi32, #tpu.memory_space<vmem>> -> memref<1x256xi32, #tpu.memory_space<vmem>>
      %dma_start3A_46 = tpu.memref_squeeze %dma_start3A_45 : memref<1x256xi32, #tpu.memory_space<vmem>> -> memref<256xi32, #tpu.memory_space<vmem>>
      %dma_start3A_47 = arith.constant 0 : i32
      %dma_start3A_48 = arith.constant 0 : i32
      %dma_start3A_49 = tpu.memref_slice %arg10[%dma_start3A_47, %dma_start3A_48] : memref<10112x32xf32, #tpu.memory_space<vmem_shared>> -> memref<10112x32xf32, #tpu.memory_space<vmem_shared>>
      %dma_start3A_50 = tpu.memref_slice %arg12[%dma_start3A_39] : memref<4x!tpu.dma_semaphore, #tpu.memory_space<semaphore_mem>> -> memref<1x!tpu.dma_semaphore, #tpu.memory_space<semaphore_mem>>
      %dma_start3A_51 = tpu.memref_squeeze %dma_start3A_50 : memref<1x!tpu.dma_semaphore, #tpu.memory_space<semaphore_mem>> -> memref<!tpu.dma_semaphore, #tpu.memory_space<semaphore_mem>>
      tpu.enqueue_indirect_dma source(%dma_start3A_49 : memref<10112x32xf32, #tpu.memory_space<vmem_shared>>) target(%dma_start3A_43 : memref<256x32xf32, #tpu.memory_space<vmem>>) offsets(%dma_start3A_46 : memref<256xi32, #tpu.memory_space<vmem>>) semaphore(%dma_start3A_51 : memref<!tpu.dma_semaphore, #tpu.memory_space<semaphore_mem>>)
      %dma_start3A_52 = arith.constant 1 : i32
      %dma_start3A_53 = arith.constant 1 : i32
      %dma_start3A_54 = arith.constant 1 : i32
      %dma_start3A_55 = arith.constant 0 : i32
      %dma_start3A_56 = arith.constant 0 : i32
      %dma_start3A_57 = tpu.memref_slice %arg9[%dma_start3A_53, %dma_start3A_55, %dma_start3A_56] : memref<4x256x32xf32, #tpu.memory_space<vmem>> -> memref<1x256x32xf32, #tpu.memory_space<vmem>>
      %dma_start3A_58 = tpu.memref_squeeze %dma_start3A_57 : memref<1x256x32xf32, #tpu.memory_space<vmem>> -> memref<256x32xf32, #tpu.memory_space<vmem>>
      %dma_start3A_59 = arith.constant 0 : i32
      %dma_start3A_60 = tpu.memref_slice %arg7[%dma_start3A_52, %dma_start3A_59] : memref<40x256xi32, #tpu.memory_space<vmem>> -> memref<1x256xi32, #tpu.memory_space<vmem>>
      %dma_start3A_61 = tpu.memref_squeeze %dma_start3A_60 : memref<1x256xi32, #tpu.memory_space<vmem>> -> memref<256xi32, #tpu.memory_space<vmem>>
      %dma_start3A_62 = arith.constant 0 : i32
      %dma_start3A_63 = arith.constant 0 : i32
      %dma_start3A_64 = tpu.memref_slice %arg10[%dma_start3A_62, %dma_start3A_63] : memref<10112x32xf32, #tpu.memory_space<vmem_shared>> -> memref<10112x32xf32, #tpu.memory_space<vmem_shared>>
      %dma_start3A_65 = tpu.memref_slice %arg12[%dma_start3A_54] : memref<4x!tpu.dma_semaphore, #tpu.memory_space<semaphore_mem>> -> memref<1x!tpu.dma_semaphore, #tpu.memory_space<semaphore_mem>>
      %dma_start3A_66 = tpu.memref_squeeze %dma_start3A_65 : memref<1x!tpu.dma_semaphore, #tpu.memory_space<semaphore_mem>> -> memref<!tpu.dma_semaphore, #tpu.memory_space<semaphore_mem>>
      tpu.enqueue_indirect_dma source(%dma_start3A_64 : memref<10112x32xf32, #tpu.memory_space<vmem_shared>>) target(%dma_start3A_58 : memref<256x32xf32, #tpu.memory_space<vmem>>) offsets(%dma_start3A_61 : memref<256xi32, #tpu.memory_space<vmem>>) semaphore(%dma_start3A_66 : memref<!tpu.dma_semaphore, #tpu.memory_space<semaphore_mem>>)
      %dma_start3A_67 = arith.constant 2 : i32
      %dma_start3A_68 = arith.constant 2 : i32
      %dma_start3A_69 = arith.constant 2 : i32
      %dma_start3A_70 = arith.constant 0 : i32
      %dma_start3A_71 = arith.constant 0 : i32
      %dma_start3A_72 = tpu.memref_slice %arg9[%dma_start3A_68, %dma_start3A_70, %dma_start3A_71] : memref<4x256x32xf32, #tpu.memory_space<vmem>> -> memref<1x256x32xf32, #tpu.memory_space<vmem>>
      %dma_start3A_73 = tpu.memref_squeeze %dma_start3A_72 : memref<1x256x32xf32, #tpu.memory_space<vmem>> -> memref<256x32xf32, #tpu.memory_space<vmem>>
      %dma_start3A_74 = arith.constant 0 : i32
      %dma_start3A_75 = tpu.memref_slice %arg7[%dma_start3A_67, %dma_start3A_74] : memref<40x256xi32, #tpu.memory_space<vmem>> -> memref<1x256xi32, #tpu.memory_space<vmem>>
      %dma_start3A_76 = tpu.memref_squeeze %dma_start3A_75 : memref<1x256xi32, #tpu.memory_space<vmem>> -> memref<256xi32, #tpu.memory_space<vmem>>
      %dma_start3A_77 = arith.constant 0 : i32
      %dma_start3A_78 = arith.constant 0 : i32
      %dma_start3A_79 = tpu.memref_slice %arg10[%dma_start3A_77, %dma_start3A_78] : memref<10112x32xf32, #tpu.memory_space<vmem_shared>> -> memref<10112x32xf32, #tpu.memory_space<vmem_shared>>
      %dma_start3A_80 = tpu.memref_slice %arg12[%dma_start3A_69] : memref<4x!tpu.dma_semaphore, #tpu.memory_space<semaphore_mem>> -> memref<1x!tpu.dma_semaphore, #tpu.memory_space<semaphore_mem>>
      %dma_start3A_81 = tpu.memref_squeeze %dma_start3A_80 : memref<1x!tpu.dma_semaphore, #tpu.memory_space<semaphore_mem>> -> memref<!tpu.dma_semaphore, #tpu.memory_space<semaphore_mem>>
      tpu.enqueue_indirect_dma source(%dma_start3A_79 : memref<10112x32xf32, #tpu.memory_space<vmem_shared>>) target(%dma_start3A_73 : memref<256x32xf32, #tpu.memory_space<vmem>>) offsets(%dma_start3A_76 : memref<256xi32, #tpu.memory_space<vmem>>) semaphore(%dma_start3A_81 : memref<!tpu.dma_semaphore, #tpu.memory_space<semaphore_mem>>)
      %dma_start3A_82 = arith.constant 3 : i32
      %dma_start3A_83 = arith.constant 3 : i32
      %dma_start3A_84 = arith.constant 3 : i32
      %dma_start3A_85 = arith.constant 0 : i32
      %dma_start3A_86 = arith.constant 0 : i32
      %dma_start3A_87 = tpu.memref_slice %arg9[%dma_start3A_83, %dma_start3A_85, %dma_start3A_86] : memref<4x256x32xf32, #tpu.memory_space<vmem>> -> memref<1x256x32xf32, #tpu.memory_space<vmem>>
      %dma_start3A_88 = tpu.memref_squeeze %dma_start3A_87 : memref<1x256x32xf32, #tpu.memory_space<vmem>> -> memref<256x32xf32, #tpu.memory_space<vmem>>
      %dma_start3A_89 = arith.constant 0 : i32
      %dma_start3A_90 = tpu.memref_slice %arg7[%dma_start3A_82, %dma_start3A_89] : memref<40x256xi32, #tpu.memory_space<vmem>> -> memref<1x256xi32, #tpu.memory_space<vmem>>
      %dma_start3A_91 = tpu.memref_squeeze %dma_start3A_90 : memref<1x256xi32, #tpu.memory_space<vmem>> -> memref<256xi32, #tpu.memory_space<vmem>>
      %dma_start3A_92 = arith.constant 0 : i32
      %dma_start3A_93 = arith.constant 0 : i32
      %dma_start3A_94 = tpu.memref_slice %arg10[%dma_start3A_92, %dma_start3A_93] : memref<10112x32xf32, #tpu.memory_space<vmem_shared>> -> memref<10112x32xf32, #tpu.memory_space<vmem_shared>>
      %dma_start3A_95 = tpu.memref_slice %arg12[%dma_start3A_84] : memref<4x!tpu.dma_semaphore, #tpu.memory_space<semaphore_mem>> -> memref<1x!tpu.dma_semaphore, #tpu.memory_space<semaphore_mem>>
      %dma_start3A_96 = tpu.memref_squeeze %dma_start3A_95 : memref<1x!tpu.dma_semaphore, #tpu.memory_space<semaphore_mem>> -> memref<!tpu.dma_semaphore, #tpu.memory_space<semaphore_mem>>
      tpu.enqueue_indirect_dma source(%dma_start3A_94 : memref<10112x32xf32, #tpu.memory_space<vmem_shared>>) target(%dma_start3A_88 : memref<256x32xf32, #tpu.memory_space<vmem>>) offsets(%dma_start3A_91 : memref<256xi32, #tpu.memory_space<vmem>>) semaphore(%dma_start3A_96 : memref<!tpu.dma_semaphore, #tpu.memory_space<semaphore_mem>>)
      %scan3A = arith.constant 0 : i32
      %scan3A_97 = arith.constant 0 : i32
      %scan3A_98 = arith.constant 10 : i32
      %scan3A_99 = arith.addi %scan3A_97, %scan3A_98 : i32
      %scan3A_100 = arith.constant 1 : i32
      scf.for %scan3A_161 = %scan3A_97 to %scan3A_99 step %scan3A_100  : i32 {
        %mul3A_162 = arith.constant 4 : i32
        %mul3A_163 = arith.muli %scan3A_161, %mul3A_162 : i32
        %add3A = arith.constant 0 : i32
        %add3A_164 = arith.addi %mul3A_163, %add3A : i32
        %dma_wait3A_165 = arith.constant 0 : i32
        %dma_wait3A_166 = arith.constant 0 : i32
        %dma_wait3A_167 = arith.constant 0 : i32
        %dma_wait3A_168 = arith.constant 0 : i32
        %dma_wait3A_169 = tpu.memref_slice %arg9[%dma_wait3A_165, %dma_wait3A_167, %dma_wait3A_168] : memref<4x256x32xf32, #tpu.memory_space<vmem>> -> memref<1x256x32xf32, #tpu.memory_space<vmem>>
        %dma_wait3A_170 = tpu.memref_squeeze %dma_wait3A_169 : memref<1x256x32xf32, #tpu.memory_space<vmem>> -> memref<256x32xf32, #tpu.memory_space<vmem>>
        %dma_wait3A_171 = arith.constant 0 : i32
        %dma_wait3A_172 = tpu.memref_slice %arg7[%add3A_164, %dma_wait3A_171] : memref<40x256xi32, #tpu.memory_space<vmem>> -> memref<1x256xi32, #tpu.memory_space<vmem>>
        %dma_wait3A_173 = tpu.memref_squeeze %dma_wait3A_172 : memref<1x256xi32, #tpu.memory_space<vmem>> -> memref<256xi32, #tpu.memory_space<vmem>>
        %dma_wait3A_174 = arith.constant 0 : i32
        %dma_wait3A_175 = arith.constant 0 : i32
        %dma_wait3A_176 = tpu.memref_slice %arg10[%dma_wait3A_174, %dma_wait3A_175] : memref<10112x32xf32, #tpu.memory_space<vmem_shared>> -> memref<10112x32xf32, #tpu.memory_space<vmem_shared>>
        %dma_wait3A_177 = tpu.memref_slice %arg12[%dma_wait3A_166] : memref<4x!tpu.dma_semaphore, #tpu.memory_space<semaphore_mem>> -> memref<1x!tpu.dma_semaphore, #tpu.memory_space<semaphore_mem>>
        %dma_wait3A_178 = tpu.memref_squeeze %dma_wait3A_177 : memref<1x!tpu.dma_semaphore, #tpu.memory_space<semaphore_mem>> -> memref<!tpu.dma_semaphore, #tpu.memory_space<semaphore_mem>>
        tpu.wait_indirect_dma semaphore(%dma_wait3A_178 : memref<!tpu.dma_semaphore, #tpu.memory_space<semaphore_mem>>) src(%dma_wait3A_176 : memref<10112x32xf32, #tpu.memory_space<vmem_shared>>) dst(%dma_wait3A_170 : memref<256x32xf32, #tpu.memory_space<vmem>>)
        %dma_start3A_179 = arith.constant 0 : i32
        %dma_start3A_180 = arith.constant 0 : i32
        %dma_start3A_181 = arith.constant 0 : i32
        %dma_start3A_182 = arith.constant 0 : i32
        %dma_start3A_183 = tpu.memref_slice %arg9[%dma_start3A_179, %dma_start3A_181, %dma_start3A_182] : memref<4x256x32xf32, #tpu.memory_space<vmem>> -> memref<1x256x32xf32, #tpu.memory_space<vmem>>
        %dma_start3A_184 = tpu.memref_squeeze %dma_start3A_183 : memref<1x256x32xf32, #tpu.memory_space<vmem>> -> memref<256x32xf32, #tpu.memory_space<vmem>>
        %dma_start3A_185 = arith.constant 0 : i32
        %dma_start3A_186 = tpu.memref_slice %arg8[%add3A_164, %dma_start3A_185] : memref<40x256xi32, #tpu.memory_space<vmem>> -> memref<1x256xi32, #tpu.memory_space<vmem>>
        %dma_start3A_187 = tpu.memref_squeeze %dma_start3A_186 : memref<1x256xi32, #tpu.memory_space<vmem>> -> memref<256xi32, #tpu.memory_space<vmem>>
        %dma_start3A_188 = arith.constant 0 : i32
        %dma_start3A_189 = arith.constant 0 : i32
        %dma_start3A_190 = tpu.memref_slice %arg11[%dma_start3A_188, %dma_start3A_189] : memref<10112x32xf32, #tpu.memory_space<vmem_shared>> -> memref<10112x32xf32, #tpu.memory_space<vmem_shared>>
        %dma_start3A_191 = tpu.memref_slice %arg13[%dma_start3A_180] : memref<4x!tpu.dma_semaphore, #tpu.memory_space<semaphore_mem>> -> memref<1x!tpu.dma_semaphore, #tpu.memory_space<semaphore_mem>>
        %dma_start3A_192 = tpu.memref_squeeze %dma_start3A_191 : memref<1x!tpu.dma_semaphore, #tpu.memory_space<semaphore_mem>> -> memref<!tpu.dma_semaphore, #tpu.memory_space<semaphore_mem>>
        tpu.enqueue_indirect_dma source(%dma_start3A_184 : memref<256x32xf32, #tpu.memory_space<vmem>>) target(%dma_start3A_190 : memref<10112x32xf32, #tpu.memory_space<vmem_shared>>) offsets(%dma_start3A_187 : memref<256xi32, #tpu.memory_space<vmem>>) semaphore(%dma_start3A_192 : memref<!tpu.dma_semaphore, #tpu.memory_space<semaphore_mem>>) {add = true}
        %lt3A_193 = arith.constant 9 : i32
        %lt3A_194 = arith.cmpi slt, %scan3A_161, %lt3A_193 : i32
        %convert_element_type3A_195 = arith.extui %lt3A_194 : i1 to i32
        %cond3A_196 = arith.constant 0 : i32
        %cond3A_197 = arith.cmpi ne, %convert_element_type3A_195, %cond3A_196 : i32
        scf.if %cond3A_197 {
          %dma_wait3A_309 = arith.constant 0 : i32
          %dma_wait3A_310 = arith.constant 0 : i32
          %dma_wait3A_311 = arith.constant 0 : i32
          %dma_wait3A_312 = arith.constant 0 : i32
          %dma_wait3A_313 = tpu.memref_slice %arg9[%dma_wait3A_309, %dma_wait3A_311, %dma_wait3A_312] : memref<4x256x32xf32, #tpu.memory_space<vmem>> -> memref<1x256x32xf32, #tpu.memory_space<vmem>>
          %dma_wait3A_314 = tpu.memref_squeeze %dma_wait3A_313 : memref<1x256x32xf32, #tpu.memory_space<vmem>> -> memref<256x32xf32, #tpu.memory_space<vmem>>
          %dma_wait3A_315 = arith.constant 0 : i32
          %dma_wait3A_316 = tpu.memref_slice %arg8[%add3A_164, %dma_wait3A_315] : memref<40x256xi32, #tpu.memory_space<vmem>> -> memref<1x256xi32, #tpu.memory_space<vmem>>
          %dma_wait3A_317 = tpu.memref_squeeze %dma_wait3A_316 : memref<1x256xi32, #tpu.memory_space<vmem>> -> memref<256xi32, #tpu.memory_space<vmem>>
          %dma_wait3A_318 = arith.constant 0 : i32
          %dma_wait3A_319 = arith.constant 0 : i32
          %dma_wait3A_320 = tpu.memref_slice %arg11[%dma_wait3A_318, %dma_wait3A_319] : memref<10112x32xf32, #tpu.memory_space<vmem_shared>> -> memref<10112x32xf32, #tpu.memory_space<vmem_shared>>
          %dma_wait3A_321 = tpu.memref_slice %arg13[%dma_wait3A_310] : memref<4x!tpu.dma_semaphore, #tpu.memory_space<semaphore_mem>> -> memref<1x!tpu.dma_semaphore, #tpu.memory_space<semaphore_mem>>
          %dma_wait3A_322 = tpu.memref_squeeze %dma_wait3A_321 : memref<1x!tpu.dma_semaphore, #tpu.memory_space<semaphore_mem>> -> memref<!tpu.dma_semaphore, #tpu.memory_space<semaphore_mem>>
          tpu.wait_indirect_dma semaphore(%dma_wait3A_322 : memref<!tpu.dma_semaphore, #tpu.memory_space<semaphore_mem>>) src(%dma_wait3A_314 : memref<256x32xf32, #tpu.memory_space<vmem>>) dst(%dma_wait3A_320 : memref<10112x32xf32, #tpu.memory_space<vmem_shared>>)
          %add3A_323 = arith.constant 4 : i32
          %add3A_324 = arith.addi %add3A_164, %add3A_323 : i32
          %dma_start3A_325 = arith.constant 0 : i32
          %dma_start3A_326 = arith.constant 0 : i32
          %dma_start3A_327 = arith.constant 0 : i32
          %dma_start3A_328 = arith.constant 0 : i32
          %dma_start3A_329 = tpu.memref_slice %arg9[%dma_start3A_325, %dma_start3A_327, %dma_start3A_328] : memref<4x256x32xf32, #tpu.memory_space<vmem>> -> memref<1x256x32xf32, #tpu.memory_space<vmem>>
          %dma_start3A_330 = tpu.memref_squeeze %dma_start3A_329 : memref<1x256x32xf32, #tpu.memory_space<vmem>> -> memref<256x32xf32, #tpu.memory_space<vmem>>
          %dma_start3A_331 = arith.constant 0 : i32
          %dma_start3A_332 = tpu.memref_slice %arg7[%add3A_324, %dma_start3A_331] : memref<40x256xi32, #tpu.memory_space<vmem>> -> memref<1x256xi32, #tpu.memory_space<vmem>>
          %dma_start3A_333 = tpu.memref_squeeze %dma_start3A_332 : memref<1x256xi32, #tpu.memory_space<vmem>> -> memref<256xi32, #tpu.memory_space<vmem>>
          %dma_start3A_334 = arith.constant 0 : i32
          %dma_start3A_335 = arith.constant 0 : i32
          %dma_start3A_336 = tpu.memref_slice %arg10[%dma_start3A_334, %dma_start3A_335] : memref<10112x32xf32, #tpu.memory_space<vmem_shared>> -> memref<10112x32xf32, #tpu.memory_space<vmem_shared>>
          %dma_start3A_337 = tpu.memref_slice %arg12[%dma_start3A_326] : memref<4x!tpu.dma_semaphore, #tpu.memory_space<semaphore_mem>> -> memref<1x!tpu.dma_semaphore, #tpu.memory_space<semaphore_mem>>
          %dma_start3A_338 = tpu.memref_squeeze %dma_start3A_337 : memref<1x!tpu.dma_semaphore, #tpu.memory_space<semaphore_mem>> -> memref<!tpu.dma_semaphore, #tpu.memory_space<semaphore_mem>>
          tpu.enqueue_indirect_dma source(%dma_start3A_336 : memref<10112x32xf32, #tpu.memory_space<vmem_shared>>) target(%dma_start3A_330 : memref<256x32xf32, #tpu.memory_space<vmem>>) offsets(%dma_start3A_333 : memref<256xi32, #tpu.memory_space<vmem>>) semaphore(%dma_start3A_338 : memref<!tpu.dma_semaphore, #tpu.memory_space<semaphore_mem>>)
        } else {
        }
        %mul3A_198 = arith.constant 4 : i32
        %mul3A_199 = arith.muli %scan3A_161, %mul3A_198 : i32
        %add3A_200 = arith.constant 1 : i32
        %add3A_201 = arith.addi %mul3A_199, %add3A_200 : i32
        %dma_wait3A_202 = arith.constant 1 : i32
        %dma_wait3A_203 = arith.constant 1 : i32
        %dma_wait3A_204 = arith.constant 0 : i32
        %dma_wait3A_205 = arith.constant 0 : i32
        %dma_wait3A_206 = tpu.memref_slice %arg9[%dma_wait3A_202, %dma_wait3A_204, %dma_wait3A_205] : memref<4x256x32xf32, #tpu.memory_space<vmem>> -> memref<1x256x32xf32, #tpu.memory_space<vmem>>
        %dma_wait3A_207 = tpu.memref_squeeze %dma_wait3A_206 : memref<1x256x32xf32, #tpu.memory_space<vmem>> -> memref<256x32xf32, #tpu.memory_space<vmem>>
        %dma_wait3A_208 = arith.constant 0 : i32
        %dma_wait3A_209 = tpu.memref_slice %arg7[%add3A_201, %dma_wait3A_208] : memref<40x256xi32, #tpu.memory_space<vmem>> -> memref<1x256xi32, #tpu.memory_space<vmem>>
        %dma_wait3A_210 = tpu.memref_squeeze %dma_wait3A_209 : memref<1x256xi32, #tpu.memory_space<vmem>> -> memref<256xi32, #tpu.memory_space<vmem>>
        %dma_wait3A_211 = arith.constant 0 : i32
        %dma_wait3A_212 = arith.constant 0 : i32
        %dma_wait3A_213 = tpu.memref_slice %arg10[%dma_wait3A_211, %dma_wait3A_212] : memref<10112x32xf32, #tpu.memory_space<vmem_shared>> -> memref<10112x32xf32, #tpu.memory_space<vmem_shared>>
        %dma_wait3A_214 = tpu.memref_slice %arg12[%dma_wait3A_203] : memref<4x!tpu.dma_semaphore, #tpu.memory_space<semaphore_mem>> -> memref<1x!tpu.dma_semaphore, #tpu.memory_space<semaphore_mem>>
        %dma_wait3A_215 = tpu.memref_squeeze %dma_wait3A_214 : memref<1x!tpu.dma_semaphore, #tpu.memory_space<semaphore_mem>> -> memref<!tpu.dma_semaphore, #tpu.memory_space<semaphore_mem>>
        tpu.wait_indirect_dma semaphore(%dma_wait3A_215 : memref<!tpu.dma_semaphore, #tpu.memory_space<semaphore_mem>>) src(%dma_wait3A_213 : memref<10112x32xf32, #tpu.memory_space<vmem_shared>>) dst(%dma_wait3A_207 : memref<256x32xf32, #tpu.memory_space<vmem>>)
        %dma_start3A_216 = arith.constant 1 : i32
        %dma_start3A_217 = arith.constant 1 : i32
        %dma_start3A_218 = arith.constant 0 : i32
        %dma_start3A_219 = arith.constant 0 : i32
        %dma_start3A_220 = tpu.memref_slice %arg9[%dma_start3A_216, %dma_start3A_218, %dma_start3A_219] : memref<4x256x32xf32, #tpu.memory_space<vmem>> -> memref<1x256x32xf32, #tpu.memory_space<vmem>>
        %dma_start3A_221 = tpu.memref_squeeze %dma_start3A_220 : memref<1x256x32xf32, #tpu.memory_space<vmem>> -> memref<256x32xf32, #tpu.memory_space<vmem>>
        %dma_start3A_222 = arith.constant 0 : i32
        %dma_start3A_223 = tpu.memref_slice %arg8[%add3A_201, %dma_start3A_222] : memref<40x256xi32, #tpu.memory_space<vmem>> -> memref<1x256xi32, #tpu.memory_space<vmem>>
        %dma_start3A_224 = tpu.memref_squeeze %dma_start3A_223 : memref<1x256xi32, #tpu.memory_space<vmem>> -> memref<256xi32, #tpu.memory_space<vmem>>
        %dma_start3A_225 = arith.constant 0 : i32
        %dma_start3A_226 = arith.constant 0 : i32
        %dma_start3A_227 = tpu.memref_slice %arg11[%dma_start3A_225, %dma_start3A_226] : memref<10112x32xf32, #tpu.memory_space<vmem_shared>> -> memref<10112x32xf32, #tpu.memory_space<vmem_shared>>
        %dma_start3A_228 = tpu.memref_slice %arg13[%dma_start3A_217] : memref<4x!tpu.dma_semaphore, #tpu.memory_space<semaphore_mem>> -> memref<1x!tpu.dma_semaphore, #tpu.memory_space<semaphore_mem>>
        %dma_start3A_229 = tpu.memref_squeeze %dma_start3A_228 : memref<1x!tpu.dma_semaphore, #tpu.memory_space<semaphore_mem>> -> memref<!tpu.dma_semaphore, #tpu.memory_space<semaphore_mem>>
        tpu.enqueue_indirect_dma source(%dma_start3A_221 : memref<256x32xf32, #tpu.memory_space<vmem>>) target(%dma_start3A_227 : memref<10112x32xf32, #tpu.memory_space<vmem_shared>>) offsets(%dma_start3A_224 : memref<256xi32, #tpu.memory_space<vmem>>) semaphore(%dma_start3A_229 : memref<!tpu.dma_semaphore, #tpu.memory_space<semaphore_mem>>) {add = true}
        %lt3A_230 = arith.constant 9 : i32
        %lt3A_231 = arith.cmpi slt, %scan3A_161, %lt3A_230 : i32
        %convert_element_type3A_232 = arith.extui %lt3A_231 : i1 to i32
        %cond3A_233 = arith.constant 0 : i32
        %cond3A_234 = arith.cmpi ne, %convert_element_type3A_232, %cond3A_233 : i32
        scf.if %cond3A_234 {
          %dma_wait3A_309 = arith.constant 1 : i32
          %dma_wait3A_310 = arith.constant 1 : i32
          %dma_wait3A_311 = arith.constant 0 : i32
          %dma_wait3A_312 = arith.constant 0 : i32
          %dma_wait3A_313 = tpu.memref_slice %arg9[%dma_wait3A_309, %dma_wait3A_311, %dma_wait3A_312] : memref<4x256x32xf32, #tpu.memory_space<vmem>> -> memref<1x256x32xf32, #tpu.memory_space<vmem>>
          %dma_wait3A_314 = tpu.memref_squeeze %dma_wait3A_313 : memref<1x256x32xf32, #tpu.memory_space<vmem>> -> memref<256x32xf32, #tpu.memory_space<vmem>>
          %dma_wait3A_315 = arith.constant 0 : i32
          %dma_wait3A_316 = tpu.memref_slice %arg8[%add3A_201, %dma_wait3A_315] : memref<40x256xi32, #tpu.memory_space<vmem>> -> memref<1x256xi32, #tpu.memory_space<vmem>>
          %dma_wait3A_317 = tpu.memref_squeeze %dma_wait3A_316 : memref<1x256xi32, #tpu.memory_space<vmem>> -> memref<256xi32, #tpu.memory_space<vmem>>
          %dma_wait3A_318 = arith.constant 0 : i32
          %dma_wait3A_319 = arith.constant 0 : i32
          %dma_wait3A_320 = tpu.memref_slice %arg11[%dma_wait3A_318, %dma_wait3A_319] : memref<10112x32xf32, #tpu.memory_space<vmem_shared>> -> memref<10112x32xf32, #tpu.memory_space<vmem_shared>>
          %dma_wait3A_321 = tpu.memref_slice %arg13[%dma_wait3A_310] : memref<4x!tpu.dma_semaphore, #tpu.memory_space<semaphore_mem>> -> memref<1x!tpu.dma_semaphore, #tpu.memory_space<semaphore_mem>>
          %dma_wait3A_322 = tpu.memref_squeeze %dma_wait3A_321 : memref<1x!tpu.dma_semaphore, #tpu.memory_space<semaphore_mem>> -> memref<!tpu.dma_semaphore, #tpu.memory_space<semaphore_mem>>
          tpu.wait_indirect_dma semaphore(%dma_wait3A_322 : memref<!tpu.dma_semaphore, #tpu.memory_space<semaphore_mem>>) src(%dma_wait3A_314 : memref<256x32xf32, #tpu.memory_space<vmem>>) dst(%dma_wait3A_320 : memref<10112x32xf32, #tpu.memory_space<vmem_shared>>)
          %add3A_323 = arith.constant 4 : i32
          %add3A_324 = arith.addi %add3A_201, %add3A_323 : i32
          %dma_start3A_325 = arith.constant 1 : i32
          %dma_start3A_326 = arith.constant 1 : i32
          %dma_start3A_327 = arith.constant 0 : i32
          %dma_start3A_328 = arith.constant 0 : i32
          %dma_start3A_329 = tpu.memref_slice %arg9[%dma_start3A_325, %dma_start3A_327, %dma_start3A_328] : memref<4x256x32xf32, #tpu.memory_space<vmem>> -> memref<1x256x32xf32, #tpu.memory_space<vmem>>
          %dma_start3A_330 = tpu.memref_squeeze %dma_start3A_329 : memref<1x256x32xf32, #tpu.memory_space<vmem>> -> memref<256x32xf32, #tpu.memory_space<vmem>>
          %dma_start3A_331 = arith.constant 0 : i32
          %dma_start3A_332 = tpu.memref_slice %arg7[%add3A_324, %dma_start3A_331] : memref<40x256xi32, #tpu.memory_space<vmem>> -> memref<1x256xi32, #tpu.memory_space<vmem>>
          %dma_start3A_333 = tpu.memref_squeeze %dma_start3A_332 : memref<1x256xi32, #tpu.memory_space<vmem>> -> memref<256xi32, #tpu.memory_space<vmem>>
          %dma_start3A_334 = arith.constant 0 : i32
          %dma_start3A_335 = arith.constant 0 : i32
          %dma_start3A_336 = tpu.memref_slice %arg10[%dma_start3A_334, %dma_start3A_335] : memref<10112x32xf32, #tpu.memory_space<vmem_shared>> -> memref<10112x32xf32, #tpu.memory_space<vmem_shared>>
          %dma_start3A_337 = tpu.memref_slice %arg12[%dma_start3A_326] : memref<4x!tpu.dma_semaphore, #tpu.memory_space<semaphore_mem>> -> memref<1x!tpu.dma_semaphore, #tpu.memory_space<semaphore_mem>>
          %dma_start3A_338 = tpu.memref_squeeze %dma_start3A_337 : memref<1x!tpu.dma_semaphore, #tpu.memory_space<semaphore_mem>> -> memref<!tpu.dma_semaphore, #tpu.memory_space<semaphore_mem>>
          tpu.enqueue_indirect_dma source(%dma_start3A_336 : memref<10112x32xf32, #tpu.memory_space<vmem_shared>>) target(%dma_start3A_330 : memref<256x32xf32, #tpu.memory_space<vmem>>) offsets(%dma_start3A_333 : memref<256xi32, #tpu.memory_space<vmem>>) semaphore(%dma_start3A_338 : memref<!tpu.dma_semaphore, #tpu.memory_space<semaphore_mem>>)
        } else {
        }
        %mul3A_235 = arith.constant 4 : i32
        %mul3A_236 = arith.muli %scan3A_161, %mul3A_235 : i32
        %add3A_237 = arith.constant 2 : i32
        %add3A_238 = arith.addi %mul3A_236, %add3A_237 : i32
        %dma_wait3A_239 = arith.constant 2 : i32
        %dma_wait3A_240 = arith.constant 2 : i32
        %dma_wait3A_241 = arith.constant 0 : i32
        %dma_wait3A_242 = arith.constant 0 : i32
        %dma_wait3A_243 = tpu.memref_slice %arg9[%dma_wait3A_239, %dma_wait3A_241, %dma_wait3A_242] : memref<4x256x32xf32, #tpu.memory_space<vmem>> -> memref<1x256x32xf32, #tpu.memory_space<vmem>>
        %dma_wait3A_244 = tpu.memref_squeeze %dma_wait3A_243 : memref<1x256x32xf32, #tpu.memory_space<vmem>> -> memref<256x32xf32, #tpu.memory_space<vmem>>
        %dma_wait3A_245 = arith.constant 0 : i32
        %dma_wait3A_246 = tpu.memref_slice %arg7[%add3A_238, %dma_wait3A_245] : memref<40x256xi32, #tpu.memory_space<vmem>> -> memref<1x256xi32, #tpu.memory_space<vmem>>
        %dma_wait3A_247 = tpu.memref_squeeze %dma_wait3A_246 : memref<1x256xi32, #tpu.memory_space<vmem>> -> memref<256xi32, #tpu.memory_space<vmem>>
        %dma_wait3A_248 = arith.constant 0 : i32
        %dma_wait3A_249 = arith.constant 0 : i32
        %dma_wait3A_250 = tpu.memref_slice %arg10[%dma_wait3A_248, %dma_wait3A_249] : memref<10112x32xf32, #tpu.memory_space<vmem_shared>> -> memref<10112x32xf32, #tpu.memory_space<vmem_shared>>
        %dma_wait3A_251 = tpu.memref_slice %arg12[%dma_wait3A_240] : memref<4x!tpu.dma_semaphore, #tpu.memory_space<semaphore_mem>> -> memref<1x!tpu.dma_semaphore, #tpu.memory_space<semaphore_mem>>
        %dma_wait3A_252 = tpu.memref_squeeze %dma_wait3A_251 : memref<1x!tpu.dma_semaphore, #tpu.memory_space<semaphore_mem>> -> memref<!tpu.dma_semaphore, #tpu.memory_space<semaphore_mem>>
        tpu.wait_indirect_dma semaphore(%dma_wait3A_252 : memref<!tpu.dma_semaphore, #tpu.memory_space<semaphore_mem>>) src(%dma_wait3A_250 : memref<10112x32xf32, #tpu.memory_space<vmem_shared>>) dst(%dma_wait3A_244 : memref<256x32xf32, #tpu.memory_space<vmem>>)
        %dma_start3A_253 = arith.constant 2 : i32
        %dma_start3A_254 = arith.constant 2 : i32
        %dma_start3A_255 = arith.constant 0 : i32
        %dma_start3A_256 = arith.constant 0 : i32
        %dma_start3A_257 = tpu.memref_slice %arg9[%dma_start3A_253, %dma_start3A_255, %dma_start3A_256] : memref<4x256x32xf32, #tpu.memory_space<vmem>> -> memref<1x256x32xf32, #tpu.memory_space<vmem>>
        %dma_start3A_258 = tpu.memref_squeeze %dma_start3A_257 : memref<1x256x32xf32, #tpu.memory_space<vmem>> -> memref<256x32xf32, #tpu.memory_space<vmem>>
        %dma_start3A_259 = arith.constant 0 : i32
        %dma_start3A_260 = tpu.memref_slice %arg8[%add3A_238, %dma_start3A_259] : memref<40x256xi32, #tpu.memory_space<vmem>> -> memref<1x256xi32, #tpu.memory_space<vmem>>
        %dma_start3A_261 = tpu.memref_squeeze %dma_start3A_260 : memref<1x256xi32, #tpu.memory_space<vmem>> -> memref<256xi32, #tpu.memory_space<vmem>>
        %dma_start3A_262 = arith.constant 0 : i32
        %dma_start3A_263 = arith.constant 0 : i32
        %dma_start3A_264 = tpu.memref_slice %arg11[%dma_start3A_262, %dma_start3A_263] : memref<10112x32xf32, #tpu.memory_space<vmem_shared>> -> memref<10112x32xf32, #tpu.memory_space<vmem_shared>>
        %dma_start3A_265 = tpu.memref_slice %arg13[%dma_start3A_254] : memref<4x!tpu.dma_semaphore, #tpu.memory_space<semaphore_mem>> -> memref<1x!tpu.dma_semaphore, #tpu.memory_space<semaphore_mem>>
        %dma_start3A_266 = tpu.memref_squeeze %dma_start3A_265 : memref<1x!tpu.dma_semaphore, #tpu.memory_space<semaphore_mem>> -> memref<!tpu.dma_semaphore, #tpu.memory_space<semaphore_mem>>
        tpu.enqueue_indirect_dma source(%dma_start3A_258 : memref<256x32xf32, #tpu.memory_space<vmem>>) target(%dma_start3A_264 : memref<10112x32xf32, #tpu.memory_space<vmem_shared>>) offsets(%dma_start3A_261 : memref<256xi32, #tpu.memory_space<vmem>>) semaphore(%dma_start3A_266 : memref<!tpu.dma_semaphore, #tpu.memory_space<semaphore_mem>>) {add = true}
        %lt3A_267 = arith.constant 9 : i32
        %lt3A_268 = arith.cmpi slt, %scan3A_161, %lt3A_267 : i32
        %convert_element_type3A_269 = arith.extui %lt3A_268 : i1 to i32
        %cond3A_270 = arith.constant 0 : i32
        %cond3A_271 = arith.cmpi ne, %convert_element_type3A_269, %cond3A_270 : i32
        scf.if %cond3A_271 {
          %dma_wait3A_309 = arith.constant 2 : i32
          %dma_wait3A_310 = arith.constant 2 : i32
          %dma_wait3A_311 = arith.constant 0 : i32
          %dma_wait3A_312 = arith.constant 0 : i32
          %dma_wait3A_313 = tpu.memref_slice %arg9[%dma_wait3A_309, %dma_wait3A_311, %dma_wait3A_312] : memref<4x256x32xf32, #tpu.memory_space<vmem>> -> memref<1x256x32xf32, #tpu.memory_space<vmem>>
          %dma_wait3A_314 = tpu.memref_squeeze %dma_wait3A_313 : memref<1x256x32xf32, #tpu.memory_space<vmem>> -> memref<256x32xf32, #tpu.memory_space<vmem>>
          %dma_wait3A_315 = arith.constant 0 : i32
          %dma_wait3A_316 = tpu.memref_slice %arg8[%add3A_238, %dma_wait3A_315] : memref<40x256xi32, #tpu.memory_space<vmem>> -> memref<1x256xi32, #tpu.memory_space<vmem>>
          %dma_wait3A_317 = tpu.memref_squeeze %dma_wait3A_316 : memref<1x256xi32, #tpu.memory_space<vmem>> -> memref<256xi32, #tpu.memory_space<vmem>>
          %dma_wait3A_318 = arith.constant 0 : i32
          %dma_wait3A_319 = arith.constant 0 : i32
          %dma_wait3A_320 = tpu.memref_slice %arg11[%dma_wait3A_318, %dma_wait3A_319] : memref<10112x32xf32, #tpu.memory_space<vmem_shared>> -> memref<10112x32xf32, #tpu.memory_space<vmem_shared>>
          %dma_wait3A_321 = tpu.memref_slice %arg13[%dma_wait3A_310] : memref<4x!tpu.dma_semaphore, #tpu.memory_space<semaphore_mem>> -> memref<1x!tpu.dma_semaphore, #tpu.memory_space<semaphore_mem>>
          %dma_wait3A_322 = tpu.memref_squeeze %dma_wait3A_321 : memref<1x!tpu.dma_semaphore, #tpu.memory_space<semaphore_mem>> -> memref<!tpu.dma_semaphore, #tpu.memory_space<semaphore_mem>>
          tpu.wait_indirect_dma semaphore(%dma_wait3A_322 : memref<!tpu.dma_semaphore, #tpu.memory_space<semaphore_mem>>) src(%dma_wait3A_314 : memref<256x32xf32, #tpu.memory_space<vmem>>) dst(%dma_wait3A_320 : memref<10112x32xf32, #tpu.memory_space<vmem_shared>>)
          %add3A_323 = arith.constant 4 : i32
          %add3A_324 = arith.addi %add3A_238, %add3A_323 : i32
          %dma_start3A_325 = arith.constant 2 : i32
          %dma_start3A_326 = arith.constant 2 : i32
          %dma_start3A_327 = arith.constant 0 : i32
          %dma_start3A_328 = arith.constant 0 : i32
          %dma_start3A_329 = tpu.memref_slice %arg9[%dma_start3A_325, %dma_start3A_327, %dma_start3A_328] : memref<4x256x32xf32, #tpu.memory_space<vmem>> -> memref<1x256x32xf32, #tpu.memory_space<vmem>>
          %dma_start3A_330 = tpu.memref_squeeze %dma_start3A_329 : memref<1x256x32xf32, #tpu.memory_space<vmem>> -> memref<256x32xf32, #tpu.memory_space<vmem>>
          %dma_start3A_331 = arith.constant 0 : i32
          %dma_start3A_332 = tpu.memref_slice %arg7[%add3A_324, %dma_start3A_331] : memref<40x256xi32, #tpu.memory_space<vmem>> -> memref<1x256xi32, #tpu.memory_space<vmem>>
          %dma_start3A_333 = tpu.memref_squeeze %dma_start3A_332 : memref<1x256xi32, #tpu.memory_space<vmem>> -> memref<256xi32, #tpu.memory_space<vmem>>
          %dma_start3A_334 = arith.constant 0 : i32
          %dma_start3A_335 = arith.constant 0 : i32
          %dma_start3A_336 = tpu.memref_slice %arg10[%dma_start3A_334, %dma_start3A_335] : memref<10112x32xf32, #tpu.memory_space<vmem_shared>> -> memref<10112x32xf32, #tpu.memory_space<vmem_shared>>
          %dma_start3A_337 = tpu.memref_slice %arg12[%dma_start3A_326] : memref<4x!tpu.dma_semaphore, #tpu.memory_space<semaphore_mem>> -> memref<1x!tpu.dma_semaphore, #tpu.memory_space<semaphore_mem>>
          %dma_start3A_338 = tpu.memref_squeeze %dma_start3A_337 : memref<1x!tpu.dma_semaphore, #tpu.memory_space<semaphore_mem>> -> memref<!tpu.dma_semaphore, #tpu.memory_space<semaphore_mem>>
          tpu.enqueue_indirect_dma source(%dma_start3A_336 : memref<10112x32xf32, #tpu.memory_space<vmem_shared>>) target(%dma_start3A_330 : memref<256x32xf32, #tpu.memory_space<vmem>>) offsets(%dma_start3A_333 : memref<256xi32, #tpu.memory_space<vmem>>) semaphore(%dma_start3A_338 : memref<!tpu.dma_semaphore, #tpu.memory_space<semaphore_mem>>)
        } else {
        }
        %mul3A_272 = arith.constant 4 : i32
        %mul3A_273 = arith.muli %scan3A_161, %mul3A_272 : i32
        %add3A_274 = arith.constant 3 : i32
        %add3A_275 = arith.addi %mul3A_273, %add3A_274 : i32
        %dma_wait3A_276 = arith.constant 3 : i32
        %dma_wait3A_277 = arith.constant 3 : i32
        %dma_wait3A_278 = arith.constant 0 : i32
        %dma_wait3A_279 = arith.constant 0 : i32
        %dma_wait3A_280 = tpu.memref_slice %arg9[%dma_wait3A_276, %dma_wait3A_278, %dma_wait3A_279] : memref<4x256x32xf32, #tpu.memory_space<vmem>> -> memref<1x256x32xf32, #tpu.memory_space<vmem>>
        %dma_wait3A_281 = tpu.memref_squeeze %dma_wait3A_280 : memref<1x256x32xf32, #tpu.memory_space<vmem>> -> memref<256x32xf32, #tpu.memory_space<vmem>>
        %dma_wait3A_282 = arith.constant 0 : i32
        %dma_wait3A_283 = tpu.memref_slice %arg7[%add3A_275, %dma_wait3A_282] : memref<40x256xi32, #tpu.memory_space<vmem>> -> memref<1x256xi32, #tpu.memory_space<vmem>>
        %dma_wait3A_284 = tpu.memref_squeeze %dma_wait3A_283 : memref<1x256xi32, #tpu.memory_space<vmem>> -> memref<256xi32, #tpu.memory_space<vmem>>
        %dma_wait3A_285 = arith.constant 0 : i32
        %dma_wait3A_286 = arith.constant 0 : i32
        %dma_wait3A_287 = tpu.memref_slice %arg10[%dma_wait3A_285, %dma_wait3A_286] : memref<10112x32xf32, #tpu.memory_space<vmem_shared>> -> memref<10112x32xf32, #tpu.memory_space<vmem_shared>>
        %dma_wait3A_288 = tpu.memref_slice %arg12[%dma_wait3A_277] : memref<4x!tpu.dma_semaphore, #tpu.memory_space<semaphore_mem>> -> memref<1x!tpu.dma_semaphore, #tpu.memory_space<semaphore_mem>>
        %dma_wait3A_289 = tpu.memref_squeeze %dma_wait3A_288 : memref<1x!tpu.dma_semaphore, #tpu.memory_space<semaphore_mem>> -> memref<!tpu.dma_semaphore, #tpu.memory_space<semaphore_mem>>
        tpu.wait_indirect_dma semaphore(%dma_wait3A_289 : memref<!tpu.dma_semaphore, #tpu.memory_space<semaphore_mem>>) src(%dma_wait3A_287 : memref<10112x32xf32, #tpu.memory_space<vmem_shared>>) dst(%dma_wait3A_281 : memref<256x32xf32, #tpu.memory_space<vmem>>)
        %dma_start3A_290 = arith.constant 3 : i32
        %dma_start3A_291 = arith.constant 3 : i32
        %dma_start3A_292 = arith.constant 0 : i32
        %dma_start3A_293 = arith.constant 0 : i32
        %dma_start3A_294 = tpu.memref_slice %arg9[%dma_start3A_290, %dma_start3A_292, %dma_start3A_293] : memref<4x256x32xf32, #tpu.memory_space<vmem>> -> memref<1x256x32xf32, #tpu.memory_space<vmem>>
        %dma_start3A_295 = tpu.memref_squeeze %dma_start3A_294 : memref<1x256x32xf32, #tpu.memory_space<vmem>> -> memref<256x32xf32, #tpu.memory_space<vmem>>
        %dma_start3A_296 = arith.constant 0 : i32
        %dma_start3A_297 = tpu.memref_slice %arg8[%add3A_275, %dma_start3A_296] : memref<40x256xi32, #tpu.memory_space<vmem>> -> memref<1x256xi32, #tpu.memory_space<vmem>>
        %dma_start3A_298 = tpu.memref_squeeze %dma_start3A_297 : memref<1x256xi32, #tpu.memory_space<vmem>> -> memref<256xi32, #tpu.memory_space<vmem>>
        %dma_start3A_299 = arith.constant 0 : i32
        %dma_start3A_300 = arith.constant 0 : i32
        %dma_start3A_301 = tpu.memref_slice %arg11[%dma_start3A_299, %dma_start3A_300] : memref<10112x32xf32, #tpu.memory_space<vmem_shared>> -> memref<10112x32xf32, #tpu.memory_space<vmem_shared>>
        %dma_start3A_302 = tpu.memref_slice %arg13[%dma_start3A_291] : memref<4x!tpu.dma_semaphore, #tpu.memory_space<semaphore_mem>> -> memref<1x!tpu.dma_semaphore, #tpu.memory_space<semaphore_mem>>
        %dma_start3A_303 = tpu.memref_squeeze %dma_start3A_302 : memref<1x!tpu.dma_semaphore, #tpu.memory_space<semaphore_mem>> -> memref<!tpu.dma_semaphore, #tpu.memory_space<semaphore_mem>>
        tpu.enqueue_indirect_dma source(%dma_start3A_295 : memref<256x32xf32, #tpu.memory_space<vmem>>) target(%dma_start3A_301 : memref<10112x32xf32, #tpu.memory_space<vmem_shared>>) offsets(%dma_start3A_298 : memref<256xi32, #tpu.memory_space<vmem>>) semaphore(%dma_start3A_303 : memref<!tpu.dma_semaphore, #tpu.memory_space<semaphore_mem>>) {add = true}
        %lt3A_304 = arith.constant 9 : i32
        %lt3A_305 = arith.cmpi slt, %scan3A_161, %lt3A_304 : i32
        %convert_element_type3A_306 = arith.extui %lt3A_305 : i1 to i32
        %cond3A_307 = arith.constant 0 : i32
        %cond3A_308 = arith.cmpi ne, %convert_element_type3A_306, %cond3A_307 : i32
        scf.if %cond3A_308 {
          %dma_wait3A_309 = arith.constant 3 : i32
          %dma_wait3A_310 = arith.constant 3 : i32
          %dma_wait3A_311 = arith.constant 0 : i32
          %dma_wait3A_312 = arith.constant 0 : i32
          %dma_wait3A_313 = tpu.memref_slice %arg9[%dma_wait3A_309, %dma_wait3A_311, %dma_wait3A_312] : memref<4x256x32xf32, #tpu.memory_space<vmem>> -> memref<1x256x32xf32, #tpu.memory_space<vmem>>
          %dma_wait3A_314 = tpu.memref_squeeze %dma_wait3A_313 : memref<1x256x32xf32, #tpu.memory_space<vmem>> -> memref<256x32xf32, #tpu.memory_space<vmem>>
          %dma_wait3A_315 = arith.constant 0 : i32
          %dma_wait3A_316 = tpu.memref_slice %arg8[%add3A_275, %dma_wait3A_315] : memref<40x256xi32, #tpu.memory_space<vmem>> -> memref<1x256xi32, #tpu.memory_space<vmem>>
          %dma_wait3A_317 = tpu.memref_squeeze %dma_wait3A_316 : memref<1x256xi32, #tpu.memory_space<vmem>> -> memref<256xi32, #tpu.memory_space<vmem>>
          %dma_wait3A_318 = arith.constant 0 : i32
          %dma_wait3A_319 = arith.constant 0 : i32
          %dma_wait3A_320 = tpu.memref_slice %arg11[%dma_wait3A_318, %dma_wait3A_319] : memref<10112x32xf32, #tpu.memory_space<vmem_shared>> -> memref<10112x32xf32, #tpu.memory_space<vmem_shared>>
          %dma_wait3A_321 = tpu.memref_slice %arg13[%dma_wait3A_310] : memref<4x!tpu.dma_semaphore, #tpu.memory_space<semaphore_mem>> -> memref<1x!tpu.dma_semaphore, #tpu.memory_space<semaphore_mem>>
          %dma_wait3A_322 = tpu.memref_squeeze %dma_wait3A_321 : memref<1x!tpu.dma_semaphore, #tpu.memory_space<semaphore_mem>> -> memref<!tpu.dma_semaphore, #tpu.memory_space<semaphore_mem>>
          tpu.wait_indirect_dma semaphore(%dma_wait3A_322 : memref<!tpu.dma_semaphore, #tpu.memory_space<semaphore_mem>>) src(%dma_wait3A_314 : memref<256x32xf32, #tpu.memory_space<vmem>>) dst(%dma_wait3A_320 : memref<10112x32xf32, #tpu.memory_space<vmem_shared>>)
          %add3A_323 = arith.constant 4 : i32
          %add3A_324 = arith.addi %add3A_275, %add3A_323 : i32
          %dma_start3A_325 = arith.constant 3 : i32
          %dma_start3A_326 = arith.constant 3 : i32
          %dma_start3A_327 = arith.constant 0 : i32
          %dma_start3A_328 = arith.constant 0 : i32
          %dma_start3A_329 = tpu.memref_slice %arg9[%dma_start3A_325, %dma_start3A_327, %dma_start3A_328] : memref<4x256x32xf32, #tpu.memory_space<vmem>> -> memref<1x256x32xf32, #tpu.memory_space<vmem>>
          %dma_start3A_330 = tpu.memref_squeeze %dma_start3A_329 : memref<1x256x32xf32, #tpu.memory_space<vmem>> -> memref<256x32xf32, #tpu.memory_space<vmem>>
          %dma_start3A_331 = arith.constant 0 : i32
          %dma_start3A_332 = tpu.memref_slice %arg7[%add3A_324, %dma_start3A_331] : memref<40x256xi32, #tpu.memory_space<vmem>> -> memref<1x256xi32, #tpu.memory_space<vmem>>
          %dma_start3A_333 = tpu.memref_squeeze %dma_start3A_332 : memref<1x256xi32, #tpu.memory_space<vmem>> -> memref<256xi32, #tpu.memory_space<vmem>>
          %dma_start3A_334 = arith.constant 0 : i32
          %dma_start3A_335 = arith.constant 0 : i32
          %dma_start3A_336 = tpu.memref_slice %arg10[%dma_start3A_334, %dma_start3A_335] : memref<10112x32xf32, #tpu.memory_space<vmem_shared>> -> memref<10112x32xf32, #tpu.memory_space<vmem_shared>>
          %dma_start3A_337 = tpu.memref_slice %arg12[%dma_start3A_326] : memref<4x!tpu.dma_semaphore, #tpu.memory_space<semaphore_mem>> -> memref<1x!tpu.dma_semaphore, #tpu.memory_space<semaphore_mem>>
          %dma_start3A_338 = tpu.memref_squeeze %dma_start3A_337 : memref<1x!tpu.dma_semaphore, #tpu.memory_space<semaphore_mem>> -> memref<!tpu.dma_semaphore, #tpu.memory_space<semaphore_mem>>
          tpu.enqueue_indirect_dma source(%dma_start3A_336 : memref<10112x32xf32, #tpu.memory_space<vmem_shared>>) target(%dma_start3A_330 : memref<256x32xf32, #tpu.memory_space<vmem>>) offsets(%dma_start3A_333 : memref<256xi32, #tpu.memory_space<vmem>>) semaphore(%dma_start3A_338 : memref<!tpu.dma_semaphore, #tpu.memory_space<semaphore_mem>>)
        } else {
        }
      }
      %scan3A_101 = arith.constant 10 : i32
      %dma_wait3A = arith.constant 0 : i32
      %dma_wait3A_102 = arith.constant 36 : i32
      %dma_wait3A_103 = arith.constant 0 : i32
      %dma_wait3A_104 = arith.constant 0 : i32
      %dma_wait3A_105 = arith.constant 0 : i32
      %dma_wait3A_106 = tpu.memref_slice %arg9[%dma_wait3A, %dma_wait3A_104, %dma_wait3A_105] : memref<4x256x32xf32, #tpu.memory_space<vmem>> -> memref<1x256x32xf32, #tpu.memory_space<vmem>>
      %dma_wait3A_107 = tpu.memref_squeeze %dma_wait3A_106 : memref<1x256x32xf32, #tpu.memory_space<vmem>> -> memref<256x32xf32, #tpu.memory_space<vmem>>
      %dma_wait3A_108 = arith.constant 0 : i32
      %dma_wait3A_109 = tpu.memref_slice %arg8[%dma_wait3A_102, %dma_wait3A_108] : memref<40x256xi32, #tpu.memory_space<vmem>> -> memref<1x256xi32, #tpu.memory_space<vmem>>
      %dma_wait3A_110 = tpu.memref_squeeze %dma_wait3A_109 : memref<1x256xi32, #tpu.memory_space<vmem>> -> memref<256xi32, #tpu.memory_space<vmem>>
      %dma_wait3A_111 = arith.constant 0 : i32
      %dma_wait3A_112 = arith.constant 0 : i32
      %dma_wait3A_113 = tpu.memref_slice %arg11[%dma_wait3A_111, %dma_wait3A_112] : memref<10112x32xf32, #tpu.memory_space<vmem_shared>> -> memref<10112x32xf32, #tpu.memory_space<vmem_shared>>
      %dma_wait3A_114 = tpu.memref_slice %arg13[%dma_wait3A_103] : memref<4x!tpu.dma_semaphore, #tpu.memory_space<semaphore_mem>> -> memref<1x!tpu.dma_semaphore, #tpu.memory_space<semaphore_mem>>
      %dma_wait3A_115 = tpu.memref_squeeze %dma_wait3A_114 : memref<1x!tpu.dma_semaphore, #tpu.memory_space<semaphore_mem>> -> memref<!tpu.dma_semaphore, #tpu.memory_space<semaphore_mem>>
      tpu.wait_indirect_dma semaphore(%dma_wait3A_115 : memref<!tpu.dma_semaphore, #tpu.memory_space<semaphore_mem>>) src(%dma_wait3A_107 : memref<256x32xf32, #tpu.memory_space<vmem>>) dst(%dma_wait3A_113 : memref<10112x32xf32, #tpu.memory_space<vmem_shared>>)
      %dma_wait3A_116 = arith.constant 1 : i32
      %dma_wait3A_117 = arith.constant 37 : i32
      %dma_wait3A_118 = arith.constant 1 : i32
      %dma_wait3A_119 = arith.constant 0 : i32
      %dma_wait3A_120 = arith.constant 0 : i32
      %dma_wait3A_121 = tpu.memref_slice %arg9[%dma_wait3A_116, %dma_wait3A_119, %dma_wait3A_120] : memref<4x256x32xf32, #tpu.memory_space<vmem>> -> memref<1x256x32xf32, #tpu.memory_space<vmem>>
      %dma_wait3A_122 = tpu.memref_squeeze %dma_wait3A_121 : memref<1x256x32xf32, #tpu.memory_space<vmem>> -> memref<256x32xf32, #tpu.memory_space<vmem>>
      %dma_wait3A_123 = arith.constant 0 : i32
      %dma_wait3A_124 = tpu.memref_slice %arg8[%dma_wait3A_117, %dma_wait3A_123] : memref<40x256xi32, #tpu.memory_space<vmem>> -> memref<1x256xi32, #tpu.memory_space<vmem>>
      %dma_wait3A_125 = tpu.memref_squeeze %dma_wait3A_124 : memref<1x256xi32, #tpu.memory_space<vmem>> -> memref<256xi32, #tpu.memory_space<vmem>>
      %dma_wait3A_126 = arith.constant 0 : i32
      %dma_wait3A_127 = arith.constant 0 : i32
      %dma_wait3A_128 = tpu.memref_slice %arg11[%dma_wait3A_126, %dma_wait3A_127] : memref<10112x32xf32, #tpu.memory_space<vmem_shared>> -> memref<10112x32xf32, #tpu.memory_space<vmem_shared>>
      %dma_wait3A_129 = tpu.memref_slice %arg13[%dma_wait3A_118] : memref<4x!tpu.dma_semaphore, #tpu.memory_space<semaphore_mem>> -> memref<1x!tpu.dma_semaphore, #tpu.memory_space<semaphore_mem>>
      %dma_wait3A_130 = tpu.memref_squeeze %dma_wait3A_129 : memref<1x!tpu.dma_semaphore, #tpu.memory_space<semaphore_mem>> -> memref<!tpu.dma_semaphore, #tpu.memory_space<semaphore_mem>>
      tpu.wait_indirect_dma semaphore(%dma_wait3A_130 : memref<!tpu.dma_semaphore, #tpu.memory_space<semaphore_mem>>) src(%dma_wait3A_122 : memref<256x32xf32, #tpu.memory_space<vmem>>) dst(%dma_wait3A_128 : memref<10112x32xf32, #tpu.memory_space<vmem_shared>>)
      %dma_wait3A_131 = arith.constant 2 : i32
      %dma_wait3A_132 = arith.constant 38 : i32
      %dma_wait3A_133 = arith.constant 2 : i32
      %dma_wait3A_134 = arith.constant 0 : i32
      %dma_wait3A_135 = arith.constant 0 : i32
      %dma_wait3A_136 = tpu.memref_slice %arg9[%dma_wait3A_131, %dma_wait3A_134, %dma_wait3A_135] : memref<4x256x32xf32, #tpu.memory_space<vmem>> -> memref<1x256x32xf32, #tpu.memory_space<vmem>>
      %dma_wait3A_137 = tpu.memref_squeeze %dma_wait3A_136 : memref<1x256x32xf32, #tpu.memory_space<vmem>> -> memref<256x32xf32, #tpu.memory_space<vmem>>
      %dma_wait3A_138 = arith.constant 0 : i32
      %dma_wait3A_139 = tpu.memref_slice %arg8[%dma_wait3A_132, %dma_wait3A_138] : memref<40x256xi32, #tpu.memory_space<vmem>> -> memref<1x256xi32, #tpu.memory_space<vmem>>
      %dma_wait3A_140 = tpu.memref_squeeze %dma_wait3A_139 : memref<1x256xi32, #tpu.memory_space<vmem>> -> memref<256xi32, #tpu.memory_space<vmem>>
      %dma_wait3A_141 = arith.constant 0 : i32
      %dma_wait3A_142 = arith.constant 0 : i32
      %dma_wait3A_143 = tpu.memref_slice %arg11[%dma_wait3A_141, %dma_wait3A_142] : memref<10112x32xf32, #tpu.memory_space<vmem_shared>> -> memref<10112x32xf32, #tpu.memory_space<vmem_shared>>
      %dma_wait3A_144 = tpu.memref_slice %arg13[%dma_wait3A_133] : memref<4x!tpu.dma_semaphore, #tpu.memory_space<semaphore_mem>> -> memref<1x!tpu.dma_semaphore, #tpu.memory_space<semaphore_mem>>
      %dma_wait3A_145 = tpu.memref_squeeze %dma_wait3A_144 : memref<1x!tpu.dma_semaphore, #tpu.memory_space<semaphore_mem>> -> memref<!tpu.dma_semaphore, #tpu.memory_space<semaphore_mem>>
      tpu.wait_indirect_dma semaphore(%dma_wait3A_145 : memref<!tpu.dma_semaphore, #tpu.memory_space<semaphore_mem>>) src(%dma_wait3A_137 : memref<256x32xf32, #tpu.memory_space<vmem>>) dst(%dma_wait3A_143 : memref<10112x32xf32, #tpu.memory_space<vmem_shared>>)
      %dma_wait3A_146 = arith.constant 3 : i32
      %dma_wait3A_147 = arith.constant 39 : i32
      %dma_wait3A_148 = arith.constant 3 : i32
      %dma_wait3A_149 = arith.constant 0 : i32
      %dma_wait3A_150 = arith.constant 0 : i32
      %dma_wait3A_151 = tpu.memref_slice %arg9[%dma_wait3A_146, %dma_wait3A_149, %dma_wait3A_150] : memref<4x256x32xf32, #tpu.memory_space<vmem>> -> memref<1x256x32xf32, #tpu.memory_space<vmem>>
      %dma_wait3A_152 = tpu.memref_squeeze %dma_wait3A_151 : memref<1x256x32xf32, #tpu.memory_space<vmem>> -> memref<256x32xf32, #tpu.memory_space<vmem>>
      %dma_wait3A_153 = arith.constant 0 : i32
      %dma_wait3A_154 = tpu.memref_slice %arg8[%dma_wait3A_147, %dma_wait3A_153] : memref<40x256xi32, #tpu.memory_space<vmem>> -> memref<1x256xi32, #tpu.memory_space<vmem>>
      %dma_wait3A_155 = tpu.memref_squeeze %dma_wait3A_154 : memref<1x256xi32, #tpu.memory_space<vmem>> -> memref<256xi32, #tpu.memory_space<vmem>>
      %dma_wait3A_156 = arith.constant 0 : i32
      %dma_wait3A_157 = arith.constant 0 : i32
      %dma_wait3A_158 = tpu.memref_slice %arg11[%dma_wait3A_156, %dma_wait3A_157] : memref<10112x32xf32, #tpu.memory_space<vmem_shared>> -> memref<10112x32xf32, #tpu.memory_space<vmem_shared>>
      %dma_wait3A_159 = tpu.memref_slice %arg13[%dma_wait3A_148] : memref<4x!tpu.dma_semaphore, #tpu.memory_space<semaphore_mem>> -> memref<1x!tpu.dma_semaphore, #tpu.memory_space<semaphore_mem>>
      %dma_wait3A_160 = tpu.memref_squeeze %dma_wait3A_159 : memref<1x!tpu.dma_semaphore, #tpu.memory_space<semaphore_mem>> -> memref<!tpu.dma_semaphore, #tpu.memory_space<semaphore_mem>>
      tpu.wait_indirect_dma semaphore(%dma_wait3A_160 : memref<!tpu.dma_semaphore, #tpu.memory_space<semaphore_mem>>) src(%dma_wait3A_152 : memref<256x32xf32, #tpu.memory_space<vmem>>) dst(%dma_wait3A_158 : memref<10112x32xf32, #tpu.memory_space<vmem_shared>>)
    } else {
    }
    %barrier3A_27 = arith.constant 0 : index
    tpu.barrier barrier_id(%barrier3A_27)
    %lt3A_28 = arith.constant 15 : i32
    %lt3A_29 = arith.cmpi slt, %arg1, %lt3A_28 : i32
    %convert_element_type3A_30 = arith.extui %lt3A_29 : i1 to i32
    %cond3A_31 = arith.constant 0 : i32
    %cond3A_32 = arith.cmpi ne, %convert_element_type3A_30, %cond3A_31 : i32
    scf.if %cond3A_32 {
      "tpu.region"() ({
        %run_scoped3A = tpu.sem_alloc : memref<!tpu.dma_semaphore, #tpu.memory_space<semaphore_mem>>
        %dma_start3A = arith.constant 0 : i32
        %dma_start3A_38 = arith.constant 0 : i32
        %dma_start3A_39 = tpu.memref_slice %arg6[%arg0, %dma_start3A, %dma_start3A_38] : memref<2x10000x32xf32, #tpu.memory_space<hbm>> -> memref<1x10000x32xf32, #tpu.memory_space<hbm>>
        %dma_start3A_40 = tpu.memref_squeeze %dma_start3A_39 : memref<1x10000x32xf32, #tpu.memory_space<hbm>> -> memref<10000x32xf32, #tpu.memory_space<hbm>>
        %dma_start3A_41 = arith.constant 0 : i32
        %dma_start3A_42 = tpu.memref_slice %dma_start3A_40[%mul3A_0, %dma_start3A_41] : memref<10000x32xf32, #tpu.memory_space<hbm>> -> memref<632x32xf32, #tpu.memory_space<hbm>>
        %dma_start3A_43 = arith.constant 0 : i32
        %dma_start3A_44 = tpu.memref_slice %arg11[%mul3A_0, %dma_start3A_43] : memref<10112x32xf32, #tpu.memory_space<vmem_shared>> -> memref<632x32xf32, #tpu.memory_space<vmem_shared>>
        tpu.enqueue_dma source(%dma_start3A_44 : memref<632x32xf32, #tpu.memory_space<vmem_shared>>) target(%dma_start3A_42 : memref<632x32xf32, #tpu.memory_space<hbm>>) target_semaphore(%run_scoped3A : memref<!tpu.dma_semaphore, #tpu.memory_space<semaphore_mem>>)
        %dma_wait3A = arith.constant 0 : i32
        %dma_wait3A_45 = arith.constant 0 : i32
        %dma_wait3A_46 = tpu.memref_slice %arg6[%arg0, %dma_wait3A, %dma_wait3A_45] : memref<2x10000x32xf32, #tpu.memory_space<hbm>> -> memref<1x10000x32xf32, #tpu.memory_space<hbm>>
        %dma_wait3A_47 = tpu.memref_squeeze %dma_wait3A_46 : memref<1x10000x32xf32, #tpu.memory_space<hbm>> -> memref<10000x32xf32, #tpu.memory_space<hbm>>
        %dma_wait3A_48 = arith.constant 0 : i32
        %dma_wait3A_49 = tpu.memref_slice %dma_wait3A_47[%mul3A_0, %dma_wait3A_48] : memref<10000x32xf32, #tpu.memory_space<hbm>> -> memref<632x32xf32, #tpu.memory_space<hbm>>
        %dma_wait3A_50 = arith.constant 0 : i32
        %dma_wait3A_51 = tpu.memref_slice %arg11[%mul3A_0, %dma_wait3A_50] : memref<10112x32xf32, #tpu.memory_space<vmem_shared>> -> memref<632x32xf32, #tpu.memory_space<vmem_shared>>
        tpu.wait_dma2 semaphore(%run_scoped3A : memref<!tpu.dma_semaphore, #tpu.memory_space<semaphore_mem>>) src(%dma_wait3A_51 : memref<632x32xf32, #tpu.memory_space<vmem_shared>>) dst(%dma_wait3A_49 : memref<632x32xf32, #tpu.memory_space<hbm>>)
        tpu.yield
      }) : () -> ()
    } else {
    }
    %eq3A_33 = arith.constant 15 : i32
    %eq3A_34 = arith.cmpi eq, %arg1, %eq3A_33 : i32
    %convert_element_type3A_35 = arith.extui %eq3A_34 : i1 to i32
    %cond3A_36 = arith.constant 0 : i32
    %cond3A_37 = arith.cmpi ne, %convert_element_type3A_35, %cond3A_36 : i32
    scf.if %cond3A_37 {
      "tpu.region"() ({
        %run_scoped3A = tpu.sem_alloc : memref<!tpu.dma_semaphore, #tpu.memory_space<semaphore_mem>>
        %dma_start3A = arith.constant 0 : i32
        %dma_start3A_38 = arith.constant 0 : i32
        %dma_start3A_39 = tpu.memref_slice %arg6[%arg0, %dma_start3A, %dma_start3A_38] : memref<2x10000x32xf32, #tpu.memory_space<hbm>> -> memref<1x10000x32xf32, #tpu.memory_space<hbm>>
        %dma_start3A_40 = tpu.memref_squeeze %dma_start3A_39 : memref<1x10000x32xf32, #tpu.memory_space<hbm>> -> memref<10000x32xf32, #tpu.memory_space<hbm>>
        %dma_start3A_41 = arith.constant 9480 : i32
        %dma_start3A_42 = arith.constant 0 : i32
        %dma_start3A_43 = tpu.memref_slice %dma_start3A_40[%dma_start3A_41, %dma_start3A_42] : memref<10000x32xf32, #tpu.memory_space<hbm>> -> memref<520x32xf32, #tpu.memory_space<hbm>>
        %dma_start3A_44 = arith.constant 9480 : i32
        %dma_start3A_45 = arith.constant 0 : i32
        %dma_start3A_46 = tpu.memref_slice %arg11[%dma_start3A_44, %dma_start3A_45] : memref<10112x32xf32, #tpu.memory_space<vmem_shared>> -> memref<520x32xf32, #tpu.memory_space<vmem_shared>>
        tpu.enqueue_dma source(%dma_start3A_46 : memref<520x32xf32, #tpu.memory_space<vmem_shared>>) target(%dma_start3A_43 : memref<520x32xf32, #tpu.memory_space<hbm>>) target_semaphore(%run_scoped3A : memref<!tpu.dma_semaphore, #tpu.memory_space<semaphore_mem>>)
        %dma_wait3A = arith.constant 0 : i32
        %dma_wait3A_47 = arith.constant 0 : i32
        %dma_wait3A_48 = tpu.memref_slice %arg6[%arg0, %dma_wait3A, %dma_wait3A_47] : memref<2x10000x32xf32, #tpu.memory_space<hbm>> -> memref<1x10000x32xf32, #tpu.memory_space<hbm>>
        %dma_wait3A_49 = tpu.memref_squeeze %dma_wait3A_48 : memref<1x10000x32xf32, #tpu.memory_space<hbm>> -> memref<10000x32xf32, #tpu.memory_space<hbm>>
        %dma_wait3A_50 = arith.constant 9480 : i32
        %dma_wait3A_51 = arith.constant 0 : i32
        %dma_wait3A_52 = tpu.memref_slice %dma_wait3A_49[%dma_wait3A_50, %dma_wait3A_51] : memref<10000x32xf32, #tpu.memory_space<hbm>> -> memref<520x32xf32, #tpu.memory_space<hbm>>
        %dma_wait3A_53 = arith.constant 9480 : i32
        %dma_wait3A_54 = arith.constant 0 : i32
        %dma_wait3A_55 = tpu.memref_slice %arg11[%dma_wait3A_53, %dma_wait3A_54] : memref<10112x32xf32, #tpu.memory_space<vmem_shared>> -> memref<520x32xf32, #tpu.memory_space<vmem_shared>>
        tpu.wait_dma2 semaphore(%run_scoped3A : memref<!tpu.dma_semaphore, #tpu.memory_space<semaphore_mem>>) src(%dma_wait3A_55 : memref<520x32xf32, #tpu.memory_space<vmem_shared>>) dst(%dma_wait3A_52 : memref<520x32xf32, #tpu.memory_space<hbm>>)
        tpu.yield
      }) : () -> ()
    } else {
    }
    return
  }
}

module attributes {stable_mosaic.version = 14 : i64} {
  func.func @_tca_body(%arg0: memref<2500x512xf32, #tpu.memory_space<vmem>>, %arg1: memref<512x128xf32, #tpu.memory_space<vmem>>, %arg2: memref<2500x128xf32, #tpu.memory_space<vmem>>) attributes {dimension_semantics = [], scalar_prefetch = 0 : i64, scratch_operands = 0 : i64, tpu.core_type = #tpu.core_type<tc>} {
    %get3A = arith.constant 0 : index
    %get3A_0 = arith.constant 0 : index
    %get3A_1 = vector.load %arg0[%get3A, %get3A_0] : memref<2500x512xf32, #tpu.memory_space<vmem>>, vector<2500x512xf32>
    %get3A_2 = arith.constant 0 : index
    %get3A_3 = arith.constant 0 : index
    %get3A_4 = vector.load %arg1[%get3A_2, %get3A_3] : memref<512x128xf32, #tpu.memory_space<vmem>>, vector<512x128xf32>
    %dot_general3A = arith.constant dense<0.000000e+00> : vector<2500x128xf32>
    %dot_general3A_5 = tpu.matmul %get3A_1, %get3A_4, %dot_general3A {dimension_numbers = #tpu.dot_dimension_numbers<[1], [0], [0], [1], [0, 0, 1, 1], [], []>, precision = #tpu.contract_precision<fp32>, transpose_lhs_hint = false} : vector<2500x512xf32>, vector<512x128xf32>, vector<2500x128xf32> -> vector<2500x128xf32>
    %swap3A = arith.constant 0 : index
    %swap3A_6 = arith.constant 0 : index
    %swap3A_7 = vector.load %arg2[%swap3A, %swap3A_6] : memref<2500x128xf32, #tpu.memory_space<vmem>>, vector<2500x128xf32>
    tpu.vector_store %arg2[%swap3A, %swap3A_6], %dot_general3A_5 {strides = array<i32>} : memref<2500x128xf32, #tpu.memory_space<vmem>>, vector<2500x128xf32>,
    return
  }
}

module attributes {stable_mosaic.version = 14 : i64} {
  func.func @_tcb_body(%arg0: memref<2x2500x128xf32, #tpu.memory_space<vmem>>, %arg1: memref<2500x128xf32, #tpu.memory_space<vmem>>, %arg2: memref<2500x128xf32, #tpu.memory_space<vmem>>, %arg3: memref<2500x128xf32, #tpu.memory_space<vmem>>) attributes {dimension_semantics = [], scalar_prefetch = 0 : i64, scratch_operands = 0 : i64, tpu.core_type = #tpu.core_type<tc>} {
    %get3A = arith.constant 0 : index
    %get3A_0 = arith.constant 0 : index
    %get3A_1 = arith.constant 0 : index
    %get3A_2 = vector.load %arg0[%get3A, %get3A_0, %get3A_1] : memref<2x2500x128xf32, #tpu.memory_space<vmem>>, vector<1x2500x128xf32>
    %get3A_3 = vector.shape_cast %get3A_2 : vector<1x2500x128xf32> to vector<2500x128xf32>
    %get3A_4 = arith.constant 1 : index
    %get3A_5 = arith.constant 0 : index
    %get3A_6 = arith.constant 0 : index
    %get3A_7 = vector.load %arg0[%get3A_4, %get3A_5, %get3A_6] : memref<2x2500x128xf32, #tpu.memory_space<vmem>>, vector<1x2500x128xf32>
    %get3A_8 = vector.shape_cast %get3A_7 : vector<1x2500x128xf32> to vector<2500x128xf32>
    %add3A = arith.addf %get3A_3, %get3A_8 : vector<2500x128xf32>
    %add3A_9 = arith.constant 1.000000e+00 : f32
    %add3A_10 = vector.broadcast %add3A_9 : f32 to vector<2500x128xf32>
    %add3A_11 = arith.addf %add3A, %add3A_10 : vector<2500x128xf32>
    %rsqrt3A = math.rsqrt %add3A_11 : vector<2500x128xf32>
    %get3A_12 = arith.constant 0 : index
    %get3A_13 = arith.constant 0 : index
    %get3A_14 = vector.load %arg1[%get3A_12, %get3A_13] : memref<2500x128xf32, #tpu.memory_space<vmem>>, vector<2500x128xf32>
    %mul3A = arith.mulf %get3A_14, %rsqrt3A : vector<2500x128xf32>
    %swap3A = arith.constant 0 : index
    %swap3A_15 = arith.constant 0 : index
    %swap3A_16 = vector.load %arg2[%swap3A, %swap3A_15] : memref<2500x128xf32, #tpu.memory_space<vmem>>, vector<2500x128xf32>
    tpu.vector_store %arg2[%swap3A, %swap3A_15], %mul3A {strides = array<i32>} : memref<2500x128xf32, #tpu.memory_space<vmem>>, vector<2500x128xf32>,
    %swap3A_17 = arith.constant 0 : index
    %swap3A_18 = arith.constant 0 : index
    %swap3A_19 = vector.load %arg3[%swap3A_17, %swap3A_18] : memref<2500x128xf32, #tpu.memory_space<vmem>>, vector<2500x128xf32>
    tpu.vector_store %arg3[%swap3A_17, %swap3A_18], %rsqrt3A {strides = array<i32>} : memref<2500x128xf32, #tpu.memory_space<vmem>>, vector<2500x128xf32>,
    return
  }
}

module attributes {stable_mosaic.version = 14 : i64} {
  func.func @_tc2_body(%arg0: memref<2x2500x128xf32, #tpu.memory_space<vmem>>, %arg1: memref<2500x128xf32, #tpu.memory_space<vmem>>, %arg2: memref<2500x128xf32, #tpu.memory_space<vmem>>, %arg3: memref<128xf32, #tpu.memory_space<vmem>>, %arg4: memref<128x128xf32, #tpu.memory_space<vmem>>, %arg5: memref<2500x128xf32, #tpu.memory_space<vmem>>, %arg6: memref<2500x128xf32, #tpu.memory_space<vmem>>) attributes {dimension_semantics = [], scalar_prefetch = 0 : i64, scratch_operands = 0 : i64, tpu.core_type = #tpu.core_type<tc>} {
    %get3A = arith.constant 0 : index
    %get3A_0 = arith.constant 0 : index
    %get3A_1 = vector.load %arg2[%get3A, %get3A_0] : memref<2500x128xf32, #tpu.memory_space<vmem>>, vector<2500x128xf32>
    %get3A_2 = arith.constant 0 : index
    %get3A_3 = arith.constant 0 : index
    %get3A_4 = arith.constant 0 : index
    %get3A_5 = vector.load %arg0[%get3A_2, %get3A_3, %get3A_4] : memref<2x2500x128xf32, #tpu.memory_space<vmem>>, vector<1x2500x128xf32>
    %get3A_6 = vector.shape_cast %get3A_5 : vector<1x2500x128xf32> to vector<2500x128xf32>
    %get3A_7 = arith.constant 1 : index
    %get3A_8 = arith.constant 0 : index
    %get3A_9 = arith.constant 0 : index
    %get3A_10 = vector.load %arg0[%get3A_7, %get3A_8, %get3A_9] : memref<2x2500x128xf32, #tpu.memory_space<vmem>>, vector<1x2500x128xf32>
    %get3A_11 = vector.shape_cast %get3A_10 : vector<1x2500x128xf32> to vector<2500x128xf32>
    %add3A = arith.addf %get3A_6, %get3A_11 : vector<2500x128xf32>
    %mul3A = arith.mulf %get3A_1, %add3A : vector<2500x128xf32>
    %mul3A_12 = arith.mulf %get3A_1, %get3A_1 : vector<2500x128xf32>
    %get3A_13 = arith.constant 0 : index
    %get3A_14 = arith.constant 0 : index
    %get3A_15 = vector.load %arg1[%get3A_13, %get3A_14] : memref<2500x128xf32, #tpu.memory_space<vmem>>, vector<2500x128xf32>
    %mul3A_16 = arith.mulf %mul3A_12, %get3A_15 : vector<2500x128xf32>
    %add3A_17 = arith.addf %mul3A, %mul3A_16 : vector<2500x128xf32>
    %get3A_18 = arith.constant 0 : index
    %get3A_19 = vector.load %arg3[%get3A_18] : memref<128xf32, #tpu.memory_space<vmem>>, vector<128xf32>
    %broadcast_in_dim3A = vector.shape_cast %get3A_19 : vector<128xf32> to vector<1x128xf32>
    %add3A_20 = vector.broadcast %broadcast_in_dim3A : vector<1x128xf32> to vector<2500x128xf32>
    %add3A_21 = arith.addf %add3A_17, %add3A_20 : vector<2500x128xf32>
    %max3A = arith.constant 0.000000e+00 : f32
    %max3A_22 = vector.broadcast %max3A : f32 to vector<2500x128xf32>
    %max3A_23 = arith.maximumf %add3A_21, %max3A_22 : vector<2500x128xf32>
    %get3A_24 = arith.constant 0 : index
    %get3A_25 = arith.constant 0 : index
    %get3A_26 = vector.load %arg4[%get3A_24, %get3A_25] : memref<128x128xf32, #tpu.memory_space<vmem>>, vector<128x128xf32>
    %dot_general3A = arith.constant dense<0.000000e+00> : vector<2500x128xf32>
    %dot_general3A_27 = tpu.matmul %max3A_23, %get3A_26, %dot_general3A {dimension_numbers = #tpu.dot_dimension_numbers<[1], [0], [0], [1], [0, 0, 1, 1], [], []>, precision = #tpu.contract_precision<fp32>, transpose_lhs_hint = false} : vector<2500x128xf32>, vector<128x128xf32>, vector<2500x128xf32> -> vector<2500x128xf32>
    %swap3A = arith.constant 0 : index
    %swap3A_28 = arith.constant 0 : index
    %swap3A_29 = vector.load %arg5[%swap3A, %swap3A_28] : memref<2500x128xf32, #tpu.memory_space<vmem>>, vector<2500x128xf32>
    tpu.vector_store %arg5[%swap3A, %swap3A_28], %dot_general3A_27 {strides = array<i32>} : memref<2500x128xf32, #tpu.memory_space<vmem>>, vector<2500x128xf32>,
    %mul3A_30 = arith.mulf %dot_general3A_27, %get3A_1 : vector<2500x128xf32>
    %swap3A_31 = arith.constant 0 : index
    %swap3A_32 = arith.constant 0 : index
    %swap3A_33 = vector.load %arg6[%swap3A_31, %swap3A_32] : memref<2500x128xf32, #tpu.memory_space<vmem>>, vector<2500x128xf32>
    tpu.vector_store %arg6[%swap3A_31, %swap3A_32], %mul3A_30 {strides = array<i32>} : memref<2500x128xf32, #tpu.memory_space<vmem>>, vector<2500x128xf32>,
    return
  }
}

module attributes {stable_mosaic.version = 14 : i64} {
  func.func @_tc3_body(%arg0: memref<2x2500x128xf32, #tpu.memory_space<vmem>>, %arg1: memref<2500x128xf32, #tpu.memory_space<vmem>>, %arg2: memref<2500x128xf32, #tpu.memory_space<vmem>>, %arg3: memref<128xf32, #tpu.memory_space<vmem>>, %arg4: memref<128xf32, #tpu.memory_space<vmem>>, %arg5: memref<128x128xf32, #tpu.memory_space<vmem>>, %arg6: memref<1xf32, #tpu.memory_space<vmem>>, %arg7: memref<1xf32, #tpu.memory_space<vmem>>, %arg8: memref<1xf32, #tpu.memory_space<vmem>>, %arg9: memref<2500x128xf32, #tpu.memory_space<vmem>>) attributes {dimension_semantics = [], scalar_prefetch = 0 : i64, scratch_operands = 0 : i64, tpu.core_type = #tpu.core_type<tc>} {
    %get3A = arith.constant 0 : index
    %get3A_0 = arith.constant 0 : index
    %get3A_1 = vector.load %arg2[%get3A, %get3A_0] : memref<2500x128xf32, #tpu.memory_space<vmem>>, vector<2500x128xf32>
    %get3A_2 = arith.constant 0 : index
    %get3A_3 = arith.constant 0 : index
    %get3A_4 = arith.constant 0 : index
    %get3A_5 = vector.load %arg0[%get3A_2, %get3A_3, %get3A_4] : memref<2x2500x128xf32, #tpu.memory_space<vmem>>, vector<1x2500x128xf32>
    %get3A_6 = vector.shape_cast %get3A_5 : vector<1x2500x128xf32> to vector<2500x128xf32>
    %get3A_7 = arith.constant 1 : index
    %get3A_8 = arith.constant 0 : index
    %get3A_9 = arith.constant 0 : index
    %get3A_10 = vector.load %arg0[%get3A_7, %get3A_8, %get3A_9] : memref<2x2500x128xf32, #tpu.memory_space<vmem>>, vector<1x2500x128xf32>
    %get3A_11 = vector.shape_cast %get3A_10 : vector<1x2500x128xf32> to vector<2500x128xf32>
    %add3A = arith.addf %get3A_6, %get3A_11 : vector<2500x128xf32>
    %mul3A = arith.mulf %get3A_1, %add3A : vector<2500x128xf32>
    %mul3A_12 = arith.mulf %get3A_1, %get3A_1 : vector<2500x128xf32>
    %get3A_13 = arith.constant 0 : index
    %get3A_14 = arith.constant 0 : index
    %get3A_15 = vector.load %arg1[%get3A_13, %get3A_14] : memref<2500x128xf32, #tpu.memory_space<vmem>>, vector<2500x128xf32>
    %mul3A_16 = arith.mulf %mul3A_12, %get3A_15 : vector<2500x128xf32>
    %add3A_17 = arith.addf %mul3A, %mul3A_16 : vector<2500x128xf32>
    %get3A_18 = arith.constant 0 : index
    %get3A_19 = vector.load %arg3[%get3A_18] : memref<128xf32, #tpu.memory_space<vmem>>, vector<128xf32>
    %broadcast_in_dim3A = vector.shape_cast %get3A_19 : vector<128xf32> to vector<1x128xf32>
    %add3A_20 = vector.broadcast %broadcast_in_dim3A : vector<1x128xf32> to vector<2500x128xf32>
    %add3A_21 = arith.addf %add3A_17, %add3A_20 : vector<2500x128xf32>
    %max3A = arith.constant 0.000000e+00 : f32
    %max3A_22 = vector.broadcast %max3A : f32 to vector<2500x128xf32>
    %max3A_23 = arith.maximumf %add3A_21, %max3A_22 : vector<2500x128xf32>
    %get3A_24 = arith.constant 0 : index
    %get3A_25 = vector.load %arg4[%get3A_24] : memref<128xf32, #tpu.memory_space<vmem>>, vector<128xf32>
    %broadcast_in_dim3A_26 = vector.shape_cast %get3A_25 : vector<128xf32> to vector<1x128xf32>
    %mul3A_27 = vector.broadcast %broadcast_in_dim3A_26 : vector<1x128xf32> to vector<2500x128xf32>
    %mul3A_28 = arith.mulf %max3A_23, %mul3A_27 : vector<2500x128xf32>
    %get3A_29 = arith.constant 0 : index
    %get3A_30 = arith.constant 0 : index
    %get3A_31 = vector.load %arg5[%get3A_29, %get3A_30] : memref<128x128xf32, #tpu.memory_space<vmem>>, vector<128x128xf32>
    %dot_general3A = arith.constant dense<0.000000e+00> : vector<2500x128xf32>
    %dot_general3A_32 = tpu.matmul %mul3A_28, %get3A_31, %dot_general3A {dimension_numbers = #tpu.dot_dimension_numbers<[1], [0], [0], [1], [0, 0, 1, 1], [], []>, precision = #tpu.contract_precision<fp32>, transpose_lhs_hint = false} : vector<2500x128xf32>, vector<128x128xf32>, vector<2500x128xf32> -> vector<2500x128xf32>
    %get3A_33 = arith.constant 0 : index
    %get3A_34 = vector.load %arg6[%get3A_33] : memref<1xf32, #tpu.memory_space<vmem>>, vector<1xf32>
    %broadcast_in_dim3A_35 = vector.shape_cast %get3A_34 : vector<1xf32> to vector<1x1xf32>
    %add3A_36 = vector.broadcast %broadcast_in_dim3A_35 : vector<1x1xf32> to vector<2500x128xf32>
    %add3A_37 = arith.addf %dot_general3A_32, %add3A_36 : vector<2500x128xf32>
    %reduce_max3A = vector.shape_cast %add3A_37 : vector<2500x128xf32> to vector<1x2500x128xf32>
    %reduce_max3A_38 = arith.constant dense<0xFF800000> : vector<1xf32>
    %reduce_max3A_39 = vector.multi_reduction <maximumf>, %reduce_max3A, %reduce_max3A_38 [1, 2] : vector<1x2500x128xf32> to vector<1xf32>
    %reduce_max3A_40 = vector.shape_cast %reduce_max3A_39 : vector<1xf32> to vector<1x1x1xf32>
    %reduce_max3A_41 = vector.extract %reduce_max3A_40[0, 0, 0] : f32 from vector<1x1x1xf32>
    %get3A_42 = arith.constant 0 : index
    %get3A_43 = vector.load %arg7[%get3A_42] : memref<1xf32, #tpu.memory_space<vmem>>, vector<1xf32>
    %reduce_max3A_44 = vector.shape_cast %get3A_43 : vector<1xf32> to vector<1x1xf32>
    %reduce_max3A_45 = arith.constant dense<0xFF800000> : vector<1xf32>
    %reduce_max3A_46 = vector.multi_reduction <maximumf>, %reduce_max3A_44, %reduce_max3A_45 [1] : vector<1x1xf32> to vector<1xf32>
    %reduce_max3A_47 = vector.shape_cast %reduce_max3A_46 : vector<1xf32> to vector<1x1xf32>
    %reduce_max3A_48 = vector.extract %reduce_max3A_47[0, 0] : f32 from vector<1x1xf32>
    %max3A_49 = arith.maximumf %reduce_max3A_41, %reduce_max3A_48 : f32
    %sub3A = vector.broadcast %max3A_49 : f32 to vector<2500x128xf32>
    %sub3A_50 = arith.subf %add3A_37, %sub3A : vector<2500x128xf32>
    %exp3A = math.exp %sub3A_50 : vector<2500x128xf32>
    %get3A_51 = arith.constant 0 : index
    %get3A_52 = vector.load %arg7[%get3A_51] : memref<1xf32, #tpu.memory_space<vmem>>, vector<1xf32>
    %sub3A_53 = vector.broadcast %max3A_49 : f32 to vector<1xf32>
    %sub3A_54 = arith.subf %get3A_52, %sub3A_53 : vector<1xf32>
    %exp3A_55 = math.exp %sub3A_54 : vector<1xf32>
    %reduce_sum3A = vector.shape_cast %exp3A : vector<2500x128xf32> to vector<1x2500x128xf32>
    %reduce_sum3A_56 = arith.constant dense<0.000000e+00> : vector<1xf32>
    %reduce_sum3A_57 = vector.multi_reduction <add>, %reduce_sum3A, %reduce_sum3A_56 [1, 2] : vector<1x2500x128xf32> to vector<1xf32>
    %reduce_sum3A_58 = vector.shape_cast %reduce_sum3A_57 : vector<1xf32> to vector<1x1x1xf32>
    %reduce_sum3A_59 = vector.extract %reduce_sum3A_58[0, 0, 0] : f32 from vector<1x1x1xf32>
    %div3A = arith.constant 3.200000e+01 : f32
    %div3A_60 = arith.divf %reduce_sum3A_59, %div3A : f32
    %reduce_sum3A_61 = vector.shape_cast %exp3A_55 : vector<1xf32> to vector<1x1xf32>
    %reduce_sum3A_62 = arith.constant dense<0.000000e+00> : vector<1xf32>
    %reduce_sum3A_63 = vector.multi_reduction <add>, %reduce_sum3A_61, %reduce_sum3A_62 [1] : vector<1x1xf32> to vector<1xf32>
    %reduce_sum3A_64 = vector.shape_cast %reduce_sum3A_63 : vector<1xf32> to vector<1x1xf32>
    %reduce_sum3A_65 = vector.extract %reduce_sum3A_64[0, 0] : f32 from vector<1x1xf32>
    %add3A_66 = arith.addf %div3A_60, %reduce_sum3A_65 : f32
    %div3A_67 = vector.broadcast %add3A_66 : f32 to vector<1xf32>
    %div3A_68 = arith.divf %exp3A_55, %div3A_67 : vector<1xf32>
    %swap3A = arith.constant 0 : index
    %swap3A_69 = vector.load %arg8[%swap3A] : memref<1xf32, #tpu.memory_space<vmem>>, vector<1xf32>
    tpu.vector_store %arg8[%swap3A], %div3A_68 {strides = array<i32>} : memref<1xf32, #tpu.memory_space<vmem>>, vector<1xf32>,
    %div3A_70 = vector.broadcast %add3A_66 : f32 to vector<2500x128xf32>
    %div3A_71 = arith.divf %exp3A, %div3A_70 : vector<2500x128xf32>
    %swap3A_72 = arith.constant 0 : index
    %swap3A_73 = arith.constant 0 : index
    %swap3A_74 = vector.load %arg9[%swap3A_72, %swap3A_73] : memref<2500x128xf32, #tpu.memory_space<vmem>>, vector<2500x128xf32>
    tpu.vector_store %arg9[%swap3A_72, %swap3A_73], %div3A_71 {strides = array<i32>} : memref<2500x128xf32, #tpu.memory_space<vmem>>, vector<2500x128xf32>,
    return
  }
}

</mosaic_0001>

<sc_bundles>
// kernel: kernel.12.cloned.1.call-start
scs
__scs_entry_jumppad:
0x0: {  	(pc) =	sbr.rel $0x88, $3  }
0x1: {  	(tag) =	ssettag $0x0;
	lr =	simm.s32 $0x1  }
0x2: {  	[smem:$0x3F98] =	sst lr;
	_ =	strace $0xD0000000  }
0x3: {  	_ = 	snop  }
0x4: {  	_ = 	snop  }
0x5: {  	_ = 	snop  }
0x6: {  	_ = 	snop  }
0x7: {  	_ = 	snop  }
__scs_overlays_trampoline_lowered:
0x8: {  	[smem:$0x3FA7] =	sst s0  }
0x9: {  	[smem:$0x3FA8] =	sst s1  }
0xa: {  	[smem:$0x3FA9] =	sst s2  }
0xb: {  	[smem:$0x3FAA] =	sst s3  }
0xc: {  	[smem:$0x3FAB] =	sst s4  }
0xd: {  	[smem:$0x3FAC] =	sst s5  }
0xe: {  	[smem:$0x3FAD] =	sst s6  }
0xf: {  	[smem:$0x3FAE] =	sst s7  }
0x10: {  	[smem:$0x3FAF] =	sst s8  }
0x11: {  	[smem:$0x3FB0] =	sst s9;
	s0 =	simm.s32 @!p0 $0x0  }
0x12: {  	s1 =	sld [smem:$0x3F96];
	s0 =	simm.s32 @p0 $0x1  }
0x13: {  	[smem:$0x3FB1] =	sst s0;
	s0 =	simm.s32 @!p1 $0x0  }
0x14: {  	s2 =	sld [smem:$0x3F95];
	s0 =	simm.s32 @p1 $0x1  }
0x15: {  	[smem:$0x3FB2] =	sst s0;
	s0 =	simm.s32 @!p2 $0x0  }
0x16: {  	s3 =	sld [smem:$0x3FDB];
	s0 =	simm.s32 @p2 $0x1  }
0x17: {  	s4 =	simm.s32 $0x1BF5;
	[smem:$0x3FB4] =	sst s0  }
0x18: {  	s0 =	sld [smem:$0x3F97];
	_ =	swait.ge [sflag:s4], $0x0  }
0x19: {  	s7 =	sld [smem:$0x3F98]  }
0x1a: {  	s8 =	sadd.s32 $0xFFFFE003, lr  }
0x1b: {  	s9 =	sadd.s32 $0xFFFFFEF7, lr;
	s5 =	simm.s32 $0xFFFFFFFF;
	p2 =	slt.u32 s8, $0xFFFFF086  }
0x1c: {  	p1 =	slt.u32 s9, $0xF7A;
	s5 =	simm.s32 @!p2 $0x0  }
0x1d: {  	s5 =	simm.s32 @p1 $0x1;
	p0 =	seq.s32 s7, s2  }
0x1e: {  	s7 =	smul.u32 @!p0 $0xF7A, s2;
	p2 =	seq.s32 @!p0 s5, $0x0  }
0x1f: {  	s9 =	smul.u32 $0xF7A, s1;
	s8 =	simm.s32 @!p0 $0x1BF5;
	p2 =	por !p2, p0  }
0x20: {  	[sflag:s8] =	ssyncset.s32 @!p0 $0xFFFFF086;
	s6 =	sadd.s32 @!p0 s3, s7;
	s7 =	simm.s32 @!p0 $0x108  }
0x21: {  	s3 =	sadd.s32 s3, s9;
	s6 =	sadd.s32 @!p0 $0x88, s6;
	s7 =	simm.s32 @p2 $0x1082  }
0x22: {  	[simem:s7], [sflag:s8] =	dma.local @!p0 [hbm:s6], $0xF7A  }
0x23: {  	s9 =	sor.u32 $0xD0000000, s2;
	s6 =	simm.s32 $0x108;
	_ =	swait.ge @!p0 [sflag:s8], $0x0  }
0x24: {  	s3 =	sadd.s32 $0x88, s3;
	s6 =	simm.s32 @!p1 $0x1082;
	[sflag:s4] =	ssyncset.s32 $0xFFFFF086  }
0x25: {  	[simem:s6], [sflag:s4] =	dma.local [hbm:s3], $0xF7A  }
0x26: {  	[smem:$0x3F98] =	sst s1;
	(tag) =	ssettag s2;
	_ =	strace s9  }
0x27: {  	s1 =	sld [smem:$0x3FA8]  }
0x28: {  	s2 =	sld [smem:$0x3FA9]  }
0x29: {  	s4 =	sld [smem:$0x3FAB]  }
0x2a: {  	p0 =	seq.s32 s5, $0x0;
	s5 =	sld [smem:$0x3FAC]  }
0x2b: {  	s6 =	sld [smem:$0x3FAD]  }
0x2c: {  	s7 =	sld [smem:$0x3FAE]  }
0x2d: {  	s3 =	simm.s32 $0x108;
	s8 =	sld [smem:$0x3FAF]  }
0x2e: {  	s3 =	simm.s32 @!p0 $0x1082;
	s9 =	sld [smem:$0x3FB0]  }
0x2f: {  	lr =	sadd.s32 s0, s3;
	s0 =	sld [smem:$0x3FA7]  }
0x30: {  	s3 =	sld [smem:$0x3FAA]  }
0x31: {  	[smem:$0x3FB3] =	sst s10  }
0x32: {  	s10 =	sld [smem:$0x3FB1];
	_ =	sdelay $0x3  }
0x33: {  	p0 =	seq.s32 s10, $0x1;
	s10 =	sld [smem:$0x3FB3];
	_ =	sdelay $0x3  }
0x34: {  	[smem:$0x3FB3] =	sst s10  }
0x35: {  	s10 =	sld [smem:$0x3FB2];
	_ =	sdelay $0x3  }
0x36: {  	p1 =	seq.s32 s10, $0x1;
	s10 =	sld [smem:$0x3FB3];
	_ =	sdelay $0x3  }
0x37: {  	[smem:$0x3FB3] =	sst s10  }
0x38: {  	s10 =	sld [smem:$0x3FB4]  }
0x39: {  	_ = 	snop;
	(pc) =	sbr.ind lr, $3  }
0x3a: {  	_ = 	snop  }
0x3b: {  	_ = 	snop  }
0x3c: {  	p2 =	seq.s32 s10, $0x1;
	s10 =	sld [smem:$0x3FB3]  }
0x3d: {  	_ =	shalt  }
0x3e: {  	_ =	shalt  }
0x3f: {  	_ =	shalt  }
0x40: {  	_ =	shalt  }
0x41: {  	_ =	shalt  }
0x42: {  	_ =	shalt  }
0x43: {  	_ =	shalt  }
0x44: {  	_ =	shalt  }
0x45: {  	_ =	shalt  }
0x46: {  	_ =	shalt  }
0x47: {  	_ =	shalt  }
0x48: {  	_ =	shalt  }
0x49: {  	_ =	shalt  }
0x4a: {  	_ =	shalt  }
0x4b: {  	_ =	shalt  }
0x4c: {  	_ =	shalt  }
0x4d: {  	_ =	shalt  }
0x4e: {  	_ =	shalt  }
0x4f: {  	_ =	shalt  }
0x50: {  	_ =	shalt  }
0x51: {  	_ =	shalt  }
0x52: {  	_ =	shalt  }
0x53: {  	_ =	shalt  }
0x54: {  	_ =	shalt  }
0x55: {  	_ =	shalt  }
0x56: {  	_ =	shalt  }
0x57: {  	_ =	shalt  }
0x58: {  	_ =	shalt  }
0x59: {  	_ =	shalt  }
0x5a: {  	_ =	shalt  }
0x5b: {  	_ =	shalt  }
0x5c: {  	_ =	shalt  }
0x5d: {  	_ =	shalt  }
0x5e: {  	_ =	shalt  }
0x5f: {  	_ =	shalt  }
0x60: {  	_ =	shalt  }
0x61: {  	_ =	shalt  }
0x62: {  	_ =	shalt  }
0x63: {  	_ =	shalt  }
0x64: {  	_ =	shalt  }
0x65: {  	_ =	shalt  }
0x66: {  	_ =	shalt  }
0x67: {  	_ =	shalt  }
0x68: {  	_ =	shalt  }
0x69: {  	_ =	shalt  }
0x6a: {  	_ =	shalt  }
0x6b: {  	_ =	shalt  }
0x6c: {  	_ =	shalt  }
0x6d: {  	_ =	shalt  }
0x6e: {  	_ =	shalt  }
0x6f: {  	_ =	shalt  }
0x70: {  	_ =	shalt  }
0x71: {  	_ =	shalt  }
0x72: {  	_ =	shalt  }
0x73: {  	_ =	shalt  }
0x74: {  	_ =	shalt  }
0x75: {  	_ =	shalt  }
0x76: {  	_ =	shalt  }
0x77: {  	_ =	shalt  }
0x78: {  	_ =	shalt  }
0x79: {  	_ =	shalt  }
0x7a: {  	_ =	shalt  }
0x7b: {  	_ =	shalt  }
0x7c: {  	_ =	shalt  }
0x7d: {  	_ =	shalt  }
0x7e: {  	_ =	shalt  }
0x7f: {  	_ =	shalt  }
0x80: {  	_ =	shalt  }
0x81: {  	_ =	shalt  }
0x82: {  	_ =	shalt  }
0x83: {  	_ =	shalt  }
0x84: {  	_ =	shalt  }
0x85: {  	_ =	shalt  }
0x86: {  	_ =	shalt  }
0x87: {  	_ =	shalt  }
.Lfunc_end0:
.L_simem_size_0:
called_computation.1_lowered:
.L_overlay_start_0:
0x88: {  	s2 =	sld [smem:$0x3FD9]  }
0x89: {  	s3 =	sld [smem:$0x3FFE];
	_ =	sdelay $0x1  }
0x8a: {  	s1 =	srdreg.scid  }
0x8b: {  	s0 =	sand.u32 $0x1, s1  }
0x8c: {  	s16 =	sshll.u32 s0, $0xA;
	s2 =	sadd.s32 s3, s2  }
0x8d: {  	s2 =	sadd.s32 s2, s16  }
0x8e: {  	[smem:$0x3FBF] =	sst s2  }
0x8f: {  	_ = 	snop  }
0x90: {  	(tm) =	ssettm $0x1  }
0x91: {  	s17 =	sld [smem:$0x3FFB];
	_ =	sdelay $0x3  }
0x92: {  	_ =	strace s17  }
0x93: {  	s2 =	sld [smem:$0x3FFC];
	_ =	sdelay $0x3  }
0x94: {  	_ =	strace s2  }
0x95: {  	s2 =	sld [smem:$0x3FFD];
	_ =	sdelay $0x3  }
0x96: {  	_ =	strace s2  }
0x97: {  	_ =	strace $0x8FFFFFFF  }
0x98: {  	s18 =	sld [smem:$0x3FDB];
	_ =	sdelay $0x1  }
0x99: {  	s19 =	simm.s32 $_scs_section_size  }
0x9a: {  	s4 =	simm.s32 $_size__tile_overlayer_lowered;
	s5 =	simm.s32 $_tile_overlayer_lowered  }
0x9b: {  	s22 =	simm.s32 $0x1BFF;
	s21 =	sshll.u32 s5, $0x1;
	s2 =	sadd.s32 s19, s18  }
0x9c: {  	s6 =	simm.s32 $0x0;
	s20 =	sshll.u32 s4, $0x1;
	s4 =	sadd.s32 s21, s2  }
0x9d: {  	[timem:s6], [sflag:s22] =	dma.local [hbm:s4], s20  }
0x9e: {  	_ =	swait.ge [sflag:s22], s20  }
0x9f: {  	s3 =	ssub.s32 $0x0, s20;
	[sflag:s22] =	ssyncset.done $0x0  }
0xa0: {  	[sflag:s22] =	ssyncadd.s32 s3;
	_ =	sdelay $0x1  }
0xa1: {  	s23 =	simm.s32 $0x1B8B  }
0xa2: {  	_ =	swait.ge [sflag:s23], $0x1  }
0xa3: {  	[sflag:s23] =	ssyncset.done $0x0  }
0xa4: {  	s25 =	simm.s32 $0x1B8E;
	s24 =	sld [smem:$0x3FFE];
	[sflag:s23] =	ssyncadd.s32 $0xFFFFFFFF  }
0xa5: {  	s26 =	simm.s32 $execute0_lowered;
	[smem:$0x3FD2] =	sst s25  }
0xa6: {  	s4 =	sshll.u32 s26, $0x1;
	_ =	strace $0x80000049;
	[dreg:$0x1] =	wrdreg $0xFFFFFFFF  }
0xa7: {  	s28 =	simm.s32 $_size_execute0_lowered;
	s2 =	sadd.s32 s2, s4;
	[dreg:$0x0] =	wrdreg $0x0  }
0xa8: {  	s4 =	sshll.u32 s28, $0x1;
	[dreg:$0x2] =	wrdreg s2  }
0xa9: {  	[dreg:$0x3] =	wrdreg s4  }
0xaa: {  	[dreg:$0x4] =	wrdreg $0xC0  }
0xab: {  	_ =	task [dreg:s6], $0x5FFFF  }
0xac: {  	[dreg:$0x1] =	wrdreg $0xFFFFFFFF  }
0xad: {  	[dreg:$0x0] =	wrdreg $0x60  }
0xae: {  	[dreg:$0x2] =	wrdreg s24  }
0xaf: {  	[dreg:$0x3] =	wrdreg $0x11F000  }
0xb0: {  	[dreg:$0x4] =	wrdreg $0xD0000  }
0xb1: {  	[dreg:$0x5] =	wrdreg $0x9  }
0xb2: {  	_ =	task.clear_ibuf [dreg:s6], $0x6FFFF;
	_ =	strace $0x90000049  }
0xb3: {  	s29 =	simm.s32 $0x9;
	_ =	strace $0x8000004B  }
0xb4: {  	_ =	swait.ge [sflag:s29], $0x1  }
0xb5: {  	[sflag:s29] =	ssyncadd.s32 $0xFFFFFFFF  }
0xb6: {  	_ =	strace $0x9000004B  }
0xb7: {  	_ =	sfence  }
0xb8: {  	s30 =	sld [smem:$0x0];
	_ =	sdelay $0x2  }
0xb9: {  	s31 =	sshll.u32 s1, $0xD;
	s1 =	sshrl.u32 s1, $0x2  }
0xba: {  	s3 =	sand.u32 $0x4000, s31;
	s1 =	sadd.s32 s1, s30  }
0xbb: {  	s0 =	sor.u32 s3, s0;
	s1 =	sshll.u32 s1, $0x11  }
0xbc: {  	s0 =	sor.u32 s1, s0  }
0xbd: {  	s0 =	sadd.s32 $0x8F2B, s0  }
0xbe: {  	[sflag:s0] =	ssyncadd.remote.s32 $0x1  }
0xbf: {  	_ =	sfence.sel $0xFFFF  }
0xc0: {  	[dreg:$0x0] =	wrdreg $0xFFFFFFFF;
	(pc) =	sbr.abs _section_cstart, $3  }
0xc1: {  	[dreg:$0x1] =	wrdreg $0xFFFFFFFF  }
0xc2: {  	_ =	task.clear_ibuf [dreg:s6], $0x2FFFF;
	_ =	strace $0x9FFFFFFF  }
0xc3: {  	(tm) =	ssettm $0x7FFFFFFF  }
tec
execute0_lowered:
.L_overlay_start_1:
0x0: {  	(tag) =	ssettag $0x1  }
0x1: {  	s0 =	rddreg [dreg:$0x0]  }
0x2: {  	s1 =	rddreg [dreg:$0x1]  }
0x3: {  	s3 =	rddreg [dreg:$0x2];
	s4 =	simm.s32 $0x0  }
0x4: {  	s18 =	stileid.u32;
	s5 =	srdreg.scid;
	s28 =	simm.s32 $0x9000  }
0x5: {  	s30 =	simm.s32 $0xB000;
	s31 =	simm.s32 $0x1;
	s21 =	simm.s32 $0x7  }
0x6: {  	[smem:$0x7FF] =	sst s4;
	s2 =	smul.u32 $0x4F00, s18;
	s11 =	sadd.s32 $0x29200, s0  }
0x7: {  	s12 =	sand.u32 $0x1, s5;
	s13 =	sadd.s32 $0x1A00, s0;
	s10 =	smul.u32 $0x5000, s18  }
0x8: {  	s23 =	sshll.u32 s18, $0x6;
	s17 =	smul.u32 $0xA00, s18;
	s19 =	sadd.s32 $0x4A100, s3  }
0x9: {  	p0 =	seq.s32 s18, $0xF;
	s18 =	simm.s32 $0x9;
	_ =	strace $0x8000004A  }
0xa: {  	s6 =	smul.u32 $0x9C40, s12;
	s7 =	ssub.s32 $0x2, s12;
	s19 =	sshrl.u32 @p0 s19, $0x3  }
0xb: {  	p1 =	seq.s32 s12, $0x0;
	s12 =	simm.s32 $0x3;
	s5 =	sshrl.u32 s2, $0x3  }
0xc: {  	s8 =	sshrl.u32 s7, $0x1;
	s10 =	sshrl.u32 s10, $0x3;
	s26 =	sadd.s32 s11, s17  }
0xd: {  	s29 =	sadd.s32 s13, s17;
	s9 =	sadd.s32 s5, s0;
	s14 =	sadd.s32 s6, s0  }
0xe: {  	s16 =	ssub.s32 s7, s8;
	s6 =	sadd.s32 s2, s1;
	s8 =	sor.u32 $0x1C09, s23  }
0xf: {  	s2 =	sadd.s32 s2, s3;
	s15 =	sadd.s32 $0x500, s10;
	[dreg:$0x7] =	wrdreg s26  }
0x10: {  	s10 =	sadd.s32 $0x1EC20, s0;
	[dreg:$0x8] =	wrdreg s29;
	s0 =	sadd.s32 $0x4A100, s1  }
0x11: {  	s23 =	simm.s32 $0x5000;
	s22 =	sadd.s32 $0xBA00, s9;
	s9 =	sadd.s32 $0x15800, s9  }
0x12: {  	s24 =	sadd.s32 s11, s15;
	s25 =	sadd.s32 s13, s15;
	s15 =	sadd.s32 $0x33200, s14  }
.Ltmp0:
0x13: {  	s16 =	smax.u32 s16, $0x1;
	s17 =	sshrl.u32 s6, $0x3;
	(pc) =	sbr.rel .LBB2_1-.Ltmp0, $4  }
0x14: {  	s20 =	sshrl.u32 @!p0 s2, $0x3;
	s2 =	simm.s32 $0x2;
	[dreg:$0x4] =	wrdreg s22  }
0x15: {  	s11 =	simm.s32 $0x6;
	s13 =	simm.s32 $0x4;
	[dreg:$0x5] =	wrdreg s24  }
0x16: {  	s14 =	simm.s32 $0x8;
	[dreg:$0x6] =	wrdreg s25;
	s22 =	simm.s32 $0x100  }
0x17: {  	s24 =	simm.s32 $0x7000;
	s25 =	sshrl.u32 @p0 s0, $0x3;
	s0 =	simm.s32 $0x5  }
.LBB2_7:
0x18: {  	[tilespmem:s30], [sflag:$0x4] =	stream.indirect.gather [spmem:s3], $0x20, s29, s22, $0xb8;
	[tilespmem:$0x16E00] =	vst v63  }
.LBB2_8:
0x19: {  	_ =	swait.ge [sflag:s31], $0x2000  }
0x1a: {  	[sflag:s31] =	ssyncset.done $0x0  }
0x1b: {  	s7 =	simm.s32 $0x4C00;
	[sflag:s31] =	ssyncadd.s32 $0xFFFFE000  }
0x1c: {  	[spmem:s1] =	stream.indirect.scatter.add.f32 [tilespmem:s23], [sflag:$0x5], $0x20, s7, s22, $0xb8;
	[tilespmem:$0x16E00] =	vst v63  }
0x1d: {  	_ =	swait.ge [sflag:s2], $0x2000  }
0x1e: {  	[sflag:s2] =	ssyncset.done $0x0  }
0x1f: {  	s29 =	simm.s32 $0x4D00;
	[sflag:s2] =	ssyncadd.s32 $0xFFFFE000  }
0x20: {  	[spmem:s1] =	stream.indirect.scatter.add.f32 [tilespmem:s24], [sflag:$0x6], $0x20, s29, s22, $0xb8;
	[tilespmem:$0x16E00] =	vst v63  }
0x21: {  	_ =	swait.ge [sflag:s12], $0x2000  }
0x22: {  	[sflag:s12] =	ssyncset.done $0x0  }
0x23: {  	s26 =	simm.s32 $0x4E00;
	[sflag:s12] =	ssyncadd.s32 $0xFFFFE000  }
0x24: {  	[spmem:s1] =	stream.indirect.scatter.add.f32 [tilespmem:s28], [sflag:$0x7], $0x20, s26, s22, $0xb8;
	[tilespmem:$0x16E00] =	vst v63  }
0x25: {  	_ =	swait.ge [sflag:s13], $0x2000  }
0x26: {  	[sflag:s13] =	ssyncset.done $0x0  }
0x27: {  	s29 =	simm.s32 $0x4F00;
	[sflag:s13] =	ssyncadd.s32 $0xFFFFE000  }
0x28: {  	[spmem:s1] =	stream.indirect.scatter.add.f32 [tilespmem:s30], [sflag:$0x8], $0x20, s29, s22, $0xb8;
	[tilespmem:$0x16E00] =	vst v63  }
0x29: {  	_ =	swait.ge [sflag:s0], $0x2000  }
0x2a: {  	[sflag:s0] =	ssyncset.done $0x0  }
0x2b: {  	[sflag:s0] =	ssyncadd.s32 $0xFFFFE000  }
0x2c: {  	_ =	swait.ge [sflag:s11], $0x2000  }
0x2d: {  	[sflag:s11] =	ssyncset.done $0x0  }
0x2e: {  	[sflag:s11] =	ssyncadd.s32 $0xFFFFE000  }
0x2f: {  	_ =	swait.ge [sflag:s21], $0x2000  }
0x30: {  	[sflag:s21] =	ssyncset.done $0x0  }
0x31: {  	[sflag:s21] =	ssyncadd.s32 $0xFFFFE000  }
0x32: {  	_ =	swait.ge [sflag:s14], $0x2000  }
0x33: {  	[sflag:s14] =	ssyncset.done $0x0  }
0x34: {  	[sflag:s14] =	ssyncadd.s32 $0xFFFFE000  }
0x35: {  	s7 =	sadd.s32 @p0 $0x9420, s15;
	[bflag:$0x0] =	sbarrier.arrive $0xFFFF  }
0x36: {  	[hbm:s7], [sflag:s8] =	dma.local @p0 [spmem:s25], $0x820  }
0x37: {  	s7 =	simm.s32 @p0 $0x9  }
0x38: {  	s4 =	sadd.s32 $0x1, s4;
	_ =	swait.ge @p0 [sflag:s7], $0x820  }
0x39: {  	p2 =	sne.s32 s4, s16;
	[sflag:s7] =	ssyncset.done @p0 $0x0  }
0x3a: {  	s26 =	sshrl.u32 @!p0 s6, $0x3;
	[sflag:s7] =	ssyncadd.s32 @p0 $0xFFFFF7E0;
	s7 =	sadd.s32 @!p0 s5, s15  }
0x3b: {  	[hbm:s7], [sflag:s8] =	dma.local @!p0 [spmem:s26], $0x9E0  }
.Ltmp1:
0x3c: {  	_ = 	snop;
	(pc) =	sbr.rel @!p2 .LBB2_9-.Ltmp1, $4  }
0x3d: {  	s7 =	simm.s32 @!p0 $0x9  }
0x3e: {  	_ =	swait.ge @!p0 [sflag:s7], $0x9E0  }
0x3f: {  	[sflag:s7] =	ssyncset.done @!p0 $0x0  }
0x40: {  	[sflag:s7] =	ssyncadd.s32 @!p0 $0xFFFFF620  }
.LBB2_1:
0x41: {  	s7 =	rddreg [dreg:$0x4]  }
0x42: {  	[spmem:s17], [sflag:s8] =	dma.local [hbm:s7], $0x9E0  }
0x43: {  	_ =	swait.ge [sflag:s18], $0x9E0  }
0x44: {  	[sflag:s18] =	ssyncset.done $0x0  }
0x45: {  	s26 =	simm.s32 @p0 $0x9;
	[sflag:s18] =	ssyncadd.s32 $0xFFFFF620  }
0x46: {  	[spmem:s19], [sflag:s8] =	dma.local @p0 [hbm:s10], $0x820  }
0x47: {  	_ =	swait.ge @p0 [sflag:s26], $0x820  }
0x48: {  	[sflag:s26] =	ssyncset.done @p0 $0x0  }
.Ltmp2:
0x49: {  	[sflag:s26] =	ssyncadd.s32 @p0 $0xFFFFF7E0;
	s26 =	simm.s32 @!p0 $0x9;
	(pc) =	sbr.rel @!p1 .LBB2_2-.Ltmp2, $4  }
0x4a: {  	[spmem:s20], [sflag:s8] =	dma.local @!p0 [hbm:s9], $0x9E0  }
0x4b: {  	_ =	swait.ge @!p0 [sflag:s26], $0x9E0  }
0x4c: {  	[sflag:s26] =	ssyncset.done @!p0 $0x0  }
0x4d: {  	[sflag:s26] =	ssyncadd.s32 @!p0 $0xFFFFF620;
	s26 =	simm.s32 $0x0  }
0x4e: {  	s7 =	rddreg [dreg:$0x7]  }
0x4f: {  	[tilespmem:s26], [sflag:$0x9] =	stream.linear.gather [hbm4b:s7+s26], $0x2800, $0x38;
	[tilespmem:$0x16E00] =	vst v63  }
0x50: {  	_ =	swait.ge [sflag:s18], $0x2800  }
0x51: {  	[sflag:s18] =	ssyncset.done $0x0  }
0x52: {  	s29 =	simm.s32 $0x2800;
	s7 =	rddreg [dreg:$0x8];
	[sflag:s18] =	ssyncadd.s32 $0xFFFFD800  }
0x53: {  	[tilespmem:s29], [sflag:$0x9] =	stream.linear.gather [hbm4b:s7+s26], $0x2800, $0x38;
	[tilespmem:$0x16E00] =	vst v63  }
0x54: {  	_ =	swait.ge [sflag:s18], $0x2800  }
0x55: {  	[sflag:s18] =	ssyncset.done $0x0  }
0x56: {  	[sflag:s18] =	ssyncadd.s32 $0xFFFFD800  }
0x57: {  	[bflag:$0x0] =	sbarrier.arrive $0xFFFF  }
0x58: {  	[tilespmem:s23], [sflag:$0x1] =	stream.indirect.gather [spmem:s3], $0x20, s26, s22, $0xb8;
	[tilespmem:$0x16E00] =	vst v63  }
0x59: {  	_ = 	snop  }
0x5a: {  	[tilespmem:s24], [sflag:$0x2] =	stream.indirect.gather [spmem:s3], $0x20, s22, s22, $0xb8;
	[tilespmem:$0x16E00] =	vst v63  }
0x5b: {  	s26 =	simm.s32 $0x200  }
0x5c: {  	[tilespmem:s28], [sflag:$0x3] =	stream.indirect.gather [spmem:s3], $0x20, s26, s22, $0xb8;
	[tilespmem:$0x16E00] =	vst v63  }
0x5d: {  	s26 =	simm.s32 $0x300  }
0x5e: {  	[tilespmem:s30], [sflag:$0x4] =	stream.indirect.gather [spmem:s3], $0x20, s26, s22, $0xb8;
	[tilespmem:$0x16E00] =	vst v63  }
0x5f: {  	_ =	swait.ge [sflag:s31], $0x2000  }
0x60: {  	[sflag:s31] =	ssyncset.done $0x0  }
0x61: {  	s7 =	simm.s32 $0x2800;
	[sflag:s31] =	ssyncadd.s32 $0xFFFFE000  }
0x62: {  	[spmem:s1] =	stream.indirect.scatter.add.f32 [tilespmem:s23], [sflag:$0x5], $0x20, s7, s22, $0xb8;
	[tilespmem:$0x16E00] =	vst v63  }
0x63: {  	_ =	swait.ge [sflag:s0], $0x2000  }
0x64: {  	[sflag:s0] =	ssyncset.done $0x0  }
0x65: {  	s7 =	simm.s32 $0x400;
	[sflag:s0] =	ssyncadd.s32 $0xFFFFE000  }
0x66: {  	[tilespmem:s23], [sflag:$0x1] =	stream.indirect.gather [spmem:s3], $0x20, s7, s22, $0xb8;
	[tilespmem:$0x16E00] =	vst v63  }
0x67: {  	_ =	swait.ge [sflag:s2], $0x2000  }
0x68: {  	[sflag:s2] =	ssyncset.done $0x0  }
0x69: {  	s7 =	simm.s32 $0x2900;
	[sflag:s2] =	ssyncadd.s32 $0xFFFFE000  }
0x6a: {  	[spmem:s1] =	stream.indirect.scatter.add.f32 [tilespmem:s24], [sflag:$0x6], $0x20, s7, s22, $0xb8;
	[tilespmem:$0x16E00] =	vst v63  }
0x6b: {  	_ =	swait.ge [sflag:s11], $0x2000  }
0x6c: {  	[sflag:s11] =	ssyncset.done $0x0  }
0x6d: {  	s7 =	simm.s32 $0x500;
	[sflag:s11] =	ssyncadd.s32 $0xFFFFE000  }
0x6e: {  	[tilespmem:s24], [sflag:$0x2] =	stream.indirect.gather [spmem:s3], $0x20, s7, s22, $0xb8;
	[tilespmem:$0x16E00] =	vst v63  }
0x6f: {  	_ =	swait.ge [sflag:s12], $0x2000  }
0x70: {  	[sflag:s12] =	ssyncset.done $0x0  }
0x71: {  	s7 =	simm.s32 $0x2A00;
	[sflag:s12] =	ssyncadd.s32 $0xFFFFE000  }
0x72: {  	[spmem:s1] =	stream.indirect.scatter.add.f32 [tilespmem:s28], [sflag:$0x7], $0x20, s7, s22, $0xb8;
	[tilespmem:$0x16E00] =	vst v63  }
0x73: {  	_ =	swait.ge [sflag:s21], $0x2000  }
0x74: {  	[sflag:s21] =	ssyncset.done $0x0  }
0x75: {  	s7 =	simm.s32 $0x600;
	[sflag:s21] =	ssyncadd.s32 $0xFFFFE000  }
0x76: {  	[tilespmem:s28], [sflag:$0x3] =	stream.indirect.gather [spmem:s3], $0x20, s7, s22, $0xb8;
	[tilespmem:$0x16E00] =	vst v63  }
0x77: {  	_ =	swait.ge [sflag:s13], $0x2000  }
0x78: {  	[sflag:s13] =	ssyncset.done $0x0  }
0x79: {  	s7 =	simm.s32 $0x2B00;
	[sflag:s13] =	ssyncadd.s32 $0xFFFFE000  }
0x7a: {  	[spmem:s1] =	stream.indirect.scatter.add.f32 [tilespmem:s30], [sflag:$0x8], $0x20, s7, s22, $0xb8;
	[tilespmem:$0x16E00] =	vst v63  }
0x7b: {  	_ =	swait.ge [sflag:s14], $0x2000  }
0x7c: {  	[sflag:s14] =	ssyncset.done $0x0  }
0x7d: {  	s29 =	simm.s32 $0x700;
	s26 =	simm.s32 $0x1000;
	[sflag:s14] =	ssyncadd.s32 $0xFFFFE000  }
.LBB2_6:
0x7e: {  	[tilespmem:s30], [sflag:$0x4] =	stream.indirect.gather [spmem:s3], $0x20, s29, s22, $0xb8;
	[tilespmem:$0x16E00] =	vst v63  }
0x7f: {  	s29 =	smov.u32 s26  }
0x80: {  	p2 =	seq.s32 s26, $0x8000;
	s26 =	sadd.s32 $0x1000, s26;
	_ =	swait.ge [sflag:s31], $0x2000  }
0x81: {  	s29 =	sshra.s32 s29, $0x2;
	[sflag:s31] =	ssyncset.done $0x0  }
0x82: {  	s7 =	sadd.s32 $0x2800, s29;
	[sflag:s31] =	ssyncadd.s32 $0xFFFFE000  }
0x83: {  	[spmem:s1] =	stream.indirect.scatter.add.f32 [tilespmem:s23], [sflag:$0x5], $0x20, s7, s22, $0xb8;
	[tilespmem:$0x16E00] =	vst v63  }
0x84: {  	_ =	swait.ge [sflag:s0], $0x2000  }
0x85: {  	[sflag:s0] =	ssyncset.done $0x0  }
0x86: {  	s7 =	sadd.s32 $0x400, s29;
	[sflag:s0] =	ssyncadd.s32 $0xFFFFE000  }
0x87: {  	[tilespmem:s23], [sflag:$0x1] =	stream.indirect.gather [spmem:s3], $0x20, s7, s22, $0xb8;
	[tilespmem:$0x16E00] =	vst v63  }
0x88: {  	_ =	swait.ge [sflag:s2], $0x2000  }
0x89: {  	[sflag:s2] =	ssyncset.done $0x0  }
0x8a: {  	s7 =	sadd.s32 $0x2900, s29;
	[sflag:s2] =	ssyncadd.s32 $0xFFFFE000  }
0x8b: {  	[spmem:s1] =	stream.indirect.scatter.add.f32 [tilespmem:s24], [sflag:$0x6], $0x20, s7, s22, $0xb8;
	[tilespmem:$0x16E00] =	vst v63  }
0x8c: {  	_ =	swait.ge [sflag:s11], $0x2000  }
0x8d: {  	[sflag:s11] =	ssyncset.done $0x0  }
0x8e: {  	s7 =	sadd.s32 $0x500, s29;
	[sflag:s11] =	ssyncadd.s32 $0xFFFFE000  }
0x8f: {  	[tilespmem:s24], [sflag:$0x2] =	stream.indirect.gather [spmem:s3], $0x20, s7, s22, $0xb8;
	[tilespmem:$0x16E00] =	vst v63  }
0x90: {  	_ =	swait.ge [sflag:s12], $0x2000  }
0x91: {  	[sflag:s12] =	ssyncset.done $0x0  }
0x92: {  	s7 =	sadd.s32 $0x2A00, s29;
	[sflag:s12] =	ssyncadd.s32 $0xFFFFE000  }
0x93: {  	[spmem:s1] =	stream.indirect.scatter.add.f32 [tilespmem:s28], [sflag:$0x7], $0x20, s7, s22, $0xb8;
	[tilespmem:$0x16E00] =	vst v63  }
0x94: {  	_ =	swait.ge [sflag:s21], $0x2000  }
0x95: {  	[sflag:s21] =	ssyncset.done $0x0  }
0x96: {  	s7 =	sadd.s32 $0x600, s29;
	[sflag:s21] =	ssyncadd.s32 $0xFFFFE000  }
0x97: {  	[tilespmem:s28], [sflag:$0x3] =	stream.indirect.gather [spmem:s3], $0x20, s7, s22, $0xb8;
	[tilespmem:$0x16E00] =	vst v63  }
0x98: {  	_ =	swait.ge [sflag:s13], $0x2000  }
0x99: {  	[sflag:s13] =	ssyncset.done $0x0  }
.Ltmp3:
0x9a: {  	s7 =	sadd.s32 $0x2B00, s29;
	[sflag:s13] =	ssyncadd.s32 $0xFFFFE000;
	(pc) =	sbr.rel @!p2 .LBB2_6-.Ltmp3, $4  }
0x9b: {  	[spmem:s1] =	stream.indirect.scatter.add.f32 [tilespmem:s30], [sflag:$0x8], $0x20, s7, s22, $0xb8;
	[tilespmem:$0x16E00] =	vst v63  }
0x9c: {  	_ =	swait.ge [sflag:s14], $0x2000  }
0x9d: {  	[sflag:s14] =	ssyncset.done $0x0  }
0x9e: {  	s29 =	sadd.s32 $0x700, s29;
	[sflag:s14] =	ssyncadd.s32 $0xFFFFE000  }
.Ltmp4:
0x9f: {  	_ = 	snop;
	(pc) =	sbr.rel .LBB2_7-.Ltmp4, $1  }
0xa0: {  	_ =	sdelay $0x3  }
.LBB2_2:
0xa1: {  	s7 =	rddreg [dreg:$0x5]  }
0xa2: {  	[tilespmem:s26], [sflag:$0x9] =	stream.linear.gather [hbm4b:s7+s26], $0x2800, $0x38;
	[tilespmem:$0x16E00] =	vst v63  }
0xa3: {  	_ =	swait.ge [sflag:s18], $0x2800  }
0xa4: {  	[sflag:s18] =	ssyncset.done $0x0  }
0xa5: {  	s29 =	simm.s32 $0x2800;
	s7 =	rddreg [dreg:$0x6];
	[sflag:s18] =	ssyncadd.s32 $0xFFFFD800  }
0xa6: {  	[tilespmem:s29], [sflag:$0x9] =	stream.linear.gather [hbm4b:s7+s26], $0x2800, $0x38;
	[tilespmem:$0x16E00] =	vst v63  }
0xa7: {  	_ =	swait.ge [sflag:s18], $0x2800  }
0xa8: {  	[sflag:s18] =	ssyncset.done $0x0  }
0xa9: {  	[sflag:s18] =	ssyncadd.s32 $0xFFFFD800  }
0xaa: {  	[bflag:$0x0] =	sbarrier.arrive $0xFFFF  }
0xab: {  	[tilespmem:s23], [sflag:$0x1] =	stream.indirect.gather [spmem:s3], $0x20, s26, s22, $0xb8;
	[tilespmem:$0x16E00] =	vst v63  }
0xac: {  	_ = 	snop  }
0xad: {  	[tilespmem:s24], [sflag:$0x2] =	stream.indirect.gather [spmem:s3], $0x20, s22, s22, $0xb8;
	[tilespmem:$0x16E00] =	vst v63  }
0xae: {  	s26 =	simm.s32 $0x200  }
0xaf: {  	[tilespmem:s28], [sflag:$0x3] =	stream.indirect.gather [spmem:s3], $0x20, s26, s22, $0xb8;
	[tilespmem:$0x16E00] =	vst v63  }
0xb0: {  	s26 =	simm.s32 $0x300  }
0xb1: {  	[tilespmem:s30], [sflag:$0x4] =	stream.indirect.gather [spmem:s3], $0x20, s26, s22, $0xb8;
	[tilespmem:$0x16E00] =	vst v63  }
0xb2: {  	_ =	swait.ge [sflag:s31], $0x2000  }
0xb3: {  	[sflag:s31] =	ssyncset.done $0x0  }
0xb4: {  	s26 =	simm.s32 $0x2800;
	[sflag:s31] =	ssyncadd.s32 $0xFFFFE000  }
0xb5: {  	[spmem:s1] =	stream.indirect.scatter.add.f32 [tilespmem:s23], [sflag:$0x5], $0x20, s26, s22, $0xb8;
	[tilespmem:$0x16E00] =	vst v63  }
0xb6: {  	_ =	swait.ge [sflag:s0], $0x2000  }
0xb7: {  	[sflag:s0] =	ssyncset.done $0x0  }
0xb8: {  	s26 =	simm.s32 $0x400;
	[sflag:s0] =	ssyncadd.s32 $0xFFFFE000  }
0xb9: {  	[tilespmem:s23], [sflag:$0x1] =	stream.indirect.gather [spmem:s3], $0x20, s26, s22, $0xb8;
	[tilespmem:$0x16E00] =	vst v63  }
0xba: {  	_ =	swait.ge [sflag:s2], $0x2000  }
0xbb: {  	[sflag:s2] =	ssyncset.done $0x0  }
0xbc: {  	s26 =	simm.s32 $0x2900;
	[sflag:s2] =	ssyncadd.s32 $0xFFFFE000  }
0xbd: {  	[spmem:s1] =	stream.indirect.scatter.add.f32 [tilespmem:s24], [sflag:$0x6], $0x20, s26, s22, $0xb8;
	[tilespmem:$0x16E00] =	vst v63  }
0xbe: {  	_ =	swait.ge [sflag:s11], $0x2000  }
0xbf: {  	[sflag:s11] =	ssyncset.done $0x0  }
0xc0: {  	s26 =	simm.s32 $0x500;
	[sflag:s11] =	ssyncadd.s32 $0xFFFFE000  }
0xc1: {  	[tilespmem:s24], [sflag:$0x2] =	stream.indirect.gather [spmem:s3], $0x20, s26, s22, $0xb8;
	[tilespmem:$0x16E00] =	vst v63  }
0xc2: {  	_ =	swait.ge [sflag:s12], $0x2000  }
0xc3: {  	[sflag:s12] =	ssyncset.done $0x0  }
0xc4: {  	s26 =	simm.s32 $0x2A00;
	[sflag:s12] =	ssyncadd.s32 $0xFFFFE000  }
0xc5: {  	[spmem:s1] =	stream.indirect.scatter.add.f32 [tilespmem:s28], [sflag:$0x7], $0x20, s26, s22, $0xb8;
	[tilespmem:$0x16E00] =	vst v63  }
0xc6: {  	_ =	swait.ge [sflag:s21], $0x2000  }
0xc7: {  	[sflag:s21] =	ssyncset.done $0x0  }
0xc8: {  	s26 =	simm.s32 $0x600;
	[sflag:s21] =	ssyncadd.s32 $0xFFFFE000  }
0xc9: {  	[tilespmem:s28], [sflag:$0x3] =	stream.indirect.gather [spmem:s3], $0x20, s26, s22, $0xb8;
	[tilespmem:$0x16E00] =	vst v63  }
0xca: {  	_ =	swait.ge [sflag:s13], $0x2000  }
0xcb: {  	[sflag:s13] =	ssyncset.done $0x0  }
0xcc: {  	s26 =	simm.s32 $0x2B00;
	[sflag:s13] =	ssyncadd.s32 $0xFFFFE000  }
0xcd: {  	[spmem:s1] =	stream.indirect.scatter.add.f32 [tilespmem:s30], [sflag:$0x8], $0x20, s26, s22, $0xb8;
	[tilespmem:$0x16E00] =	vst v63  }
0xce: {  	_ =	swait.ge [sflag:s14], $0x2000  }
0xcf: {  	[sflag:s14] =	ssyncset.done $0x0  }
0xd0: {  	s29 =	simm.s32 $0x700;
	s26 =	simm.s32 $0x1000;
	[sflag:s14] =	ssyncadd.s32 $0xFFFFE000  }
.LBB2_3:
0xd1: {  	[tilespmem:s30], [sflag:$0x4] =	stream.indirect.gather [spmem:s3], $0x20, s29, s22, $0xb8;
	[tilespmem:$0x16E00] =	vst v63  }
0xd2: {  	s7 =	smov.u32 s26  }
0xd3: {  	p2 =	sne.s32 s26, $0x8000;
	s26 =	sadd.s32 $0x1000, s26;
	_ =	swait.ge [sflag:s31], $0x2000  }
0xd4: {  	s29 =	sshra.s32 s7, $0x2;
	[sflag:s31] =	ssyncset.done $0x0  }
0xd5: {  	s7 =	sadd.s32 $0x2800, s29;
	[sflag:s31] =	ssyncadd.s32 $0xFFFFE000  }
0xd6: {  	[spmem:s1] =	stream.indirect.scatter.add.f32 [tilespmem:s23], [sflag:$0x5], $0x20, s7, s22, $0xb8;
	[tilespmem:$0x16E00] =	vst v63  }
0xd7: {  	_ =	swait.ge [sflag:s0], $0x2000  }
0xd8: {  	[sflag:s0] =	ssyncset.done $0x0  }
0xd9: {  	s7 =	sadd.s32 $0x400, s29;
	[sflag:s0] =	ssyncadd.s32 $0xFFFFE000  }
0xda: {  	[tilespmem:s23], [sflag:$0x1] =	stream.indirect.gather [spmem:s3], $0x20, s7, s22, $0xb8;
	[tilespmem:$0x16E00] =	vst v63  }
0xdb: {  	_ =	swait.ge [sflag:s2], $0x2000  }
0xdc: {  	[sflag:s2] =	ssyncset.done $0x0  }
0xdd: {  	s7 =	sadd.s32 $0x2900, s29;
	[sflag:s2] =	ssyncadd.s32 $0xFFFFE000  }
0xde: {  	[spmem:s1] =	stream.indirect.scatter.add.f32 [tilespmem:s24], [sflag:$0x6], $0x20, s7, s22, $0xb8;
	[tilespmem:$0x16E00] =	vst v63  }
0xdf: {  	_ =	swait.ge [sflag:s11], $0x2000  }
0xe0: {  	[sflag:s11] =	ssyncset.done $0x0  }
0xe1: {  	s7 =	sadd.s32 $0x500, s29;
	[sflag:s11] =	ssyncadd.s32 $0xFFFFE000  }
0xe2: {  	[tilespmem:s24], [sflag:$0x2] =	stream.indirect.gather [spmem:s3], $0x20, s7, s22, $0xb8;
	[tilespmem:$0x16E00] =	vst v63  }
0xe3: {  	_ =	swait.ge [sflag:s12], $0x2000  }
0xe4: {  	[sflag:s12] =	ssyncset.done $0x0  }
0xe5: {  	s7 =	sadd.s32 $0x2A00, s29;
	[sflag:s12] =	ssyncadd.s32 $0xFFFFE000  }
0xe6: {  	[spmem:s1] =	stream.indirect.scatter.add.f32 [tilespmem:s28], [sflag:$0x7], $0x20, s7, s22, $0xb8;
	[tilespmem:$0x16E00] =	vst v63  }
0xe7: {  	_ =	swait.ge [sflag:s21], $0x2000  }
0xe8: {  	[sflag:s21] =	ssyncset.done $0x0  }
0xe9: {  	s7 =	sadd.s32 $0x600, s29;
	[sflag:s21] =	ssyncadd.s32 $0xFFFFE000  }
0xea: {  	[tilespmem:s28], [sflag:$0x3] =	stream.indirect.gather [spmem:s3], $0x20, s7, s22, $0xb8;
	[tilespmem:$0x16E00] =	vst v63  }
0xeb: {  	_ =	swait.ge [sflag:s13], $0x2000  }
0xec: {  	[sflag:s13] =	ssyncset.done $0x0  }
.Ltmp5:
0xed: {  	s7 =	sadd.s32 $0x2B00, s29;
	[sflag:s13] =	ssyncadd.s32 $0xFFFFE000;
	(pc) =	sbr.rel @p2 .LBB2_3-.Ltmp5, $4  }
0xee: {  	[spmem:s1] =	stream.indirect.scatter.add.f32 [tilespmem:s30], [sflag:$0x8], $0x20, s7, s22, $0xb8;
	[tilespmem:$0x16E00] =	vst v63  }
0xef: {  	_ =	swait.ge [sflag:s14], $0x2000  }
0xf0: {  	[sflag:s14] =	ssyncset.done $0x0  }
0xf1: {  	s29 =	sadd.s32 $0x700, s29;
	[sflag:s14] =	ssyncadd.s32 $0xFFFFE000  }
.Ltmp6:
0xf2: {  	(pc) =	sbr.rel .LBB2_8-.Ltmp6, $2  }
0xf3: {  	_ =	sdelay $0x2  }
0xf4: {  	[tilespmem:s30], [sflag:$0x4] =	stream.indirect.gather [spmem:s3], $0x20, s29, s22, $0xb8;
	[tilespmem:$0x16E00] =	vst v63  }
.LBB2_9:
0xf5: {  	_ =	sfence.sel $0x180000  }
0xf6: {  	[bflag:$0x0] =	sbarrier.arrive $0xFFFF  }
0xf7: {  	_ =	strace $0x9000004A  }
0xf8: {  	s0 =	stileid.u32;
	[bflag:$0x2] =	sbarrier.arrive $0xFFFF  }
0xf9: {  	p0 =	sne.s32 s0, $0x0;
	s0 =	rddreg [dreg:$0x3]  }
0xfa: {  	s0 =	sadd.s32 @!p0 $0x100000, s0  }
0xfb: {  	[sflag:s0] =	ssyncadd.tile.s32 @!p0 $0x1;
	_ =	shalt  }
.Lfunc_end2:
_tile_overlayer_lowered:
.L_overlay_start_2:
0xfc: {  	(tag) =	ssettag $0x2  }
0xfd: {  	s0 =	rddreg [dreg:$0x0];
	s2 =	stileid.u32  }
0xfe: {  	s1 =	rddreg [dreg:$0x1];
	p0 =	sne.s32 s2, $0x0  }
0xff: {  	s3 =	rddreg [dreg:$0x2];
	[bflag:$0x3] =	sbarrier.arrive $0xFFFF;
	s2 =	simm.s32 @!p0 $0x1C09  }
0x100: {  	[timem:s3], [sflag:s2] =	dma.local @!p0 [hbm:s0], s1  }
0x101: {  	s0 =	simm.s32 @!p0 $0x9  }
0x102: {  	_ =	swait.ge @!p0 [sflag:s0], s1  }
0x103: {  	s1 =	ssub.s32 @!p0 $0x0, s1;
	[sflag:s0] =	ssyncset.done @!p0 $0x0  }
0x104: {  	[sflag:s0] =	ssyncadd.s32 @!p0 s1  }
0x105: {  	[bflag:$0x3] =	sbarrier.arrive $0xFFFF  }
0x106: {  	_ =	shalt  }

// kernel: kernel.15.cloned.1.call-start
scs
__scs_entry_jumppad:
0x0: {  	(pc) =	sbr.rel $0x88, $3  }
0x1: {  	(tag) =	ssettag $0x0;
	lr =	simm.s32 $0x1  }
0x2: {  	[smem:$0x3F98] =	sst lr;
	_ =	strace $0xD0000000  }
0x3: {  	_ = 	snop  }
0x4: {  	_ = 	snop  }
0x5: {  	_ = 	snop  }
0x6: {  	_ = 	snop  }
0x7: {  	_ = 	snop  }
__scs_overlays_trampoline_lowered:
0x8: {  	[smem:$0x3FA7] =	sst s0  }
0x9: {  	[smem:$0x3FA8] =	sst s1  }
0xa: {  	[smem:$0x3FA9] =	sst s2  }
0xb: {  	[smem:$0x3FAA] =	sst s3  }
0xc: {  	[smem:$0x3FAB] =	sst s4  }
0xd: {  	[smem:$0x3FAC] =	sst s5  }
0xe: {  	[smem:$0x3FAD] =	sst s6  }
0xf: {  	[smem:$0x3FAE] =	sst s7  }
0x10: {  	[smem:$0x3FAF] =	sst s8  }
0x11: {  	[smem:$0x3FB0] =	sst s9;
	s0 =	simm.s32 @!p0 $0x0  }
0x12: {  	s1 =	sld [smem:$0x3F96];
	s0 =	simm.s32 @p0 $0x1  }
0x13: {  	[smem:$0x3FB1] =	sst s0;
	s0 =	simm.s32 @!p1 $0x0  }
0x14: {  	s2 =	sld [smem:$0x3F95];
	s0 =	simm.s32 @p1 $0x1  }
0x15: {  	[smem:$0x3FB2] =	sst s0;
	s0 =	simm.s32 @!p2 $0x0  }
0x16: {  	s3 =	sld [smem:$0x3FDB];
	s0 =	simm.s32 @p2 $0x1  }
0x17: {  	s4 =	simm.s32 $0x1BF5;
	[smem:$0x3FB4] =	sst s0  }
0x18: {  	s0 =	sld [smem:$0x3F97];
	_ =	swait.ge [sflag:s4], $0x0  }
0x19: {  	s7 =	sld [smem:$0x3F98]  }
0x1a: {  	s8 =	sadd.s32 $0xFFFFE003, lr  }
0x1b: {  	s9 =	sadd.s32 $0xFFFFFEF7, lr;
	s5 =	simm.s32 $0xFFFFFFFF;
	p2 =	slt.u32 s8, $0xFFFFF086  }
0x1c: {  	p1 =	slt.u32 s9, $0xF7A;
	s5 =	simm.s32 @!p2 $0x0  }
0x1d: {  	s5 =	simm.s32 @p1 $0x1;
	p0 =	seq.s32 s7, s2  }
0x1e: {  	s7 =	smul.u32 @!p0 $0xF7A, s2;
	p2 =	seq.s32 @!p0 s5, $0x0  }
0x1f: {  	s9 =	smul.u32 $0xF7A, s1;
	s8 =	simm.s32 @!p0 $0x1BF5;
	p2 =	por !p2, p0  }
0x20: {  	[sflag:s8] =	ssyncset.s32 @!p0 $0xFFFFF086;
	s6 =	sadd.s32 @!p0 s3, s7;
	s7 =	simm.s32 @!p0 $0x108  }
0x21: {  	s3 =	sadd.s32 s3, s9;
	s6 =	sadd.s32 @!p0 $0x88, s6;
	s7 =	simm.s32 @p2 $0x1082  }
0x22: {  	[simem:s7], [sflag:s8] =	dma.local @!p0 [hbm:s6], $0xF7A  }
0x23: {  	s9 =	sor.u32 $0xD0000000, s2;
	s6 =	simm.s32 $0x108;
	_ =	swait.ge @!p0 [sflag:s8], $0x0  }
0x24: {  	s3 =	sadd.s32 $0x88, s3;
	s6 =	simm.s32 @!p1 $0x1082;
	[sflag:s4] =	ssyncset.s32 $0xFFFFF086  }
0x25: {  	[simem:s6], [sflag:s4] =	dma.local [hbm:s3], $0xF7A  }
0x26: {  	[smem:$0x3F98] =	sst s1;
	(tag) =	ssettag s2;
	_ =	strace s9  }
0x27: {  	s1 =	sld [smem:$0x3FA8]  }
0x28: {  	s2 =	sld [smem:$0x3FA9]  }
0x29: {  	s4 =	sld [smem:$0x3FAB]  }
0x2a: {  	p0 =	seq.s32 s5, $0x0;
	s5 =	sld [smem:$0x3FAC]  }
0x2b: {  	s6 =	sld [smem:$0x3FAD]  }
0x2c: {  	s7 =	sld [smem:$0x3FAE]  }
0x2d: {  	s3 =	simm.s32 $0x108;
	s8 =	sld [smem:$0x3FAF]  }
0x2e: {  	s3 =	simm.s32 @!p0 $0x1082;
	s9 =	sld [smem:$0x3FB0]  }
0x2f: {  	lr =	sadd.s32 s0, s3;
	s0 =	sld [smem:$0x3FA7]  }
0x30: {  	s3 =	sld [smem:$0x3FAA]  }
0x31: {  	[smem:$0x3FB3] =	sst s10  }
0x32: {  	s10 =	sld [smem:$0x3FB1];
	_ =	sdelay $0x3  }
0x33: {  	p0 =	seq.s32 s10, $0x1;
	s10 =	sld [smem:$0x3FB3];
	_ =	sdelay $0x3  }
0x34: {  	[smem:$0x3FB3] =	sst s10  }
0x35: {  	s10 =	sld [smem:$0x3FB2];
	_ =	sdelay $0x3  }
0x36: {  	p1 =	seq.s32 s10, $0x1;
	s10 =	sld [smem:$0x3FB3];
	_ =	sdelay $0x3  }
0x37: {  	[smem:$0x3FB3] =	sst s10  }
0x38: {  	s10 =	sld [smem:$0x3FB4]  }
0x39: {  	_ = 	snop;
	(pc) =	sbr.ind lr, $3  }
0x3a: {  	_ = 	snop  }
0x3b: {  	_ = 	snop  }
0x3c: {  	p2 =	seq.s32 s10, $0x1;
	s10 =	sld [smem:$0x3FB3]  }
0x3d: {  	_ =	shalt  }
0x3e: {  	_ =	shalt  }
0x3f: {  	_ =	shalt  }
0x40: {  	_ =	shalt  }
0x41: {  	_ =	shalt  }
0x42: {  	_ =	shalt  }
0x43: {  	_ =	shalt  }
0x44: {  	_ =	shalt  }
0x45: {  	_ =	shalt  }
0x46: {  	_ =	shalt  }
0x47: {  	_ =	shalt  }
0x48: {  	_ =	shalt  }
0x49: {  	_ =	shalt  }
0x4a: {  	_ =	shalt  }
0x4b: {  	_ =	shalt  }
0x4c: {  	_ =	shalt  }
0x4d: {  	_ =	shalt  }
0x4e: {  	_ =	shalt  }
0x4f: {  	_ =	shalt  }
0x50: {  	_ =	shalt  }
0x51: {  	_ =	shalt  }
0x52: {  	_ =	shalt  }
0x53: {  	_ =	shalt  }
0x54: {  	_ =	shalt  }
0x55: {  	_ =	shalt  }
0x56: {  	_ =	shalt  }
0x57: {  	_ =	shalt  }
0x58: {  	_ =	shalt  }
0x59: {  	_ =	shalt  }
0x5a: {  	_ =	shalt  }
0x5b: {  	_ =	shalt  }
0x5c: {  	_ =	shalt  }
0x5d: {  	_ =	shalt  }
0x5e: {  	_ =	shalt  }
0x5f: {  	_ =	shalt  }
0x60: {  	_ =	shalt  }
0x61: {  	_ =	shalt  }
0x62: {  	_ =	shalt  }
0x63: {  	_ =	shalt  }
0x64: {  	_ =	shalt  }
0x65: {  	_ =	shalt  }
0x66: {  	_ =	shalt  }
0x67: {  	_ =	shalt  }
0x68: {  	_ =	shalt  }
0x69: {  	_ =	shalt  }
0x6a: {  	_ =	shalt  }
0x6b: {  	_ =	shalt  }
0x6c: {  	_ =	shalt  }
0x6d: {  	_ =	shalt  }
0x6e: {  	_ =	shalt  }
0x6f: {  	_ =	shalt  }
0x70: {  	_ =	shalt  }
0x71: {  	_ =	shalt  }
0x72: {  	_ =	shalt  }
0x73: {  	_ =	shalt  }
0x74: {  	_ =	shalt  }
0x75: {  	_ =	shalt  }
0x76: {  	_ =	shalt  }
0x77: {  	_ =	shalt  }
0x78: {  	_ =	shalt  }
0x79: {  	_ =	shalt  }
0x7a: {  	_ =	shalt  }
0x7b: {  	_ =	shalt  }
0x7c: {  	_ =	shalt  }
0x7d: {  	_ =	shalt  }
0x7e: {  	_ =	shalt  }
0x7f: {  	_ =	shalt  }
0x80: {  	_ =	shalt  }
0x81: {  	_ =	shalt  }
0x82: {  	_ =	shalt  }
0x83: {  	_ =	shalt  }
0x84: {  	_ =	shalt  }
0x85: {  	_ =	shalt  }
0x86: {  	_ =	shalt  }
0x87: {  	_ =	shalt  }
.Lfunc_end0:
.L_simem_size_0:
called_computation.2_lowered:
.L_overlay_start_0:
0x88: {  	s2 =	sld [smem:$0x3FD9]  }
0x89: {  	s3 =	sld [smem:$0x3FFE];
	_ =	sdelay $0x1  }
0x8a: {  	s1 =	srdreg.scid  }
0x8b: {  	s0 =	sand.u32 $0x1, s1  }
0x8c: {  	s16 =	sshll.u32 s0, $0xA;
	s2 =	sadd.s32 s3, s2  }
0x8d: {  	s2 =	sadd.s32 s2, s16  }
0x8e: {  	[smem:$0x3FBF] =	sst s2  }
0x8f: {  	_ = 	snop  }
0x90: {  	(tm) =	ssettm $0x1  }
0x91: {  	s17 =	sld [smem:$0x3FFB];
	_ =	sdelay $0x3  }
0x92: {  	_ =	strace s17  }
0x93: {  	s2 =	sld [smem:$0x3FFC];
	_ =	sdelay $0x3  }
0x94: {  	_ =	strace s2  }
0x95: {  	s2 =	sld [smem:$0x3FFD];
	_ =	sdelay $0x3  }
0x96: {  	_ =	strace s2  }
0x97: {  	_ =	strace $0x8FFFFFFF  }
0x98: {  	s18 =	sld [smem:$0x3FDB];
	_ =	sdelay $0x1  }
0x99: {  	s19 =	simm.s32 $_scs_section_size  }
0x9a: {  	s4 =	simm.s32 $_size__tile_overlayer_lowered;
	s5 =	simm.s32 $_tile_overlayer_lowered  }
0x9b: {  	s22 =	simm.s32 $0x1BFF;
	s21 =	sshll.u32 s5, $0x1;
	s2 =	sadd.s32 s19, s18  }
0x9c: {  	s6 =	simm.s32 $0x0;
	s20 =	sshll.u32 s4, $0x1;
	s4 =	sadd.s32 s21, s2  }
0x9d: {  	[timem:s6], [sflag:s22] =	dma.local [hbm:s4], s20  }
0x9e: {  	_ =	swait.ge [sflag:s22], s20  }
0x9f: {  	s3 =	ssub.s32 $0x0, s20;
	[sflag:s22] =	ssyncset.done $0x0  }
0xa0: {  	[sflag:s22] =	ssyncadd.s32 s3;
	_ =	sdelay $0x1  }
0xa1: {  	s23 =	simm.s32 $0x1B8B  }
0xa2: {  	_ =	swait.ge [sflag:s23], $0x1  }
0xa3: {  	[sflag:s23] =	ssyncset.done $0x0  }
0xa4: {  	s25 =	simm.s32 $0x1B8E;
	s24 =	sld [smem:$0x3FFE];
	[sflag:s23] =	ssyncadd.s32 $0xFFFFFFFF  }
0xa5: {  	s26 =	simm.s32 $execute0_lowered;
	[smem:$0x3FD2] =	sst s25  }
0xa6: {  	s4 =	sshll.u32 s26, $0x1;
	_ =	strace $0x8000004C;
	[dreg:$0x1] =	wrdreg $0xFFFFFFFF  }
0xa7: {  	s28 =	simm.s32 $_size_execute0_lowered;
	s2 =	sadd.s32 s2, s4;
	[dreg:$0x0] =	wrdreg $0x0  }
0xa8: {  	s4 =	sshll.u32 s28, $0x1;
	[dreg:$0x2] =	wrdreg s2  }
0xa9: {  	[dreg:$0x3] =	wrdreg s4  }
0xaa: {  	[dreg:$0x4] =	wrdreg $0xC0  }
0xab: {  	_ =	task [dreg:s6], $0x5FFFF  }
0xac: {  	[dreg:$0x1] =	wrdreg $0xFFFFFFFF  }
0xad: {  	[dreg:$0x0] =	wrdreg $0x60  }
0xae: {  	[dreg:$0x2] =	wrdreg s24  }
0xaf: {  	[dreg:$0x3] =	wrdreg $0x11F000  }
0xb0: {  	[dreg:$0x4] =	wrdreg $0xD0000  }
0xb1: {  	[dreg:$0x5] =	wrdreg $0x9  }
0xb2: {  	_ =	task.clear_ibuf [dreg:s6], $0x6FFFF;
	_ =	strace $0x9000004C  }
0xb3: {  	s29 =	simm.s32 $0x9;
	_ =	strace $0x8000004E  }
0xb4: {  	_ =	swait.ge [sflag:s29], $0x1  }
0xb5: {  	[sflag:s29] =	ssyncadd.s32 $0xFFFFFFFF  }
0xb6: {  	_ =	strace $0x9000004E  }
0xb7: {  	_ =	sfence  }
0xb8: {  	s30 =	sld [smem:$0x0];
	_ =	sdelay $0x2  }
0xb9: {  	s31 =	sshll.u32 s1, $0xD;
	s1 =	sshrl.u32 s1, $0x2  }
0xba: {  	s3 =	sand.u32 $0x4000, s31;
	s1 =	sadd.s32 s1, s30  }
0xbb: {  	s0 =	sor.u32 s3, s0;
	s1 =	sshll.u32 s1, $0x11  }
0xbc: {  	s0 =	sor.u32 s1, s0  }
0xbd: {  	s0 =	sadd.s32 $0x8F2B, s0  }
0xbe: {  	[sflag:s0] =	ssyncadd.remote.s32 $0x1  }
0xbf: {  	_ =	sfence.sel $0xFFFF  }
0xc0: {  	[dreg:$0x0] =	wrdreg $0xFFFFFFFF;
	(pc) =	sbr.abs _section_cstart, $3  }
0xc1: {  	[dreg:$0x1] =	wrdreg $0xFFFFFFFF  }
0xc2: {  	_ =	task.clear_ibuf [dreg:s6], $0x2FFFF;
	_ =	strace $0x9FFFFFFF  }
0xc3: {  	(tm) =	ssettm $0x7FFFFFFF  }
tec
execute0_lowered:
.L_overlay_start_1:
0x0: {  	(tag) =	ssettag $0x1  }
0x1: {  	s0 =	rddreg [dreg:$0x0]  }
0x2: {  	s1 =	rddreg [dreg:$0x1]  }
0x3: {  	s3 =	rddreg [dreg:$0x2];
	s4 =	simm.s32 $0x0  }
0x4: {  	s18 =	stileid.u32;
	s5 =	srdreg.scid;
	s28 =	simm.s32 $0x9000  }
0x5: {  	s30 =	simm.s32 $0xB000;
	s31 =	simm.s32 $0x1;
	s21 =	simm.s32 $0x7  }
0x6: {  	[smem:$0x7FF] =	sst s4;
	s2 =	smul.u32 $0x4F00, s18;
	s11 =	sadd.s32 $0x29200, s0  }
0x7: {  	s12 =	sand.u32 $0x1, s5;
	s13 =	sadd.s32 $0x1A00, s0;
	s10 =	smul.u32 $0x5000, s18  }
0x8: {  	s23 =	sshll.u32 s18, $0x6;
	s17 =	smul.u32 $0xA00, s18;
	s19 =	sadd.s32 $0x4A100, s3  }
0x9: {  	p0 =	seq.s32 s18, $0xF;
	s18 =	simm.s32 $0x9;
	_ =	strace $0x8000004D  }
0xa: {  	s6 =	smul.u32 $0x9C40, s12;
	s7 =	ssub.s32 $0x2, s12;
	s19 =	sshrl.u32 @p0 s19, $0x3  }
0xb: {  	p1 =	seq.s32 s12, $0x0;
	s12 =	simm.s32 $0x3;
	s5 =	sshrl.u32 s2, $0x3  }
0xc: {  	s8 =	sshrl.u32 s7, $0x1;
	s10 =	sshrl.u32 s10, $0x3;
	s26 =	sadd.s32 s11, s17  }
0xd: {  	s29 =	sadd.s32 s13, s17;
	s9 =	sadd.s32 s5, s0;
	s14 =	sadd.s32 s6, s0  }
0xe: {  	s16 =	ssub.s32 s7, s8;
	s6 =	sadd.s32 s2, s1;
	s8 =	sor.u32 $0x1C09, s23  }
0xf: {  	s2 =	sadd.s32 s2, s3;
	s15 =	sadd.s32 $0x500, s10;
	[dreg:$0x7] =	wrdreg s26  }
0x10: {  	s10 =	sadd.s32 $0x1EC20, s0;
	[dreg:$0x8] =	wrdreg s29;
	s0 =	sadd.s32 $0x4A100, s1  }
0x11: {  	s23 =	simm.s32 $0x5000;
	s22 =	sadd.s32 $0xBA00, s9;
	s9 =	sadd.s32 $0x15800, s9  }
0x12: {  	s24 =	sadd.s32 s11, s15;
	s25 =	sadd.s32 s13, s15;
	s15 =	sadd.s32 $0x33200, s14  }
.Ltmp0:
0x13: {  	s16 =	smax.u32 s16, $0x1;
	s17 =	sshrl.u32 s6, $0x3;
	(pc) =	sbr.rel .LBB2_1-.Ltmp0, $4  }
0x14: {  	s20 =	sshrl.u32 @!p0 s2, $0x3;
	s2 =	simm.s32 $0x2;
	[dreg:$0x4] =	wrdreg s22  }
0x15: {  	s11 =	simm.s32 $0x6;
	s13 =	simm.s32 $0x4;
	[dreg:$0x5] =	wrdreg s24  }
0x16: {  	s14 =	simm.s32 $0x8;
	[dreg:$0x6] =	wrdreg s25;
	s22 =	simm.s32 $0x100  }
0x17: {  	s24 =	simm.s32 $0x7000;
	s25 =	sshrl.u32 @p0 s0, $0x3;
	s0 =	simm.s32 $0x5  }
.LBB2_7:
0x18: {  	[tilespmem:s30], [sflag:$0x4] =	stream.indirect.gather [spmem:s3], $0x20, s29, s22, $0xb8;
	[tilespmem:$0x16E00] =	vst v63  }
.LBB2_8:
0x19: {  	_ =	swait.ge [sflag:s31], $0x2000  }
0x1a: {  	[sflag:s31] =	ssyncset.done $0x0  }
0x1b: {  	s7 =	simm.s32 $0x4C00;
	[sflag:s31] =	ssyncadd.s32 $0xFFFFE000  }
0x1c: {  	[spmem:s1] =	stream.indirect.scatter.add.f32 [tilespmem:s23], [sflag:$0x5], $0x20, s7, s22, $0xb8;
	[tilespmem:$0x16E00] =	vst v63  }
0x1d: {  	_ =	swait.ge [sflag:s2], $0x2000  }
0x1e: {  	[sflag:s2] =	ssyncset.done $0x0  }
0x1f: {  	s29 =	simm.s32 $0x4D00;
	[sflag:s2] =	ssyncadd.s32 $0xFFFFE000  }
0x20: {  	[spmem:s1] =	stream.indirect.scatter.add.f32 [tilespmem:s24], [sflag:$0x6], $0x20, s29, s22, $0xb8;
	[tilespmem:$0x16E00] =	vst v63  }
0x21: {  	_ =	swait.ge [sflag:s12], $0x2000  }
0x22: {  	[sflag:s12] =	ssyncset.done $0x0  }
0x23: {  	s26 =	simm.s32 $0x4E00;
	[sflag:s12] =	ssyncadd.s32 $0xFFFFE000  }
0x24: {  	[spmem:s1] =	stream.indirect.scatter.add.f32 [tilespmem:s28], [sflag:$0x7], $0x20, s26, s22, $0xb8;
	[tilespmem:$0x16E00] =	vst v63  }
0x25: {  	_ =	swait.ge [sflag:s13], $0x2000  }
0x26: {  	[sflag:s13] =	ssyncset.done $0x0  }
0x27: {  	s29 =	simm.s32 $0x4F00;
	[sflag:s13] =	ssyncadd.s32 $0xFFFFE000  }
0x28: {  	[spmem:s1] =	stream.indirect.scatter.add.f32 [tilespmem:s30], [sflag:$0x8], $0x20, s29, s22, $0xb8;
	[tilespmem:$0x16E00] =	vst v63  }
0x29: {  	_ =	swait.ge [sflag:s0], $0x2000  }
0x2a: {  	[sflag:s0] =	ssyncset.done $0x0  }
0x2b: {  	[sflag:s0] =	ssyncadd.s32 $0xFFFFE000  }
0x2c: {  	_ =	swait.ge [sflag:s11], $0x2000  }
0x2d: {  	[sflag:s11] =	ssyncset.done $0x0  }
0x2e: {  	[sflag:s11] =	ssyncadd.s32 $0xFFFFE000  }
0x2f: {  	_ =	swait.ge [sflag:s21], $0x2000  }
0x30: {  	[sflag:s21] =	ssyncset.done $0x0  }
0x31: {  	[sflag:s21] =	ssyncadd.s32 $0xFFFFE000  }
0x32: {  	_ =	swait.ge [sflag:s14], $0x2000  }
0x33: {  	[sflag:s14] =	ssyncset.done $0x0  }
0x34: {  	[sflag:s14] =	ssyncadd.s32 $0xFFFFE000  }
0x35: {  	s7 =	sadd.s32 @p0 $0x9420, s15;
	[bflag:$0x0] =	sbarrier.arrive $0xFFFF  }
0x36: {  	[hbm:s7], [sflag:s8] =	dma.local @p0 [spmem:s25], $0x820  }
0x37: {  	s7 =	simm.s32 @p0 $0x9  }
0x38: {  	s4 =	sadd.s32 $0x1, s4;
	_ =	swait.ge @p0 [sflag:s7], $0x820  }
0x39: {  	p2 =	sne.s32 s4, s16;
	[sflag:s7] =	ssyncset.done @p0 $0x0  }
0x3a: {  	s26 =	sshrl.u32 @!p0 s6, $0x3;
	[sflag:s7] =	ssyncadd.s32 @p0 $0xFFFFF7E0;
	s7 =	sadd.s32 @!p0 s5, s15  }
0x3b: {  	[hbm:s7], [sflag:s8] =	dma.local @!p0 [spmem:s26], $0x9E0  }
.Ltmp1:
0x3c: {  	_ = 	snop;
	(pc) =	sbr.rel @!p2 .LBB2_9-.Ltmp1, $4  }
0x3d: {  	s7 =	simm.s32 @!p0 $0x9  }
0x3e: {  	_ =	swait.ge @!p0 [sflag:s7], $0x9E0  }
0x3f: {  	[sflag:s7] =	ssyncset.done @!p0 $0x0  }
0x40: {  	[sflag:s7] =	ssyncadd.s32 @!p0 $0xFFFFF620  }
.LBB2_1:
0x41: {  	s7 =	rddreg [dreg:$0x4]  }
0x42: {  	[spmem:s17], [sflag:s8] =	dma.local [hbm:s7], $0x9E0  }
0x43: {  	_ =	swait.ge [sflag:s18], $0x9E0  }
0x44: {  	[sflag:s18] =	ssyncset.done $0x0  }
0x45: {  	s26 =	simm.s32 @p0 $0x9;
	[sflag:s18] =	ssyncadd.s32 $0xFFFFF620  }
0x46: {  	[spmem:s19], [sflag:s8] =	dma.local @p0 [hbm:s10], $0x820  }
0x47: {  	_ =	swait.ge @p0 [sflag:s26], $0x820  }
0x48: {  	[sflag:s26] =	ssyncset.done @p0 $0x0  }
.Ltmp2:
0x49: {  	[sflag:s26] =	ssyncadd.s32 @p0 $0xFFFFF7E0;
	s26 =	simm.s32 @!p0 $0x9;
	(pc) =	sbr.rel @!p1 .LBB2_2-.Ltmp2, $4  }
0x4a: {  	[spmem:s20], [sflag:s8] =	dma.local @!p0 [hbm:s9], $0x9E0  }
0x4b: {  	_ =	swait.ge @!p0 [sflag:s26], $0x9E0  }
0x4c: {  	[sflag:s26] =	ssyncset.done @!p0 $0x0  }
0x4d: {  	[sflag:s26] =	ssyncadd.s32 @!p0 $0xFFFFF620;
	s26 =	simm.s32 $0x0  }
0x4e: {  	s7 =	rddreg [dreg:$0x7]  }
0x4f: {  	[tilespmem:s26], [sflag:$0x9] =	stream.linear.gather [hbm4b:s7+s26], $0x2800, $0x38;
	[tilespmem:$0x16E00] =	vst v63  }
0x50: {  	_ =	swait.ge [sflag:s18], $0x2800  }
0x51: {  	[sflag:s18] =	ssyncset.done $0x0  }
0x52: {  	s29 =	simm.s32 $0x2800;
	s7 =	rddreg [dreg:$0x8];
	[sflag:s18] =	ssyncadd.s32 $0xFFFFD800  }
0x53: {  	[tilespmem:s29], [sflag:$0x9] =	stream.linear.gather [hbm4b:s7+s26], $0x2800, $0x38;
	[tilespmem:$0x16E00] =	vst v63  }
0x54: {  	_ =	swait.ge [sflag:s18], $0x2800  }
0x55: {  	[sflag:s18] =	ssyncset.done $0x0  }
0x56: {  	[sflag:s18] =	ssyncadd.s32 $0xFFFFD800  }
0x57: {  	[bflag:$0x0] =	sbarrier.arrive $0xFFFF  }
0x58: {  	[tilespmem:s23], [sflag:$0x1] =	stream.indirect.gather [spmem:s3], $0x20, s26, s22, $0xb8;
	[tilespmem:$0x16E00] =	vst v63  }
0x59: {  	_ = 	snop  }
0x5a: {  	[tilespmem:s24], [sflag:$0x2] =	stream.indirect.gather [spmem:s3], $0x20, s22, s22, $0xb8;
	[tilespmem:$0x16E00] =	vst v63  }
0x5b: {  	s26 =	simm.s32 $0x200  }
0x5c: {  	[tilespmem:s28], [sflag:$0x3] =	stream.indirect.gather [spmem:s3], $0x20, s26, s22, $0xb8;
	[tilespmem:$0x16E00] =	vst v63  }
0x5d: {  	s26 =	simm.s32 $0x300  }
0x5e: {  	[tilespmem:s30], [sflag:$0x4] =	stream.indirect.gather [spmem:s3], $0x20, s26, s22, $0xb8;
	[tilespmem:$0x16E00] =	vst v63  }
0x5f: {  	_ =	swait.ge [sflag:s31], $0x2000  }
0x60: {  	[sflag:s31] =	ssyncset.done $0x0  }
0x61: {  	s7 =	simm.s32 $0x2800;
	[sflag:s31] =	ssyncadd.s32 $0xFFFFE000  }
0x62: {  	[spmem:s1] =	stream.indirect.scatter.add.f32 [tilespmem:s23], [sflag:$0x5], $0x20, s7, s22, $0xb8;
	[tilespmem:$0x16E00] =	vst v63  }
0x63: {  	_ =	swait.ge [sflag:s0], $0x2000  }
0x64: {  	[sflag:s0] =	ssyncset.done $0x0  }
0x65: {  	s7 =	simm.s32 $0x400;
	[sflag:s0] =	ssyncadd.s32 $0xFFFFE000  }
0x66: {  	[tilespmem:s23], [sflag:$0x1] =	stream.indirect.gather [spmem:s3], $0x20, s7, s22, $0xb8;
	[tilespmem:$0x16E00] =	vst v63  }
0x67: {  	_ =	swait.ge [sflag:s2], $0x2000  }
0x68: {  	[sflag:s2] =	ssyncset.done $0x0  }
0x69: {  	s7 =	simm.s32 $0x2900;
	[sflag:s2] =	ssyncadd.s32 $0xFFFFE000  }
0x6a: {  	[spmem:s1] =	stream.indirect.scatter.add.f32 [tilespmem:s24], [sflag:$0x6], $0x20, s7, s22, $0xb8;
	[tilespmem:$0x16E00] =	vst v63  }
0x6b: {  	_ =	swait.ge [sflag:s11], $0x2000  }
0x6c: {  	[sflag:s11] =	ssyncset.done $0x0  }
0x6d: {  	s7 =	simm.s32 $0x500;
	[sflag:s11] =	ssyncadd.s32 $0xFFFFE000  }
0x6e: {  	[tilespmem:s24], [sflag:$0x2] =	stream.indirect.gather [spmem:s3], $0x20, s7, s22, $0xb8;
	[tilespmem:$0x16E00] =	vst v63  }
0x6f: {  	_ =	swait.ge [sflag:s12], $0x2000  }
0x70: {  	[sflag:s12] =	ssyncset.done $0x0  }
0x71: {  	s7 =	simm.s32 $0x2A00;
	[sflag:s12] =	ssyncadd.s32 $0xFFFFE000  }
0x72: {  	[spmem:s1] =	stream.indirect.scatter.add.f32 [tilespmem:s28], [sflag:$0x7], $0x20, s7, s22, $0xb8;
	[tilespmem:$0x16E00] =	vst v63  }
0x73: {  	_ =	swait.ge [sflag:s21], $0x2000  }
0x74: {  	[sflag:s21] =	ssyncset.done $0x0  }
0x75: {  	s7 =	simm.s32 $0x600;
	[sflag:s21] =	ssyncadd.s32 $0xFFFFE000  }
0x76: {  	[tilespmem:s28], [sflag:$0x3] =	stream.indirect.gather [spmem:s3], $0x20, s7, s22, $0xb8;
	[tilespmem:$0x16E00] =	vst v63  }
0x77: {  	_ =	swait.ge [sflag:s13], $0x2000  }
0x78: {  	[sflag:s13] =	ssyncset.done $0x0  }
0x79: {  	s7 =	simm.s32 $0x2B00;
	[sflag:s13] =	ssyncadd.s32 $0xFFFFE000  }
0x7a: {  	[spmem:s1] =	stream.indirect.scatter.add.f32 [tilespmem:s30], [sflag:$0x8], $0x20, s7, s22, $0xb8;
	[tilespmem:$0x16E00] =	vst v63  }
0x7b: {  	_ =	swait.ge [sflag:s14], $0x2000  }
0x7c: {  	[sflag:s14] =	ssyncset.done $0x0  }
0x7d: {  	s29 =	simm.s32 $0x700;
	s26 =	simm.s32 $0x1000;
	[sflag:s14] =	ssyncadd.s32 $0xFFFFE000  }
.LBB2_6:
0x7e: {  	[tilespmem:s30], [sflag:$0x4] =	stream.indirect.gather [spmem:s3], $0x20, s29, s22, $0xb8;
	[tilespmem:$0x16E00] =	vst v63  }
0x7f: {  	s29 =	smov.u32 s26  }
0x80: {  	p2 =	seq.s32 s26, $0x8000;
	s26 =	sadd.s32 $0x1000, s26;
	_ =	swait.ge [sflag:s31], $0x2000  }
0x81: {  	s29 =	sshra.s32 s29, $0x2;
	[sflag:s31] =	ssyncset.done $0x0  }
0x82: {  	s7 =	sadd.s32 $0x2800, s29;
	[sflag:s31] =	ssyncadd.s32 $0xFFFFE000  }
0x83: {  	[spmem:s1] =	stream.indirect.scatter.add.f32 [tilespmem:s23], [sflag:$0x5], $0x20, s7, s22, $0xb8;
	[tilespmem:$0x16E00] =	vst v63  }
0x84: {  	_ =	swait.ge [sflag:s0], $0x2000  }
0x85: {  	[sflag:s0] =	ssyncset.done $0x0  }
0x86: {  	s7 =	sadd.s32 $0x400, s29;
	[sflag:s0] =	ssyncadd.s32 $0xFFFFE000  }
0x87: {  	[tilespmem:s23], [sflag:$0x1] =	stream.indirect.gather [spmem:s3], $0x20, s7, s22, $0xb8;
	[tilespmem:$0x16E00] =	vst v63  }
0x88: {  	_ =	swait.ge [sflag:s2], $0x2000  }
0x89: {  	[sflag:s2] =	ssyncset.done $0x0  }
0x8a: {  	s7 =	sadd.s32 $0x2900, s29;
	[sflag:s2] =	ssyncadd.s32 $0xFFFFE000  }
0x8b: {  	[spmem:s1] =	stream.indirect.scatter.add.f32 [tilespmem:s24], [sflag:$0x6], $0x20, s7, s22, $0xb8;
	[tilespmem:$0x16E00] =	vst v63  }
0x8c: {  	_ =	swait.ge [sflag:s11], $0x2000  }
0x8d: {  	[sflag:s11] =	ssyncset.done $0x0  }
0x8e: {  	s7 =	sadd.s32 $0x500, s29;
	[sflag:s11] =	ssyncadd.s32 $0xFFFFE000  }
0x8f: {  	[tilespmem:s24], [sflag:$0x2] =	stream.indirect.gather [spmem:s3], $0x20, s7, s22, $0xb8;
	[tilespmem:$0x16E00] =	vst v63  }
0x90: {  	_ =	swait.ge [sflag:s12], $0x2000  }
0x91: {  	[sflag:s12] =	ssyncset.done $0x0  }
0x92: {  	s7 =	sadd.s32 $0x2A00, s29;
	[sflag:s12] =	ssyncadd.s32 $0xFFFFE000  }
0x93: {  	[spmem:s1] =	stream.indirect.scatter.add.f32 [tilespmem:s28], [sflag:$0x7], $0x20, s7, s22, $0xb8;
	[tilespmem:$0x16E00] =	vst v63  }
0x94: {  	_ =	swait.ge [sflag:s21], $0x2000  }
0x95: {  	[sflag:s21] =	ssyncset.done $0x0  }
0x96: {  	s7 =	sadd.s32 $0x600, s29;
	[sflag:s21] =	ssyncadd.s32 $0xFFFFE000  }
0x97: {  	[tilespmem:s28], [sflag:$0x3] =	stream.indirect.gather [spmem:s3], $0x20, s7, s22, $0xb8;
	[tilespmem:$0x16E00] =	vst v63  }
0x98: {  	_ =	swait.ge [sflag:s13], $0x2000  }
0x99: {  	[sflag:s13] =	ssyncset.done $0x0  }
.Ltmp3:
0x9a: {  	s7 =	sadd.s32 $0x2B00, s29;
	[sflag:s13] =	ssyncadd.s32 $0xFFFFE000;
	(pc) =	sbr.rel @!p2 .LBB2_6-.Ltmp3, $4  }
0x9b: {  	[spmem:s1] =	stream.indirect.scatter.add.f32 [tilespmem:s30], [sflag:$0x8], $0x20, s7, s22, $0xb8;
	[tilespmem:$0x16E00] =	vst v63  }
0x9c: {  	_ =	swait.ge [sflag:s14], $0x2000  }
0x9d: {  	[sflag:s14] =	ssyncset.done $0x0  }
0x9e: {  	s29 =	sadd.s32 $0x700, s29;
	[sflag:s14] =	ssyncadd.s32 $0xFFFFE000  }
.Ltmp4:
0x9f: {  	_ = 	snop;
	(pc) =	sbr.rel .LBB2_7-.Ltmp4, $1  }
0xa0: {  	_ =	sdelay $0x3  }
.LBB2_2:
0xa1: {  	s7 =	rddreg [dreg:$0x5]  }
0xa2: {  	[tilespmem:s26], [sflag:$0x9] =	stream.linear.gather [hbm4b:s7+s26], $0x2800, $0x38;
	[tilespmem:$0x16E00] =	vst v63  }
0xa3: {  	_ =	swait.ge [sflag:s18], $0x2800  }
0xa4: {  	[sflag:s18] =	ssyncset.done $0x0  }
0xa5: {  	s29 =	simm.s32 $0x2800;
	s7 =	rddreg [dreg:$0x6];
	[sflag:s18] =	ssyncadd.s32 $0xFFFFD800  }
0xa6: {  	[tilespmem:s29], [sflag:$0x9] =	stream.linear.gather [hbm4b:s7+s26], $0x2800, $0x38;
	[tilespmem:$0x16E00] =	vst v63  }
0xa7: {  	_ =	swait.ge [sflag:s18], $0x2800  }
0xa8: {  	[sflag:s18] =	ssyncset.done $0x0  }
0xa9: {  	[sflag:s18] =	ssyncadd.s32 $0xFFFFD800  }
0xaa: {  	[bflag:$0x0] =	sbarrier.arrive $0xFFFF  }
0xab: {  	[tilespmem:s23], [sflag:$0x1] =	stream.indirect.gather [spmem:s3], $0x20, s26, s22, $0xb8;
	[tilespmem:$0x16E00] =	vst v63  }
0xac: {  	_ = 	snop  }
0xad: {  	[tilespmem:s24], [sflag:$0x2] =	stream.indirect.gather [spmem:s3], $0x20, s22, s22, $0xb8;
	[tilespmem:$0x16E00] =	vst v63  }
0xae: {  	s26 =	simm.s32 $0x200  }
0xaf: {  	[tilespmem:s28], [sflag:$0x3] =	stream.indirect.gather [spmem:s3], $0x20, s26, s22, $0xb8;
	[tilespmem:$0x16E00] =	vst v63  }
0xb0: {  	s26 =	simm.s32 $0x300  }
0xb1: {  	[tilespmem:s30], [sflag:$0x4] =	stream.indirect.gather [spmem:s3], $0x20, s26, s22, $0xb8;
	[tilespmem:$0x16E00] =	vst v63  }
0xb2: {  	_ =	swait.ge [sflag:s31], $0x2000  }
0xb3: {  	[sflag:s31] =	ssyncset.done $0x0  }
0xb4: {  	s26 =	simm.s32 $0x2800;
	[sflag:s31] =	ssyncadd.s32 $0xFFFFE000  }
0xb5: {  	[spmem:s1] =	stream.indirect.scatter.add.f32 [tilespmem:s23], [sflag:$0x5], $0x20, s26, s22, $0xb8;
	[tilespmem:$0x16E00] =	vst v63  }
0xb6: {  	_ =	swait.ge [sflag:s0], $0x2000  }
0xb7: {  	[sflag:s0] =	ssyncset.done $0x0  }
0xb8: {  	s26 =	simm.s32 $0x400;
	[sflag:s0] =	ssyncadd.s32 $0xFFFFE000  }
0xb9: {  	[tilespmem:s23], [sflag:$0x1] =	stream.indirect.gather [spmem:s3], $0x20, s26, s22, $0xb8;
	[tilespmem:$0x16E00] =	vst v63  }
0xba: {  	_ =	swait.ge [sflag:s2], $0x2000  }
0xbb: {  	[sflag:s2] =	ssyncset.done $0x0  }
0xbc: {  	s26 =	simm.s32 $0x2900;
	[sflag:s2] =	ssyncadd.s32 $0xFFFFE000  }
0xbd: {  	[spmem:s1] =	stream.indirect.scatter.add.f32 [tilespmem:s24], [sflag:$0x6], $0x20, s26, s22, $0xb8;
	[tilespmem:$0x16E00] =	vst v63  }
0xbe: {  	_ =	swait.ge [sflag:s11], $0x2000  }
0xbf: {  	[sflag:s11] =	ssyncset.done $0x0  }
0xc0: {  	s26 =	simm.s32 $0x500;
	[sflag:s11] =	ssyncadd.s32 $0xFFFFE000  }
0xc1: {  	[tilespmem:s24], [sflag:$0x2] =	stream.indirect.gather [spmem:s3], $0x20, s26, s22, $0xb8;
	[tilespmem:$0x16E00] =	vst v63  }
0xc2: {  	_ =	swait.ge [sflag:s12], $0x2000  }
0xc3: {  	[sflag:s12] =	ssyncset.done $0x0  }
0xc4: {  	s26 =	simm.s32 $0x2A00;
	[sflag:s12] =	ssyncadd.s32 $0xFFFFE000  }
0xc5: {  	[spmem:s1] =	stream.indirect.scatter.add.f32 [tilespmem:s28], [sflag:$0x7], $0x20, s26, s22, $0xb8;
	[tilespmem:$0x16E00] =	vst v63  }
0xc6: {  	_ =	swait.ge [sflag:s21], $0x2000  }
0xc7: {  	[sflag:s21] =	ssyncset.done $0x0  }
0xc8: {  	s26 =	simm.s32 $0x600;
	[sflag:s21] =	ssyncadd.s32 $0xFFFFE000  }
0xc9: {  	[tilespmem:s28], [sflag:$0x3] =	stream.indirect.gather [spmem:s3], $0x20, s26, s22, $0xb8;
	[tilespmem:$0x16E00] =	vst v63  }
0xca: {  	_ =	swait.ge [sflag:s13], $0x2000  }
0xcb: {  	[sflag:s13] =	ssyncset.done $0x0  }
0xcc: {  	s26 =	simm.s32 $0x2B00;
	[sflag:s13] =	ssyncadd.s32 $0xFFFFE000  }
0xcd: {  	[spmem:s1] =	stream.indirect.scatter.add.f32 [tilespmem:s30], [sflag:$0x8], $0x20, s26, s22, $0xb8;
	[tilespmem:$0x16E00] =	vst v63  }
0xce: {  	_ =	swait.ge [sflag:s14], $0x2000  }
0xcf: {  	[sflag:s14] =	ssyncset.done $0x0  }
0xd0: {  	s29 =	simm.s32 $0x700;
	s26 =	simm.s32 $0x1000;
	[sflag:s14] =	ssyncadd.s32 $0xFFFFE000  }
.LBB2_3:
0xd1: {  	[tilespmem:s30], [sflag:$0x4] =	stream.indirect.gather [spmem:s3], $0x20, s29, s22, $0xb8;
	[tilespmem:$0x16E00] =	vst v63  }
0xd2: {  	s7 =	smov.u32 s26  }
0xd3: {  	p2 =	sne.s32 s26, $0x8000;
	s26 =	sadd.s32 $0x1000, s26;
	_ =	swait.ge [sflag:s31], $0x2000  }
0xd4: {  	s29 =	sshra.s32 s7, $0x2;
	[sflag:s31] =	ssyncset.done $0x0  }
0xd5: {  	s7 =	sadd.s32 $0x2800, s29;
	[sflag:s31] =	ssyncadd.s32 $0xFFFFE000  }
0xd6: {  	[spmem:s1] =	stream.indirect.scatter.add.f32 [tilespmem:s23], [sflag:$0x5], $0x20, s7, s22, $0xb8;
	[tilespmem:$0x16E00] =	vst v63  }
0xd7: {  	_ =	swait.ge [sflag:s0], $0x2000  }
0xd8: {  	[sflag:s0] =	ssyncset.done $0x0  }
0xd9: {  	s7 =	sadd.s32 $0x400, s29;
	[sflag:s0] =	ssyncadd.s32 $0xFFFFE000  }
0xda: {  	[tilespmem:s23], [sflag:$0x1] =	stream.indirect.gather [spmem:s3], $0x20, s7, s22, $0xb8;
	[tilespmem:$0x16E00] =	vst v63  }
0xdb: {  	_ =	swait.ge [sflag:s2], $0x2000  }
0xdc: {  	[sflag:s2] =	ssyncset.done $0x0  }
0xdd: {  	s7 =	sadd.s32 $0x2900, s29;
	[sflag:s2] =	ssyncadd.s32 $0xFFFFE000  }
0xde: {  	[spmem:s1] =	stream.indirect.scatter.add.f32 [tilespmem:s24], [sflag:$0x6], $0x20, s7, s22, $0xb8;
	[tilespmem:$0x16E00] =	vst v63  }
0xdf: {  	_ =	swait.ge [sflag:s11], $0x2000  }
0xe0: {  	[sflag:s11] =	ssyncset.done $0x0  }
0xe1: {  	s7 =	sadd.s32 $0x500, s29;
	[sflag:s11] =	ssyncadd.s32 $0xFFFFE000  }
0xe2: {  	[tilespmem:s24], [sflag:$0x2] =	stream.indirect.gather [spmem:s3], $0x20, s7, s22, $0xb8;
	[tilespmem:$0x16E00] =	vst v63  }
0xe3: {  	_ =	swait.ge [sflag:s12], $0x2000  }
0xe4: {  	[sflag:s12] =	ssyncset.done $0x0  }
0xe5: {  	s7 =	sadd.s32 $0x2A00, s29;
	[sflag:s12] =	ssyncadd.s32 $0xFFFFE000  }
0xe6: {  	[spmem:s1] =	stream.indirect.scatter.add.f32 [tilespmem:s28], [sflag:$0x7], $0x20, s7, s22, $0xb8;
	[tilespmem:$0x16E00] =	vst v63  }
0xe7: {  	_ =	swait.ge [sflag:s21], $0x2000  }
0xe8: {  	[sflag:s21] =	ssyncset.done $0x0  }
0xe9: {  	s7 =	sadd.s32 $0x600, s29;
	[sflag:s21] =	ssyncadd.s32 $0xFFFFE000  }
0xea: {  	[tilespmem:s28], [sflag:$0x3] =	stream.indirect.gather [spmem:s3], $0x20, s7, s22, $0xb8;
	[tilespmem:$0x16E00] =	vst v63  }
0xeb: {  	_ =	swait.ge [sflag:s13], $0x2000  }
0xec: {  	[sflag:s13] =	ssyncset.done $0x0  }
.Ltmp5:
0xed: {  	s7 =	sadd.s32 $0x2B00, s29;
	[sflag:s13] =	ssyncadd.s32 $0xFFFFE000;
	(pc) =	sbr.rel @p2 .LBB2_3-.Ltmp5, $4  }
0xee: {  	[spmem:s1] =	stream.indirect.scatter.add.f32 [tilespmem:s30], [sflag:$0x8], $0x20, s7, s22, $0xb8;
	[tilespmem:$0x16E00] =	vst v63  }
0xef: {  	_ =	swait.ge [sflag:s14], $0x2000  }
0xf0: {  	[sflag:s14] =	ssyncset.done $0x0  }
0xf1: {  	s29 =	sadd.s32 $0x700, s29;
	[sflag:s14] =	ssyncadd.s32 $0xFFFFE000  }
.Ltmp6:
0xf2: {  	(pc) =	sbr.rel .LBB2_8-.Ltmp6, $2  }
0xf3: {  	_ =	sdelay $0x2  }
0xf4: {  	[tilespmem:s30], [sflag:$0x4] =	stream.indirect.gather [spmem:s3], $0x20, s29, s22, $0xb8;
	[tilespmem:$0x16E00] =	vst v63  }
.LBB2_9:
0xf5: {  	_ =	sfence.sel $0x180000  }
0xf6: {  	[bflag:$0x0] =	sbarrier.arrive $0xFFFF  }
0xf7: {  	_ =	strace $0x9000004D  }
0xf8: {  	s0 =	stileid.u32;
	[bflag:$0x2] =	sbarrier.arrive $0xFFFF  }
0xf9: {  	p0 =	sne.s32 s0, $0x0;
	s0 =	rddreg [dreg:$0x3]  }
0xfa: {  	s0 =	sadd.s32 @!p0 $0x100000, s0  }
0xfb: {  	[sflag:s0] =	ssyncadd.tile.s32 @!p0 $0x1;
	_ =	shalt  }
.Lfunc_end2:
_tile_overlayer_lowered:
.L_overlay_start_2:
0xfc: {  	(tag) =	ssettag $0x2  }
0xfd: {  	s0 =	rddreg [dreg:$0x0];
	s2 =	stileid.u32  }
0xfe: {  	s1 =	rddreg [dreg:$0x1];
	p0 =	sne.s32 s2, $0x0  }
0xff: {  	s3 =	rddreg [dreg:$0x2];
	[bflag:$0x3] =	sbarrier.arrive $0xFFFF;
	s2 =	simm.s32 @!p0 $0x1C09  }
0x100: {  	[timem:s3], [sflag:s2] =	dma.local @!p0 [hbm:s0], s1  }
0x101: {  	s0 =	simm.s32 @!p0 $0x9  }
0x102: {  	_ =	swait.ge @!p0 [sflag:s0], s1  }
0x103: {  	s1 =	ssub.s32 @!p0 $0x0, s1;
	[sflag:s0] =	ssyncset.done @!p0 $0x0  }
0x104: {  	[sflag:s0] =	ssyncadd.s32 @!p0 s1  }
0x105: {  	[bflag:$0x3] =	sbarrier.arrive $0xFFFF  }
0x106: {  	_ =	shalt  }

// kernel: kernel.9.cloned.1.call-start
scs
__scs_entry_jumppad:
0x0: {  	(pc) =	sbr.rel $0x88, $3  }
0x1: {  	(tag) =	ssettag $0x0;
	lr =	simm.s32 $0x1  }
0x2: {  	[smem:$0x3F98] =	sst lr;
	_ =	strace $0xD0000000  }
0x3: {  	_ = 	snop  }
0x4: {  	_ = 	snop  }
0x5: {  	_ = 	snop  }
0x6: {  	_ = 	snop  }
0x7: {  	_ = 	snop  }
__scs_overlays_trampoline_lowered:
0x8: {  	[smem:$0x3FA7] =	sst s0  }
0x9: {  	[smem:$0x3FA8] =	sst s1  }
0xa: {  	[smem:$0x3FA9] =	sst s2  }
0xb: {  	[smem:$0x3FAA] =	sst s3  }
0xc: {  	[smem:$0x3FAB] =	sst s4  }
0xd: {  	[smem:$0x3FAC] =	sst s5  }
0xe: {  	[smem:$0x3FAD] =	sst s6  }
0xf: {  	[smem:$0x3FAE] =	sst s7  }
0x10: {  	[smem:$0x3FAF] =	sst s8  }
0x11: {  	[smem:$0x3FB0] =	sst s9;
	s0 =	simm.s32 @!p0 $0x0  }
0x12: {  	s1 =	sld [smem:$0x3F96];
	s0 =	simm.s32 @p0 $0x1  }
0x13: {  	[smem:$0x3FB1] =	sst s0;
	s0 =	simm.s32 @!p1 $0x0  }
0x14: {  	s2 =	sld [smem:$0x3F95];
	s0 =	simm.s32 @p1 $0x1  }
0x15: {  	[smem:$0x3FB2] =	sst s0;
	s0 =	simm.s32 @!p2 $0x0  }
0x16: {  	s3 =	sld [smem:$0x3FDB];
	s0 =	simm.s32 @p2 $0x1  }
0x17: {  	s4 =	simm.s32 $0x1BF5;
	[smem:$0x3FB4] =	sst s0  }
0x18: {  	s0 =	sld [smem:$0x3F97];
	_ =	swait.ge [sflag:s4], $0x0  }
0x19: {  	s7 =	sld [smem:$0x3F98]  }
0x1a: {  	s8 =	sadd.s32 $0xFFFFE003, lr  }
0x1b: {  	s9 =	sadd.s32 $0xFFFFFEF7, lr;
	s5 =	simm.s32 $0xFFFFFFFF;
	p2 =	slt.u32 s8, $0xFFFFF086  }
0x1c: {  	p1 =	slt.u32 s9, $0xF7A;
	s5 =	simm.s32 @!p2 $0x0  }
0x1d: {  	s5 =	simm.s32 @p1 $0x1;
	p0 =	seq.s32 s7, s2  }
0x1e: {  	s7 =	smul.u32 @!p0 $0xF7A, s2;
	p2 =	seq.s32 @!p0 s5, $0x0  }
0x1f: {  	s9 =	smul.u32 $0xF7A, s1;
	s8 =	simm.s32 @!p0 $0x1BF5;
	p2 =	por !p2, p0  }
0x20: {  	[sflag:s8] =	ssyncset.s32 @!p0 $0xFFFFF086;
	s6 =	sadd.s32 @!p0 s3, s7;
	s7 =	simm.s32 @!p0 $0x108  }
0x21: {  	s3 =	sadd.s32 s3, s9;
	s6 =	sadd.s32 @!p0 $0x88, s6;
	s7 =	simm.s32 @p2 $0x1082  }
0x22: {  	[simem:s7], [sflag:s8] =	dma.local @!p0 [hbm:s6], $0xF7A  }
0x23: {  	s9 =	sor.u32 $0xD0000000, s2;
	s6 =	simm.s32 $0x108;
	_ =	swait.ge @!p0 [sflag:s8], $0x0  }
0x24: {  	s3 =	sadd.s32 $0x88, s3;
	s6 =	simm.s32 @!p1 $0x1082;
	[sflag:s4] =	ssyncset.s32 $0xFFFFF086  }
0x25: {  	[simem:s6], [sflag:s4] =	dma.local [hbm:s3], $0xF7A  }
0x26: {  	[smem:$0x3F98] =	sst s1;
	(tag) =	ssettag s2;
	_ =	strace s9  }
0x27: {  	s1 =	sld [smem:$0x3FA8]  }
0x28: {  	s2 =	sld [smem:$0x3FA9]  }
0x29: {  	s4 =	sld [smem:$0x3FAB]  }
0x2a: {  	p0 =	seq.s32 s5, $0x0;
	s5 =	sld [smem:$0x3FAC]  }
0x2b: {  	s6 =	sld [smem:$0x3FAD]  }
0x2c: {  	s7 =	sld [smem:$0x3FAE]  }
0x2d: {  	s3 =	simm.s32 $0x108;
	s8 =	sld [smem:$0x3FAF]  }
0x2e: {  	s3 =	simm.s32 @!p0 $0x1082;
	s9 =	sld [smem:$0x3FB0]  }
0x2f: {  	lr =	sadd.s32 s0, s3;
	s0 =	sld [smem:$0x3FA7]  }
0x30: {  	s3 =	sld [smem:$0x3FAA]  }
0x31: {  	[smem:$0x3FB3] =	sst s10  }
0x32: {  	s10 =	sld [smem:$0x3FB1];
	_ =	sdelay $0x3  }
0x33: {  	p0 =	seq.s32 s10, $0x1;
	s10 =	sld [smem:$0x3FB3];
	_ =	sdelay $0x3  }
0x34: {  	[smem:$0x3FB3] =	sst s10  }
0x35: {  	s10 =	sld [smem:$0x3FB2];
	_ =	sdelay $0x3  }
0x36: {  	p1 =	seq.s32 s10, $0x1;
	s10 =	sld [smem:$0x3FB3];
	_ =	sdelay $0x3  }
0x37: {  	[smem:$0x3FB3] =	sst s10  }
0x38: {  	s10 =	sld [smem:$0x3FB4]  }
0x39: {  	_ = 	snop;
	(pc) =	sbr.ind lr, $3  }
0x3a: {  	_ = 	snop  }
0x3b: {  	_ = 	snop  }
0x3c: {  	p2 =	seq.s32 s10, $0x1;
	s10 =	sld [smem:$0x3FB3]  }
0x3d: {  	_ =	shalt  }
0x3e: {  	_ =	shalt  }
0x3f: {  	_ =	shalt  }
0x40: {  	_ =	shalt  }
0x41: {  	_ =	shalt  }
0x42: {  	_ =	shalt  }
0x43: {  	_ =	shalt  }
0x44: {  	_ =	shalt  }
0x45: {  	_ =	shalt  }
0x46: {  	_ =	shalt  }
0x47: {  	_ =	shalt  }
0x48: {  	_ =	shalt  }
0x49: {  	_ =	shalt  }
0x4a: {  	_ =	shalt  }
0x4b: {  	_ =	shalt  }
0x4c: {  	_ =	shalt  }
0x4d: {  	_ =	shalt  }
0x4e: {  	_ =	shalt  }
0x4f: {  	_ =	shalt  }
0x50: {  	_ =	shalt  }
0x51: {  	_ =	shalt  }
0x52: {  	_ =	shalt  }
0x53: {  	_ =	shalt  }
0x54: {  	_ =	shalt  }
0x55: {  	_ =	shalt  }
0x56: {  	_ =	shalt  }
0x57: {  	_ =	shalt  }
0x58: {  	_ =	shalt  }
0x59: {  	_ =	shalt  }
0x5a: {  	_ =	shalt  }
0x5b: {  	_ =	shalt  }
0x5c: {  	_ =	shalt  }
0x5d: {  	_ =	shalt  }
0x5e: {  	_ =	shalt  }
0x5f: {  	_ =	shalt  }
0x60: {  	_ =	shalt  }
0x61: {  	_ =	shalt  }
0x62: {  	_ =	shalt  }
0x63: {  	_ =	shalt  }
0x64: {  	_ =	shalt  }
0x65: {  	_ =	shalt  }
0x66: {  	_ =	shalt  }
0x67: {  	_ =	shalt  }
0x68: {  	_ =	shalt  }
0x69: {  	_ =	shalt  }
0x6a: {  	_ =	shalt  }
0x6b: {  	_ =	shalt  }
0x6c: {  	_ =	shalt  }
0x6d: {  	_ =	shalt  }
0x6e: {  	_ =	shalt  }
0x6f: {  	_ =	shalt  }
0x70: {  	_ =	shalt  }
0x71: {  	_ =	shalt  }
0x72: {  	_ =	shalt  }
0x73: {  	_ =	shalt  }
0x74: {  	_ =	shalt  }
0x75: {  	_ =	shalt  }
0x76: {  	_ =	shalt  }
0x77: {  	_ =	shalt  }
0x78: {  	_ =	shalt  }
0x79: {  	_ =	shalt  }
0x7a: {  	_ =	shalt  }
0x7b: {  	_ =	shalt  }
0x7c: {  	_ =	shalt  }
0x7d: {  	_ =	shalt  }
0x7e: {  	_ =	shalt  }
0x7f: {  	_ =	shalt  }
0x80: {  	_ =	shalt  }
0x81: {  	_ =	shalt  }
0x82: {  	_ =	shalt  }
0x83: {  	_ =	shalt  }
0x84: {  	_ =	shalt  }
0x85: {  	_ =	shalt  }
0x86: {  	_ =	shalt  }
0x87: {  	_ =	shalt  }
.Lfunc_end0:
.L_simem_size_0:
called_computation_lowered:
.L_overlay_start_0:
0x88: {  	s2 =	sld [smem:$0x3FD9]  }
0x89: {  	s3 =	sld [smem:$0x3FFE];
	_ =	sdelay $0x1  }
0x8a: {  	s1 =	srdreg.scid  }
0x8b: {  	s0 =	sand.u32 $0x1, s1  }
0x8c: {  	s17 =	sshll.u32 s0, $0xA;
	s2 =	sadd.s32 s3, s2  }
0x8d: {  	s2 =	sadd.s32 s2, s17  }
0x8e: {  	[smem:$0x3FBF] =	sst s2  }
0x8f: {  	_ = 	snop  }
0x90: {  	s2 =	sld [smem:$0x3FD0];
	(tm) =	ssettm $0x1  }
0x91: {  	s18 =	sld [smem:$0x3FFB];
	_ =	sdelay $0x3  }
0x92: {  	_ =	strace s18  }
0x93: {  	s3 =	sld [smem:$0x3FFC];
	_ =	sdelay $0x3  }
0x94: {  	_ =	strace s3  }
0x95: {  	s3 =	sld [smem:$0x3FFD];
	_ =	sdelay $0x3  }
0x96: {  	_ =	strace s3  }
0x97: {  	_ =	strace $0x8FFFFFFF  }
0x98: {  	s19 =	sld [smem:$0x3FDB];
	_ =	sdelay $0x1  }
0x99: {  	s4 =	simm.s32 $_scs_section_size  }
0x9a: {  	s5 =	simm.s32 $_size__tile_overlayer_lowered;
	s6 =	simm.s32 $_tile_overlayer_lowered  }
0x9b: {  	s22 =	simm.s32 $0x1BFF;
	s21 =	sshll.u32 s6, $0x1;
	s3 =	sadd.s32 s4, s19  }
0x9c: {  	s7 =	simm.s32 $0x0;
	s20 =	sshll.u32 s5, $0x1;
	s5 =	sadd.s32 s21, s3  }
0x9d: {  	[timem:s7], [sflag:s22] =	dma.local [hbm:s5], s20  }
0x9e: {  	_ =	swait.ge [sflag:s22], s20  }
0x9f: {  	s4 =	ssub.s32 $0x0, s20;
	[sflag:s22] =	ssyncset.done $0x0  }
0xa0: {  	[sflag:s22] =	ssyncadd.s32 s4;
	_ =	sdelay $0x1  }
0xa1: {  	s23 =	simm.s32 $0x1B8B  }
0xa2: {  	_ =	swait.ge [sflag:s23], $0x1  }
0xa3: {  	[sflag:s23] =	ssyncset.done $0x0  }
0xa4: {  	s25 =	simm.s32 $0x1B8E;
	s24 =	sld [smem:$0x3FFE];
	[sflag:s23] =	ssyncadd.s32 $0xFFFFFFFF  }
0xa5: {  	s26 =	simm.s32 $execute0_lowered;
	[smem:$0x3FD2] =	sst s25  }
0xa6: {  	s5 =	sshll.u32 s26, $0x1;
	_ =	strace $0x80000046;
	[dreg:$0x1] =	wrdreg $0xFFFFFFFF  }
0xa7: {  	s28 =	simm.s32 $_size_execute0_lowered;
	s3 =	sadd.s32 s3, s5;
	[dreg:$0x0] =	wrdreg $0x0  }
0xa8: {  	s5 =	sshll.u32 s28, $0x1;
	[dreg:$0x2] =	wrdreg s3  }
0xa9: {  	[dreg:$0x3] =	wrdreg s5  }
0xaa: {  	[dreg:$0x4] =	wrdreg $0xC0  }
0xab: {  	_ =	task [dreg:s7], $0x5FFFF  }
0xac: {  	[dreg:$0x1] =	wrdreg $0xFFFFFFFF  }
0xad: {  	[dreg:$0x0] =	wrdreg $0x60  }
0xae: {  	[dreg:$0x2] =	wrdreg s24  }
0xaf: {  	[dreg:$0x3] =	wrdreg s2  }
0xb0: {  	[dreg:$0x4] =	wrdreg $0x48000  }
0xb1: {  	[dreg:$0x5] =	wrdreg $0x9  }
0xb2: {  	_ =	task.clear_ibuf [dreg:s7], $0x6FFFF;
	_ =	strace $0x90000046  }
0xb3: {  	s29 =	simm.s32 $0x9;
	_ =	strace $0x80000048  }
0xb4: {  	_ =	swait.ge [sflag:s29], $0x1  }
0xb5: {  	[sflag:s29] =	ssyncadd.s32 $0xFFFFFFFF  }
0xb6: {  	_ =	strace $0x90000048  }
0xb7: {  	_ =	sfence  }
0xb8: {  	s30 =	sld [smem:$0x0];
	_ =	sdelay $0x2  }
0xb9: {  	s31 =	sshll.u32 s1, $0xD;
	s1 =	sshrl.u32 s1, $0x2  }
0xba: {  	s3 =	sand.u32 $0x4000, s31;
	s1 =	sadd.s32 s1, s30  }
0xbb: {  	s0 =	sor.u32 s3, s0;
	s1 =	sshll.u32 s1, $0x11  }
0xbc: {  	s0 =	sor.u32 s1, s0  }
0xbd: {  	s0 =	sadd.s32 $0x8F2B, s0  }
0xbe: {  	[sflag:s0] =	ssyncadd.remote.s32 $0x1  }
0xbf: {  	_ =	sfence.sel $0xFFFF  }
0xc0: {  	[dreg:$0x0] =	wrdreg $0xFFFFFFFF;
	(pc) =	sbr.abs _section_cstart, $3  }
0xc1: {  	[dreg:$0x1] =	wrdreg $0xFFFFFFFF  }
0xc2: {  	_ =	task.clear_ibuf [dreg:s7], $0x2FFFF;
	_ =	strace $0x9FFFFFFF  }
0xc3: {  	(tm) =	ssettm $0x7FFFFFFF  }
tec
execute0_lowered:
.L_overlay_start_1:
0x0: {  	(tag) =	ssettag $0x1  }
0x1: {  	s5 =	rddreg [dreg:$0x0]  }
0x2: {  	s1 =	rddreg [dreg:$0x1]  }
0x3: {  	s3 =	rddreg [dreg:$0x2]  }
0x4: {  	s0 =	rddreg [dreg:$0x3]  }
0x5: {  	s4 =	simm.s32 $0x0;
	s2 =	stileid.u32;
	s6 =	srdreg.scid  }
0x6: {  	[smem:$0x7FF] =	sst s4;
	s7 =	smul.u32 $0x4F00, s2  }
0x7: {  	s10 =	sand.u32 $0x1, s6;
	s8 =	sadd.s32 $0x1A00, s5;
	s12 =	smul.u32 $0x5000, s2  }
0x8: {  	s30 =	smul.u32 $0xA00, s2;
	s31 =	sshll.u32 s2, $0x6;
	s16 =	sadd.s32 $0x4A100, s3  }
0x9: {  	p1 =	seq.s32 s2, $0xF;
	_ =	strace $0x80000047;
	s6 =	smul.u32 $0x9C40, s10  }
0xa: {  	s9 =	ssub.s32 $0x2, s10;
	p0 =	seq.s32 s10, $0x0;
	s16 =	sshrl.u32 @p1 s16, $0x3  }
0xb: {  	s17 =	sshrl.u32 s7, $0x3;
	s11 =	sshrl.u32 s9, $0x1;
	s18 =	sadd.s32 s7, s3  }
0xc: {  	s29 =	sshrl.u32 s12, $0x3;
	s13 =	sadd.s32 s17, s5;
	s14 =	sadd.s32 s6, s5  }
0xd: {  	s9 =	ssub.s32 s9, s11;
	s12 =	sadd.s32 s8, s29;
	s6 =	sor.u32 $0x1C02, s31  }
.Ltmp0:
0xe: {  	s8 =	sadd.s32 s8, s30;
	s10 =	sshrl.u32 s18, $0x3;
	(pc) =	sbr.rel .LBB2_1-.Ltmp0, $4  }
0xf: {  	s11 =	simm.s32 $0x2;
	s18 =	sshrl.u32 @!p1 s18, $0x3;
	s5 =	sadd.s32 $0xBA00, s13  }
0x10: {  	s7 =	sadd.s32 $0x500, s12;
	s19 =	sadd.s32 $0x15800, s14;
	s9 =	smax.u32 s9, $0x1  }
0x11: {  	s12 =	simm.s32 $0x2800;
	s13 =	simm.s32 $0x100;
	s14 =	simm.s32 $0x1  }
0x12: {  	s15 =	sadd.s32 @p1 $0x9420, s19;
	s17 =	sadd.s32 @!p1 s17, s19;
	s19 =	simm.s32 $0x0  }
.LBB2_7:
0x13: {  	[sflag:s22] =	ssyncadd.s32 @!p2 $0xFFFFE000  }
.LBB2_8:
0x14: {  	_ =	swait.ge [sflag:s14], $0x2000  }
0x15: {  	[sflag:s14] =	ssyncset.done $0x0  }
0x16: {  	[sflag:s14] =	ssyncadd.s32 $0xFFFFE000  }
0x17: {  	_ =	swait.ge [sflag:s14], $0x2000  }
0x18: {  	[sflag:s14] =	ssyncset.done $0x0  }
0x19: {  	[sflag:s14] =	ssyncadd.s32 $0xFFFFE000  }
0x1a: {  	_ =	swait.ge [sflag:s14], $0x2000  }
0x1b: {  	[sflag:s14] =	ssyncset.done $0x0  }
0x1c: {  	[sflag:s14] =	ssyncadd.s32 $0xFFFFE000  }
0x1d: {  	_ =	swait.ge [sflag:s14], $0x2000  }
0x1e: {  	[sflag:s14] =	ssyncset.done $0x0  }
0x1f: {  	[sflag:s14] =	ssyncadd.s32 $0xFFFFE000  }
0x20: {  	_ =	swait.ge [sflag:s14], $0x2000  }
0x21: {  	[sflag:s14] =	ssyncset.done $0x0  }
0x22: {  	[sflag:s14] =	ssyncadd.s32 $0xFFFFE000  }
0x23: {  	_ =	swait.ge [sflag:s14], $0x2000  }
0x24: {  	[sflag:s14] =	ssyncset.done $0x0  }
0x25: {  	[sflag:s14] =	ssyncadd.s32 $0xFFFFE000  }
0x26: {  	_ =	swait.ge [sflag:s14], $0x2000  }
0x27: {  	[sflag:s14] =	ssyncset.done $0x0  }
0x28: {  	[sflag:s14] =	ssyncadd.s32 $0xFFFFE000  }
0x29: {  	_ =	swait.ge [sflag:s14], $0x2000  }
0x2a: {  	[sflag:s14] =	ssyncset.done $0x0  }
0x2b: {  	[sflag:s14] =	ssyncadd.s32 $0xFFFFE000  }
0x2c: {  	s20 =	simm.s32 @p1 $0x2;
	[bflag:$0x0] =	sbarrier.arrive $0xFFFF  }
0x2d: {  	[hbm:s15], [sflag:s6] =	dma.local @p1 [spmem:s16], $0x820  }
0x2e: {  	s19 =	sadd.s32 $0x1, s19;
	_ =	swait.ge @p1 [sflag:s20], $0x820  }
0x2f: {  	p2 =	sne.s32 s19, s9;
	[sflag:s20] =	ssyncset.done @p1 $0x0  }
.Ltmp1:
0x30: {  	[sflag:s20] =	ssyncadd.s32 @p1 $0xFFFFF7E0;
	s20 =	simm.s32 @!p1 $0x2;
	(pc) =	sbr.rel @!p2 .LBB2_9-.Ltmp1, $4  }
0x31: {  	[hbm:s17], [sflag:s6] =	dma.local @!p1 [spmem:s18], $0x9E0  }
0x32: {  	_ =	swait.ge @!p1 [sflag:s20], $0x9E0  }
0x33: {  	[sflag:s20] =	ssyncset.done @!p1 $0x0  }
0x34: {  	[sflag:s20] =	ssyncadd.s32 @!p1 $0xFFFFF620  }
.LBB2_1:
0x35: {  	[spmem:s10], [sflag:s6] =	dma.local [hbm:s5], $0x9E0  }
0x36: {  	_ =	swait.ge [sflag:s11], $0x9E0  }
0x37: {  	[sflag:s11] =	ssyncset.done $0x0  }
.Ltmp2:
0x38: {  	[sflag:s11] =	ssyncadd.s32 $0xFFFFF620;
	(pc) =	sbr.rel @!p0 .LBB2_2-.Ltmp2, $4  }
0x39: {  	[tilespmem:s12], [sflag:$0x2] =	stream.linear.gather [hbm4b:s1+s4], $0x2000, $0x38;
	[tilespmem:$0x9700] =	vst v63  }
0x3a: {  	_ =	swait.ge [sflag:s11], $0x2000  }
0x3b: {  	[sflag:s11] =	ssyncset.done $0x0  }
0x3c: {  	s20 =	simm.s32 $0x0;
	[sflag:s11] =	ssyncadd.s32 $0xFFFFE000  }
0x3d: {  	[tilespmem:s20], [sflag:$0x2] =	stream.linear.gather [hbm4b:s8+s20], $0x2800, $0x38;
	[tilespmem:$0x9700] =	vst v63  }
0x3e: {  	_ =	swait.ge [sflag:s11], $0x2800  }
0x3f: {  	[sflag:s11] =	ssyncset.done $0x0  }
0x40: {  	p2 =	por $0x1, $0x1;
	[sflag:s11] =	ssyncadd.s32 $0xFFFFD800  }
0x41: {  	s22 =	simm.s32 @!p2 $0x1;
	[bflag:$0x0] =	sbarrier.arrive $0xFFFF  }
0x42: {  	[spmem:s3] =	stream.indirect.scatter.add.f32 [tilespmem:s12], [sflag:$0x1], $0x20, s20, s13, $0xb8;
	[tilespmem:$0x9700] =	vst v63  }
0x43: {  	_ =	swait.ge @!p2 [sflag:s22], $0x2000  }
0x44: {  	s21 =	simm.s32 $0x1;
	[sflag:s22] =	ssyncset.done @!p2 $0x0  }
.LBB2_6:
0x45: {  	[sflag:s22] =	ssyncadd.s32 @!p2 $0xFFFFE000  }
0x46: {  	s20 =	sadd.s32 $0x100, s20;
	s22 =	smov.u32 s21;
	s21 =	sadd.s32 $0x1, s21  }
0x47: {  	p3 =	seq.s32 s21, $0x28  }
0x48: {  	[spmem:s3] =	stream.indirect.scatter.add.f32 [tilespmem:s12], [sflag:$0x1], $0x20, s20, s13, $0xb8;
	[tilespmem:$0x9700] =	vst v63  }
.Ltmp3:
0x49: {  	_ = 	snop;
	(pc) =	sbr.rel @!p3 .LBB2_6-.Ltmp3, $4  }
0x4a: {  	p2 =	slt.u32 s22, $0x8  }
0x4b: {  	s22 =	simm.s32 @!p2 $0x1  }
0x4c: {  	_ =	swait.ge @!p2 [sflag:s22], $0x2000  }
0x4d: {  	[sflag:s22] =	ssyncset.done @!p2 $0x0  }
.Ltmp4:
0x4e: {  	_ = 	snop;
	(pc) =	sbr.rel .LBB2_7-.Ltmp4, $1  }
0x4f: {  	_ =	sdelay $0x3  }
.LBB2_2:
0x50: {  	[tilespmem:s20], [sflag:$0x2] =	stream.linear.gather [hbm4b:s7+s20], $0x2800, $0x38;
	[tilespmem:$0x9700] =	vst v63  }
0x51: {  	_ =	swait.ge [sflag:s11], $0x2800  }
0x52: {  	[sflag:s11] =	ssyncset.done $0x0  }
0x53: {  	p2 =	por $0x1, $0x1;
	[sflag:s11] =	ssyncadd.s32 $0xFFFFD800  }
0x54: {  	s22 =	simm.s32 @!p2 $0x1;
	[bflag:$0x0] =	sbarrier.arrive $0xFFFF  }
0x55: {  	[spmem:s3] =	stream.indirect.scatter.add.f32 [tilespmem:s12], [sflag:$0x1], $0x20, s20, s13, $0xb8;
	[tilespmem:$0x9700] =	vst v63  }
0x56: {  	_ =	swait.ge @!p2 [sflag:s22], $0x2000  }
0x57: {  	s21 =	simm.s32 $0x1;
	[sflag:s22] =	ssyncset.done @!p2 $0x0  }
.LBB2_3:
0x58: {  	[sflag:s22] =	ssyncadd.s32 @!p2 $0xFFFFE000  }
0x59: {  	s20 =	sadd.s32 $0x100, s20;
	s22 =	smov.u32 s21;
	s21 =	sadd.s32 $0x1, s21  }
0x5a: {  	p3 =	sne.s32 s21, $0x28  }
0x5b: {  	[spmem:s3] =	stream.indirect.scatter.add.f32 [tilespmem:s12], [sflag:$0x1], $0x20, s20, s13, $0xb8;
	[tilespmem:$0x9700] =	vst v63  }
.Ltmp5:
0x5c: {  	_ = 	snop;
	(pc) =	sbr.rel @p3 .LBB2_3-.Ltmp5, $4  }
0x5d: {  	p2 =	slt.u32 s22, $0x8  }
0x5e: {  	s22 =	simm.s32 @!p2 $0x1  }
0x5f: {  	_ =	swait.ge @!p2 [sflag:s22], $0x2000  }
0x60: {  	[sflag:s22] =	ssyncset.done @!p2 $0x0  }
.Ltmp6:
0x61: {  	(pc) =	sbr.rel .LBB2_8-.Ltmp6, $2  }
0x62: {  	_ =	sdelay $0x2  }
0x63: {  	[sflag:s22] =	ssyncadd.s32 @!p2 $0xFFFFE000  }
.LBB2_9:
0x64: {  	_ =	sfence.sel $0x180000  }
0x65: {  	[bflag:$0x0] =	sbarrier.arrive $0xFFFF  }
0x66: {  	p0 =	sne.s32 s2, $0x0;
	_ =	strace $0x90000047  }
0x67: {  	s0 =	sadd.s32 @!p0 $0x100000, s0;
	[bflag:$0x2] =	sbarrier.arrive $0xFFFF  }
0x68: {  	[sflag:s0] =	ssyncadd.tile.s32 @!p0 $0x1;
	_ =	shalt  }
.Lfunc_end2:
_tile_overlayer_lowered:
.L_overlay_start_2:
0x69: {  	(tag) =	ssettag $0x2  }
0x6a: {  	s0 =	rddreg [dreg:$0x0];
	s2 =	stileid.u32  }
0x6b: {  	s1 =	rddreg [dreg:$0x1];
	p0 =	sne.s32 s2, $0x0  }
0x6c: {  	s3 =	rddreg [dreg:$0x2];
	[bflag:$0x3] =	sbarrier.arrive $0xFFFF;
	s2 =	simm.s32 @!p0 $0x1C02  }
0x6d: {  	[timem:s3], [sflag:s2] =	dma.local @!p0 [hbm:s0], s1  }
0x6e: {  	s0 =	simm.s32 @!p0 $0x2  }
0x6f: {  	_ =	swait.ge @!p0 [sflag:s0], s1  }
0x70: {  	s1 =	ssub.s32 @!p0 $0x0, s1;
	[sflag:s0] =	ssyncset.done @!p0 $0x0  }
0x71: {  	[sflag:s0] =	ssyncadd.s32 @!p0 s1  }
0x72: {  	[bflag:$0x3] =	sbarrier.arrive $0xFFFF  }
0x73: {  	_ =	shalt  }

</sc_bundles>
